<compile_context>
chip_gen: v7x
topology: tpu7x:2x2x1
jax: 0.10.2.dev20260603
libtpu: 0.0.44.dev20260713+nightly
codegen_flags: <defaults>
</compile_context>

<pallas_src>
import functools

import jax
import jax.numpy as jnp
from jax import lax
from jax.experimental import pallas as pl
from jax.experimental.pallas import tpu as pltpu
from jax.experimental.pallas import tpu_sc as plsc

NC, NS, L = 2, 16, 16
NW = NC * NS
N = 2048
B = 8
HALF = N // 2
NBLK = N // L
K = 16


def _round_bf16(v):
    u = plsc.bitcast(v, jnp.uint32)
    r = (u + jnp.uint32(0x7FFF) + ((u >> jnp.uint32(16)) & jnp.uint32(1)))
    r = r & jnp.uint32(0xFFFF0000)
    return plsc.bitcast(r, jnp.float32)


BIG = 3.0e38


def _knn_body(pts_hbm, out_hbm, cand_v, candr_v, cc_v, drow_v,
              buf0_v, buf1_v, buf2_v, buf3_v,
              buf4_v, buf5_v, buf6_v, buf7_v, acc_v):
    wid = lax.axis_index("s") * NC + lax.axis_index("c")
    prob = wid // 2
    half = wid % 2
    pltpu.sync_copy(pts_hbm.at[prob], cand_v)

    big_v = jnp.full((L,), BIG, dtype=jnp.float32)
    zero_v = jnp.zeros((L,), dtype=jnp.float32)

    def pre_body(j, carry):
        base = j * L
        cx = cand_v[0, pl.ds(base, L)]
        cy = cand_v[1, pl.ds(base, L)]
        cz = cand_v[2, pl.ds(base, L)]
        candr_v[0, pl.ds(base, L)] = _round_bf16(cx) * 2.0
        candr_v[1, pl.ds(base, L)] = _round_bf16(cy) * 2.0
        candr_v[2, pl.ds(base, L)] = _round_bf16(cz) * 2.0
        cc_v[pl.ds(base, L)] = (cx * cx + cy * cy) + cz * cz
        return carry

    lax.fori_loop(0, NBLK, pre_body, 0)

    def qblk_body(qb, acc_outer):
        qbase = half * HALF + qb * L
        qxb = cand_v[0, pl.ds(qbase, L)]
        qyb = cand_v[1, pl.ds(qbase, L)]
        qzb = cand_v[2, pl.ds(qbase, L)]
        qqb = (qxb * qxb + qyb * qyb) + qzb * qzb
        qxrb = _round_bf16(qxb)
        qyrb = _round_bf16(qyb)
        qzrb = _round_bf16(qzb)

        def splat(vec, lane):
            return jnp.full((L,), vec[lane], dtype=jnp.float32)

        def thr_of(w):
            ws, _ = plsc.sort_key_val(w, w)
            return jnp.full((L,), ws[L - 1], dtype=jnp.float32)

        bufs = [buf0_v, buf1_v, buf2_v, buf3_v,
                buf4_v, buf5_v, buf6_v, buf7_v]

        def pass_c(buf, cnt):
            buf[pl.ds(cnt, L)] = big_v
            nmerge = lax.div(cnt + (L - 1), jnp.int32(L))

            def body(t, top):
                blk = buf[pl.ds(t * L, L)]
                dcl = jnp.maximum(blk, zero_v)
                c_desc, _ = plsc.sort_key_val(dcl, dcl, descending=True)
                lo = jnp.minimum(top, c_desc)
                top_n, _ = plsc.sort_key_val(lo, lo)
                return top_n

            return lax.fori_loop(0, nmerge, body, big_v)

        R = 8
        acc = acc_outer
        for grp in range(L // R):
            ls = [R * grp + r for r in range(R)]
            qq = [splat(qqb, l) for l in ls]
            qx = [splat(qxrb, l) for l in ls]
            qy = [splat(qyrb, l) for l in ls]
            qz = [splat(qzrb, l) for l in ls]

            def pass_a(j, carry):
                ws = list(carry)
                for u in range(2):
                    base = (2 * j + u) * L
                    c2x = candr_v[0, pl.ds(base, L)]
                    c2y = candr_v[1, pl.ds(base, L)]
                    c2z = candr_v[2, pl.ds(base, L)]
                    cc = cc_v[pl.ds(base, L)]
                    for r in range(R):
                        i = (c2x * qx[r] + c2y * qy[r]) + c2z * qz[r]
                        d = (qq[r] - i) + cc
                        drow_v[r, pl.ds(base, L)] = d
                        ws[r] = jnp.minimum(ws[r], d)
                return tuple(ws)

            ws = lax.fori_loop(0, NBLK // 2, pass_a, (big_v,) * R)
            thrs = [thr_of(w) for w in ws]

            def pass_b(j, carry):
                cs = list(carry)
                for u in range(2):
                    base = (2 * j + u) * L
                    for r in range(R):
                        d = drow_v[r, pl.ds(base, L)]
                        m = d <= thrs[r]
                        plsc.store_compressed(
                            bufs[r].at[pl.ds(cs[r], L)], d, mask=m)
                        cs[r] = cs[r] + plsc.all_reduce_population_count(m)[0]
                return tuple(cs)

            cs = lax.fori_loop(0, NBLK // 2, pass_b, (jnp.int32(0),) * R)
            for r in range(R):
                acc = acc + pass_c(bufs[r], cs[r])
        return acc

    acc = lax.fori_loop(0, HALF // L, qblk_body,
                        jnp.zeros((L,), dtype=jnp.float32))
    acc_v[...] = acc
    pltpu.sync_copy(acc_v, out_hbm.at[wid])


_knn = functools.partial(
    pl.kernel,
    out_type=jax.ShapeDtypeStruct((NW, L), jnp.float32),
    mesh=plsc.VectorSubcoreMesh(core_axis_name="c", subcore_axis_name="s",
                                num_cores=NC, num_subcores=NS),
    scratch_types=[
        pltpu.VMEM((3, N), jnp.float32),
        pltpu.VMEM((3, N), jnp.float32),
        pltpu.VMEM((N,), jnp.float32),
        pltpu.VMEM((L, N), jnp.float32),
        pltpu.VMEM((N + L,), jnp.float32),
        pltpu.VMEM((N + L,), jnp.float32),
        pltpu.VMEM((N + L,), jnp.float32),
        pltpu.VMEM((N + L,), jnp.float32),
        pltpu.VMEM((N + L,), jnp.float32),
        pltpu.VMEM((N + L,), jnp.float32),
        pltpu.VMEM((N + L,), jnp.float32),
        pltpu.VMEM((N + L,), jnp.float32),
        pltpu.VMEM((L,), jnp.float32),
    ],
    compiler_params=pltpu.CompilerParams(needs_layout_passes=False,
                                        disable_bounds_checks=True),
)(_knn_body)


def kernel(seed, gt_s):
    pts = jnp.stack([seed, gt_s])
    pts = pts.transpose(0, 1, 3, 2).reshape(2 * B, 3, N)
    out = _knn(pts)
    per_prob = out.sum(axis=1).reshape(2 * B, 2).sum(axis=1)
    means = (per_prob / (N * K)).reshape(2, B)
    return jnp.mean((means[0] - means[1]) ** 2)

# --- scband reference (transcript-rebuilt; emitter-appended) ---
"""Pipeline reference for scband-density-loss-83932250898497 (READ-ONLY COPY).

The authoritative reference and input builder live on the scoring server;
editing this copy changes nothing except your own understanding.
"""

import jax, jax.numpy as jnp
import numpy as np


def _pairwise_sq_dist(x, y):
    # x: [B, N, D], y: [B, M, D] -> [B, N, M] squared euclidean distances
    xx = jnp.sum(x * x, axis=-1, keepdims=True)          # [B, N, 1]
    yy = jnp.sum(y * y, axis=-1, keepdims=True)          # [B, M, 1]
    inner = jnp.einsum('bnd,bmd->bnm', x, y)             # [B, N, M]
    d = xx - 2.0 * inner + jnp.swapaxes(yy, 1, 2)
    return jnp.maximum(d, 0.0)


def _distance_knn(k, src, dst):
    # returns distances to the k nearest neighbors of each src point among dst points
    d = _pairwise_sq_dist(src, dst)                      # [B, N, M]
    neg_vals, _ = jax.lax.top_k(-d, k)                   # k smallest distances
    return -neg_vals                                      # [B, N, k]


def setup_inputs(seed: int = 0) -> dict:
    key = jax.random.key(seed)
    k1, k2 = jax.random.split(key)
    seed = jax.random.normal(k1, (8, 2048, 3), dtype=jnp.float32)
    gt_s = jax.random.normal(k2, (8, 2048, 3), dtype=jnp.float32)
    return {"seed": seed, "gt_s": gt_s}


def reference(seed, gt_s):
    seed_dis = _distance_knn(16, seed, seed)             # [B, N, 16]
    seed_dis = jnp.mean(seed_dis, axis=-1)               # [B, N]
    gt_dis = _distance_knn(16, gt_s, gt_s)               # [B, N, 16]
    gt_dis = jnp.mean(gt_dis, axis=-1)                   # [B, N]
    # dis_avg branch (True in __init__)
    dis = jnp.mean(seed_dis, axis=-1)                    # [B]
    gt_dis_m = jnp.mean(gt_dis, axis=-1)                 # [B]
    loss = jnp.mean((dis - gt_dis_m) ** 2)               # MSELoss
    return loss

if __name__ == "__main__":
    import jax
    _d = setup_inputs()
    print(jax.jit(kernel)(*tuple(_d.values())))

</pallas_src>

<mosaic_0001>
#map = affine_map<(d0, d1) -> (0, 0, 0)>
#map1 = affine_map<(d0, d1) -> (0, 0)>
module attributes {stable_mosaic.version = 14 : i64} {
  func.func @_knn_body(%arg0: i32, %arg1: i32, %arg2: memref<16x3x2048xf32, #tpu.memory_space<hbm>>, %arg3: memref<32x16xf32, #tpu.memory_space<hbm>>, %arg4: memref<3x2048xf32, #tpu.memory_space<vmem>>, %arg5: memref<3x2048xf32, #tpu.memory_space<vmem>>, %arg6: memref<2048xf32, #tpu.memory_space<vmem>>, %arg7: memref<16x2048xf32, #tpu.memory_space<vmem>>, %arg8: memref<2064xf32, #tpu.memory_space<vmem>>, %arg9: memref<2064xf32, #tpu.memory_space<vmem>>, %arg10: memref<2064xf32, #tpu.memory_space<vmem>>, %arg11: memref<2064xf32, #tpu.memory_space<vmem>>, %arg12: memref<2064xf32, #tpu.memory_space<vmem>>, %arg13: memref<2064xf32, #tpu.memory_space<vmem>>, %arg14: memref<2064xf32, #tpu.memory_space<vmem>>, %arg15: memref<2064xf32, #tpu.memory_space<vmem>>, %arg16: memref<16xf32, #tpu.memory_space<vmem>>) attributes {dimension_semantics = [#tpu.dimension_semantics<core_parallel>, #tpu.dimension_semantics<subcore_parallel>], iteration_bounds = array<i64: 2, 16>, scalar_prefetch = 0 : i64, scratch_operands = 13 : i64, tpu.core_type = #tpu.core_type<sc_vector_subcore>, window_params = [{transform_indices = #map}, {transform_indices = #map1}]} {
    %mul3A = arith.constant 2 : i32
    %mul3A_0 = arith.muli %arg1, %mul3A : i32
    %add3A = arith.addi %mul3A_0, %arg0 : i32
    %jit3A = arith.constant 2 : i32
    %div3A = arith.divsi %add3A, %jit3A : i32
    %sign3A = arith.constant 0 : i32
    %sign3A_1 = arith.cmpi sgt, %add3A, %sign3A : i32
    %sign3A_2 = arith.extui %sign3A_1 : i1 to i32
    %sign3A_3 = arith.constant 0 : i32
    %sign3A_4 = arith.cmpi slt, %add3A, %sign3A_3 : i32
    %sign3A_5 = arith.extui %sign3A_4 : i1 to i32
    %sign3A_6 = arith.subi %sign3A_2, %sign3A_5 : i32
    %sign3A_7 = arith.constant 0 : i32
    %sign3A_8 = arith.cmpi sgt, %jit3A, %sign3A_7 : i32
    %sign3A_9 = arith.extui %sign3A_8 : i1 to i32
    %sign3A_10 = arith.constant 0 : i32
    %sign3A_11 = arith.cmpi slt, %jit3A, %sign3A_10 : i32
    %sign3A_12 = arith.extui %sign3A_11 : i1 to i32
    %sign3A_13 = arith.subi %sign3A_9, %sign3A_12 : i32
    %ne3A = arith.cmpi ne, %sign3A_6, %sign3A_13 : i32
    %rem3A = arith.remsi %add3A, %jit3A : i32
    %ne3A_14 = arith.constant 0 : i32
    %ne3A_15 = arith.cmpi ne, %rem3A, %ne3A_14 : i32
    %and3A = arith.andi %ne3A, %ne3A_15 : i1
    %sub3A = arith.constant 1 : i32
    %sub3A_16 = arith.subi %div3A, %sub3A : i32
    %select_n3A = arith.select %and3A, %sub3A_16, %div3A : i32
    %jit3A_17 = arith.constant 2 : i32
    %eq3A = arith.constant 0 : i32
    %eq3A_18 = arith.cmpi eq, %jit3A_17, %eq3A : i32
    %jit3A_19 = arith.constant 1 : i32
    %select_n3A_20 = arith.select %eq3A_18, %jit3A_19, %jit3A_17 : i32
    %rem3A_21 = arith.remsi %add3A, %select_n3A_20 : i32
    %ne3A_22 = arith.constant 0 : i32
    %ne3A_23 = arith.cmpi ne, %rem3A_21, %ne3A_22 : i32
    %lt3A = arith.constant 0 : i32
    %lt3A_24 = arith.cmpi slt, %rem3A_21, %lt3A : i32
    %lt3A_25 = arith.constant 0 : i32
    %lt3A_26 = arith.cmpi slt, %select_n3A_20, %lt3A_25 : i32
    %ne3A_27 = arith.xori %lt3A_24, %lt3A_26 : i1
    %and3A_28 = arith.andi %ne3A_27, %ne3A_23 : i1
    %add3A_29 = arith.addi %rem3A_21, %select_n3A_20 : i32
    %select_n3A_30 = arith.select %and3A_28, %add3A_29, %rem3A_21 : i32
    "tpu.region"() ({
      %run_scoped3A = tpu.sem_alloc : memref<!tpu.dma_semaphore, #tpu.memory_space<semaphore_mem>>
      %dma_start3A = arith.constant 0 : i32
      %dma_start3A_48 = arith.constant 0 : i32
      %dma_start3A_49 = tpu.memref_slice %arg2[%select_n3A, %dma_start3A, %dma_start3A_48] : memref<16x3x2048xf32, #tpu.memory_space<hbm>> -> memref<1x3x2048xf32, #tpu.memory_space<hbm>>
      %dma_start3A_50 = tpu.memref_squeeze %dma_start3A_49 : memref<1x3x2048xf32, #tpu.memory_space<hbm>> -> memref<3x2048xf32, #tpu.memory_space<hbm>>
      %dma_start3A_51 = arith.constant 0 : i32
      %dma_start3A_52 = arith.constant 0 : i32
      %dma_start3A_53 = tpu.memref_slice %arg2[%select_n3A, %dma_start3A_51, %dma_start3A_52] : memref<16x3x2048xf32, #tpu.memory_space<hbm>> -> memref<1x3x2048xf32, #tpu.memory_space<hbm>>
      %dma_start3A_54 = tpu.memref_squeeze %dma_start3A_53 : memref<1x3x2048xf32, #tpu.memory_space<hbm>> -> memref<3x2048xf32, #tpu.memory_space<hbm>>
      tpu.enqueue_dma source(%dma_start3A_54 : memref<3x2048xf32, #tpu.memory_space<hbm>>) target(%arg4 : memref<3x2048xf32, #tpu.memory_space<vmem>>) target_semaphore(%run_scoped3A : memref<!tpu.dma_semaphore, #tpu.memory_space<semaphore_mem>>)
      %dma_wait3A = arith.constant 0 : i32
      %dma_wait3A_55 = arith.constant 0 : i32
      %dma_wait3A_56 = tpu.memref_slice %arg2[%select_n3A, %dma_wait3A, %dma_wait3A_55] : memref<16x3x2048xf32, #tpu.memory_space<hbm>> -> memref<1x3x2048xf32, #tpu.memory_space<hbm>>
      %dma_wait3A_57 = tpu.memref_squeeze %dma_wait3A_56 : memref<1x3x2048xf32, #tpu.memory_space<hbm>> -> memref<3x2048xf32, #tpu.memory_space<hbm>>
      %dma_wait3A_58 = arith.constant 0 : i32
      %dma_wait3A_59 = arith.constant 0 : i32
      %dma_wait3A_60 = tpu.memref_slice %arg2[%select_n3A, %dma_wait3A_58, %dma_wait3A_59] : memref<16x3x2048xf32, #tpu.memory_space<hbm>> -> memref<1x3x2048xf32, #tpu.memory_space<hbm>>
      %dma_wait3A_61 = tpu.memref_squeeze %dma_wait3A_60 : memref<1x3x2048xf32, #tpu.memory_space<hbm>> -> memref<3x2048xf32, #tpu.memory_space<hbm>>
      tpu.wait_dma2 semaphore(%run_scoped3A : memref<!tpu.dma_semaphore, #tpu.memory_space<semaphore_mem>>) src(%dma_wait3A_61 : memref<3x2048xf32, #tpu.memory_space<hbm>>) dst(%arg4 : memref<3x2048xf32, #tpu.memory_space<vmem>>)
      tpu.yield
    }) : () -> ()
    %broadcast_in_dim3A = arith.constant 3.000000e+38 : f32
    %broadcast_in_dim3A_31 = vector.broadcast %broadcast_in_dim3A : f32 to vector<16xf32>
    %broadcast_in_dim3A_32 = arith.constant 0.000000e+00 : f32
    %broadcast_in_dim3A_33 = vector.broadcast %broadcast_in_dim3A_32 : f32 to vector<16xf32>
    %scan3A = arith.constant 0 : i32
    %scan3A_34 = arith.constant 0 : i32
    %scan3A_35 = arith.constant 128 : i32
    %scan3A_36 = arith.addi %scan3A_34, %scan3A_35 : i32
    %scan3A_37 = arith.constant 1 : i32
    scf.for %scan3A_48 = %scan3A_34 to %scan3A_36 step %scan3A_37  : i32 {
      %mul3A_49 = arith.constant 16 : i32
      %mul3A_50 = arith.muli %scan3A_48, %mul3A_49 : i32
      %get3A = arith.constant 0 : i32
      %get3A_51 = arith.index_cast %get3A : i32 to index
      %get3A_52 = arith.index_cast %mul3A_50 : i32 to index
      %get3A_53 = tpu.vector_load %arg4[%get3A_51, %get3A_52] {strides = array<i32>} : memref<3x2048xf32, #tpu.memory_space<vmem>>, vector<16xf32>,
      %get3A_54 = arith.constant 1 : i32
      %get3A_55 = arith.index_cast %get3A_54 : i32 to index
      %get3A_56 = arith.index_cast %mul3A_50 : i32 to index
      %get3A_57 = tpu.vector_load %arg4[%get3A_55, %get3A_56] {strides = array<i32>} : memref<3x2048xf32, #tpu.memory_space<vmem>>, vector<16xf32>,
      %get3A_58 = arith.constant 2 : i32
      %get3A_59 = arith.index_cast %get3A_58 : i32 to index
      %get3A_60 = arith.index_cast %mul3A_50 : i32 to index
      %get3A_61 = tpu.vector_load %arg4[%get3A_59, %get3A_60] {strides = array<i32>} : memref<3x2048xf32, #tpu.memory_space<vmem>>, vector<16xf32>,
      %bitcast3A = vector.bitcast %get3A_53 : vector<16xf32> to vector<16xi32>
      %add3A_62 = arith.constant 32767 : i32
      %add3A_63 = vector.broadcast %add3A_62 : i32 to vector<16xi32>
      %add3A_64 = arith.addi %bitcast3A, %add3A_63 : vector<16xi32>
      %shift_right_logical3A = arith.constant 16 : i32
      %shift_right_logical3A_65 = vector.broadcast %shift_right_logical3A : i32 to vector<16xi32>
      %shift_right_logical3A_66 = arith.shrui %bitcast3A, %shift_right_logical3A_65 : vector<16xi32>
      %and3A_67 = arith.constant 1 : i32
      %and3A_68 = vector.broadcast %and3A_67 : i32 to vector<16xi32>
      %and3A_69 = arith.andi %shift_right_logical3A_66, %and3A_68 : vector<16xi32>
      %add3A_70 = arith.addi %add3A_64, %and3A_69 : vector<16xi32>
      %and3A_71 = arith.constant -65536 : i32
      %and3A_72 = vector.broadcast %and3A_71 : i32 to vector<16xi32>
      %and3A_73 = arith.andi %add3A_70, %and3A_72 : vector<16xi32>
      %bitcast3A_74 = vector.bitcast %and3A_73 : vector<16xi32> to vector<16xf32>
      %mul3A_75 = arith.constant 2.000000e+00 : f32
      %mul3A_76 = vector.broadcast %mul3A_75 : f32 to vector<16xf32>
      %mul3A_77 = arith.mulf %bitcast3A_74, %mul3A_76 : vector<16xf32>
      %swap3A_78 = arith.constant 0 : i32
      %swap3A_79 = arith.index_cast %swap3A_78 : i32 to index
      %swap3A_80 = arith.index_cast %mul3A_50 : i32 to index
      %swap3A_81 = tpu.vector_load %arg5[%swap3A_79, %swap3A_80] {strides = array<i32>} : memref<3x2048xf32, #tpu.memory_space<vmem>>, vector<16xf32>,
      tpu.vector_store %arg5[%swap3A_79, %swap3A_80], %mul3A_77 {strides = array<i32>} : memref<3x2048xf32, #tpu.memory_space<vmem>>, vector<16xf32>,
      %bitcast3A_82 = vector.bitcast %get3A_57 : vector<16xf32> to vector<16xi32>
      %add3A_83 = arith.constant 32767 : i32
      %add3A_84 = vector.broadcast %add3A_83 : i32 to vector<16xi32>
      %add3A_85 = arith.addi %bitcast3A_82, %add3A_84 : vector<16xi32>
      %shift_right_logical3A_86 = arith.constant 16 : i32
      %shift_right_logical3A_87 = vector.broadcast %shift_right_logical3A_86 : i32 to vector<16xi32>
      %shift_right_logical3A_88 = arith.shrui %bitcast3A_82, %shift_right_logical3A_87 : vector<16xi32>
      %and3A_89 = arith.constant 1 : i32
      %and3A_90 = vector.broadcast %and3A_89 : i32 to vector<16xi32>
      %and3A_91 = arith.andi %shift_right_logical3A_88, %and3A_90 : vector<16xi32>
      %add3A_92 = arith.addi %add3A_85, %and3A_91 : vector<16xi32>
      %and3A_93 = arith.constant -65536 : i32
      %and3A_94 = vector.broadcast %and3A_93 : i32 to vector<16xi32>
      %and3A_95 = arith.andi %add3A_92, %and3A_94 : vector<16xi32>
      %bitcast3A_96 = vector.bitcast %and3A_95 : vector<16xi32> to vector<16xf32>
      %mul3A_97 = arith.constant 2.000000e+00 : f32
      %mul3A_98 = vector.broadcast %mul3A_97 : f32 to vector<16xf32>
      %mul3A_99 = arith.mulf %bitcast3A_96, %mul3A_98 : vector<16xf32>
      %swap3A_100 = arith.constant 1 : i32
      %swap3A_101 = arith.index_cast %swap3A_100 : i32 to index
      %swap3A_102 = arith.index_cast %mul3A_50 : i32 to index
      %swap3A_103 = tpu.vector_load %arg5[%swap3A_101, %swap3A_102] {strides = array<i32>} : memref<3x2048xf32, #tpu.memory_space<vmem>>, vector<16xf32>,
      tpu.vector_store %arg5[%swap3A_101, %swap3A_102], %mul3A_99 {strides = array<i32>} : memref<3x2048xf32, #tpu.memory_space<vmem>>, vector<16xf32>,
      %bitcast3A_104 = vector.bitcast %get3A_61 : vector<16xf32> to vector<16xi32>
      %add3A_105 = arith.constant 32767 : i32
      %add3A_106 = vector.broadcast %add3A_105 : i32 to vector<16xi32>
      %add3A_107 = arith.addi %bitcast3A_104, %add3A_106 : vector<16xi32>
      %shift_right_logical3A_108 = arith.constant 16 : i32
      %shift_right_logical3A_109 = vector.broadcast %shift_right_logical3A_108 : i32 to vector<16xi32>
      %shift_right_logical3A_110 = arith.shrui %bitcast3A_104, %shift_right_logical3A_109 : vector<16xi32>
      %and3A_111 = arith.constant 1 : i32
      %and3A_112 = vector.broadcast %and3A_111 : i32 to vector<16xi32>
      %and3A_113 = arith.andi %shift_right_logical3A_110, %and3A_112 : vector<16xi32>
      %add3A_114 = arith.addi %add3A_107, %and3A_113 : vector<16xi32>
      %and3A_115 = arith.constant -65536 : i32
      %and3A_116 = vector.broadcast %and3A_115 : i32 to vector<16xi32>
      %and3A_117 = arith.andi %add3A_114, %and3A_116 : vector<16xi32>
      %bitcast3A_118 = vector.bitcast %and3A_117 : vector<16xi32> to vector<16xf32>
      %mul3A_119 = arith.constant 2.000000e+00 : f32
      %mul3A_120 = vector.broadcast %mul3A_119 : f32 to vector<16xf32>
      %mul3A_121 = arith.mulf %bitcast3A_118, %mul3A_120 : vector<16xf32>
      %swap3A_122 = arith.constant 2 : i32
      %swap3A_123 = arith.index_cast %swap3A_122 : i32 to index
      %swap3A_124 = arith.index_cast %mul3A_50 : i32 to index
      %swap3A_125 = tpu.vector_load %arg5[%swap3A_123, %swap3A_124] {strides = array<i32>} : memref<3x2048xf32, #tpu.memory_space<vmem>>, vector<16xf32>,
      tpu.vector_store %arg5[%swap3A_123, %swap3A_124], %mul3A_121 {strides = array<i32>} : memref<3x2048xf32, #tpu.memory_space<vmem>>, vector<16xf32>,
      %mul3A_126 = arith.mulf %get3A_53, %get3A_53 : vector<16xf32>
      %mul3A_127 = arith.mulf %get3A_57, %get3A_57 : vector<16xf32>
      %add3A_128 = arith.addf %mul3A_126, %mul3A_127 : vector<16xf32>
      %mul3A_129 = arith.mulf %get3A_61, %get3A_61 : vector<16xf32>
      %add3A_130 = arith.addf %add3A_128, %mul3A_129 : vector<16xf32>
      %swap3A_131 = arith.index_cast %mul3A_50 : i32 to index
      %swap3A_132 = tpu.vector_load %arg6[%swap3A_131] {strides = array<i32>} : memref<2048xf32, #tpu.memory_space<vmem>>, vector<16xf32>,
      tpu.vector_store %arg6[%swap3A_131], %add3A_130 {strides = array<i32>} : memref<2048xf32, #tpu.memory_space<vmem>>, vector<16xf32>,
    }
    %scan3A_38 = arith.constant 128 : i32
    %broadcast_in_dim3A_39 = arith.constant 0.000000e+00 : f32
    %broadcast_in_dim3A_40 = vector.broadcast %broadcast_in_dim3A_39 : f32 to vector<16xf32>
    %scan3A_41 = arith.constant 0 : i32
    %scan3A_42 = arith.constant 64 : i32
    %scan3A_43 = arith.addi %scan3A_41, %scan3A_42 : i32
    %scan3A_44 = arith.constant 1 : i32
    %scan3A_45 = scf.for %scan3A_48 = %scan3A_41 to %scan3A_43 step %scan3A_44 iter_args(%scan3A_49 = %broadcast_in_dim3A_40) -> (vector<16xf32>)  : i32 {
      %mul3A_50 = arith.constant 1024 : i32
      %mul3A_51 = arith.muli %select_n3A_30, %mul3A_50 : i32
      %mul3A_52 = arith.constant 16 : i32
      %mul3A_53 = arith.muli %scan3A_48, %mul3A_52 : i32
      %add3A_54 = arith.addi %mul3A_51, %mul3A_53 : i32
      %get3A = arith.constant 0 : i32
      %get3A_55 = arith.index_cast %get3A : i32 to index
      %get3A_56 = arith.index_cast %add3A_54 : i32 to index
      %get3A_57 = tpu.vector_load %arg4[%get3A_55, %get3A_56] {strides = array<i32>} : memref<3x2048xf32, #tpu.memory_space<vmem>>, vector<16xf32>,
      %get3A_58 = arith.constant 1 : i32
      %get3A_59 = arith.index_cast %get3A_58 : i32 to index
      %get3A_60 = arith.index_cast %add3A_54 : i32 to index
      %get3A_61 = tpu.vector_load %arg4[%get3A_59, %get3A_60] {strides = array<i32>} : memref<3x2048xf32, #tpu.memory_space<vmem>>, vector<16xf32>,
      %get3A_62 = arith.constant 2 : i32
      %get3A_63 = arith.index_cast %get3A_62 : i32 to index
      %get3A_64 = arith.index_cast %add3A_54 : i32 to index
      %get3A_65 = tpu.vector_load %arg4[%get3A_63, %get3A_64] {strides = array<i32>} : memref<3x2048xf32, #tpu.memory_space<vmem>>, vector<16xf32>,
      %mul3A_66 = arith.mulf %get3A_57, %get3A_57 : vector<16xf32>
      %mul3A_67 = arith.mulf %get3A_61, %get3A_61 : vector<16xf32>
      %add3A_68 = arith.addf %mul3A_66, %mul3A_67 : vector<16xf32>
      %mul3A_69 = arith.mulf %get3A_65, %get3A_65 : vector<16xf32>
      %add3A_70 = arith.addf %add3A_68, %mul3A_69 : vector<16xf32>
      %bitcast3A = vector.bitcast %get3A_57 : vector<16xf32> to vector<16xi32>
      %add3A_71 = arith.constant 32767 : i32
      %add3A_72 = vector.broadcast %add3A_71 : i32 to vector<16xi32>
      %add3A_73 = arith.addi %bitcast3A, %add3A_72 : vector<16xi32>
      %shift_right_logical3A = arith.constant 16 : i32
      %shift_right_logical3A_74 = vector.broadcast %shift_right_logical3A : i32 to vector<16xi32>
      %shift_right_logical3A_75 = arith.shrui %bitcast3A, %shift_right_logical3A_74 : vector<16xi32>
      %and3A_76 = arith.constant 1 : i32
      %and3A_77 = vector.broadcast %and3A_76 : i32 to vector<16xi32>
      %and3A_78 = arith.andi %shift_right_logical3A_75, %and3A_77 : vector<16xi32>
      %add3A_79 = arith.addi %add3A_73, %and3A_78 : vector<16xi32>
      %and3A_80 = arith.constant -65536 : i32
      %and3A_81 = vector.broadcast %and3A_80 : i32 to vector<16xi32>
      %and3A_82 = arith.andi %add3A_79, %and3A_81 : vector<16xi32>
      %bitcast3A_83 = vector.bitcast %and3A_82 : vector<16xi32> to vector<16xf32>
      %bitcast3A_84 = vector.bitcast %get3A_61 : vector<16xf32> to vector<16xi32>
      %add3A_85 = arith.constant 32767 : i32
      %add3A_86 = vector.broadcast %add3A_85 : i32 to vector<16xi32>
      %add3A_87 = arith.addi %bitcast3A_84, %add3A_86 : vector<16xi32>
      %shift_right_logical3A_88 = arith.constant 16 : i32
      %shift_right_logical3A_89 = vector.broadcast %shift_right_logical3A_88 : i32 to vector<16xi32>
      %shift_right_logical3A_90 = arith.shrui %bitcast3A_84, %shift_right_logical3A_89 : vector<16xi32>
      %and3A_91 = arith.constant 1 : i32
      %and3A_92 = vector.broadcast %and3A_91 : i32 to vector<16xi32>
      %and3A_93 = arith.andi %shift_right_logical3A_90, %and3A_92 : vector<16xi32>
      %add3A_94 = arith.addi %add3A_87, %and3A_93 : vector<16xi32>
      %and3A_95 = arith.constant -65536 : i32
      %and3A_96 = vector.broadcast %and3A_95 : i32 to vector<16xi32>
      %and3A_97 = arith.andi %add3A_94, %and3A_96 : vector<16xi32>
      %bitcast3A_98 = vector.bitcast %and3A_97 : vector<16xi32> to vector<16xf32>
      %bitcast3A_99 = vector.bitcast %get3A_65 : vector<16xf32> to vector<16xi32>
      %add3A_100 = arith.constant 32767 : i32
      %add3A_101 = vector.broadcast %add3A_100 : i32 to vector<16xi32>
      %add3A_102 = arith.addi %bitcast3A_99, %add3A_101 : vector<16xi32>
      %shift_right_logical3A_103 = arith.constant 16 : i32
      %shift_right_logical3A_104 = vector.broadcast %shift_right_logical3A_103 : i32 to vector<16xi32>
      %shift_right_logical3A_105 = arith.shrui %bitcast3A_99, %shift_right_logical3A_104 : vector<16xi32>
      %and3A_106 = arith.constant 1 : i32
      %and3A_107 = vector.broadcast %and3A_106 : i32 to vector<16xi32>
      %and3A_108 = arith.andi %shift_right_logical3A_105, %and3A_107 : vector<16xi32>
      %add3A_109 = arith.addi %add3A_102, %and3A_108 : vector<16xi32>
      %and3A_110 = arith.constant -65536 : i32
      %and3A_111 = vector.broadcast %and3A_110 : i32 to vector<16xi32>
      %and3A_112 = arith.andi %add3A_109, %and3A_111 : vector<16xi32>
      %bitcast3A_113 = vector.bitcast %and3A_112 : vector<16xi32> to vector<16xf32>
      %slice3A = vector.extract_strided_slice %add3A_70 {offsets = [0], sizes = [1], strides = [1]} : vector<16xf32> to vector<1xf32>
      %squeeze3A = vector.extract %slice3A[0] : f32 from vector<1xf32>
      %broadcast_in_dim3A_114 = vector.broadcast %squeeze3A : f32 to vector<16xf32>
      %slice3A_115 = vector.extract_strided_slice %add3A_70 {offsets = [1], sizes = [1], strides = [1]} : vector<16xf32> to vector<1xf32>
      %squeeze3A_116 = vector.extract %slice3A_115[0] : f32 from vector<1xf32>
      %broadcast_in_dim3A_117 = vector.broadcast %squeeze3A_116 : f32 to vector<16xf32>
      %slice3A_118 = vector.extract_strided_slice %add3A_70 {offsets = [2], sizes = [1], strides = [1]} : vector<16xf32> to vector<1xf32>
      %squeeze3A_119 = vector.extract %slice3A_118[0] : f32 from vector<1xf32>
      %broadcast_in_dim3A_120 = vector.broadcast %squeeze3A_119 : f32 to vector<16xf32>
      %slice3A_121 = vector.extract_strided_slice %add3A_70 {offsets = [3], sizes = [1], strides = [1]} : vector<16xf32> to vector<1xf32>
      %squeeze3A_122 = vector.extract %slice3A_121[0] : f32 from vector<1xf32>
      %broadcast_in_dim3A_123 = vector.broadcast %squeeze3A_122 : f32 to vector<16xf32>
      %slice3A_124 = vector.extract_strided_slice %add3A_70 {offsets = [4], sizes = [1], strides = [1]} : vector<16xf32> to vector<1xf32>
      %squeeze3A_125 = vector.extract %slice3A_124[0] : f32 from vector<1xf32>
      %broadcast_in_dim3A_126 = vector.broadcast %squeeze3A_125 : f32 to vector<16xf32>
      %slice3A_127 = vector.extract_strided_slice %add3A_70 {offsets = [5], sizes = [1], strides = [1]} : vector<16xf32> to vector<1xf32>
      %squeeze3A_128 = vector.extract %slice3A_127[0] : f32 from vector<1xf32>
      %broadcast_in_dim3A_129 = vector.broadcast %squeeze3A_128 : f32 to vector<16xf32>
      %slice3A_130 = vector.extract_strided_slice %add3A_70 {offsets = [6], sizes = [1], strides = [1]} : vector<16xf32> to vector<1xf32>
      %squeeze3A_131 = vector.extract %slice3A_130[0] : f32 from vector<1xf32>
      %broadcast_in_dim3A_132 = vector.broadcast %squeeze3A_131 : f32 to vector<16xf32>
      %slice3A_133 = vector.extract_strided_slice %add3A_70 {offsets = [7], sizes = [1], strides = [1]} : vector<16xf32> to vector<1xf32>
      %squeeze3A_134 = vector.extract %slice3A_133[0] : f32 from vector<1xf32>
      %broadcast_in_dim3A_135 = vector.broadcast %squeeze3A_134 : f32 to vector<16xf32>
      %slice3A_136 = vector.extract_strided_slice %bitcast3A_83 {offsets = [0], sizes = [1], strides = [1]} : vector<16xf32> to vector<1xf32>
      %squeeze3A_137 = vector.extract %slice3A_136[0] : f32 from vector<1xf32>
      %broadcast_in_dim3A_138 = vector.broadcast %squeeze3A_137 : f32 to vector<16xf32>
      %slice3A_139 = vector.extract_strided_slice %bitcast3A_83 {offsets = [1], sizes = [1], strides = [1]} : vector<16xf32> to vector<1xf32>
      %squeeze3A_140 = vector.extract %slice3A_139[0] : f32 from vector<1xf32>
      %broadcast_in_dim3A_141 = vector.broadcast %squeeze3A_140 : f32 to vector<16xf32>
      %slice3A_142 = vector.extract_strided_slice %bitcast3A_83 {offsets = [2], sizes = [1], strides = [1]} : vector<16xf32> to vector<1xf32>
      %squeeze3A_143 = vector.extract %slice3A_142[0] : f32 from vector<1xf32>
      %broadcast_in_dim3A_144 = vector.broadcast %squeeze3A_143 : f32 to vector<16xf32>
      %slice3A_145 = vector.extract_strided_slice %bitcast3A_83 {offsets = [3], sizes = [1], strides = [1]} : vector<16xf32> to vector<1xf32>
      %squeeze3A_146 = vector.extract %slice3A_145[0] : f32 from vector<1xf32>
      %broadcast_in_dim3A_147 = vector.broadcast %squeeze3A_146 : f32 to vector<16xf32>
      %slice3A_148 = vector.extract_strided_slice %bitcast3A_83 {offsets = [4], sizes = [1], strides = [1]} : vector<16xf32> to vector<1xf32>
      %squeeze3A_149 = vector.extract %slice3A_148[0] : f32 from vector<1xf32>
      %broadcast_in_dim3A_150 = vector.broadcast %squeeze3A_149 : f32 to vector<16xf32>
      %slice3A_151 = vector.extract_strided_slice %bitcast3A_83 {offsets = [5], sizes = [1], strides = [1]} : vector<16xf32> to vector<1xf32>
      %squeeze3A_152 = vector.extract %slice3A_151[0] : f32 from vector<1xf32>
      %broadcast_in_dim3A_153 = vector.broadcast %squeeze3A_152 : f32 to vector<16xf32>
      %slice3A_154 = vector.extract_strided_slice %bitcast3A_83 {offsets = [6], sizes = [1], strides = [1]} : vector<16xf32> to vector<1xf32>
      %squeeze3A_155 = vector.extract %slice3A_154[0] : f32 from vector<1xf32>
      %broadcast_in_dim3A_156 = vector.broadcast %squeeze3A_155 : f32 to vector<16xf32>
      %slice3A_157 = vector.extract_strided_slice %bitcast3A_83 {offsets = [7], sizes = [1], strides = [1]} : vector<16xf32> to vector<1xf32>
      %squeeze3A_158 = vector.extract %slice3A_157[0] : f32 from vector<1xf32>
      %broadcast_in_dim3A_159 = vector.broadcast %squeeze3A_158 : f32 to vector<16xf32>
      %slice3A_160 = vector.extract_strided_slice %bitcast3A_98 {offsets = [0], sizes = [1], strides = [1]} : vector<16xf32> to vector<1xf32>
      %squeeze3A_161 = vector.extract %slice3A_160[0] : f32 from vector<1xf32>
      %broadcast_in_dim3A_162 = vector.broadcast %squeeze3A_161 : f32 to vector<16xf32>
      %slice3A_163 = vector.extract_strided_slice %bitcast3A_98 {offsets = [1], sizes = [1], strides = [1]} : vector<16xf32> to vector<1xf32>
      %squeeze3A_164 = vector.extract %slice3A_163[0] : f32 from vector<1xf32>
      %broadcast_in_dim3A_165 = vector.broadcast %squeeze3A_164 : f32 to vector<16xf32>
      %slice3A_166 = vector.extract_strided_slice %bitcast3A_98 {offsets = [2], sizes = [1], strides = [1]} : vector<16xf32> to vector<1xf32>
      %squeeze3A_167 = vector.extract %slice3A_166[0] : f32 from vector<1xf32>
      %broadcast_in_dim3A_168 = vector.broadcast %squeeze3A_167 : f32 to vector<16xf32>
      %slice3A_169 = vector.extract_strided_slice %bitcast3A_98 {offsets = [3], sizes = [1], strides = [1]} : vector<16xf32> to vector<1xf32>
      %squeeze3A_170 = vector.extract %slice3A_169[0] : f32 from vector<1xf32>
      %broadcast_in_dim3A_171 = vector.broadcast %squeeze3A_170 : f32 to vector<16xf32>
      %slice3A_172 = vector.extract_strided_slice %bitcast3A_98 {offsets = [4], sizes = [1], strides = [1]} : vector<16xf32> to vector<1xf32>
      %squeeze3A_173 = vector.extract %slice3A_172[0] : f32 from vector<1xf32>
      %broadcast_in_dim3A_174 = vector.broadcast %squeeze3A_173 : f32 to vector<16xf32>
      %slice3A_175 = vector.extract_strided_slice %bitcast3A_98 {offsets = [5], sizes = [1], strides = [1]} : vector<16xf32> to vector<1xf32>
      %squeeze3A_176 = vector.extract %slice3A_175[0] : f32 from vector<1xf32>
      %broadcast_in_dim3A_177 = vector.broadcast %squeeze3A_176 : f32 to vector<16xf32>
      %slice3A_178 = vector.extract_strided_slice %bitcast3A_98 {offsets = [6], sizes = [1], strides = [1]} : vector<16xf32> to vector<1xf32>
      %squeeze3A_179 = vector.extract %slice3A_178[0] : f32 from vector<1xf32>
      %broadcast_in_dim3A_180 = vector.broadcast %squeeze3A_179 : f32 to vector<16xf32>
      %slice3A_181 = vector.extract_strided_slice %bitcast3A_98 {offsets = [7], sizes = [1], strides = [1]} : vector<16xf32> to vector<1xf32>
      %squeeze3A_182 = vector.extract %slice3A_181[0] : f32 from vector<1xf32>
      %broadcast_in_dim3A_183 = vector.broadcast %squeeze3A_182 : f32 to vector<16xf32>
      %slice3A_184 = vector.extract_strided_slice %bitcast3A_113 {offsets = [0], sizes = [1], strides = [1]} : vector<16xf32> to vector<1xf32>
      %squeeze3A_185 = vector.extract %slice3A_184[0] : f32 from vector<1xf32>
      %broadcast_in_dim3A_186 = vector.broadcast %squeeze3A_185 : f32 to vector<16xf32>
      %slice3A_187 = vector.extract_strided_slice %bitcast3A_113 {offsets = [1], sizes = [1], strides = [1]} : vector<16xf32> to vector<1xf32>
      %squeeze3A_188 = vector.extract %slice3A_187[0] : f32 from vector<1xf32>
      %broadcast_in_dim3A_189 = vector.broadcast %squeeze3A_188 : f32 to vector<16xf32>
      %slice3A_190 = vector.extract_strided_slice %bitcast3A_113 {offsets = [2], sizes = [1], strides = [1]} : vector<16xf32> to vector<1xf32>
      %squeeze3A_191 = vector.extract %slice3A_190[0] : f32 from vector<1xf32>
      %broadcast_in_dim3A_192 = vector.broadcast %squeeze3A_191 : f32 to vector<16xf32>
      %slice3A_193 = vector.extract_strided_slice %bitcast3A_113 {offsets = [3], sizes = [1], strides = [1]} : vector<16xf32> to vector<1xf32>
      %squeeze3A_194 = vector.extract %slice3A_193[0] : f32 from vector<1xf32>
      %broadcast_in_dim3A_195 = vector.broadcast %squeeze3A_194 : f32 to vector<16xf32>
      %slice3A_196 = vector.extract_strided_slice %bitcast3A_113 {offsets = [4], sizes = [1], strides = [1]} : vector<16xf32> to vector<1xf32>
      %squeeze3A_197 = vector.extract %slice3A_196[0] : f32 from vector<1xf32>
      %broadcast_in_dim3A_198 = vector.broadcast %squeeze3A_197 : f32 to vector<16xf32>
      %slice3A_199 = vector.extract_strided_slice %bitcast3A_113 {offsets = [5], sizes = [1], strides = [1]} : vector<16xf32> to vector<1xf32>
      %squeeze3A_200 = vector.extract %slice3A_199[0] : f32 from vector<1xf32>
      %broadcast_in_dim3A_201 = vector.broadcast %squeeze3A_200 : f32 to vector<16xf32>
      %slice3A_202 = vector.extract_strided_slice %bitcast3A_113 {offsets = [6], sizes = [1], strides = [1]} : vector<16xf32> to vector<1xf32>
      %squeeze3A_203 = vector.extract %slice3A_202[0] : f32 from vector<1xf32>
      %broadcast_in_dim3A_204 = vector.broadcast %squeeze3A_203 : f32 to vector<16xf32>
      %slice3A_205 = vector.extract_strided_slice %bitcast3A_113 {offsets = [7], sizes = [1], strides = [1]} : vector<16xf32> to vector<1xf32>
      %squeeze3A_206 = vector.extract %slice3A_205[0] : f32 from vector<1xf32>
      %broadcast_in_dim3A_207 = vector.broadcast %squeeze3A_206 : f32 to vector<16xf32>
      %scan3A_208 = arith.constant 0 : i32
      %scan3A_209 = arith.constant 64 : i32
      %scan3A_210 = arith.addi %scan3A_208, %scan3A_209 : i32
      %scan3A_211 = arith.constant 1 : i32
      %scan3A_212:8 = scf.for %scan3A_742 = %scan3A_208 to %scan3A_210 step %scan3A_211 iter_args(%scan3A_743 = %broadcast_in_dim3A_31, %scan3A_744 = %broadcast_in_dim3A_31, %scan3A_745 = %broadcast_in_dim3A_31, %scan3A_746 = %broadcast_in_dim3A_31, %scan3A_747 = %broadcast_in_dim3A_31, %scan3A_748 = %broadcast_in_dim3A_31, %scan3A_749 = %broadcast_in_dim3A_31, %scan3A_750 = %broadcast_in_dim3A_31) -> (vector<16xf32>, vector<16xf32>, vector<16xf32>, vector<16xf32>, vector<16xf32>, vector<16xf32>, vector<16xf32>, vector<16xf32>)  : i32 {
        %mul3A_751 = arith.constant 2 : i32
        %mul3A_752 = arith.muli %mul3A_751, %scan3A_742 : i32
        %add3A_753 = arith.constant 0 : i32
        %add3A_754 = arith.addi %mul3A_752, %add3A_753 : i32
        %mul3A_755 = arith.constant 16 : i32
        %mul3A_756 = arith.muli %add3A_754, %mul3A_755 : i32
        %get3A_757 = arith.constant 0 : i32
        %get3A_758 = arith.index_cast %get3A_757 : i32 to index
        %get3A_759 = arith.index_cast %mul3A_756 : i32 to index
        %get3A_760 = tpu.vector_load %arg5[%get3A_758, %get3A_759] {strides = array<i32>} : memref<3x2048xf32, #tpu.memory_space<vmem>>, vector<16xf32>,
        %get3A_761 = arith.constant 1 : i32
        %get3A_762 = arith.index_cast %get3A_761 : i32 to index
        %get3A_763 = arith.index_cast %mul3A_756 : i32 to index
        %get3A_764 = tpu.vector_load %arg5[%get3A_762, %get3A_763] {strides = array<i32>} : memref<3x2048xf32, #tpu.memory_space<vmem>>, vector<16xf32>,
        %get3A_765 = arith.constant 2 : i32
        %get3A_766 = arith.index_cast %get3A_765 : i32 to index
        %get3A_767 = arith.index_cast %mul3A_756 : i32 to index
        %get3A_768 = tpu.vector_load %arg5[%get3A_766, %get3A_767] {strides = array<i32>} : memref<3x2048xf32, #tpu.memory_space<vmem>>, vector<16xf32>,
        %get3A_769 = arith.index_cast %mul3A_756 : i32 to index
        %get3A_770 = tpu.vector_load %arg6[%get3A_769] {strides = array<i32>} : memref<2048xf32, #tpu.memory_space<vmem>>, vector<16xf32>,
        %mul3A_771 = arith.mulf %get3A_760, %broadcast_in_dim3A_138 : vector<16xf32>
        %mul3A_772 = arith.mulf %get3A_764, %broadcast_in_dim3A_162 : vector<16xf32>
        %add3A_773 = arith.addf %mul3A_771, %mul3A_772 : vector<16xf32>
        %mul3A_774 = arith.mulf %get3A_768, %broadcast_in_dim3A_186 : vector<16xf32>
        %add3A_775 = arith.addf %add3A_773, %mul3A_774 : vector<16xf32>
        %sub3A_776 = arith.subf %broadcast_in_dim3A_114, %add3A_775 : vector<16xf32>
        %add3A_777 = arith.addf %sub3A_776, %get3A_770 : vector<16xf32>
        %swap3A_778 = arith.constant 0 : i32
        %swap3A_779 = arith.index_cast %swap3A_778 : i32 to index
        %swap3A_780 = arith.index_cast %mul3A_756 : i32 to index
        %swap3A_781 = tpu.vector_load %arg7[%swap3A_779, %swap3A_780] {strides = array<i32>} : memref<16x2048xf32, #tpu.memory_space<vmem>>, vector<16xf32>,
        tpu.vector_store %arg7[%swap3A_779, %swap3A_780], %add3A_777 {strides = array<i32>} : memref<16x2048xf32, #tpu.memory_space<vmem>>, vector<16xf32>,
        %min3A = arith.minimumf %scan3A_743, %add3A_777 : vector<16xf32>
        %mul3A_782 = arith.mulf %get3A_760, %broadcast_in_dim3A_141 : vector<16xf32>
        %mul3A_783 = arith.mulf %get3A_764, %broadcast_in_dim3A_165 : vector<16xf32>
        %add3A_784 = arith.addf %mul3A_782, %mul3A_783 : vector<16xf32>
        %mul3A_785 = arith.mulf %get3A_768, %broadcast_in_dim3A_189 : vector<16xf32>
        %add3A_786 = arith.addf %add3A_784, %mul3A_785 : vector<16xf32>
        %sub3A_787 = arith.subf %broadcast_in_dim3A_117, %add3A_786 : vector<16xf32>
        %add3A_788 = arith.addf %sub3A_787, %get3A_770 : vector<16xf32>
        %swap3A_789 = arith.constant 1 : i32
        %swap3A_790 = arith.index_cast %swap3A_789 : i32 to index
        %swap3A_791 = arith.index_cast %mul3A_756 : i32 to index
        %swap3A_792 = tpu.vector_load %arg7[%swap3A_790, %swap3A_791] {strides = array<i32>} : memref<16x2048xf32, #tpu.memory_space<vmem>>, vector<16xf32>,
        tpu.vector_store %arg7[%swap3A_790, %swap3A_791], %add3A_788 {strides = array<i32>} : memref<16x2048xf32, #tpu.memory_space<vmem>>, vector<16xf32>,
        %min3A_793 = arith.minimumf %scan3A_744, %add3A_788 : vector<16xf32>
        %mul3A_794 = arith.mulf %get3A_760, %broadcast_in_dim3A_144 : vector<16xf32>
        %mul3A_795 = arith.mulf %get3A_764, %broadcast_in_dim3A_168 : vector<16xf32>
        %add3A_796 = arith.addf %mul3A_794, %mul3A_795 : vector<16xf32>
        %mul3A_797 = arith.mulf %get3A_768, %broadcast_in_dim3A_192 : vector<16xf32>
        %add3A_798 = arith.addf %add3A_796, %mul3A_797 : vector<16xf32>
        %sub3A_799 = arith.subf %broadcast_in_dim3A_120, %add3A_798 : vector<16xf32>
        %add3A_800 = arith.addf %sub3A_799, %get3A_770 : vector<16xf32>
        %swap3A_801 = arith.constant 2 : i32
        %swap3A_802 = arith.index_cast %swap3A_801 : i32 to index
        %swap3A_803 = arith.index_cast %mul3A_756 : i32 to index
        %swap3A_804 = tpu.vector_load %arg7[%swap3A_802, %swap3A_803] {strides = array<i32>} : memref<16x2048xf32, #tpu.memory_space<vmem>>, vector<16xf32>,
        tpu.vector_store %arg7[%swap3A_802, %swap3A_803], %add3A_800 {strides = array<i32>} : memref<16x2048xf32, #tpu.memory_space<vmem>>, vector<16xf32>,
        %min3A_805 = arith.minimumf %scan3A_745, %add3A_800 : vector<16xf32>
        %mul3A_806 = arith.mulf %get3A_760, %broadcast_in_dim3A_147 : vector<16xf32>
        %mul3A_807 = arith.mulf %get3A_764, %broadcast_in_dim3A_171 : vector<16xf32>
        %add3A_808 = arith.addf %mul3A_806, %mul3A_807 : vector<16xf32>
        %mul3A_809 = arith.mulf %get3A_768, %broadcast_in_dim3A_195 : vector<16xf32>
        %add3A_810 = arith.addf %add3A_808, %mul3A_809 : vector<16xf32>
        %sub3A_811 = arith.subf %broadcast_in_dim3A_123, %add3A_810 : vector<16xf32>
        %add3A_812 = arith.addf %sub3A_811, %get3A_770 : vector<16xf32>
        %swap3A_813 = arith.constant 3 : i32
        %swap3A_814 = arith.index_cast %swap3A_813 : i32 to index
        %swap3A_815 = arith.index_cast %mul3A_756 : i32 to index
        %swap3A_816 = tpu.vector_load %arg7[%swap3A_814, %swap3A_815] {strides = array<i32>} : memref<16x2048xf32, #tpu.memory_space<vmem>>, vector<16xf32>,
        tpu.vector_store %arg7[%swap3A_814, %swap3A_815], %add3A_812 {strides = array<i32>} : memref<16x2048xf32, #tpu.memory_space<vmem>>, vector<16xf32>,
        %min3A_817 = arith.minimumf %scan3A_746, %add3A_812 : vector<16xf32>
        %mul3A_818 = arith.mulf %get3A_760, %broadcast_in_dim3A_150 : vector<16xf32>
        %mul3A_819 = arith.mulf %get3A_764, %broadcast_in_dim3A_174 : vector<16xf32>
        %add3A_820 = arith.addf %mul3A_818, %mul3A_819 : vector<16xf32>
        %mul3A_821 = arith.mulf %get3A_768, %broadcast_in_dim3A_198 : vector<16xf32>
        %add3A_822 = arith.addf %add3A_820, %mul3A_821 : vector<16xf32>
        %sub3A_823 = arith.subf %broadcast_in_dim3A_126, %add3A_822 : vector<16xf32>
        %add3A_824 = arith.addf %sub3A_823, %get3A_770 : vector<16xf32>
        %swap3A_825 = arith.constant 4 : i32
        %swap3A_826 = arith.index_cast %swap3A_825 : i32 to index
        %swap3A_827 = arith.index_cast %mul3A_756 : i32 to index
        %swap3A_828 = tpu.vector_load %arg7[%swap3A_826, %swap3A_827] {strides = array<i32>} : memref<16x2048xf32, #tpu.memory_space<vmem>>, vector<16xf32>,
        tpu.vector_store %arg7[%swap3A_826, %swap3A_827], %add3A_824 {strides = array<i32>} : memref<16x2048xf32, #tpu.memory_space<vmem>>, vector<16xf32>,
        %min3A_829 = arith.minimumf %scan3A_747, %add3A_824 : vector<16xf32>
        %mul3A_830 = arith.mulf %get3A_760, %broadcast_in_dim3A_153 : vector<16xf32>
        %mul3A_831 = arith.mulf %get3A_764, %broadcast_in_dim3A_177 : vector<16xf32>
        %add3A_832 = arith.addf %mul3A_830, %mul3A_831 : vector<16xf32>
        %mul3A_833 = arith.mulf %get3A_768, %broadcast_in_dim3A_201 : vector<16xf32>
        %add3A_834 = arith.addf %add3A_832, %mul3A_833 : vector<16xf32>
        %sub3A_835 = arith.subf %broadcast_in_dim3A_129, %add3A_834 : vector<16xf32>
        %add3A_836 = arith.addf %sub3A_835, %get3A_770 : vector<16xf32>
        %swap3A_837 = arith.constant 5 : i32
        %swap3A_838 = arith.index_cast %swap3A_837 : i32 to index
        %swap3A_839 = arith.index_cast %mul3A_756 : i32 to index
        %swap3A_840 = tpu.vector_load %arg7[%swap3A_838, %swap3A_839] {strides = array<i32>} : memref<16x2048xf32, #tpu.memory_space<vmem>>, vector<16xf32>,
        tpu.vector_store %arg7[%swap3A_838, %swap3A_839], %add3A_836 {strides = array<i32>} : memref<16x2048xf32, #tpu.memory_space<vmem>>, vector<16xf32>,
        %min3A_841 = arith.minimumf %scan3A_748, %add3A_836 : vector<16xf32>
        %mul3A_842 = arith.mulf %get3A_760, %broadcast_in_dim3A_156 : vector<16xf32>
        %mul3A_843 = arith.mulf %get3A_764, %broadcast_in_dim3A_180 : vector<16xf32>
        %add3A_844 = arith.addf %mul3A_842, %mul3A_843 : vector<16xf32>
        %mul3A_845 = arith.mulf %get3A_768, %broadcast_in_dim3A_204 : vector<16xf32>
        %add3A_846 = arith.addf %add3A_844, %mul3A_845 : vector<16xf32>
        %sub3A_847 = arith.subf %broadcast_in_dim3A_132, %add3A_846 : vector<16xf32>
        %add3A_848 = arith.addf %sub3A_847, %get3A_770 : vector<16xf32>
        %swap3A_849 = arith.constant 6 : i32
        %swap3A_850 = arith.index_cast %swap3A_849 : i32 to index
        %swap3A_851 = arith.index_cast %mul3A_756 : i32 to index
        %swap3A_852 = tpu.vector_load %arg7[%swap3A_850, %swap3A_851] {strides = array<i32>} : memref<16x2048xf32, #tpu.memory_space<vmem>>, vector<16xf32>,
        tpu.vector_store %arg7[%swap3A_850, %swap3A_851], %add3A_848 {strides = array<i32>} : memref<16x2048xf32, #tpu.memory_space<vmem>>, vector<16xf32>,
        %min3A_853 = arith.minimumf %scan3A_749, %add3A_848 : vector<16xf32>
        %mul3A_854 = arith.mulf %get3A_760, %broadcast_in_dim3A_159 : vector<16xf32>
        %mul3A_855 = arith.mulf %get3A_764, %broadcast_in_dim3A_183 : vector<16xf32>
        %add3A_856 = arith.addf %mul3A_854, %mul3A_855 : vector<16xf32>
        %mul3A_857 = arith.mulf %get3A_768, %broadcast_in_dim3A_207 : vector<16xf32>
        %add3A_858 = arith.addf %add3A_856, %mul3A_857 : vector<16xf32>
        %sub3A_859 = arith.subf %broadcast_in_dim3A_135, %add3A_858 : vector<16xf32>
        %add3A_860 = arith.addf %sub3A_859, %get3A_770 : vector<16xf32>
        %swap3A_861 = arith.constant 7 : i32
        %swap3A_862 = arith.index_cast %swap3A_861 : i32 to index
        %swap3A_863 = arith.index_cast %mul3A_756 : i32 to index
        %swap3A_864 = tpu.vector_load %arg7[%swap3A_862, %swap3A_863] {strides = array<i32>} : memref<16x2048xf32, #tpu.memory_space<vmem>>, vector<16xf32>,
        tpu.vector_store %arg7[%swap3A_862, %swap3A_863], %add3A_860 {strides = array<i32>} : memref<16x2048xf32, #tpu.memory_space<vmem>>, vector<16xf32>,
        %min3A_865 = arith.minimumf %scan3A_750, %add3A_860 : vector<16xf32>
        %mul3A_866 = arith.constant 2 : i32
        %mul3A_867 = arith.muli %mul3A_866, %scan3A_742 : i32
        %add3A_868 = arith.constant 1 : i32
        %add3A_869 = arith.addi %mul3A_867, %add3A_868 : i32
        %mul3A_870 = arith.constant 16 : i32
        %mul3A_871 = arith.muli %add3A_869, %mul3A_870 : i32
        %get3A_872 = arith.constant 0 : i32
        %get3A_873 = arith.index_cast %get3A_872 : i32 to index
        %get3A_874 = arith.index_cast %mul3A_871 : i32 to index
        %get3A_875 = tpu.vector_load %arg5[%get3A_873, %get3A_874] {strides = array<i32>} : memref<3x2048xf32, #tpu.memory_space<vmem>>, vector<16xf32>,
        %get3A_876 = arith.constant 1 : i32
        %get3A_877 = arith.index_cast %get3A_876 : i32 to index
        %get3A_878 = arith.index_cast %mul3A_871 : i32 to index
        %get3A_879 = tpu.vector_load %arg5[%get3A_877, %get3A_878] {strides = array<i32>} : memref<3x2048xf32, #tpu.memory_space<vmem>>, vector<16xf32>,
        %get3A_880 = arith.constant 2 : i32
        %get3A_881 = arith.index_cast %get3A_880 : i32 to index
        %get3A_882 = arith.index_cast %mul3A_871 : i32 to index
        %get3A_883 = tpu.vector_load %arg5[%get3A_881, %get3A_882] {strides = array<i32>} : memref<3x2048xf32, #tpu.memory_space<vmem>>, vector<16xf32>,
        %get3A_884 = arith.index_cast %mul3A_871 : i32 to index
        %get3A_885 = tpu.vector_load %arg6[%get3A_884] {strides = array<i32>} : memref<2048xf32, #tpu.memory_space<vmem>>, vector<16xf32>,
        %mul3A_886 = arith.mulf %get3A_875, %broadcast_in_dim3A_138 : vector<16xf32>
        %mul3A_887 = arith.mulf %get3A_879, %broadcast_in_dim3A_162 : vector<16xf32>
        %add3A_888 = arith.addf %mul3A_886, %mul3A_887 : vector<16xf32>
        %mul3A_889 = arith.mulf %get3A_883, %broadcast_in_dim3A_186 : vector<16xf32>
        %add3A_890 = arith.addf %add3A_888, %mul3A_889 : vector<16xf32>
        %sub3A_891 = arith.subf %broadcast_in_dim3A_114, %add3A_890 : vector<16xf32>
        %add3A_892 = arith.addf %sub3A_891, %get3A_885 : vector<16xf32>
        %swap3A_893 = arith.constant 0 : i32
        %swap3A_894 = arith.index_cast %swap3A_893 : i32 to index
        %swap3A_895 = arith.index_cast %mul3A_871 : i32 to index
        %swap3A_896 = tpu.vector_load %arg7[%swap3A_894, %swap3A_895] {strides = array<i32>} : memref<16x2048xf32, #tpu.memory_space<vmem>>, vector<16xf32>,
        tpu.vector_store %arg7[%swap3A_894, %swap3A_895], %add3A_892 {strides = array<i32>} : memref<16x2048xf32, #tpu.memory_space<vmem>>, vector<16xf32>,
        %min3A_897 = arith.minimumf %min3A, %add3A_892 : vector<16xf32>
        %mul3A_898 = arith.mulf %get3A_875, %broadcast_in_dim3A_141 : vector<16xf32>
        %mul3A_899 = arith.mulf %get3A_879, %broadcast_in_dim3A_165 : vector<16xf32>
        %add3A_900 = arith.addf %mul3A_898, %mul3A_899 : vector<16xf32>
        %mul3A_901 = arith.mulf %get3A_883, %broadcast_in_dim3A_189 : vector<16xf32>
        %add3A_902 = arith.addf %add3A_900, %mul3A_901 : vector<16xf32>
        %sub3A_903 = arith.subf %broadcast_in_dim3A_117, %add3A_902 : vector<16xf32>
        %add3A_904 = arith.addf %sub3A_903, %get3A_885 : vector<16xf32>
        %swap3A_905 = arith.constant 1 : i32
        %swap3A_906 = arith.index_cast %swap3A_905 : i32 to index
        %swap3A_907 = arith.index_cast %mul3A_871 : i32 to index
        %swap3A_908 = tpu.vector_load %arg7[%swap3A_906, %swap3A_907] {strides = array<i32>} : memref<16x2048xf32, #tpu.memory_space<vmem>>, vector<16xf32>,
        tpu.vector_store %arg7[%swap3A_906, %swap3A_907], %add3A_904 {strides = array<i32>} : memref<16x2048xf32, #tpu.memory_space<vmem>>, vector<16xf32>,
        %min3A_909 = arith.minimumf %min3A_793, %add3A_904 : vector<16xf32>
        %mul3A_910 = arith.mulf %get3A_875, %broadcast_in_dim3A_144 : vector<16xf32>
        %mul3A_911 = arith.mulf %get3A_879, %broadcast_in_dim3A_168 : vector<16xf32>
        %add3A_912 = arith.addf %mul3A_910, %mul3A_911 : vector<16xf32>
        %mul3A_913 = arith.mulf %get3A_883, %broadcast_in_dim3A_192 : vector<16xf32>
        %add3A_914 = arith.addf %add3A_912, %mul3A_913 : vector<16xf32>
        %sub3A_915 = arith.subf %broadcast_in_dim3A_120, %add3A_914 : vector<16xf32>
        %add3A_916 = arith.addf %sub3A_915, %get3A_885 : vector<16xf32>
        %swap3A_917 = arith.constant 2 : i32
        %swap3A_918 = arith.index_cast %swap3A_917 : i32 to index
        %swap3A_919 = arith.index_cast %mul3A_871 : i32 to index
        %swap3A_920 = tpu.vector_load %arg7[%swap3A_918, %swap3A_919] {strides = array<i32>} : memref<16x2048xf32, #tpu.memory_space<vmem>>, vector<16xf32>,
        tpu.vector_store %arg7[%swap3A_918, %swap3A_919], %add3A_916 {strides = array<i32>} : memref<16x2048xf32, #tpu.memory_space<vmem>>, vector<16xf32>,
        %min3A_921 = arith.minimumf %min3A_805, %add3A_916 : vector<16xf32>
        %mul3A_922 = arith.mulf %get3A_875, %broadcast_in_dim3A_147 : vector<16xf32>
        %mul3A_923 = arith.mulf %get3A_879, %broadcast_in_dim3A_171 : vector<16xf32>
        %add3A_924 = arith.addf %mul3A_922, %mul3A_923 : vector<16xf32>
        %mul3A_925 = arith.mulf %get3A_883, %broadcast_in_dim3A_195 : vector<16xf32>
        %add3A_926 = arith.addf %add3A_924, %mul3A_925 : vector<16xf32>
        %sub3A_927 = arith.subf %broadcast_in_dim3A_123, %add3A_926 : vector<16xf32>
        %add3A_928 = arith.addf %sub3A_927, %get3A_885 : vector<16xf32>
        %swap3A_929 = arith.constant 3 : i32
        %swap3A_930 = arith.index_cast %swap3A_929 : i32 to index
        %swap3A_931 = arith.index_cast %mul3A_871 : i32 to index
        %swap3A_932 = tpu.vector_load %arg7[%swap3A_930, %swap3A_931] {strides = array<i32>} : memref<16x2048xf32, #tpu.memory_space<vmem>>, vector<16xf32>,
        tpu.vector_store %arg7[%swap3A_930, %swap3A_931], %add3A_928 {strides = array<i32>} : memref<16x2048xf32, #tpu.memory_space<vmem>>, vector<16xf32>,
        %min3A_933 = arith.minimumf %min3A_817, %add3A_928 : vector<16xf32>
        %mul3A_934 = arith.mulf %get3A_875, %broadcast_in_dim3A_150 : vector<16xf32>
        %mul3A_935 = arith.mulf %get3A_879, %broadcast_in_dim3A_174 : vector<16xf32>
        %add3A_936 = arith.addf %mul3A_934, %mul3A_935 : vector<16xf32>
        %mul3A_937 = arith.mulf %get3A_883, %broadcast_in_dim3A_198 : vector<16xf32>
        %add3A_938 = arith.addf %add3A_936, %mul3A_937 : vector<16xf32>
        %sub3A_939 = arith.subf %broadcast_in_dim3A_126, %add3A_938 : vector<16xf32>
        %add3A_940 = arith.addf %sub3A_939, %get3A_885 : vector<16xf32>
        %swap3A_941 = arith.constant 4 : i32
        %swap3A_942 = arith.index_cast %swap3A_941 : i32 to index
        %swap3A_943 = arith.index_cast %mul3A_871 : i32 to index
        %swap3A_944 = tpu.vector_load %arg7[%swap3A_942, %swap3A_943] {strides = array<i32>} : memref<16x2048xf32, #tpu.memory_space<vmem>>, vector<16xf32>,
        tpu.vector_store %arg7[%swap3A_942, %swap3A_943], %add3A_940 {strides = array<i32>} : memref<16x2048xf32, #tpu.memory_space<vmem>>, vector<16xf32>,
        %min3A_945 = arith.minimumf %min3A_829, %add3A_940 : vector<16xf32>
        %mul3A_946 = arith.mulf %get3A_875, %broadcast_in_dim3A_153 : vector<16xf32>
        %mul3A_947 = arith.mulf %get3A_879, %broadcast_in_dim3A_177 : vector<16xf32>
        %add3A_948 = arith.addf %mul3A_946, %mul3A_947 : vector<16xf32>
        %mul3A_949 = arith.mulf %get3A_883, %broadcast_in_dim3A_201 : vector<16xf32>
        %add3A_950 = arith.addf %add3A_948, %mul3A_949 : vector<16xf32>
        %sub3A_951 = arith.subf %broadcast_in_dim3A_129, %add3A_950 : vector<16xf32>
        %add3A_952 = arith.addf %sub3A_951, %get3A_885 : vector<16xf32>
        %swap3A_953 = arith.constant 5 : i32
        %swap3A_954 = arith.index_cast %swap3A_953 : i32 to index
        %swap3A_955 = arith.index_cast %mul3A_871 : i32 to index
        %swap3A_956 = tpu.vector_load %arg7[%swap3A_954, %swap3A_955] {strides = array<i32>} : memref<16x2048xf32, #tpu.memory_space<vmem>>, vector<16xf32>,
        tpu.vector_store %arg7[%swap3A_954, %swap3A_955], %add3A_952 {strides = array<i32>} : memref<16x2048xf32, #tpu.memory_space<vmem>>, vector<16xf32>,
        %min3A_957 = arith.minimumf %min3A_841, %add3A_952 : vector<16xf32>
        %mul3A_958 = arith.mulf %get3A_875, %broadcast_in_dim3A_156 : vector<16xf32>
        %mul3A_959 = arith.mulf %get3A_879, %broadcast_in_dim3A_180 : vector<16xf32>
        %add3A_960 = arith.addf %mul3A_958, %mul3A_959 : vector<16xf32>
        %mul3A_961 = arith.mulf %get3A_883, %broadcast_in_dim3A_204 : vector<16xf32>
        %add3A_962 = arith.addf %add3A_960, %mul3A_961 : vector<16xf32>
        %sub3A_963 = arith.subf %broadcast_in_dim3A_132, %add3A_962 : vector<16xf32>
        %add3A_964 = arith.addf %sub3A_963, %get3A_885 : vector<16xf32>
        %swap3A_965 = arith.constant 6 : i32
        %swap3A_966 = arith.index_cast %swap3A_965 : i32 to index
        %swap3A_967 = arith.index_cast %mul3A_871 : i32 to index
        %swap3A_968 = tpu.vector_load %arg7[%swap3A_966, %swap3A_967] {strides = array<i32>} : memref<16x2048xf32, #tpu.memory_space<vmem>>, vector<16xf32>,
        tpu.vector_store %arg7[%swap3A_966, %swap3A_967], %add3A_964 {strides = array<i32>} : memref<16x2048xf32, #tpu.memory_space<vmem>>, vector<16xf32>,
        %min3A_969 = arith.minimumf %min3A_853, %add3A_964 : vector<16xf32>
        %mul3A_970 = arith.mulf %get3A_875, %broadcast_in_dim3A_159 : vector<16xf32>
        %mul3A_971 = arith.mulf %get3A_879, %broadcast_in_dim3A_183 : vector<16xf32>
        %add3A_972 = arith.addf %mul3A_970, %mul3A_971 : vector<16xf32>
        %mul3A_973 = arith.mulf %get3A_883, %broadcast_in_dim3A_207 : vector<16xf32>
        %add3A_974 = arith.addf %add3A_972, %mul3A_973 : vector<16xf32>
        %sub3A_975 = arith.subf %broadcast_in_dim3A_135, %add3A_974 : vector<16xf32>
        %add3A_976 = arith.addf %sub3A_975, %get3A_885 : vector<16xf32>
        %swap3A_977 = arith.constant 7 : i32
        %swap3A_978 = arith.index_cast %swap3A_977 : i32 to index
        %swap3A_979 = arith.index_cast %mul3A_871 : i32 to index
        %swap3A_980 = tpu.vector_load %arg7[%swap3A_978, %swap3A_979] {strides = array<i32>} : memref<16x2048xf32, #tpu.memory_space<vmem>>, vector<16xf32>,
        tpu.vector_store %arg7[%swap3A_978, %swap3A_979], %add3A_976 {strides = array<i32>} : memref<16x2048xf32, #tpu.memory_space<vmem>>, vector<16xf32>,
        %min3A_981 = arith.minimumf %min3A_865, %add3A_976 : vector<16xf32>
        scf.yield %min3A_897, %min3A_909, %min3A_921, %min3A_933, %min3A_945, %min3A_957, %min3A_969, %min3A_981 : vector<16xf32>, vector<16xf32>, vector<16xf32>, vector<16xf32>, vector<16xf32>, vector<16xf32>, vector<16xf32>, vector<16xf32>
      }
      %scan3A_213 = arith.constant 64 : i32
      %masked_sort3A = arith.constant dense<true> : vector<16xi1>
      %masked_sort3A_214, %masked_sort3A_215, %masked_sort3A_216 = tpu.sort %scan3A_212#0, %scan3A_212#0 masked %masked_sort3A : (vector<16xf32>, vector<16xf32>, vector<16xi1>) -> (vector<16xi1>, vector<16xf32>, vector<16xf32>)
      %slice3A_217 = vector.extract_strided_slice %masked_sort3A_215 {offsets = [15], sizes = [1], strides = [1]} : vector<16xf32> to vector<1xf32>
      %squeeze3A_218 = vector.extract %slice3A_217[0] : f32 from vector<1xf32>
      %broadcast_in_dim3A_219 = vector.broadcast %squeeze3A_218 : f32 to vector<16xf32>
      %masked_sort3A_220 = arith.constant dense<true> : vector<16xi1>
      %masked_sort3A_221, %masked_sort3A_222, %masked_sort3A_223 = tpu.sort %scan3A_212#1, %scan3A_212#1 masked %masked_sort3A_220 : (vector<16xf32>, vector<16xf32>, vector<16xi1>) -> (vector<16xi1>, vector<16xf32>, vector<16xf32>)
      %slice3A_224 = vector.extract_strided_slice %masked_sort3A_222 {offsets = [15], sizes = [1], strides = [1]} : vector<16xf32> to vector<1xf32>
      %squeeze3A_225 = vector.extract %slice3A_224[0] : f32 from vector<1xf32>
      %broadcast_in_dim3A_226 = vector.broadcast %squeeze3A_225 : f32 to vector<16xf32>
      %masked_sort3A_227 = arith.constant dense<true> : vector<16xi1>
      %masked_sort3A_228, %masked_sort3A_229, %masked_sort3A_230 = tpu.sort %scan3A_212#2, %scan3A_212#2 masked %masked_sort3A_227 : (vector<16xf32>, vector<16xf32>, vector<16xi1>) -> (vector<16xi1>, vector<16xf32>, vector<16xf32>)
      %slice3A_231 = vector.extract_strided_slice %masked_sort3A_229 {offsets = [15], sizes = [1], strides = [1]} : vector<16xf32> to vector<1xf32>
      %squeeze3A_232 = vector.extract %slice3A_231[0] : f32 from vector<1xf32>
      %broadcast_in_dim3A_233 = vector.broadcast %squeeze3A_232 : f32 to vector<16xf32>
      %masked_sort3A_234 = arith.constant dense<true> : vector<16xi1>
      %masked_sort3A_235, %masked_sort3A_236, %masked_sort3A_237 = tpu.sort %scan3A_212#3, %scan3A_212#3 masked %masked_sort3A_234 : (vector<16xf32>, vector<16xf32>, vector<16xi1>) -> (vector<16xi1>, vector<16xf32>, vector<16xf32>)
      %slice3A_238 = vector.extract_strided_slice %masked_sort3A_236 {offsets = [15], sizes = [1], strides = [1]} : vector<16xf32> to vector<1xf32>
      %squeeze3A_239 = vector.extract %slice3A_238[0] : f32 from vector<1xf32>
      %broadcast_in_dim3A_240 = vector.broadcast %squeeze3A_239 : f32 to vector<16xf32>
      %masked_sort3A_241 = arith.constant dense<true> : vector<16xi1>
      %masked_sort3A_242, %masked_sort3A_243, %masked_sort3A_244 = tpu.sort %scan3A_212#4, %scan3A_212#4 masked %masked_sort3A_241 : (vector<16xf32>, vector<16xf32>, vector<16xi1>) -> (vector<16xi1>, vector<16xf32>, vector<16xf32>)
      %slice3A_245 = vector.extract_strided_slice %masked_sort3A_243 {offsets = [15], sizes = [1], strides = [1]} : vector<16xf32> to vector<1xf32>
      %squeeze3A_246 = vector.extract %slice3A_245[0] : f32 from vector<1xf32>
      %broadcast_in_dim3A_247 = vector.broadcast %squeeze3A_246 : f32 to vector<16xf32>
      %masked_sort3A_248 = arith.constant dense<true> : vector<16xi1>
      %masked_sort3A_249, %masked_sort3A_250, %masked_sort3A_251 = tpu.sort %scan3A_212#5, %scan3A_212#5 masked %masked_sort3A_248 : (vector<16xf32>, vector<16xf32>, vector<16xi1>) -> (vector<16xi1>, vector<16xf32>, vector<16xf32>)
      %slice3A_252 = vector.extract_strided_slice %masked_sort3A_250 {offsets = [15], sizes = [1], strides = [1]} : vector<16xf32> to vector<1xf32>
      %squeeze3A_253 = vector.extract %slice3A_252[0] : f32 from vector<1xf32>
      %broadcast_in_dim3A_254 = vector.broadcast %squeeze3A_253 : f32 to vector<16xf32>
      %masked_sort3A_255 = arith.constant dense<true> : vector<16xi1>
      %masked_sort3A_256, %masked_sort3A_257, %masked_sort3A_258 = tpu.sort %scan3A_212#6, %scan3A_212#6 masked %masked_sort3A_255 : (vector<16xf32>, vector<16xf32>, vector<16xi1>) -> (vector<16xi1>, vector<16xf32>, vector<16xf32>)
      %slice3A_259 = vector.extract_strided_slice %masked_sort3A_257 {offsets = [15], sizes = [1], strides = [1]} : vector<16xf32> to vector<1xf32>
      %squeeze3A_260 = vector.extract %slice3A_259[0] : f32 from vector<1xf32>
      %broadcast_in_dim3A_261 = vector.broadcast %squeeze3A_260 : f32 to vector<16xf32>
      %masked_sort3A_262 = arith.constant dense<true> : vector<16xi1>
      %masked_sort3A_263, %masked_sort3A_264, %masked_sort3A_265 = tpu.sort %scan3A_212#7, %scan3A_212#7 masked %masked_sort3A_262 : (vector<16xf32>, vector<16xf32>, vector<16xi1>) -> (vector<16xi1>, vector<16xf32>, vector<16xf32>)
      %slice3A_266 = vector.extract_strided_slice %masked_sort3A_264 {offsets = [15], sizes = [1], strides = [1]} : vector<16xf32> to vector<1xf32>
      %squeeze3A_267 = vector.extract %slice3A_266[0] : f32 from vector<1xf32>
      %broadcast_in_dim3A_268 = vector.broadcast %squeeze3A_267 : f32 to vector<16xf32>
      %scan3A_269 = arith.constant 0 : i32
      %scan3A_270 = arith.constant 0 : i32
      %scan3A_271 = arith.constant 0 : i32
      %scan3A_272 = arith.constant 0 : i32
      %scan3A_273 = arith.constant 0 : i32
      %scan3A_274 = arith.constant 0 : i32
      %scan3A_275 = arith.constant 0 : i32
      %scan3A_276 = arith.constant 0 : i32
      %scan3A_277 = arith.constant 0 : i32
      %scan3A_278 = arith.constant 64 : i32
      %scan3A_279 = arith.addi %scan3A_277, %scan3A_278 : i32
      %scan3A_280 = arith.constant 1 : i32
      %scan3A_281:8 = scf.for %scan3A_742 = %scan3A_277 to %scan3A_279 step %scan3A_280 iter_args(%scan3A_743 = %scan3A_269, %scan3A_744 = %scan3A_270, %scan3A_745 = %scan3A_271, %scan3A_746 = %scan3A_272, %scan3A_747 = %scan3A_273, %scan3A_748 = %scan3A_274, %scan3A_749 = %scan3A_275, %scan3A_750 = %scan3A_276) -> (i32, i32, i32, i32, i32, i32, i32, i32)  : i32 {
        %mul3A_751 = arith.constant 2 : i32
        %mul3A_752 = arith.muli %mul3A_751, %scan3A_742 : i32
        %add3A_753 = arith.constant 0 : i32
        %add3A_754 = arith.addi %mul3A_752, %add3A_753 : i32
        %mul3A_755 = arith.constant 16 : i32
        %mul3A_756 = arith.muli %add3A_754, %mul3A_755 : i32
        %get3A_757 = arith.constant 0 : i32
        %get3A_758 = arith.index_cast %get3A_757 : i32 to index
        %get3A_759 = arith.index_cast %mul3A_756 : i32 to index
        %get3A_760 = tpu.vector_load %arg7[%get3A_758, %get3A_759] {strides = array<i32>} : memref<16x2048xf32, #tpu.memory_space<vmem>>, vector<16xf32>,
        %le3A = arith.cmpf ole, %get3A_760, %broadcast_in_dim3A_219 : vector<16xf32>
        %swap3A_761 = arith.index_cast %scan3A_743 : i32 to index
        %swap3A_762 = tpu.vector_load %arg8[%swap3A_761] masked %le3A {strides = array<i32>} : memref<2064xf32, #tpu.memory_space<vmem>>, vector<16xf32>, vector<16xi1>
        tpu.vector_store %arg8[%swap3A_761], %get3A_760 masked %le3A {strides = array<i32>} : memref<2064xf32, #tpu.memory_space<vmem>>, vector<16xf32>, vector<16xi1>
        %all_reduce_population_count3A = tpu.all_reduce %le3A {dim = 0 : i64, kind = #tpu.reduction_kind<sum>} : vector<16xi1> -> vector<16xi32>
        %slice3A_763 = vector.extract_strided_slice %all_reduce_population_count3A {offsets = [0], sizes = [1], strides = [1]} : vector<16xi32> to vector<1xi32>
        %squeeze3A_764 = vector.extract %slice3A_763[0] : i32 from vector<1xi32>
        %add3A_765 = arith.addi %scan3A_743, %squeeze3A_764 : i32
        %get3A_766 = arith.constant 1 : i32
        %get3A_767 = arith.index_cast %get3A_766 : i32 to index
        %get3A_768 = arith.index_cast %mul3A_756 : i32 to index
        %get3A_769 = tpu.vector_load %arg7[%get3A_767, %get3A_768] {strides = array<i32>} : memref<16x2048xf32, #tpu.memory_space<vmem>>, vector<16xf32>,
        %le3A_770 = arith.cmpf ole, %get3A_769, %broadcast_in_dim3A_226 : vector<16xf32>
        %swap3A_771 = arith.index_cast %scan3A_744 : i32 to index
        %swap3A_772 = tpu.vector_load %arg9[%swap3A_771] masked %le3A_770 {strides = array<i32>} : memref<2064xf32, #tpu.memory_space<vmem>>, vector<16xf32>, vector<16xi1>
        tpu.vector_store %arg9[%swap3A_771], %get3A_769 masked %le3A_770 {strides = array<i32>} : memref<2064xf32, #tpu.memory_space<vmem>>, vector<16xf32>, vector<16xi1>
        %all_reduce_population_count3A_773 = tpu.all_reduce %le3A_770 {dim = 0 : i64, kind = #tpu.reduction_kind<sum>} : vector<16xi1> -> vector<16xi32>
        %slice3A_774 = vector.extract_strided_slice %all_reduce_population_count3A_773 {offsets = [0], sizes = [1], strides = [1]} : vector<16xi32> to vector<1xi32>
        %squeeze3A_775 = vector.extract %slice3A_774[0] : i32 from vector<1xi32>
        %add3A_776 = arith.addi %scan3A_744, %squeeze3A_775 : i32
        %get3A_777 = arith.constant 2 : i32
        %get3A_778 = arith.index_cast %get3A_777 : i32 to index
        %get3A_779 = arith.index_cast %mul3A_756 : i32 to index
        %get3A_780 = tpu.vector_load %arg7[%get3A_778, %get3A_779] {strides = array<i32>} : memref<16x2048xf32, #tpu.memory_space<vmem>>, vector<16xf32>,
        %le3A_781 = arith.cmpf ole, %get3A_780, %broadcast_in_dim3A_233 : vector<16xf32>
        %swap3A_782 = arith.index_cast %scan3A_745 : i32 to index
        %swap3A_783 = tpu.vector_load %arg10[%swap3A_782] masked %le3A_781 {strides = array<i32>} : memref<2064xf32, #tpu.memory_space<vmem>>, vector<16xf32>, vector<16xi1>
        tpu.vector_store %arg10[%swap3A_782], %get3A_780 masked %le3A_781 {strides = array<i32>} : memref<2064xf32, #tpu.memory_space<vmem>>, vector<16xf32>, vector<16xi1>
        %all_reduce_population_count3A_784 = tpu.all_reduce %le3A_781 {dim = 0 : i64, kind = #tpu.reduction_kind<sum>} : vector<16xi1> -> vector<16xi32>
        %slice3A_785 = vector.extract_strided_slice %all_reduce_population_count3A_784 {offsets = [0], sizes = [1], strides = [1]} : vector<16xi32> to vector<1xi32>
        %squeeze3A_786 = vector.extract %slice3A_785[0] : i32 from vector<1xi32>
        %add3A_787 = arith.addi %scan3A_745, %squeeze3A_786 : i32
        %get3A_788 = arith.constant 3 : i32
        %get3A_789 = arith.index_cast %get3A_788 : i32 to index
        %get3A_790 = arith.index_cast %mul3A_756 : i32 to index
        %get3A_791 = tpu.vector_load %arg7[%get3A_789, %get3A_790] {strides = array<i32>} : memref<16x2048xf32, #tpu.memory_space<vmem>>, vector<16xf32>,
        %le3A_792 = arith.cmpf ole, %get3A_791, %broadcast_in_dim3A_240 : vector<16xf32>
        %swap3A_793 = arith.index_cast %scan3A_746 : i32 to index
        %swap3A_794 = tpu.vector_load %arg11[%swap3A_793] masked %le3A_792 {strides = array<i32>} : memref<2064xf32, #tpu.memory_space<vmem>>, vector<16xf32>, vector<16xi1>
        tpu.vector_store %arg11[%swap3A_793], %get3A_791 masked %le3A_792 {strides = array<i32>} : memref<2064xf32, #tpu.memory_space<vmem>>, vector<16xf32>, vector<16xi1>
        %all_reduce_population_count3A_795 = tpu.all_reduce %le3A_792 {dim = 0 : i64, kind = #tpu.reduction_kind<sum>} : vector<16xi1> -> vector<16xi32>
        %slice3A_796 = vector.extract_strided_slice %all_reduce_population_count3A_795 {offsets = [0], sizes = [1], strides = [1]} : vector<16xi32> to vector<1xi32>
        %squeeze3A_797 = vector.extract %slice3A_796[0] : i32 from vector<1xi32>
        %add3A_798 = arith.addi %scan3A_746, %squeeze3A_797 : i32
        %get3A_799 = arith.constant 4 : i32
        %get3A_800 = arith.index_cast %get3A_799 : i32 to index
        %get3A_801 = arith.index_cast %mul3A_756 : i32 to index
        %get3A_802 = tpu.vector_load %arg7[%get3A_800, %get3A_801] {strides = array<i32>} : memref<16x2048xf32, #tpu.memory_space<vmem>>, vector<16xf32>,
        %le3A_803 = arith.cmpf ole, %get3A_802, %broadcast_in_dim3A_247 : vector<16xf32>
        %swap3A_804 = arith.index_cast %scan3A_747 : i32 to index
        %swap3A_805 = tpu.vector_load %arg12[%swap3A_804] masked %le3A_803 {strides = array<i32>} : memref<2064xf32, #tpu.memory_space<vmem>>, vector<16xf32>, vector<16xi1>
        tpu.vector_store %arg12[%swap3A_804], %get3A_802 masked %le3A_803 {strides = array<i32>} : memref<2064xf32, #tpu.memory_space<vmem>>, vector<16xf32>, vector<16xi1>
        %all_reduce_population_count3A_806 = tpu.all_reduce %le3A_803 {dim = 0 : i64, kind = #tpu.reduction_kind<sum>} : vector<16xi1> -> vector<16xi32>
        %slice3A_807 = vector.extract_strided_slice %all_reduce_population_count3A_806 {offsets = [0], sizes = [1], strides = [1]} : vector<16xi32> to vector<1xi32>
        %squeeze3A_808 = vector.extract %slice3A_807[0] : i32 from vector<1xi32>
        %add3A_809 = arith.addi %scan3A_747, %squeeze3A_808 : i32
        %get3A_810 = arith.constant 5 : i32
        %get3A_811 = arith.index_cast %get3A_810 : i32 to index
        %get3A_812 = arith.index_cast %mul3A_756 : i32 to index
        %get3A_813 = tpu.vector_load %arg7[%get3A_811, %get3A_812] {strides = array<i32>} : memref<16x2048xf32, #tpu.memory_space<vmem>>, vector<16xf32>,
        %le3A_814 = arith.cmpf ole, %get3A_813, %broadcast_in_dim3A_254 : vector<16xf32>
        %swap3A_815 = arith.index_cast %scan3A_748 : i32 to index
        %swap3A_816 = tpu.vector_load %arg13[%swap3A_815] masked %le3A_814 {strides = array<i32>} : memref<2064xf32, #tpu.memory_space<vmem>>, vector<16xf32>, vector<16xi1>
        tpu.vector_store %arg13[%swap3A_815], %get3A_813 masked %le3A_814 {strides = array<i32>} : memref<2064xf32, #tpu.memory_space<vmem>>, vector<16xf32>, vector<16xi1>
        %all_reduce_population_count3A_817 = tpu.all_reduce %le3A_814 {dim = 0 : i64, kind = #tpu.reduction_kind<sum>} : vector<16xi1> -> vector<16xi32>
        %slice3A_818 = vector.extract_strided_slice %all_reduce_population_count3A_817 {offsets = [0], sizes = [1], strides = [1]} : vector<16xi32> to vector<1xi32>
        %squeeze3A_819 = vector.extract %slice3A_818[0] : i32 from vector<1xi32>
        %add3A_820 = arith.addi %scan3A_748, %squeeze3A_819 : i32
        %get3A_821 = arith.constant 6 : i32
        %get3A_822 = arith.index_cast %get3A_821 : i32 to index
        %get3A_823 = arith.index_cast %mul3A_756 : i32 to index
        %get3A_824 = tpu.vector_load %arg7[%get3A_822, %get3A_823] {strides = array<i32>} : memref<16x2048xf32, #tpu.memory_space<vmem>>, vector<16xf32>,
        %le3A_825 = arith.cmpf ole, %get3A_824, %broadcast_in_dim3A_261 : vector<16xf32>
        %swap3A_826 = arith.index_cast %scan3A_749 : i32 to index
        %swap3A_827 = tpu.vector_load %arg14[%swap3A_826] masked %le3A_825 {strides = array<i32>} : memref<2064xf32, #tpu.memory_space<vmem>>, vector<16xf32>, vector<16xi1>
        tpu.vector_store %arg14[%swap3A_826], %get3A_824 masked %le3A_825 {strides = array<i32>} : memref<2064xf32, #tpu.memory_space<vmem>>, vector<16xf32>, vector<16xi1>
        %all_reduce_population_count3A_828 = tpu.all_reduce %le3A_825 {dim = 0 : i64, kind = #tpu.reduction_kind<sum>} : vector<16xi1> -> vector<16xi32>
        %slice3A_829 = vector.extract_strided_slice %all_reduce_population_count3A_828 {offsets = [0], sizes = [1], strides = [1]} : vector<16xi32> to vector<1xi32>
        %squeeze3A_830 = vector.extract %slice3A_829[0] : i32 from vector<1xi32>
        %add3A_831 = arith.addi %scan3A_749, %squeeze3A_830 : i32
        %get3A_832 = arith.constant 7 : i32
        %get3A_833 = arith.index_cast %get3A_832 : i32 to index
        %get3A_834 = arith.index_cast %mul3A_756 : i32 to index
        %get3A_835 = tpu.vector_load %arg7[%get3A_833, %get3A_834] {strides = array<i32>} : memref<16x2048xf32, #tpu.memory_space<vmem>>, vector<16xf32>,
        %le3A_836 = arith.cmpf ole, %get3A_835, %broadcast_in_dim3A_268 : vector<16xf32>
        %swap3A_837 = arith.index_cast %scan3A_750 : i32 to index
        %swap3A_838 = tpu.vector_load %arg15[%swap3A_837] masked %le3A_836 {strides = array<i32>} : memref<2064xf32, #tpu.memory_space<vmem>>, vector<16xf32>, vector<16xi1>
        tpu.vector_store %arg15[%swap3A_837], %get3A_835 masked %le3A_836 {strides = array<i32>} : memref<2064xf32, #tpu.memory_space<vmem>>, vector<16xf32>, vector<16xi1>
        %all_reduce_population_count3A_839 = tpu.all_reduce %le3A_836 {dim = 0 : i64, kind = #tpu.reduction_kind<sum>} : vector<16xi1> -> vector<16xi32>
        %slice3A_840 = vector.extract_strided_slice %all_reduce_population_count3A_839 {offsets = [0], sizes = [1], strides = [1]} : vector<16xi32> to vector<1xi32>
        %squeeze3A_841 = vector.extract %slice3A_840[0] : i32 from vector<1xi32>
        %add3A_842 = arith.addi %scan3A_750, %squeeze3A_841 : i32
        %mul3A_843 = arith.constant 2 : i32
        %mul3A_844 = arith.muli %mul3A_843, %scan3A_742 : i32
        %add3A_845 = arith.constant 1 : i32
        %add3A_846 = arith.addi %mul3A_844, %add3A_845 : i32
        %mul3A_847 = arith.constant 16 : i32
        %mul3A_848 = arith.muli %add3A_846, %mul3A_847 : i32
        %get3A_849 = arith.constant 0 : i32
        %get3A_850 = arith.index_cast %get3A_849 : i32 to index
        %get3A_851 = arith.index_cast %mul3A_848 : i32 to index
        %get3A_852 = tpu.vector_load %arg7[%get3A_850, %get3A_851] {strides = array<i32>} : memref<16x2048xf32, #tpu.memory_space<vmem>>, vector<16xf32>,
        %le3A_853 = arith.cmpf ole, %get3A_852, %broadcast_in_dim3A_219 : vector<16xf32>
        %swap3A_854 = arith.index_cast %add3A_765 : i32 to index
        %swap3A_855 = tpu.vector_load %arg8[%swap3A_854] masked %le3A_853 {strides = array<i32>} : memref<2064xf32, #tpu.memory_space<vmem>>, vector<16xf32>, vector<16xi1>
        tpu.vector_store %arg8[%swap3A_854], %get3A_852 masked %le3A_853 {strides = array<i32>} : memref<2064xf32, #tpu.memory_space<vmem>>, vector<16xf32>, vector<16xi1>
        %all_reduce_population_count3A_856 = tpu.all_reduce %le3A_853 {dim = 0 : i64, kind = #tpu.reduction_kind<sum>} : vector<16xi1> -> vector<16xi32>
        %slice3A_857 = vector.extract_strided_slice %all_reduce_population_count3A_856 {offsets = [0], sizes = [1], strides = [1]} : vector<16xi32> to vector<1xi32>
        %squeeze3A_858 = vector.extract %slice3A_857[0] : i32 from vector<1xi32>
        %add3A_859 = arith.addi %add3A_765, %squeeze3A_858 : i32
        %get3A_860 = arith.constant 1 : i32
        %get3A_861 = arith.index_cast %get3A_860 : i32 to index
        %get3A_862 = arith.index_cast %mul3A_848 : i32 to index
        %get3A_863 = tpu.vector_load %arg7[%get3A_861, %get3A_862] {strides = array<i32>} : memref<16x2048xf32, #tpu.memory_space<vmem>>, vector<16xf32>,
        %le3A_864 = arith.cmpf ole, %get3A_863, %broadcast_in_dim3A_226 : vector<16xf32>
        %swap3A_865 = arith.index_cast %add3A_776 : i32 to index
        %swap3A_866 = tpu.vector_load %arg9[%swap3A_865] masked %le3A_864 {strides = array<i32>} : memref<2064xf32, #tpu.memory_space<vmem>>, vector<16xf32>, vector<16xi1>
        tpu.vector_store %arg9[%swap3A_865], %get3A_863 masked %le3A_864 {strides = array<i32>} : memref<2064xf32, #tpu.memory_space<vmem>>, vector<16xf32>, vector<16xi1>
        %all_reduce_population_count3A_867 = tpu.all_reduce %le3A_864 {dim = 0 : i64, kind = #tpu.reduction_kind<sum>} : vector<16xi1> -> vector<16xi32>
        %slice3A_868 = vector.extract_strided_slice %all_reduce_population_count3A_867 {offsets = [0], sizes = [1], strides = [1]} : vector<16xi32> to vector<1xi32>
        %squeeze3A_869 = vector.extract %slice3A_868[0] : i32 from vector<1xi32>
        %add3A_870 = arith.addi %add3A_776, %squeeze3A_869 : i32
        %get3A_871 = arith.constant 2 : i32
        %get3A_872 = arith.index_cast %get3A_871 : i32 to index
        %get3A_873 = arith.index_cast %mul3A_848 : i32 to index
        %get3A_874 = tpu.vector_load %arg7[%get3A_872, %get3A_873] {strides = array<i32>} : memref<16x2048xf32, #tpu.memory_space<vmem>>, vector<16xf32>,
        %le3A_875 = arith.cmpf ole, %get3A_874, %broadcast_in_dim3A_233 : vector<16xf32>
        %swap3A_876 = arith.index_cast %add3A_787 : i32 to index
        %swap3A_877 = tpu.vector_load %arg10[%swap3A_876] masked %le3A_875 {strides = array<i32>} : memref<2064xf32, #tpu.memory_space<vmem>>, vector<16xf32>, vector<16xi1>
        tpu.vector_store %arg10[%swap3A_876], %get3A_874 masked %le3A_875 {strides = array<i32>} : memref<2064xf32, #tpu.memory_space<vmem>>, vector<16xf32>, vector<16xi1>
        %all_reduce_population_count3A_878 = tpu.all_reduce %le3A_875 {dim = 0 : i64, kind = #tpu.reduction_kind<sum>} : vector<16xi1> -> vector<16xi32>
        %slice3A_879 = vector.extract_strided_slice %all_reduce_population_count3A_878 {offsets = [0], sizes = [1], strides = [1]} : vector<16xi32> to vector<1xi32>
        %squeeze3A_880 = vector.extract %slice3A_879[0] : i32 from vector<1xi32>
        %add3A_881 = arith.addi %add3A_787, %squeeze3A_880 : i32
        %get3A_882 = arith.constant 3 : i32
        %get3A_883 = arith.index_cast %get3A_882 : i32 to index
        %get3A_884 = arith.index_cast %mul3A_848 : i32 to index
        %get3A_885 = tpu.vector_load %arg7[%get3A_883, %get3A_884] {strides = array<i32>} : memref<16x2048xf32, #tpu.memory_space<vmem>>, vector<16xf32>,
        %le3A_886 = arith.cmpf ole, %get3A_885, %broadcast_in_dim3A_240 : vector<16xf32>
        %swap3A_887 = arith.index_cast %add3A_798 : i32 to index
        %swap3A_888 = tpu.vector_load %arg11[%swap3A_887] masked %le3A_886 {strides = array<i32>} : memref<2064xf32, #tpu.memory_space<vmem>>, vector<16xf32>, vector<16xi1>
        tpu.vector_store %arg11[%swap3A_887], %get3A_885 masked %le3A_886 {strides = array<i32>} : memref<2064xf32, #tpu.memory_space<vmem>>, vector<16xf32>, vector<16xi1>
        %all_reduce_population_count3A_889 = tpu.all_reduce %le3A_886 {dim = 0 : i64, kind = #tpu.reduction_kind<sum>} : vector<16xi1> -> vector<16xi32>
        %slice3A_890 = vector.extract_strided_slice %all_reduce_population_count3A_889 {offsets = [0], sizes = [1], strides = [1]} : vector<16xi32> to vector<1xi32>
        %squeeze3A_891 = vector.extract %slice3A_890[0] : i32 from vector<1xi32>
        %add3A_892 = arith.addi %add3A_798, %squeeze3A_891 : i32
        %get3A_893 = arith.constant 4 : i32
        %get3A_894 = arith.index_cast %get3A_893 : i32 to index
        %get3A_895 = arith.index_cast %mul3A_848 : i32 to index
        %get3A_896 = tpu.vector_load %arg7[%get3A_894, %get3A_895] {strides = array<i32>} : memref<16x2048xf32, #tpu.memory_space<vmem>>, vector<16xf32>,
        %le3A_897 = arith.cmpf ole, %get3A_896, %broadcast_in_dim3A_247 : vector<16xf32>
        %swap3A_898 = arith.index_cast %add3A_809 : i32 to index
        %swap3A_899 = tpu.vector_load %arg12[%swap3A_898] masked %le3A_897 {strides = array<i32>} : memref<2064xf32, #tpu.memory_space<vmem>>, vector<16xf32>, vector<16xi1>
        tpu.vector_store %arg12[%swap3A_898], %get3A_896 masked %le3A_897 {strides = array<i32>} : memref<2064xf32, #tpu.memory_space<vmem>>, vector<16xf32>, vector<16xi1>
        %all_reduce_population_count3A_900 = tpu.all_reduce %le3A_897 {dim = 0 : i64, kind = #tpu.reduction_kind<sum>} : vector<16xi1> -> vector<16xi32>
        %slice3A_901 = vector.extract_strided_slice %all_reduce_population_count3A_900 {offsets = [0], sizes = [1], strides = [1]} : vector<16xi32> to vector<1xi32>
        %squeeze3A_902 = vector.extract %slice3A_901[0] : i32 from vector<1xi32>
        %add3A_903 = arith.addi %add3A_809, %squeeze3A_902 : i32
        %get3A_904 = arith.constant 5 : i32
        %get3A_905 = arith.index_cast %get3A_904 : i32 to index
        %get3A_906 = arith.index_cast %mul3A_848 : i32 to index
        %get3A_907 = tpu.vector_load %arg7[%get3A_905, %get3A_906] {strides = array<i32>} : memref<16x2048xf32, #tpu.memory_space<vmem>>, vector<16xf32>,
        %le3A_908 = arith.cmpf ole, %get3A_907, %broadcast_in_dim3A_254 : vector<16xf32>
        %swap3A_909 = arith.index_cast %add3A_820 : i32 to index
        %swap3A_910 = tpu.vector_load %arg13[%swap3A_909] masked %le3A_908 {strides = array<i32>} : memref<2064xf32, #tpu.memory_space<vmem>>, vector<16xf32>, vector<16xi1>
        tpu.vector_store %arg13[%swap3A_909], %get3A_907 masked %le3A_908 {strides = array<i32>} : memref<2064xf32, #tpu.memory_space<vmem>>, vector<16xf32>, vector<16xi1>
        %all_reduce_population_count3A_911 = tpu.all_reduce %le3A_908 {dim = 0 : i64, kind = #tpu.reduction_kind<sum>} : vector<16xi1> -> vector<16xi32>
        %slice3A_912 = vector.extract_strided_slice %all_reduce_population_count3A_911 {offsets = [0], sizes = [1], strides = [1]} : vector<16xi32> to vector<1xi32>
        %squeeze3A_913 = vector.extract %slice3A_912[0] : i32 from vector<1xi32>
        %add3A_914 = arith.addi %add3A_820, %squeeze3A_913 : i32
        %get3A_915 = arith.constant 6 : i32
        %get3A_916 = arith.index_cast %get3A_915 : i32 to index
        %get3A_917 = arith.index_cast %mul3A_848 : i32 to index
        %get3A_918 = tpu.vector_load %arg7[%get3A_916, %get3A_917] {strides = array<i32>} : memref<16x2048xf32, #tpu.memory_space<vmem>>, vector<16xf32>,
        %le3A_919 = arith.cmpf ole, %get3A_918, %broadcast_in_dim3A_261 : vector<16xf32>
        %swap3A_920 = arith.index_cast %add3A_831 : i32 to index
        %swap3A_921 = tpu.vector_load %arg14[%swap3A_920] masked %le3A_919 {strides = array<i32>} : memref<2064xf32, #tpu.memory_space<vmem>>, vector<16xf32>, vector<16xi1>
        tpu.vector_store %arg14[%swap3A_920], %get3A_918 masked %le3A_919 {strides = array<i32>} : memref<2064xf32, #tpu.memory_space<vmem>>, vector<16xf32>, vector<16xi1>
        %all_reduce_population_count3A_922 = tpu.all_reduce %le3A_919 {dim = 0 : i64, kind = #tpu.reduction_kind<sum>} : vector<16xi1> -> vector<16xi32>
        %slice3A_923 = vector.extract_strided_slice %all_reduce_population_count3A_922 {offsets = [0], sizes = [1], strides = [1]} : vector<16xi32> to vector<1xi32>
        %squeeze3A_924 = vector.extract %slice3A_923[0] : i32 from vector<1xi32>
        %add3A_925 = arith.addi %add3A_831, %squeeze3A_924 : i32
        %get3A_926 = arith.constant 7 : i32
        %get3A_927 = arith.index_cast %get3A_926 : i32 to index
        %get3A_928 = arith.index_cast %mul3A_848 : i32 to index
        %get3A_929 = tpu.vector_load %arg7[%get3A_927, %get3A_928] {strides = array<i32>} : memref<16x2048xf32, #tpu.memory_space<vmem>>, vector<16xf32>,
        %le3A_930 = arith.cmpf ole, %get3A_929, %broadcast_in_dim3A_268 : vector<16xf32>
        %swap3A_931 = arith.index_cast %add3A_842 : i32 to index
        %swap3A_932 = tpu.vector_load %arg15[%swap3A_931] masked %le3A_930 {strides = array<i32>} : memref<2064xf32, #tpu.memory_space<vmem>>, vector<16xf32>, vector<16xi1>
        tpu.vector_store %arg15[%swap3A_931], %get3A_929 masked %le3A_930 {strides = array<i32>} : memref<2064xf32, #tpu.memory_space<vmem>>, vector<16xf32>, vector<16xi1>
        %all_reduce_population_count3A_933 = tpu.all_reduce %le3A_930 {dim = 0 : i64, kind = #tpu.reduction_kind<sum>} : vector<16xi1> -> vector<16xi32>
        %slice3A_934 = vector.extract_strided_slice %all_reduce_population_count3A_933 {offsets = [0], sizes = [1], strides = [1]} : vector<16xi32> to vector<1xi32>
        %squeeze3A_935 = vector.extract %slice3A_934[0] : i32 from vector<1xi32>
        %add3A_936 = arith.addi %add3A_842, %squeeze3A_935 : i32
        scf.yield %add3A_859, %add3A_870, %add3A_881, %add3A_892, %add3A_903, %add3A_914, %add3A_925, %add3A_936 : i32, i32, i32, i32, i32, i32, i32, i32
      }
      %scan3A_282 = arith.constant 64 : i32
      %swap3A_283 = arith.index_cast %scan3A_281#0 : i32 to index
      %swap3A_284 = tpu.vector_load %arg8[%swap3A_283] {strides = array<i32>} : memref<2064xf32, #tpu.memory_space<vmem>>, vector<16xf32>,
      tpu.vector_store %arg8[%swap3A_283], %broadcast_in_dim3A_31 {strides = array<i32>} : memref<2064xf32, #tpu.memory_space<vmem>>, vector<16xf32>,
      %add3A_285 = arith.constant 15 : i32
      %add3A_286 = arith.addi %scan3A_281#0, %add3A_285 : i32
      %div3A_287 = arith.constant 16 : i32
      %div3A_288 = arith.divsi %add3A_286, %div3A_287 : i32
      %while3A = arith.constant 0 : i32
      %while3A_289 = arith.subi %div3A_288, %while3A : i32
      %while3A_290 = arith.addi %while3A, %while3A_289 : i32
      %while3A_291 = arith.constant 1 : i32
      %while3A_292 = arith.divsi %while3A_289, %while3A_291 : i32
      %while3A_293 = arith.muli %while3A_292, %while3A_291 : i32
      %while3A_294 = arith.addi %while3A, %while3A_293 : i32
      %while3A_295 = arith.constant 1 : i32
      %while3A_296 = scf.for %while3A_742 = %while3A to %while3A_294 step %while3A_295 iter_args(%while3A_743 = %broadcast_in_dim3A_31) -> (vector<16xf32>)  : i32 {
        %mul3A_744 = arith.constant 16 : i32
        %mul3A_745 = arith.muli %while3A_742, %mul3A_744 : i32
        %get3A_746 = arith.index_cast %mul3A_745 : i32 to index
        %get3A_747 = tpu.vector_load %arg8[%get3A_746] {strides = array<i32>} : memref<2064xf32, #tpu.memory_space<vmem>>, vector<16xf32>,
        %max3A = arith.maximumf %get3A_747, %broadcast_in_dim3A_33 : vector<16xf32>
        %masked_sort3A_748 = arith.constant dense<true> : vector<16xi1>
        %masked_sort3A_749, %masked_sort3A_750, %masked_sort3A_751 = tpu.sort %max3A, %max3A masked %masked_sort3A_748 {descending = true} : (vector<16xf32>, vector<16xf32>, vector<16xi1>) -> (vector<16xi1>, vector<16xf32>, vector<16xf32>)
        %min3A = arith.minimumf %while3A_743, %masked_sort3A_750 : vector<16xf32>
        %masked_sort3A_752 = arith.constant dense<true> : vector<16xi1>
        %masked_sort3A_753, %masked_sort3A_754, %masked_sort3A_755 = tpu.sort %min3A, %min3A masked %masked_sort3A_752 : (vector<16xf32>, vector<16xf32>, vector<16xi1>) -> (vector<16xi1>, vector<16xf32>, vector<16xf32>)
        scf.yield %masked_sort3A_754 : vector<16xf32>
      }
      %while3A_297 = arith.constant 1 : i32
      %while3A_298 = scf.for %while3A_742 = %while3A_294 to %while3A_290 step %while3A_297 iter_args(%while3A_743 = %while3A_296) -> (vector<16xf32>)  : i32 {
        %mul3A_744 = arith.constant 16 : i32
        %mul3A_745 = arith.muli %while3A_742, %mul3A_744 : i32
        %get3A_746 = arith.index_cast %mul3A_745 : i32 to index
        %get3A_747 = tpu.vector_load %arg8[%get3A_746] {strides = array<i32>} : memref<2064xf32, #tpu.memory_space<vmem>>, vector<16xf32>,
        %max3A = arith.maximumf %get3A_747, %broadcast_in_dim3A_33 : vector<16xf32>
        %masked_sort3A_748 = arith.constant dense<true> : vector<16xi1>
        %masked_sort3A_749, %masked_sort3A_750, %masked_sort3A_751 = tpu.sort %max3A, %max3A masked %masked_sort3A_748 {descending = true} : (vector<16xf32>, vector<16xf32>, vector<16xi1>) -> (vector<16xi1>, vector<16xf32>, vector<16xf32>)
        %min3A = arith.minimumf %while3A_743, %masked_sort3A_750 : vector<16xf32>
        %masked_sort3A_752 = arith.constant dense<true> : vector<16xi1>
        %masked_sort3A_753, %masked_sort3A_754, %masked_sort3A_755 = tpu.sort %min3A, %min3A masked %masked_sort3A_752 : (vector<16xf32>, vector<16xf32>, vector<16xi1>) -> (vector<16xi1>, vector<16xf32>, vector<16xf32>)
        scf.yield %masked_sort3A_754 : vector<16xf32>
      }
      %add3A_299 = arith.addf %scan3A_49, %while3A_298 : vector<16xf32>
      %swap3A_300 = arith.index_cast %scan3A_281#1 : i32 to index
      %swap3A_301 = tpu.vector_load %arg9[%swap3A_300] {strides = array<i32>} : memref<2064xf32, #tpu.memory_space<vmem>>, vector<16xf32>,
      tpu.vector_store %arg9[%swap3A_300], %broadcast_in_dim3A_31 {strides = array<i32>} : memref<2064xf32, #tpu.memory_space<vmem>>, vector<16xf32>,
      %add3A_302 = arith.constant 15 : i32
      %add3A_303 = arith.addi %scan3A_281#1, %add3A_302 : i32
      %div3A_304 = arith.constant 16 : i32
      %div3A_305 = arith.divsi %add3A_303, %div3A_304 : i32
      %while3A_306 = arith.constant 0 : i32
      %while3A_307 = arith.subi %div3A_305, %while3A_306 : i32
      %while3A_308 = arith.addi %while3A_306, %while3A_307 : i32
      %while3A_309 = arith.constant 1 : i32
      %while3A_310 = arith.divsi %while3A_307, %while3A_309 : i32
      %while3A_311 = arith.muli %while3A_310, %while3A_309 : i32
      %while3A_312 = arith.addi %while3A_306, %while3A_311 : i32
      %while3A_313 = arith.constant 1 : i32
      %while3A_314 = scf.for %while3A_742 = %while3A_306 to %while3A_312 step %while3A_313 iter_args(%while3A_743 = %broadcast_in_dim3A_31) -> (vector<16xf32>)  : i32 {
        %mul3A_744 = arith.constant 16 : i32
        %mul3A_745 = arith.muli %while3A_742, %mul3A_744 : i32
        %get3A_746 = arith.index_cast %mul3A_745 : i32 to index
        %get3A_747 = tpu.vector_load %arg9[%get3A_746] {strides = array<i32>} : memref<2064xf32, #tpu.memory_space<vmem>>, vector<16xf32>,
        %max3A = arith.maximumf %get3A_747, %broadcast_in_dim3A_33 : vector<16xf32>
        %masked_sort3A_748 = arith.constant dense<true> : vector<16xi1>
        %masked_sort3A_749, %masked_sort3A_750, %masked_sort3A_751 = tpu.sort %max3A, %max3A masked %masked_sort3A_748 {descending = true} : (vector<16xf32>, vector<16xf32>, vector<16xi1>) -> (vector<16xi1>, vector<16xf32>, vector<16xf32>)
        %min3A = arith.minimumf %while3A_743, %masked_sort3A_750 : vector<16xf32>
        %masked_sort3A_752 = arith.constant dense<true> : vector<16xi1>
        %masked_sort3A_753, %masked_sort3A_754, %masked_sort3A_755 = tpu.sort %min3A, %min3A masked %masked_sort3A_752 : (vector<16xf32>, vector<16xf32>, vector<16xi1>) -> (vector<16xi1>, vector<16xf32>, vector<16xf32>)
        scf.yield %masked_sort3A_754 : vector<16xf32>
      }
      %while3A_315 = arith.constant 1 : i32
      %while3A_316 = scf.for %while3A_742 = %while3A_312 to %while3A_308 step %while3A_315 iter_args(%while3A_743 = %while3A_314) -> (vector<16xf32>)  : i32 {
        %mul3A_744 = arith.constant 16 : i32
        %mul3A_745 = arith.muli %while3A_742, %mul3A_744 : i32
        %get3A_746 = arith.index_cast %mul3A_745 : i32 to index
        %get3A_747 = tpu.vector_load %arg9[%get3A_746] {strides = array<i32>} : memref<2064xf32, #tpu.memory_space<vmem>>, vector<16xf32>,
        %max3A = arith.maximumf %get3A_747, %broadcast_in_dim3A_33 : vector<16xf32>
        %masked_sort3A_748 = arith.constant dense<true> : vector<16xi1>
        %masked_sort3A_749, %masked_sort3A_750, %masked_sort3A_751 = tpu.sort %max3A, %max3A masked %masked_sort3A_748 {descending = true} : (vector<16xf32>, vector<16xf32>, vector<16xi1>) -> (vector<16xi1>, vector<16xf32>, vector<16xf32>)
        %min3A = arith.minimumf %while3A_743, %masked_sort3A_750 : vector<16xf32>
        %masked_sort3A_752 = arith.constant dense<true> : vector<16xi1>
        %masked_sort3A_753, %masked_sort3A_754, %masked_sort3A_755 = tpu.sort %min3A, %min3A masked %masked_sort3A_752 : (vector<16xf32>, vector<16xf32>, vector<16xi1>) -> (vector<16xi1>, vector<16xf32>, vector<16xf32>)
        scf.yield %masked_sort3A_754 : vector<16xf32>
      }
      %add3A_317 = arith.addf %add3A_299, %while3A_316 : vector<16xf32>
      %swap3A_318 = arith.index_cast %scan3A_281#2 : i32 to index
      %swap3A_319 = tpu.vector_load %arg10[%swap3A_318] {strides = array<i32>} : memref<2064xf32, #tpu.memory_space<vmem>>, vector<16xf32>,
      tpu.vector_store %arg10[%swap3A_318], %broadcast_in_dim3A_31 {strides = array<i32>} : memref<2064xf32, #tpu.memory_space<vmem>>, vector<16xf32>,
      %add3A_320 = arith.constant 15 : i32
      %add3A_321 = arith.addi %scan3A_281#2, %add3A_320 : i32
      %div3A_322 = arith.constant 16 : i32
      %div3A_323 = arith.divsi %add3A_321, %div3A_322 : i32
      %while3A_324 = arith.constant 0 : i32
      %while3A_325 = arith.subi %div3A_323, %while3A_324 : i32
      %while3A_326 = arith.addi %while3A_324, %while3A_325 : i32
      %while3A_327 = arith.constant 1 : i32
      %while3A_328 = arith.divsi %while3A_325, %while3A_327 : i32
      %while3A_329 = arith.muli %while3A_328, %while3A_327 : i32
      %while3A_330 = arith.addi %while3A_324, %while3A_329 : i32
      %while3A_331 = arith.constant 1 : i32
      %while3A_332 = scf.for %while3A_742 = %while3A_324 to %while3A_330 step %while3A_331 iter_args(%while3A_743 = %broadcast_in_dim3A_31) -> (vector<16xf32>)  : i32 {
        %mul3A_744 = arith.constant 16 : i32
        %mul3A_745 = arith.muli %while3A_742, %mul3A_744 : i32
        %get3A_746 = arith.index_cast %mul3A_745 : i32 to index
        %get3A_747 = tpu.vector_load %arg10[%get3A_746] {strides = array<i32>} : memref<2064xf32, #tpu.memory_space<vmem>>, vector<16xf32>,
        %max3A = arith.maximumf %get3A_747, %broadcast_in_dim3A_33 : vector<16xf32>
        %masked_sort3A_748 = arith.constant dense<true> : vector<16xi1>
        %masked_sort3A_749, %masked_sort3A_750, %masked_sort3A_751 = tpu.sort %max3A, %max3A masked %masked_sort3A_748 {descending = true} : (vector<16xf32>, vector<16xf32>, vector<16xi1>) -> (vector<16xi1>, vector<16xf32>, vector<16xf32>)
        %min3A = arith.minimumf %while3A_743, %masked_sort3A_750 : vector<16xf32>
        %masked_sort3A_752 = arith.constant dense<true> : vector<16xi1>
        %masked_sort3A_753, %masked_sort3A_754, %masked_sort3A_755 = tpu.sort %min3A, %min3A masked %masked_sort3A_752 : (vector<16xf32>, vector<16xf32>, vector<16xi1>) -> (vector<16xi1>, vector<16xf32>, vector<16xf32>)
        scf.yield %masked_sort3A_754 : vector<16xf32>
      }
      %while3A_333 = arith.constant 1 : i32
      %while3A_334 = scf.for %while3A_742 = %while3A_330 to %while3A_326 step %while3A_333 iter_args(%while3A_743 = %while3A_332) -> (vector<16xf32>)  : i32 {
        %mul3A_744 = arith.constant 16 : i32
        %mul3A_745 = arith.muli %while3A_742, %mul3A_744 : i32
        %get3A_746 = arith.index_cast %mul3A_745 : i32 to index
        %get3A_747 = tpu.vector_load %arg10[%get3A_746] {strides = array<i32>} : memref<2064xf32, #tpu.memory_space<vmem>>, vector<16xf32>,
        %max3A = arith.maximumf %get3A_747, %broadcast_in_dim3A_33 : vector<16xf32>
        %masked_sort3A_748 = arith.constant dense<true> : vector<16xi1>
        %masked_sort3A_749, %masked_sort3A_750, %masked_sort3A_751 = tpu.sort %max3A, %max3A masked %masked_sort3A_748 {descending = true} : (vector<16xf32>, vector<16xf32>, vector<16xi1>) -> (vector<16xi1>, vector<16xf32>, vector<16xf32>)
        %min3A = arith.minimumf %while3A_743, %masked_sort3A_750 : vector<16xf32>
        %masked_sort3A_752 = arith.constant dense<true> : vector<16xi1>
        %masked_sort3A_753, %masked_sort3A_754, %masked_sort3A_755 = tpu.sort %min3A, %min3A masked %masked_sort3A_752 : (vector<16xf32>, vector<16xf32>, vector<16xi1>) -> (vector<16xi1>, vector<16xf32>, vector<16xf32>)
        scf.yield %masked_sort3A_754 : vector<16xf32>
      }
      %add3A_335 = arith.addf %add3A_317, %while3A_334 : vector<16xf32>
      %swap3A_336 = arith.index_cast %scan3A_281#3 : i32 to index
      %swap3A_337 = tpu.vector_load %arg11[%swap3A_336] {strides = array<i32>} : memref<2064xf32, #tpu.memory_space<vmem>>, vector<16xf32>,
      tpu.vector_store %arg11[%swap3A_336], %broadcast_in_dim3A_31 {strides = array<i32>} : memref<2064xf32, #tpu.memory_space<vmem>>, vector<16xf32>,
      %add3A_338 = arith.constant 15 : i32
      %add3A_339 = arith.addi %scan3A_281#3, %add3A_338 : i32
      %div3A_340 = arith.constant 16 : i32
      %div3A_341 = arith.divsi %add3A_339, %div3A_340 : i32
      %while3A_342 = arith.constant 0 : i32
      %while3A_343 = arith.subi %div3A_341, %while3A_342 : i32
      %while3A_344 = arith.addi %while3A_342, %while3A_343 : i32
      %while3A_345 = arith.constant 1 : i32
      %while3A_346 = arith.divsi %while3A_343, %while3A_345 : i32
      %while3A_347 = arith.muli %while3A_346, %while3A_345 : i32
      %while3A_348 = arith.addi %while3A_342, %while3A_347 : i32
      %while3A_349 = arith.constant 1 : i32
      %while3A_350 = scf.for %while3A_742 = %while3A_342 to %while3A_348 step %while3A_349 iter_args(%while3A_743 = %broadcast_in_dim3A_31) -> (vector<16xf32>)  : i32 {
        %mul3A_744 = arith.constant 16 : i32
        %mul3A_745 = arith.muli %while3A_742, %mul3A_744 : i32
        %get3A_746 = arith.index_cast %mul3A_745 : i32 to index
        %get3A_747 = tpu.vector_load %arg11[%get3A_746] {strides = array<i32>} : memref<2064xf32, #tpu.memory_space<vmem>>, vector<16xf32>,
        %max3A = arith.maximumf %get3A_747, %broadcast_in_dim3A_33 : vector<16xf32>
        %masked_sort3A_748 = arith.constant dense<true> : vector<16xi1>
        %masked_sort3A_749, %masked_sort3A_750, %masked_sort3A_751 = tpu.sort %max3A, %max3A masked %masked_sort3A_748 {descending = true} : (vector<16xf32>, vector<16xf32>, vector<16xi1>) -> (vector<16xi1>, vector<16xf32>, vector<16xf32>)
        %min3A = arith.minimumf %while3A_743, %masked_sort3A_750 : vector<16xf32>
        %masked_sort3A_752 = arith.constant dense<true> : vector<16xi1>
        %masked_sort3A_753, %masked_sort3A_754, %masked_sort3A_755 = tpu.sort %min3A, %min3A masked %masked_sort3A_752 : (vector<16xf32>, vector<16xf32>, vector<16xi1>) -> (vector<16xi1>, vector<16xf32>, vector<16xf32>)
        scf.yield %masked_sort3A_754 : vector<16xf32>
      }
      %while3A_351 = arith.constant 1 : i32
      %while3A_352 = scf.for %while3A_742 = %while3A_348 to %while3A_344 step %while3A_351 iter_args(%while3A_743 = %while3A_350) -> (vector<16xf32>)  : i32 {
        %mul3A_744 = arith.constant 16 : i32
        %mul3A_745 = arith.muli %while3A_742, %mul3A_744 : i32
        %get3A_746 = arith.index_cast %mul3A_745 : i32 to index
        %get3A_747 = tpu.vector_load %arg11[%get3A_746] {strides = array<i32>} : memref<2064xf32, #tpu.memory_space<vmem>>, vector<16xf32>,
        %max3A = arith.maximumf %get3A_747, %broadcast_in_dim3A_33 : vector<16xf32>
        %masked_sort3A_748 = arith.constant dense<true> : vector<16xi1>
        %masked_sort3A_749, %masked_sort3A_750, %masked_sort3A_751 = tpu.sort %max3A, %max3A masked %masked_sort3A_748 {descending = true} : (vector<16xf32>, vector<16xf32>, vector<16xi1>) -> (vector<16xi1>, vector<16xf32>, vector<16xf32>)
        %min3A = arith.minimumf %while3A_743, %masked_sort3A_750 : vector<16xf32>
        %masked_sort3A_752 = arith.constant dense<true> : vector<16xi1>
        %masked_sort3A_753, %masked_sort3A_754, %masked_sort3A_755 = tpu.sort %min3A, %min3A masked %masked_sort3A_752 : (vector<16xf32>, vector<16xf32>, vector<16xi1>) -> (vector<16xi1>, vector<16xf32>, vector<16xf32>)
        scf.yield %masked_sort3A_754 : vector<16xf32>
      }
      %add3A_353 = arith.addf %add3A_335, %while3A_352 : vector<16xf32>
      %swap3A_354 = arith.index_cast %scan3A_281#4 : i32 to index
      %swap3A_355 = tpu.vector_load %arg12[%swap3A_354] {strides = array<i32>} : memref<2064xf32, #tpu.memory_space<vmem>>, vector<16xf32>,
      tpu.vector_store %arg12[%swap3A_354], %broadcast_in_dim3A_31 {strides = array<i32>} : memref<2064xf32, #tpu.memory_space<vmem>>, vector<16xf32>,
      %add3A_356 = arith.constant 15 : i32
      %add3A_357 = arith.addi %scan3A_281#4, %add3A_356 : i32
      %div3A_358 = arith.constant 16 : i32
      %div3A_359 = arith.divsi %add3A_357, %div3A_358 : i32
      %while3A_360 = arith.constant 0 : i32
      %while3A_361 = arith.subi %div3A_359, %while3A_360 : i32
      %while3A_362 = arith.addi %while3A_360, %while3A_361 : i32
      %while3A_363 = arith.constant 1 : i32
      %while3A_364 = arith.divsi %while3A_361, %while3A_363 : i32
      %while3A_365 = arith.muli %while3A_364, %while3A_363 : i32
      %while3A_366 = arith.addi %while3A_360, %while3A_365 : i32
      %while3A_367 = arith.constant 1 : i32
      %while3A_368 = scf.for %while3A_742 = %while3A_360 to %while3A_366 step %while3A_367 iter_args(%while3A_743 = %broadcast_in_dim3A_31) -> (vector<16xf32>)  : i32 {
        %mul3A_744 = arith.constant 16 : i32
        %mul3A_745 = arith.muli %while3A_742, %mul3A_744 : i32
        %get3A_746 = arith.index_cast %mul3A_745 : i32 to index
        %get3A_747 = tpu.vector_load %arg12[%get3A_746] {strides = array<i32>} : memref<2064xf32, #tpu.memory_space<vmem>>, vector<16xf32>,
        %max3A = arith.maximumf %get3A_747, %broadcast_in_dim3A_33 : vector<16xf32>
        %masked_sort3A_748 = arith.constant dense<true> : vector<16xi1>
        %masked_sort3A_749, %masked_sort3A_750, %masked_sort3A_751 = tpu.sort %max3A, %max3A masked %masked_sort3A_748 {descending = true} : (vector<16xf32>, vector<16xf32>, vector<16xi1>) -> (vector<16xi1>, vector<16xf32>, vector<16xf32>)
        %min3A = arith.minimumf %while3A_743, %masked_sort3A_750 : vector<16xf32>
        %masked_sort3A_752 = arith.constant dense<true> : vector<16xi1>
        %masked_sort3A_753, %masked_sort3A_754, %masked_sort3A_755 = tpu.sort %min3A, %min3A masked %masked_sort3A_752 : (vector<16xf32>, vector<16xf32>, vector<16xi1>) -> (vector<16xi1>, vector<16xf32>, vector<16xf32>)
        scf.yield %masked_sort3A_754 : vector<16xf32>
      }
      %while3A_369 = arith.constant 1 : i32
      %while3A_370 = scf.for %while3A_742 = %while3A_366 to %while3A_362 step %while3A_369 iter_args(%while3A_743 = %while3A_368) -> (vector<16xf32>)  : i32 {
        %mul3A_744 = arith.constant 16 : i32
        %mul3A_745 = arith.muli %while3A_742, %mul3A_744 : i32
        %get3A_746 = arith.index_cast %mul3A_745 : i32 to index
        %get3A_747 = tpu.vector_load %arg12[%get3A_746] {strides = array<i32>} : memref<2064xf32, #tpu.memory_space<vmem>>, vector<16xf32>,
        %max3A = arith.maximumf %get3A_747, %broadcast_in_dim3A_33 : vector<16xf32>
        %masked_sort3A_748 = arith.constant dense<true> : vector<16xi1>
        %masked_sort3A_749, %masked_sort3A_750, %masked_sort3A_751 = tpu.sort %max3A, %max3A masked %masked_sort3A_748 {descending = true} : (vector<16xf32>, vector<16xf32>, vector<16xi1>) -> (vector<16xi1>, vector<16xf32>, vector<16xf32>)
        %min3A = arith.minimumf %while3A_743, %masked_sort3A_750 : vector<16xf32>
        %masked_sort3A_752 = arith.constant dense<true> : vector<16xi1>
        %masked_sort3A_753, %masked_sort3A_754, %masked_sort3A_755 = tpu.sort %min3A, %min3A masked %masked_sort3A_752 : (vector<16xf32>, vector<16xf32>, vector<16xi1>) -> (vector<16xi1>, vector<16xf32>, vector<16xf32>)
        scf.yield %masked_sort3A_754 : vector<16xf32>
      }
      %add3A_371 = arith.addf %add3A_353, %while3A_370 : vector<16xf32>
      %swap3A_372 = arith.index_cast %scan3A_281#5 : i32 to index
      %swap3A_373 = tpu.vector_load %arg13[%swap3A_372] {strides = array<i32>} : memref<2064xf32, #tpu.memory_space<vmem>>, vector<16xf32>,
      tpu.vector_store %arg13[%swap3A_372], %broadcast_in_dim3A_31 {strides = array<i32>} : memref<2064xf32, #tpu.memory_space<vmem>>, vector<16xf32>,
      %add3A_374 = arith.constant 15 : i32
      %add3A_375 = arith.addi %scan3A_281#5, %add3A_374 : i32
      %div3A_376 = arith.constant 16 : i32
      %div3A_377 = arith.divsi %add3A_375, %div3A_376 : i32
      %while3A_378 = arith.constant 0 : i32
      %while3A_379 = arith.subi %div3A_377, %while3A_378 : i32
      %while3A_380 = arith.addi %while3A_378, %while3A_379 : i32
      %while3A_381 = arith.constant 1 : i32
      %while3A_382 = arith.divsi %while3A_379, %while3A_381 : i32
      %while3A_383 = arith.muli %while3A_382, %while3A_381 : i32
      %while3A_384 = arith.addi %while3A_378, %while3A_383 : i32
      %while3A_385 = arith.constant 1 : i32
      %while3A_386 = scf.for %while3A_742 = %while3A_378 to %while3A_384 step %while3A_385 iter_args(%while3A_743 = %broadcast_in_dim3A_31) -> (vector<16xf32>)  : i32 {
        %mul3A_744 = arith.constant 16 : i32
        %mul3A_745 = arith.muli %while3A_742, %mul3A_744 : i32
        %get3A_746 = arith.index_cast %mul3A_745 : i32 to index
        %get3A_747 = tpu.vector_load %arg13[%get3A_746] {strides = array<i32>} : memref<2064xf32, #tpu.memory_space<vmem>>, vector<16xf32>,
        %max3A = arith.maximumf %get3A_747, %broadcast_in_dim3A_33 : vector<16xf32>
        %masked_sort3A_748 = arith.constant dense<true> : vector<16xi1>
        %masked_sort3A_749, %masked_sort3A_750, %masked_sort3A_751 = tpu.sort %max3A, %max3A masked %masked_sort3A_748 {descending = true} : (vector<16xf32>, vector<16xf32>, vector<16xi1>) -> (vector<16xi1>, vector<16xf32>, vector<16xf32>)
        %min3A = arith.minimumf %while3A_743, %masked_sort3A_750 : vector<16xf32>
        %masked_sort3A_752 = arith.constant dense<true> : vector<16xi1>
        %masked_sort3A_753, %masked_sort3A_754, %masked_sort3A_755 = tpu.sort %min3A, %min3A masked %masked_sort3A_752 : (vector<16xf32>, vector<16xf32>, vector<16xi1>) -> (vector<16xi1>, vector<16xf32>, vector<16xf32>)
        scf.yield %masked_sort3A_754 : vector<16xf32>
      }
      %while3A_387 = arith.constant 1 : i32
      %while3A_388 = scf.for %while3A_742 = %while3A_384 to %while3A_380 step %while3A_387 iter_args(%while3A_743 = %while3A_386) -> (vector<16xf32>)  : i32 {
        %mul3A_744 = arith.constant 16 : i32
        %mul3A_745 = arith.muli %while3A_742, %mul3A_744 : i32
        %get3A_746 = arith.index_cast %mul3A_745 : i32 to index
        %get3A_747 = tpu.vector_load %arg13[%get3A_746] {strides = array<i32>} : memref<2064xf32, #tpu.memory_space<vmem>>, vector<16xf32>,
        %max3A = arith.maximumf %get3A_747, %broadcast_in_dim3A_33 : vector<16xf32>
        %masked_sort3A_748 = arith.constant dense<true> : vector<16xi1>
        %masked_sort3A_749, %masked_sort3A_750, %masked_sort3A_751 = tpu.sort %max3A, %max3A masked %masked_sort3A_748 {descending = true} : (vector<16xf32>, vector<16xf32>, vector<16xi1>) -> (vector<16xi1>, vector<16xf32>, vector<16xf32>)
        %min3A = arith.minimumf %while3A_743, %masked_sort3A_750 : vector<16xf32>
        %masked_sort3A_752 = arith.constant dense<true> : vector<16xi1>
        %masked_sort3A_753, %masked_sort3A_754, %masked_sort3A_755 = tpu.sort %min3A, %min3A masked %masked_sort3A_752 : (vector<16xf32>, vector<16xf32>, vector<16xi1>) -> (vector<16xi1>, vector<16xf32>, vector<16xf32>)
        scf.yield %masked_sort3A_754 : vector<16xf32>
      }
      %add3A_389 = arith.addf %add3A_371, %while3A_388 : vector<16xf32>
      %swap3A_390 = arith.index_cast %scan3A_281#6 : i32 to index
      %swap3A_391 = tpu.vector_load %arg14[%swap3A_390] {strides = array<i32>} : memref<2064xf32, #tpu.memory_space<vmem>>, vector<16xf32>,
      tpu.vector_store %arg14[%swap3A_390], %broadcast_in_dim3A_31 {strides = array<i32>} : memref<2064xf32, #tpu.memory_space<vmem>>, vector<16xf32>,
      %add3A_392 = arith.constant 15 : i32
      %add3A_393 = arith.addi %scan3A_281#6, %add3A_392 : i32
      %div3A_394 = arith.constant 16 : i32
      %div3A_395 = arith.divsi %add3A_393, %div3A_394 : i32
      %while3A_396 = arith.constant 0 : i32
      %while3A_397 = arith.subi %div3A_395, %while3A_396 : i32
      %while3A_398 = arith.addi %while3A_396, %while3A_397 : i32
      %while3A_399 = arith.constant 1 : i32
      %while3A_400 = arith.divsi %while3A_397, %while3A_399 : i32
      %while3A_401 = arith.muli %while3A_400, %while3A_399 : i32
      %while3A_402 = arith.addi %while3A_396, %while3A_401 : i32
      %while3A_403 = arith.constant 1 : i32
      %while3A_404 = scf.for %while3A_742 = %while3A_396 to %while3A_402 step %while3A_403 iter_args(%while3A_743 = %broadcast_in_dim3A_31) -> (vector<16xf32>)  : i32 {
        %mul3A_744 = arith.constant 16 : i32
        %mul3A_745 = arith.muli %while3A_742, %mul3A_744 : i32
        %get3A_746 = arith.index_cast %mul3A_745 : i32 to index
        %get3A_747 = tpu.vector_load %arg14[%get3A_746] {strides = array<i32>} : memref<2064xf32, #tpu.memory_space<vmem>>, vector<16xf32>,
        %max3A = arith.maximumf %get3A_747, %broadcast_in_dim3A_33 : vector<16xf32>
        %masked_sort3A_748 = arith.constant dense<true> : vector<16xi1>
        %masked_sort3A_749, %masked_sort3A_750, %masked_sort3A_751 = tpu.sort %max3A, %max3A masked %masked_sort3A_748 {descending = true} : (vector<16xf32>, vector<16xf32>, vector<16xi1>) -> (vector<16xi1>, vector<16xf32>, vector<16xf32>)
        %min3A = arith.minimumf %while3A_743, %masked_sort3A_750 : vector<16xf32>
        %masked_sort3A_752 = arith.constant dense<true> : vector<16xi1>
        %masked_sort3A_753, %masked_sort3A_754, %masked_sort3A_755 = tpu.sort %min3A, %min3A masked %masked_sort3A_752 : (vector<16xf32>, vector<16xf32>, vector<16xi1>) -> (vector<16xi1>, vector<16xf32>, vector<16xf32>)
        scf.yield %masked_sort3A_754 : vector<16xf32>
      }
      %while3A_405 = arith.constant 1 : i32
      %while3A_406 = scf.for %while3A_742 = %while3A_402 to %while3A_398 step %while3A_405 iter_args(%while3A_743 = %while3A_404) -> (vector<16xf32>)  : i32 {
        %mul3A_744 = arith.constant 16 : i32
        %mul3A_745 = arith.muli %while3A_742, %mul3A_744 : i32
        %get3A_746 = arith.index_cast %mul3A_745 : i32 to index
        %get3A_747 = tpu.vector_load %arg14[%get3A_746] {strides = array<i32>} : memref<2064xf32, #tpu.memory_space<vmem>>, vector<16xf32>,
        %max3A = arith.maximumf %get3A_747, %broadcast_in_dim3A_33 : vector<16xf32>
        %masked_sort3A_748 = arith.constant dense<true> : vector<16xi1>
        %masked_sort3A_749, %masked_sort3A_750, %masked_sort3A_751 = tpu.sort %max3A, %max3A masked %masked_sort3A_748 {descending = true} : (vector<16xf32>, vector<16xf32>, vector<16xi1>) -> (vector<16xi1>, vector<16xf32>, vector<16xf32>)
        %min3A = arith.minimumf %while3A_743, %masked_sort3A_750 : vector<16xf32>
        %masked_sort3A_752 = arith.constant dense<true> : vector<16xi1>
        %masked_sort3A_753, %masked_sort3A_754, %masked_sort3A_755 = tpu.sort %min3A, %min3A masked %masked_sort3A_752 : (vector<16xf32>, vector<16xf32>, vector<16xi1>) -> (vector<16xi1>, vector<16xf32>, vector<16xf32>)
        scf.yield %masked_sort3A_754 : vector<16xf32>
      }
      %add3A_407 = arith.addf %add3A_389, %while3A_406 : vector<16xf32>
      %swap3A_408 = arith.index_cast %scan3A_281#7 : i32 to index
      %swap3A_409 = tpu.vector_load %arg15[%swap3A_408] {strides = array<i32>} : memref<2064xf32, #tpu.memory_space<vmem>>, vector<16xf32>,
      tpu.vector_store %arg15[%swap3A_408], %broadcast_in_dim3A_31 {strides = array<i32>} : memref<2064xf32, #tpu.memory_space<vmem>>, vector<16xf32>,
      %add3A_410 = arith.constant 15 : i32
      %add3A_411 = arith.addi %scan3A_281#7, %add3A_410 : i32
      %div3A_412 = arith.constant 16 : i32
      %div3A_413 = arith.divsi %add3A_411, %div3A_412 : i32
      %while3A_414 = arith.constant 0 : i32
      %while3A_415 = arith.subi %div3A_413, %while3A_414 : i32
      %while3A_416 = arith.addi %while3A_414, %while3A_415 : i32
      %while3A_417 = arith.constant 1 : i32
      %while3A_418 = arith.divsi %while3A_415, %while3A_417 : i32
      %while3A_419 = arith.muli %while3A_418, %while3A_417 : i32
      %while3A_420 = arith.addi %while3A_414, %while3A_419 : i32
      %while3A_421 = arith.constant 1 : i32
      %while3A_422 = scf.for %while3A_742 = %while3A_414 to %while3A_420 step %while3A_421 iter_args(%while3A_743 = %broadcast_in_dim3A_31) -> (vector<16xf32>)  : i32 {
        %mul3A_744 = arith.constant 16 : i32
        %mul3A_745 = arith.muli %while3A_742, %mul3A_744 : i32
        %get3A_746 = arith.index_cast %mul3A_745 : i32 to index
        %get3A_747 = tpu.vector_load %arg15[%get3A_746] {strides = array<i32>} : memref<2064xf32, #tpu.memory_space<vmem>>, vector<16xf32>,
        %max3A = arith.maximumf %get3A_747, %broadcast_in_dim3A_33 : vector<16xf32>
        %masked_sort3A_748 = arith.constant dense<true> : vector<16xi1>
        %masked_sort3A_749, %masked_sort3A_750, %masked_sort3A_751 = tpu.sort %max3A, %max3A masked %masked_sort3A_748 {descending = true} : (vector<16xf32>, vector<16xf32>, vector<16xi1>) -> (vector<16xi1>, vector<16xf32>, vector<16xf32>)
        %min3A = arith.minimumf %while3A_743, %masked_sort3A_750 : vector<16xf32>
        %masked_sort3A_752 = arith.constant dense<true> : vector<16xi1>
        %masked_sort3A_753, %masked_sort3A_754, %masked_sort3A_755 = tpu.sort %min3A, %min3A masked %masked_sort3A_752 : (vector<16xf32>, vector<16xf32>, vector<16xi1>) -> (vector<16xi1>, vector<16xf32>, vector<16xf32>)
        scf.yield %masked_sort3A_754 : vector<16xf32>
      }
      %while3A_423 = arith.constant 1 : i32
      %while3A_424 = scf.for %while3A_742 = %while3A_420 to %while3A_416 step %while3A_423 iter_args(%while3A_743 = %while3A_422) -> (vector<16xf32>)  : i32 {
        %mul3A_744 = arith.constant 16 : i32
        %mul3A_745 = arith.muli %while3A_742, %mul3A_744 : i32
        %get3A_746 = arith.index_cast %mul3A_745 : i32 to index
        %get3A_747 = tpu.vector_load %arg15[%get3A_746] {strides = array<i32>} : memref<2064xf32, #tpu.memory_space<vmem>>, vector<16xf32>,
        %max3A = arith.maximumf %get3A_747, %broadcast_in_dim3A_33 : vector<16xf32>
        %masked_sort3A_748 = arith.constant dense<true> : vector<16xi1>
        %masked_sort3A_749, %masked_sort3A_750, %masked_sort3A_751 = tpu.sort %max3A, %max3A masked %masked_sort3A_748 {descending = true} : (vector<16xf32>, vector<16xf32>, vector<16xi1>) -> (vector<16xi1>, vector<16xf32>, vector<16xf32>)
        %min3A = arith.minimumf %while3A_743, %masked_sort3A_750 : vector<16xf32>
        %masked_sort3A_752 = arith.constant dense<true> : vector<16xi1>
        %masked_sort3A_753, %masked_sort3A_754, %masked_sort3A_755 = tpu.sort %min3A, %min3A masked %masked_sort3A_752 : (vector<16xf32>, vector<16xf32>, vector<16xi1>) -> (vector<16xi1>, vector<16xf32>, vector<16xf32>)
        scf.yield %masked_sort3A_754 : vector<16xf32>
      }
      %add3A_425 = arith.addf %add3A_407, %while3A_424 : vector<16xf32>
      %slice3A_426 = vector.extract_strided_slice %add3A_70 {offsets = [8], sizes = [1], strides = [1]} : vector<16xf32> to vector<1xf32>
      %squeeze3A_427 = vector.extract %slice3A_426[0] : f32 from vector<1xf32>
      %broadcast_in_dim3A_428 = vector.broadcast %squeeze3A_427 : f32 to vector<16xf32>
      %slice3A_429 = vector.extract_strided_slice %add3A_70 {offsets = [9], sizes = [1], strides = [1]} : vector<16xf32> to vector<1xf32>
      %squeeze3A_430 = vector.extract %slice3A_429[0] : f32 from vector<1xf32>
      %broadcast_in_dim3A_431 = vector.broadcast %squeeze3A_430 : f32 to vector<16xf32>
      %slice3A_432 = vector.extract_strided_slice %add3A_70 {offsets = [10], sizes = [1], strides = [1]} : vector<16xf32> to vector<1xf32>
      %squeeze3A_433 = vector.extract %slice3A_432[0] : f32 from vector<1xf32>
      %broadcast_in_dim3A_434 = vector.broadcast %squeeze3A_433 : f32 to vector<16xf32>
      %slice3A_435 = vector.extract_strided_slice %add3A_70 {offsets = [11], sizes = [1], strides = [1]} : vector<16xf32> to vector<1xf32>
      %squeeze3A_436 = vector.extract %slice3A_435[0] : f32 from vector<1xf32>
      %broadcast_in_dim3A_437 = vector.broadcast %squeeze3A_436 : f32 to vector<16xf32>
      %slice3A_438 = vector.extract_strided_slice %add3A_70 {offsets = [12], sizes = [1], strides = [1]} : vector<16xf32> to vector<1xf32>
      %squeeze3A_439 = vector.extract %slice3A_438[0] : f32 from vector<1xf32>
      %broadcast_in_dim3A_440 = vector.broadcast %squeeze3A_439 : f32 to vector<16xf32>
      %slice3A_441 = vector.extract_strided_slice %add3A_70 {offsets = [13], sizes = [1], strides = [1]} : vector<16xf32> to vector<1xf32>
      %squeeze3A_442 = vector.extract %slice3A_441[0] : f32 from vector<1xf32>
      %broadcast_in_dim3A_443 = vector.broadcast %squeeze3A_442 : f32 to vector<16xf32>
      %slice3A_444 = vector.extract_strided_slice %add3A_70 {offsets = [14], sizes = [1], strides = [1]} : vector<16xf32> to vector<1xf32>
      %squeeze3A_445 = vector.extract %slice3A_444[0] : f32 from vector<1xf32>
      %broadcast_in_dim3A_446 = vector.broadcast %squeeze3A_445 : f32 to vector<16xf32>
      %slice3A_447 = vector.extract_strided_slice %add3A_70 {offsets = [15], sizes = [1], strides = [1]} : vector<16xf32> to vector<1xf32>
      %squeeze3A_448 = vector.extract %slice3A_447[0] : f32 from vector<1xf32>
      %broadcast_in_dim3A_449 = vector.broadcast %squeeze3A_448 : f32 to vector<16xf32>
      %slice3A_450 = vector.extract_strided_slice %bitcast3A_83 {offsets = [8], sizes = [1], strides = [1]} : vector<16xf32> to vector<1xf32>
      %squeeze3A_451 = vector.extract %slice3A_450[0] : f32 from vector<1xf32>
      %broadcast_in_dim3A_452 = vector.broadcast %squeeze3A_451 : f32 to vector<16xf32>
      %slice3A_453 = vector.extract_strided_slice %bitcast3A_83 {offsets = [9], sizes = [1], strides = [1]} : vector<16xf32> to vector<1xf32>
      %squeeze3A_454 = vector.extract %slice3A_453[0] : f32 from vector<1xf32>
      %broadcast_in_dim3A_455 = vector.broadcast %squeeze3A_454 : f32 to vector<16xf32>
      %slice3A_456 = vector.extract_strided_slice %bitcast3A_83 {offsets = [10], sizes = [1], strides = [1]} : vector<16xf32> to vector<1xf32>
      %squeeze3A_457 = vector.extract %slice3A_456[0] : f32 from vector<1xf32>
      %broadcast_in_dim3A_458 = vector.broadcast %squeeze3A_457 : f32 to vector<16xf32>
      %slice3A_459 = vector.extract_strided_slice %bitcast3A_83 {offsets = [11], sizes = [1], strides = [1]} : vector<16xf32> to vector<1xf32>
      %squeeze3A_460 = vector.extract %slice3A_459[0] : f32 from vector<1xf32>
      %broadcast_in_dim3A_461 = vector.broadcast %squeeze3A_460 : f32 to vector<16xf32>
      %slice3A_462 = vector.extract_strided_slice %bitcast3A_83 {offsets = [12], sizes = [1], strides = [1]} : vector<16xf32> to vector<1xf32>
      %squeeze3A_463 = vector.extract %slice3A_462[0] : f32 from vector<1xf32>
      %broadcast_in_dim3A_464 = vector.broadcast %squeeze3A_463 : f32 to vector<16xf32>
      %slice3A_465 = vector.extract_strided_slice %bitcast3A_83 {offsets = [13], sizes = [1], strides = [1]} : vector<16xf32> to vector<1xf32>
      %squeeze3A_466 = vector.extract %slice3A_465[0] : f32 from vector<1xf32>
      %broadcast_in_dim3A_467 = vector.broadcast %squeeze3A_466 : f32 to vector<16xf32>
      %slice3A_468 = vector.extract_strided_slice %bitcast3A_83 {offsets = [14], sizes = [1], strides = [1]} : vector<16xf32> to vector<1xf32>
      %squeeze3A_469 = vector.extract %slice3A_468[0] : f32 from vector<1xf32>
      %broadcast_in_dim3A_470 = vector.broadcast %squeeze3A_469 : f32 to vector<16xf32>
      %slice3A_471 = vector.extract_strided_slice %bitcast3A_83 {offsets = [15], sizes = [1], strides = [1]} : vector<16xf32> to vector<1xf32>
      %squeeze3A_472 = vector.extract %slice3A_471[0] : f32 from vector<1xf32>
      %broadcast_in_dim3A_473 = vector.broadcast %squeeze3A_472 : f32 to vector<16xf32>
      %slice3A_474 = vector.extract_strided_slice %bitcast3A_98 {offsets = [8], sizes = [1], strides = [1]} : vector<16xf32> to vector<1xf32>
      %squeeze3A_475 = vector.extract %slice3A_474[0] : f32 from vector<1xf32>
      %broadcast_in_dim3A_476 = vector.broadcast %squeeze3A_475 : f32 to vector<16xf32>
      %slice3A_477 = vector.extract_strided_slice %bitcast3A_98 {offsets = [9], sizes = [1], strides = [1]} : vector<16xf32> to vector<1xf32>
      %squeeze3A_478 = vector.extract %slice3A_477[0] : f32 from vector<1xf32>
      %broadcast_in_dim3A_479 = vector.broadcast %squeeze3A_478 : f32 to vector<16xf32>
      %slice3A_480 = vector.extract_strided_slice %bitcast3A_98 {offsets = [10], sizes = [1], strides = [1]} : vector<16xf32> to vector<1xf32>
      %squeeze3A_481 = vector.extract %slice3A_480[0] : f32 from vector<1xf32>
      %broadcast_in_dim3A_482 = vector.broadcast %squeeze3A_481 : f32 to vector<16xf32>
      %slice3A_483 = vector.extract_strided_slice %bitcast3A_98 {offsets = [11], sizes = [1], strides = [1]} : vector<16xf32> to vector<1xf32>
      %squeeze3A_484 = vector.extract %slice3A_483[0] : f32 from vector<1xf32>
      %broadcast_in_dim3A_485 = vector.broadcast %squeeze3A_484 : f32 to vector<16xf32>
      %slice3A_486 = vector.extract_strided_slice %bitcast3A_98 {offsets = [12], sizes = [1], strides = [1]} : vector<16xf32> to vector<1xf32>
      %squeeze3A_487 = vector.extract %slice3A_486[0] : f32 from vector<1xf32>
      %broadcast_in_dim3A_488 = vector.broadcast %squeeze3A_487 : f32 to vector<16xf32>
      %slice3A_489 = vector.extract_strided_slice %bitcast3A_98 {offsets = [13], sizes = [1], strides = [1]} : vector<16xf32> to vector<1xf32>
      %squeeze3A_490 = vector.extract %slice3A_489[0] : f32 from vector<1xf32>
      %broadcast_in_dim3A_491 = vector.broadcast %squeeze3A_490 : f32 to vector<16xf32>
      %slice3A_492 = vector.extract_strided_slice %bitcast3A_98 {offsets = [14], sizes = [1], strides = [1]} : vector<16xf32> to vector<1xf32>
      %squeeze3A_493 = vector.extract %slice3A_492[0] : f32 from vector<1xf32>
      %broadcast_in_dim3A_494 = vector.broadcast %squeeze3A_493 : f32 to vector<16xf32>
      %slice3A_495 = vector.extract_strided_slice %bitcast3A_98 {offsets = [15], sizes = [1], strides = [1]} : vector<16xf32> to vector<1xf32>
      %squeeze3A_496 = vector.extract %slice3A_495[0] : f32 from vector<1xf32>
      %broadcast_in_dim3A_497 = vector.broadcast %squeeze3A_496 : f32 to vector<16xf32>
      %slice3A_498 = vector.extract_strided_slice %bitcast3A_113 {offsets = [8], sizes = [1], strides = [1]} : vector<16xf32> to vector<1xf32>
      %squeeze3A_499 = vector.extract %slice3A_498[0] : f32 from vector<1xf32>
      %broadcast_in_dim3A_500 = vector.broadcast %squeeze3A_499 : f32 to vector<16xf32>
      %slice3A_501 = vector.extract_strided_slice %bitcast3A_113 {offsets = [9], sizes = [1], strides = [1]} : vector<16xf32> to vector<1xf32>
      %squeeze3A_502 = vector.extract %slice3A_501[0] : f32 from vector<1xf32>
      %broadcast_in_dim3A_503 = vector.broadcast %squeeze3A_502 : f32 to vector<16xf32>
      %slice3A_504 = vector.extract_strided_slice %bitcast3A_113 {offsets = [10], sizes = [1], strides = [1]} : vector<16xf32> to vector<1xf32>
      %squeeze3A_505 = vector.extract %slice3A_504[0] : f32 from vector<1xf32>
      %broadcast_in_dim3A_506 = vector.broadcast %squeeze3A_505 : f32 to vector<16xf32>
      %slice3A_507 = vector.extract_strided_slice %bitcast3A_113 {offsets = [11], sizes = [1], strides = [1]} : vector<16xf32> to vector<1xf32>
      %squeeze3A_508 = vector.extract %slice3A_507[0] : f32 from vector<1xf32>
      %broadcast_in_dim3A_509 = vector.broadcast %squeeze3A_508 : f32 to vector<16xf32>
      %slice3A_510 = vector.extract_strided_slice %bitcast3A_113 {offsets = [12], sizes = [1], strides = [1]} : vector<16xf32> to vector<1xf32>
      %squeeze3A_511 = vector.extract %slice3A_510[0] : f32 from vector<1xf32>
      %broadcast_in_dim3A_512 = vector.broadcast %squeeze3A_511 : f32 to vector<16xf32>
      %slice3A_513 = vector.extract_strided_slice %bitcast3A_113 {offsets = [13], sizes = [1], strides = [1]} : vector<16xf32> to vector<1xf32>
      %squeeze3A_514 = vector.extract %slice3A_513[0] : f32 from vector<1xf32>
      %broadcast_in_dim3A_515 = vector.broadcast %squeeze3A_514 : f32 to vector<16xf32>
      %slice3A_516 = vector.extract_strided_slice %bitcast3A_113 {offsets = [14], sizes = [1], strides = [1]} : vector<16xf32> to vector<1xf32>
      %squeeze3A_517 = vector.extract %slice3A_516[0] : f32 from vector<1xf32>
      %broadcast_in_dim3A_518 = vector.broadcast %squeeze3A_517 : f32 to vector<16xf32>
      %slice3A_519 = vector.extract_strided_slice %bitcast3A_113 {offsets = [15], sizes = [1], strides = [1]} : vector<16xf32> to vector<1xf32>
      %squeeze3A_520 = vector.extract %slice3A_519[0] : f32 from vector<1xf32>
      %broadcast_in_dim3A_521 = vector.broadcast %squeeze3A_520 : f32 to vector<16xf32>
      %scan3A_522 = arith.constant 0 : i32
      %scan3A_523 = arith.constant 64 : i32
      %scan3A_524 = arith.addi %scan3A_522, %scan3A_523 : i32
      %scan3A_525 = arith.constant 1 : i32
      %scan3A_526:8 = scf.for %scan3A_742 = %scan3A_522 to %scan3A_524 step %scan3A_525 iter_args(%scan3A_743 = %broadcast_in_dim3A_31, %scan3A_744 = %broadcast_in_dim3A_31, %scan3A_745 = %broadcast_in_dim3A_31, %scan3A_746 = %broadcast_in_dim3A_31, %scan3A_747 = %broadcast_in_dim3A_31, %scan3A_748 = %broadcast_in_dim3A_31, %scan3A_749 = %broadcast_in_dim3A_31, %scan3A_750 = %broadcast_in_dim3A_31) -> (vector<16xf32>, vector<16xf32>, vector<16xf32>, vector<16xf32>, vector<16xf32>, vector<16xf32>, vector<16xf32>, vector<16xf32>)  : i32 {
        %mul3A_751 = arith.constant 2 : i32
        %mul3A_752 = arith.muli %mul3A_751, %scan3A_742 : i32
        %add3A_753 = arith.constant 0 : i32
        %add3A_754 = arith.addi %mul3A_752, %add3A_753 : i32
        %mul3A_755 = arith.constant 16 : i32
        %mul3A_756 = arith.muli %add3A_754, %mul3A_755 : i32
        %get3A_757 = arith.constant 0 : i32
        %get3A_758 = arith.index_cast %get3A_757 : i32 to index
        %get3A_759 = arith.index_cast %mul3A_756 : i32 to index
        %get3A_760 = tpu.vector_load %arg5[%get3A_758, %get3A_759] {strides = array<i32>} : memref<3x2048xf32, #tpu.memory_space<vmem>>, vector<16xf32>,
        %get3A_761 = arith.constant 1 : i32
        %get3A_762 = arith.index_cast %get3A_761 : i32 to index
        %get3A_763 = arith.index_cast %mul3A_756 : i32 to index
        %get3A_764 = tpu.vector_load %arg5[%get3A_762, %get3A_763] {strides = array<i32>} : memref<3x2048xf32, #tpu.memory_space<vmem>>, vector<16xf32>,
        %get3A_765 = arith.constant 2 : i32
        %get3A_766 = arith.index_cast %get3A_765 : i32 to index
        %get3A_767 = arith.index_cast %mul3A_756 : i32 to index
        %get3A_768 = tpu.vector_load %arg5[%get3A_766, %get3A_767] {strides = array<i32>} : memref<3x2048xf32, #tpu.memory_space<vmem>>, vector<16xf32>,
        %get3A_769 = arith.index_cast %mul3A_756 : i32 to index
        %get3A_770 = tpu.vector_load %arg6[%get3A_769] {strides = array<i32>} : memref<2048xf32, #tpu.memory_space<vmem>>, vector<16xf32>,
        %mul3A_771 = arith.mulf %get3A_760, %broadcast_in_dim3A_452 : vector<16xf32>
        %mul3A_772 = arith.mulf %get3A_764, %broadcast_in_dim3A_476 : vector<16xf32>
        %add3A_773 = arith.addf %mul3A_771, %mul3A_772 : vector<16xf32>
        %mul3A_774 = arith.mulf %get3A_768, %broadcast_in_dim3A_500 : vector<16xf32>
        %add3A_775 = arith.addf %add3A_773, %mul3A_774 : vector<16xf32>
        %sub3A_776 = arith.subf %broadcast_in_dim3A_428, %add3A_775 : vector<16xf32>
        %add3A_777 = arith.addf %sub3A_776, %get3A_770 : vector<16xf32>
        %swap3A_778 = arith.constant 0 : i32
        %swap3A_779 = arith.index_cast %swap3A_778 : i32 to index
        %swap3A_780 = arith.index_cast %mul3A_756 : i32 to index
        %swap3A_781 = tpu.vector_load %arg7[%swap3A_779, %swap3A_780] {strides = array<i32>} : memref<16x2048xf32, #tpu.memory_space<vmem>>, vector<16xf32>,
        tpu.vector_store %arg7[%swap3A_779, %swap3A_780], %add3A_777 {strides = array<i32>} : memref<16x2048xf32, #tpu.memory_space<vmem>>, vector<16xf32>,
        %min3A = arith.minimumf %scan3A_743, %add3A_777 : vector<16xf32>
        %mul3A_782 = arith.mulf %get3A_760, %broadcast_in_dim3A_455 : vector<16xf32>
        %mul3A_783 = arith.mulf %get3A_764, %broadcast_in_dim3A_479 : vector<16xf32>
        %add3A_784 = arith.addf %mul3A_782, %mul3A_783 : vector<16xf32>
        %mul3A_785 = arith.mulf %get3A_768, %broadcast_in_dim3A_503 : vector<16xf32>
        %add3A_786 = arith.addf %add3A_784, %mul3A_785 : vector<16xf32>
        %sub3A_787 = arith.subf %broadcast_in_dim3A_431, %add3A_786 : vector<16xf32>
        %add3A_788 = arith.addf %sub3A_787, %get3A_770 : vector<16xf32>
        %swap3A_789 = arith.constant 1 : i32
        %swap3A_790 = arith.index_cast %swap3A_789 : i32 to index
        %swap3A_791 = arith.index_cast %mul3A_756 : i32 to index
        %swap3A_792 = tpu.vector_load %arg7[%swap3A_790, %swap3A_791] {strides = array<i32>} : memref<16x2048xf32, #tpu.memory_space<vmem>>, vector<16xf32>,
        tpu.vector_store %arg7[%swap3A_790, %swap3A_791], %add3A_788 {strides = array<i32>} : memref<16x2048xf32, #tpu.memory_space<vmem>>, vector<16xf32>,
        %min3A_793 = arith.minimumf %scan3A_744, %add3A_788 : vector<16xf32>
        %mul3A_794 = arith.mulf %get3A_760, %broadcast_in_dim3A_458 : vector<16xf32>
        %mul3A_795 = arith.mulf %get3A_764, %broadcast_in_dim3A_482 : vector<16xf32>
        %add3A_796 = arith.addf %mul3A_794, %mul3A_795 : vector<16xf32>
        %mul3A_797 = arith.mulf %get3A_768, %broadcast_in_dim3A_506 : vector<16xf32>
        %add3A_798 = arith.addf %add3A_796, %mul3A_797 : vector<16xf32>
        %sub3A_799 = arith.subf %broadcast_in_dim3A_434, %add3A_798 : vector<16xf32>
        %add3A_800 = arith.addf %sub3A_799, %get3A_770 : vector<16xf32>
        %swap3A_801 = arith.constant 2 : i32
        %swap3A_802 = arith.index_cast %swap3A_801 : i32 to index
        %swap3A_803 = arith.index_cast %mul3A_756 : i32 to index
        %swap3A_804 = tpu.vector_load %arg7[%swap3A_802, %swap3A_803] {strides = array<i32>} : memref<16x2048xf32, #tpu.memory_space<vmem>>, vector<16xf32>,
        tpu.vector_store %arg7[%swap3A_802, %swap3A_803], %add3A_800 {strides = array<i32>} : memref<16x2048xf32, #tpu.memory_space<vmem>>, vector<16xf32>,
        %min3A_805 = arith.minimumf %scan3A_745, %add3A_800 : vector<16xf32>
        %mul3A_806 = arith.mulf %get3A_760, %broadcast_in_dim3A_461 : vector<16xf32>
        %mul3A_807 = arith.mulf %get3A_764, %broadcast_in_dim3A_485 : vector<16xf32>
        %add3A_808 = arith.addf %mul3A_806, %mul3A_807 : vector<16xf32>
        %mul3A_809 = arith.mulf %get3A_768, %broadcast_in_dim3A_509 : vector<16xf32>
        %add3A_810 = arith.addf %add3A_808, %mul3A_809 : vector<16xf32>
        %sub3A_811 = arith.subf %broadcast_in_dim3A_437, %add3A_810 : vector<16xf32>
        %add3A_812 = arith.addf %sub3A_811, %get3A_770 : vector<16xf32>
        %swap3A_813 = arith.constant 3 : i32
        %swap3A_814 = arith.index_cast %swap3A_813 : i32 to index
        %swap3A_815 = arith.index_cast %mul3A_756 : i32 to index
        %swap3A_816 = tpu.vector_load %arg7[%swap3A_814, %swap3A_815] {strides = array<i32>} : memref<16x2048xf32, #tpu.memory_space<vmem>>, vector<16xf32>,
        tpu.vector_store %arg7[%swap3A_814, %swap3A_815], %add3A_812 {strides = array<i32>} : memref<16x2048xf32, #tpu.memory_space<vmem>>, vector<16xf32>,
        %min3A_817 = arith.minimumf %scan3A_746, %add3A_812 : vector<16xf32>
        %mul3A_818 = arith.mulf %get3A_760, %broadcast_in_dim3A_464 : vector<16xf32>
        %mul3A_819 = arith.mulf %get3A_764, %broadcast_in_dim3A_488 : vector<16xf32>
        %add3A_820 = arith.addf %mul3A_818, %mul3A_819 : vector<16xf32>
        %mul3A_821 = arith.mulf %get3A_768, %broadcast_in_dim3A_512 : vector<16xf32>
        %add3A_822 = arith.addf %add3A_820, %mul3A_821 : vector<16xf32>
        %sub3A_823 = arith.subf %broadcast_in_dim3A_440, %add3A_822 : vector<16xf32>
        %add3A_824 = arith.addf %sub3A_823, %get3A_770 : vector<16xf32>
        %swap3A_825 = arith.constant 4 : i32
        %swap3A_826 = arith.index_cast %swap3A_825 : i32 to index
        %swap3A_827 = arith.index_cast %mul3A_756 : i32 to index
        %swap3A_828 = tpu.vector_load %arg7[%swap3A_826, %swap3A_827] {strides = array<i32>} : memref<16x2048xf32, #tpu.memory_space<vmem>>, vector<16xf32>,
        tpu.vector_store %arg7[%swap3A_826, %swap3A_827], %add3A_824 {strides = array<i32>} : memref<16x2048xf32, #tpu.memory_space<vmem>>, vector<16xf32>,
        %min3A_829 = arith.minimumf %scan3A_747, %add3A_824 : vector<16xf32>
        %mul3A_830 = arith.mulf %get3A_760, %broadcast_in_dim3A_467 : vector<16xf32>
        %mul3A_831 = arith.mulf %get3A_764, %broadcast_in_dim3A_491 : vector<16xf32>
        %add3A_832 = arith.addf %mul3A_830, %mul3A_831 : vector<16xf32>
        %mul3A_833 = arith.mulf %get3A_768, %broadcast_in_dim3A_515 : vector<16xf32>
        %add3A_834 = arith.addf %add3A_832, %mul3A_833 : vector<16xf32>
        %sub3A_835 = arith.subf %broadcast_in_dim3A_443, %add3A_834 : vector<16xf32>
        %add3A_836 = arith.addf %sub3A_835, %get3A_770 : vector<16xf32>
        %swap3A_837 = arith.constant 5 : i32
        %swap3A_838 = arith.index_cast %swap3A_837 : i32 to index
        %swap3A_839 = arith.index_cast %mul3A_756 : i32 to index
        %swap3A_840 = tpu.vector_load %arg7[%swap3A_838, %swap3A_839] {strides = array<i32>} : memref<16x2048xf32, #tpu.memory_space<vmem>>, vector<16xf32>,
        tpu.vector_store %arg7[%swap3A_838, %swap3A_839], %add3A_836 {strides = array<i32>} : memref<16x2048xf32, #tpu.memory_space<vmem>>, vector<16xf32>,
        %min3A_841 = arith.minimumf %scan3A_748, %add3A_836 : vector<16xf32>
        %mul3A_842 = arith.mulf %get3A_760, %broadcast_in_dim3A_470 : vector<16xf32>
        %mul3A_843 = arith.mulf %get3A_764, %broadcast_in_dim3A_494 : vector<16xf32>
        %add3A_844 = arith.addf %mul3A_842, %mul3A_843 : vector<16xf32>
        %mul3A_845 = arith.mulf %get3A_768, %broadcast_in_dim3A_518 : vector<16xf32>
        %add3A_846 = arith.addf %add3A_844, %mul3A_845 : vector<16xf32>
        %sub3A_847 = arith.subf %broadcast_in_dim3A_446, %add3A_846 : vector<16xf32>
        %add3A_848 = arith.addf %sub3A_847, %get3A_770 : vector<16xf32>
        %swap3A_849 = arith.constant 6 : i32
        %swap3A_850 = arith.index_cast %swap3A_849 : i32 to index
        %swap3A_851 = arith.index_cast %mul3A_756 : i32 to index
        %swap3A_852 = tpu.vector_load %arg7[%swap3A_850, %swap3A_851] {strides = array<i32>} : memref<16x2048xf32, #tpu.memory_space<vmem>>, vector<16xf32>,
        tpu.vector_store %arg7[%swap3A_850, %swap3A_851], %add3A_848 {strides = array<i32>} : memref<16x2048xf32, #tpu.memory_space<vmem>>, vector<16xf32>,
        %min3A_853 = arith.minimumf %scan3A_749, %add3A_848 : vector<16xf32>
        %mul3A_854 = arith.mulf %get3A_760, %broadcast_in_dim3A_473 : vector<16xf32>
        %mul3A_855 = arith.mulf %get3A_764, %broadcast_in_dim3A_497 : vector<16xf32>
        %add3A_856 = arith.addf %mul3A_854, %mul3A_855 : vector<16xf32>
        %mul3A_857 = arith.mulf %get3A_768, %broadcast_in_dim3A_521 : vector<16xf32>
        %add3A_858 = arith.addf %add3A_856, %mul3A_857 : vector<16xf32>
        %sub3A_859 = arith.subf %broadcast_in_dim3A_449, %add3A_858 : vector<16xf32>
        %add3A_860 = arith.addf %sub3A_859, %get3A_770 : vector<16xf32>
        %swap3A_861 = arith.constant 7 : i32
        %swap3A_862 = arith.index_cast %swap3A_861 : i32 to index
        %swap3A_863 = arith.index_cast %mul3A_756 : i32 to index
        %swap3A_864 = tpu.vector_load %arg7[%swap3A_862, %swap3A_863] {strides = array<i32>} : memref<16x2048xf32, #tpu.memory_space<vmem>>, vector<16xf32>,
        tpu.vector_store %arg7[%swap3A_862, %swap3A_863], %add3A_860 {strides = array<i32>} : memref<16x2048xf32, #tpu.memory_space<vmem>>, vector<16xf32>,
        %min3A_865 = arith.minimumf %scan3A_750, %add3A_860 : vector<16xf32>
        %mul3A_866 = arith.constant 2 : i32
        %mul3A_867 = arith.muli %mul3A_866, %scan3A_742 : i32
        %add3A_868 = arith.constant 1 : i32
        %add3A_869 = arith.addi %mul3A_867, %add3A_868 : i32
        %mul3A_870 = arith.constant 16 : i32
        %mul3A_871 = arith.muli %add3A_869, %mul3A_870 : i32
        %get3A_872 = arith.constant 0 : i32
        %get3A_873 = arith.index_cast %get3A_872 : i32 to index
        %get3A_874 = arith.index_cast %mul3A_871 : i32 to index
        %get3A_875 = tpu.vector_load %arg5[%get3A_873, %get3A_874] {strides = array<i32>} : memref<3x2048xf32, #tpu.memory_space<vmem>>, vector<16xf32>,
        %get3A_876 = arith.constant 1 : i32
        %get3A_877 = arith.index_cast %get3A_876 : i32 to index
        %get3A_878 = arith.index_cast %mul3A_871 : i32 to index
        %get3A_879 = tpu.vector_load %arg5[%get3A_877, %get3A_878] {strides = array<i32>} : memref<3x2048xf32, #tpu.memory_space<vmem>>, vector<16xf32>,
        %get3A_880 = arith.constant 2 : i32
        %get3A_881 = arith.index_cast %get3A_880 : i32 to index
        %get3A_882 = arith.index_cast %mul3A_871 : i32 to index
        %get3A_883 = tpu.vector_load %arg5[%get3A_881, %get3A_882] {strides = array<i32>} : memref<3x2048xf32, #tpu.memory_space<vmem>>, vector<16xf32>,
        %get3A_884 = arith.index_cast %mul3A_871 : i32 to index
        %get3A_885 = tpu.vector_load %arg6[%get3A_884] {strides = array<i32>} : memref<2048xf32, #tpu.memory_space<vmem>>, vector<16xf32>,
        %mul3A_886 = arith.mulf %get3A_875, %broadcast_in_dim3A_452 : vector<16xf32>
        %mul3A_887 = arith.mulf %get3A_879, %broadcast_in_dim3A_476 : vector<16xf32>
        %add3A_888 = arith.addf %mul3A_886, %mul3A_887 : vector<16xf32>
        %mul3A_889 = arith.mulf %get3A_883, %broadcast_in_dim3A_500 : vector<16xf32>
        %add3A_890 = arith.addf %add3A_888, %mul3A_889 : vector<16xf32>
        %sub3A_891 = arith.subf %broadcast_in_dim3A_428, %add3A_890 : vector<16xf32>
        %add3A_892 = arith.addf %sub3A_891, %get3A_885 : vector<16xf32>
        %swap3A_893 = arith.constant 0 : i32
        %swap3A_894 = arith.index_cast %swap3A_893 : i32 to index
        %swap3A_895 = arith.index_cast %mul3A_871 : i32 to index
        %swap3A_896 = tpu.vector_load %arg7[%swap3A_894, %swap3A_895] {strides = array<i32>} : memref<16x2048xf32, #tpu.memory_space<vmem>>, vector<16xf32>,
        tpu.vector_store %arg7[%swap3A_894, %swap3A_895], %add3A_892 {strides = array<i32>} : memref<16x2048xf32, #tpu.memory_space<vmem>>, vector<16xf32>,
        %min3A_897 = arith.minimumf %min3A, %add3A_892 : vector<16xf32>
        %mul3A_898 = arith.mulf %get3A_875, %broadcast_in_dim3A_455 : vector<16xf32>
        %mul3A_899 = arith.mulf %get3A_879, %broadcast_in_dim3A_479 : vector<16xf32>
        %add3A_900 = arith.addf %mul3A_898, %mul3A_899 : vector<16xf32>
        %mul3A_901 = arith.mulf %get3A_883, %broadcast_in_dim3A_503 : vector<16xf32>
        %add3A_902 = arith.addf %add3A_900, %mul3A_901 : vector<16xf32>
        %sub3A_903 = arith.subf %broadcast_in_dim3A_431, %add3A_902 : vector<16xf32>
        %add3A_904 = arith.addf %sub3A_903, %get3A_885 : vector<16xf32>
        %swap3A_905 = arith.constant 1 : i32
        %swap3A_906 = arith.index_cast %swap3A_905 : i32 to index
        %swap3A_907 = arith.index_cast %mul3A_871 : i32 to index
        %swap3A_908 = tpu.vector_load %arg7[%swap3A_906, %swap3A_907] {strides = array<i32>} : memref<16x2048xf32, #tpu.memory_space<vmem>>, vector<16xf32>,
        tpu.vector_store %arg7[%swap3A_906, %swap3A_907], %add3A_904 {strides = array<i32>} : memref<16x2048xf32, #tpu.memory_space<vmem>>, vector<16xf32>,
        %min3A_909 = arith.minimumf %min3A_793, %add3A_904 : vector<16xf32>
        %mul3A_910 = arith.mulf %get3A_875, %broadcast_in_dim3A_458 : vector<16xf32>
        %mul3A_911 = arith.mulf %get3A_879, %broadcast_in_dim3A_482 : vector<16xf32>
        %add3A_912 = arith.addf %mul3A_910, %mul3A_911 : vector<16xf32>
        %mul3A_913 = arith.mulf %get3A_883, %broadcast_in_dim3A_506 : vector<16xf32>
        %add3A_914 = arith.addf %add3A_912, %mul3A_913 : vector<16xf32>
        %sub3A_915 = arith.subf %broadcast_in_dim3A_434, %add3A_914 : vector<16xf32>
        %add3A_916 = arith.addf %sub3A_915, %get3A_885 : vector<16xf32>
        %swap3A_917 = arith.constant 2 : i32
        %swap3A_918 = arith.index_cast %swap3A_917 : i32 to index
        %swap3A_919 = arith.index_cast %mul3A_871 : i32 to index
        %swap3A_920 = tpu.vector_load %arg7[%swap3A_918, %swap3A_919] {strides = array<i32>} : memref<16x2048xf32, #tpu.memory_space<vmem>>, vector<16xf32>,
        tpu.vector_store %arg7[%swap3A_918, %swap3A_919], %add3A_916 {strides = array<i32>} : memref<16x2048xf32, #tpu.memory_space<vmem>>, vector<16xf32>,
        %min3A_921 = arith.minimumf %min3A_805, %add3A_916 : vector<16xf32>
        %mul3A_922 = arith.mulf %get3A_875, %broadcast_in_dim3A_461 : vector<16xf32>
        %mul3A_923 = arith.mulf %get3A_879, %broadcast_in_dim3A_485 : vector<16xf32>
        %add3A_924 = arith.addf %mul3A_922, %mul3A_923 : vector<16xf32>
        %mul3A_925 = arith.mulf %get3A_883, %broadcast_in_dim3A_509 : vector<16xf32>
        %add3A_926 = arith.addf %add3A_924, %mul3A_925 : vector<16xf32>
        %sub3A_927 = arith.subf %broadcast_in_dim3A_437, %add3A_926 : vector<16xf32>
        %add3A_928 = arith.addf %sub3A_927, %get3A_885 : vector<16xf32>
        %swap3A_929 = arith.constant 3 : i32
        %swap3A_930 = arith.index_cast %swap3A_929 : i32 to index
        %swap3A_931 = arith.index_cast %mul3A_871 : i32 to index
        %swap3A_932 = tpu.vector_load %arg7[%swap3A_930, %swap3A_931] {strides = array<i32>} : memref<16x2048xf32, #tpu.memory_space<vmem>>, vector<16xf32>,
        tpu.vector_store %arg7[%swap3A_930, %swap3A_931], %add3A_928 {strides = array<i32>} : memref<16x2048xf32, #tpu.memory_space<vmem>>, vector<16xf32>,
        %min3A_933 = arith.minimumf %min3A_817, %add3A_928 : vector<16xf32>
        %mul3A_934 = arith.mulf %get3A_875, %broadcast_in_dim3A_464 : vector<16xf32>
        %mul3A_935 = arith.mulf %get3A_879, %broadcast_in_dim3A_488 : vector<16xf32>
        %add3A_936 = arith.addf %mul3A_934, %mul3A_935 : vector<16xf32>
        %mul3A_937 = arith.mulf %get3A_883, %broadcast_in_dim3A_512 : vector<16xf32>
        %add3A_938 = arith.addf %add3A_936, %mul3A_937 : vector<16xf32>
        %sub3A_939 = arith.subf %broadcast_in_dim3A_440, %add3A_938 : vector<16xf32>
        %add3A_940 = arith.addf %sub3A_939, %get3A_885 : vector<16xf32>
        %swap3A_941 = arith.constant 4 : i32
        %swap3A_942 = arith.index_cast %swap3A_941 : i32 to index
        %swap3A_943 = arith.index_cast %mul3A_871 : i32 to index
        %swap3A_944 = tpu.vector_load %arg7[%swap3A_942, %swap3A_943] {strides = array<i32>} : memref<16x2048xf32, #tpu.memory_space<vmem>>, vector<16xf32>,
        tpu.vector_store %arg7[%swap3A_942, %swap3A_943], %add3A_940 {strides = array<i32>} : memref<16x2048xf32, #tpu.memory_space<vmem>>, vector<16xf32>,
        %min3A_945 = arith.minimumf %min3A_829, %add3A_940 : vector<16xf32>
        %mul3A_946 = arith.mulf %get3A_875, %broadcast_in_dim3A_467 : vector<16xf32>
        %mul3A_947 = arith.mulf %get3A_879, %broadcast_in_dim3A_491 : vector<16xf32>
        %add3A_948 = arith.addf %mul3A_946, %mul3A_947 : vector<16xf32>
        %mul3A_949 = arith.mulf %get3A_883, %broadcast_in_dim3A_515 : vector<16xf32>
        %add3A_950 = arith.addf %add3A_948, %mul3A_949 : vector<16xf32>
        %sub3A_951 = arith.subf %broadcast_in_dim3A_443, %add3A_950 : vector<16xf32>
        %add3A_952 = arith.addf %sub3A_951, %get3A_885 : vector<16xf32>
        %swap3A_953 = arith.constant 5 : i32
        %swap3A_954 = arith.index_cast %swap3A_953 : i32 to index
        %swap3A_955 = arith.index_cast %mul3A_871 : i32 to index
        %swap3A_956 = tpu.vector_load %arg7[%swap3A_954, %swap3A_955] {strides = array<i32>} : memref<16x2048xf32, #tpu.memory_space<vmem>>, vector<16xf32>,
        tpu.vector_store %arg7[%swap3A_954, %swap3A_955], %add3A_952 {strides = array<i32>} : memref<16x2048xf32, #tpu.memory_space<vmem>>, vector<16xf32>,
        %min3A_957 = arith.minimumf %min3A_841, %add3A_952 : vector<16xf32>
        %mul3A_958 = arith.mulf %get3A_875, %broadcast_in_dim3A_470 : vector<16xf32>
        %mul3A_959 = arith.mulf %get3A_879, %broadcast_in_dim3A_494 : vector<16xf32>
        %add3A_960 = arith.addf %mul3A_958, %mul3A_959 : vector<16xf32>
        %mul3A_961 = arith.mulf %get3A_883, %broadcast_in_dim3A_518 : vector<16xf32>
        %add3A_962 = arith.addf %add3A_960, %mul3A_961 : vector<16xf32>
        %sub3A_963 = arith.subf %broadcast_in_dim3A_446, %add3A_962 : vector<16xf32>
        %add3A_964 = arith.addf %sub3A_963, %get3A_885 : vector<16xf32>
        %swap3A_965 = arith.constant 6 : i32
        %swap3A_966 = arith.index_cast %swap3A_965 : i32 to index
        %swap3A_967 = arith.index_cast %mul3A_871 : i32 to index
        %swap3A_968 = tpu.vector_load %arg7[%swap3A_966, %swap3A_967] {strides = array<i32>} : memref<16x2048xf32, #tpu.memory_space<vmem>>, vector<16xf32>,
        tpu.vector_store %arg7[%swap3A_966, %swap3A_967], %add3A_964 {strides = array<i32>} : memref<16x2048xf32, #tpu.memory_space<vmem>>, vector<16xf32>,
        %min3A_969 = arith.minimumf %min3A_853, %add3A_964 : vector<16xf32>
        %mul3A_970 = arith.mulf %get3A_875, %broadcast_in_dim3A_473 : vector<16xf32>
        %mul3A_971 = arith.mulf %get3A_879, %broadcast_in_dim3A_497 : vector<16xf32>
        %add3A_972 = arith.addf %mul3A_970, %mul3A_971 : vector<16xf32>
        %mul3A_973 = arith.mulf %get3A_883, %broadcast_in_dim3A_521 : vector<16xf32>
        %add3A_974 = arith.addf %add3A_972, %mul3A_973 : vector<16xf32>
        %sub3A_975 = arith.subf %broadcast_in_dim3A_449, %add3A_974 : vector<16xf32>
        %add3A_976 = arith.addf %sub3A_975, %get3A_885 : vector<16xf32>
        %swap3A_977 = arith.constant 7 : i32
        %swap3A_978 = arith.index_cast %swap3A_977 : i32 to index
        %swap3A_979 = arith.index_cast %mul3A_871 : i32 to index
        %swap3A_980 = tpu.vector_load %arg7[%swap3A_978, %swap3A_979] {strides = array<i32>} : memref<16x2048xf32, #tpu.memory_space<vmem>>, vector<16xf32>,
        tpu.vector_store %arg7[%swap3A_978, %swap3A_979], %add3A_976 {strides = array<i32>} : memref<16x2048xf32, #tpu.memory_space<vmem>>, vector<16xf32>,
        %min3A_981 = arith.minimumf %min3A_865, %add3A_976 : vector<16xf32>
        scf.yield %min3A_897, %min3A_909, %min3A_921, %min3A_933, %min3A_945, %min3A_957, %min3A_969, %min3A_981 : vector<16xf32>, vector<16xf32>, vector<16xf32>, vector<16xf32>, vector<16xf32>, vector<16xf32>, vector<16xf32>, vector<16xf32>
      }
      %scan3A_527 = arith.constant 64 : i32
      %masked_sort3A_528 = arith.constant dense<true> : vector<16xi1>
      %masked_sort3A_529, %masked_sort3A_530, %masked_sort3A_531 = tpu.sort %scan3A_526#0, %scan3A_526#0 masked %masked_sort3A_528 : (vector<16xf32>, vector<16xf32>, vector<16xi1>) -> (vector<16xi1>, vector<16xf32>, vector<16xf32>)
      %slice3A_532 = vector.extract_strided_slice %masked_sort3A_530 {offsets = [15], sizes = [1], strides = [1]} : vector<16xf32> to vector<1xf32>
      %squeeze3A_533 = vector.extract %slice3A_532[0] : f32 from vector<1xf32>
      %broadcast_in_dim3A_534 = vector.broadcast %squeeze3A_533 : f32 to vector<16xf32>
      %masked_sort3A_535 = arith.constant dense<true> : vector<16xi1>
      %masked_sort3A_536, %masked_sort3A_537, %masked_sort3A_538 = tpu.sort %scan3A_526#1, %scan3A_526#1 masked %masked_sort3A_535 : (vector<16xf32>, vector<16xf32>, vector<16xi1>) -> (vector<16xi1>, vector<16xf32>, vector<16xf32>)
      %slice3A_539 = vector.extract_strided_slice %masked_sort3A_537 {offsets = [15], sizes = [1], strides = [1]} : vector<16xf32> to vector<1xf32>
      %squeeze3A_540 = vector.extract %slice3A_539[0] : f32 from vector<1xf32>
      %broadcast_in_dim3A_541 = vector.broadcast %squeeze3A_540 : f32 to vector<16xf32>
      %masked_sort3A_542 = arith.constant dense<true> : vector<16xi1>
      %masked_sort3A_543, %masked_sort3A_544, %masked_sort3A_545 = tpu.sort %scan3A_526#2, %scan3A_526#2 masked %masked_sort3A_542 : (vector<16xf32>, vector<16xf32>, vector<16xi1>) -> (vector<16xi1>, vector<16xf32>, vector<16xf32>)
      %slice3A_546 = vector.extract_strided_slice %masked_sort3A_544 {offsets = [15], sizes = [1], strides = [1]} : vector<16xf32> to vector<1xf32>
      %squeeze3A_547 = vector.extract %slice3A_546[0] : f32 from vector<1xf32>
      %broadcast_in_dim3A_548 = vector.broadcast %squeeze3A_547 : f32 to vector<16xf32>
      %masked_sort3A_549 = arith.constant dense<true> : vector<16xi1>
      %masked_sort3A_550, %masked_sort3A_551, %masked_sort3A_552 = tpu.sort %scan3A_526#3, %scan3A_526#3 masked %masked_sort3A_549 : (vector<16xf32>, vector<16xf32>, vector<16xi1>) -> (vector<16xi1>, vector<16xf32>, vector<16xf32>)
      %slice3A_553 = vector.extract_strided_slice %masked_sort3A_551 {offsets = [15], sizes = [1], strides = [1]} : vector<16xf32> to vector<1xf32>
      %squeeze3A_554 = vector.extract %slice3A_553[0] : f32 from vector<1xf32>
      %broadcast_in_dim3A_555 = vector.broadcast %squeeze3A_554 : f32 to vector<16xf32>
      %masked_sort3A_556 = arith.constant dense<true> : vector<16xi1>
      %masked_sort3A_557, %masked_sort3A_558, %masked_sort3A_559 = tpu.sort %scan3A_526#4, %scan3A_526#4 masked %masked_sort3A_556 : (vector<16xf32>, vector<16xf32>, vector<16xi1>) -> (vector<16xi1>, vector<16xf32>, vector<16xf32>)
      %slice3A_560 = vector.extract_strided_slice %masked_sort3A_558 {offsets = [15], sizes = [1], strides = [1]} : vector<16xf32> to vector<1xf32>
      %squeeze3A_561 = vector.extract %slice3A_560[0] : f32 from vector<1xf32>
      %broadcast_in_dim3A_562 = vector.broadcast %squeeze3A_561 : f32 to vector<16xf32>
      %masked_sort3A_563 = arith.constant dense<true> : vector<16xi1>
      %masked_sort3A_564, %masked_sort3A_565, %masked_sort3A_566 = tpu.sort %scan3A_526#5, %scan3A_526#5 masked %masked_sort3A_563 : (vector<16xf32>, vector<16xf32>, vector<16xi1>) -> (vector<16xi1>, vector<16xf32>, vector<16xf32>)
      %slice3A_567 = vector.extract_strided_slice %masked_sort3A_565 {offsets = [15], sizes = [1], strides = [1]} : vector<16xf32> to vector<1xf32>
      %squeeze3A_568 = vector.extract %slice3A_567[0] : f32 from vector<1xf32>
      %broadcast_in_dim3A_569 = vector.broadcast %squeeze3A_568 : f32 to vector<16xf32>
      %masked_sort3A_570 = arith.constant dense<true> : vector<16xi1>
      %masked_sort3A_571, %masked_sort3A_572, %masked_sort3A_573 = tpu.sort %scan3A_526#6, %scan3A_526#6 masked %masked_sort3A_570 : (vector<16xf32>, vector<16xf32>, vector<16xi1>) -> (vector<16xi1>, vector<16xf32>, vector<16xf32>)
      %slice3A_574 = vector.extract_strided_slice %masked_sort3A_572 {offsets = [15], sizes = [1], strides = [1]} : vector<16xf32> to vector<1xf32>
      %squeeze3A_575 = vector.extract %slice3A_574[0] : f32 from vector<1xf32>
      %broadcast_in_dim3A_576 = vector.broadcast %squeeze3A_575 : f32 to vector<16xf32>
      %masked_sort3A_577 = arith.constant dense<true> : vector<16xi1>
      %masked_sort3A_578, %masked_sort3A_579, %masked_sort3A_580 = tpu.sort %scan3A_526#7, %scan3A_526#7 masked %masked_sort3A_577 : (vector<16xf32>, vector<16xf32>, vector<16xi1>) -> (vector<16xi1>, vector<16xf32>, vector<16xf32>)
      %slice3A_581 = vector.extract_strided_slice %masked_sort3A_579 {offsets = [15], sizes = [1], strides = [1]} : vector<16xf32> to vector<1xf32>
      %squeeze3A_582 = vector.extract %slice3A_581[0] : f32 from vector<1xf32>
      %broadcast_in_dim3A_583 = vector.broadcast %squeeze3A_582 : f32 to vector<16xf32>
      %scan3A_584 = arith.constant 0 : i32
      %scan3A_585 = arith.constant 0 : i32
      %scan3A_586 = arith.constant 0 : i32
      %scan3A_587 = arith.constant 0 : i32
      %scan3A_588 = arith.constant 0 : i32
      %scan3A_589 = arith.constant 0 : i32
      %scan3A_590 = arith.constant 0 : i32
      %scan3A_591 = arith.constant 0 : i32
      %scan3A_592 = arith.constant 0 : i32
      %scan3A_593 = arith.constant 64 : i32
      %scan3A_594 = arith.addi %scan3A_592, %scan3A_593 : i32
      %scan3A_595 = arith.constant 1 : i32
      %scan3A_596:8 = scf.for %scan3A_742 = %scan3A_592 to %scan3A_594 step %scan3A_595 iter_args(%scan3A_743 = %scan3A_584, %scan3A_744 = %scan3A_585, %scan3A_745 = %scan3A_586, %scan3A_746 = %scan3A_587, %scan3A_747 = %scan3A_588, %scan3A_748 = %scan3A_589, %scan3A_749 = %scan3A_590, %scan3A_750 = %scan3A_591) -> (i32, i32, i32, i32, i32, i32, i32, i32)  : i32 {
        %mul3A_751 = arith.constant 2 : i32
        %mul3A_752 = arith.muli %mul3A_751, %scan3A_742 : i32
        %add3A_753 = arith.constant 0 : i32
        %add3A_754 = arith.addi %mul3A_752, %add3A_753 : i32
        %mul3A_755 = arith.constant 16 : i32
        %mul3A_756 = arith.muli %add3A_754, %mul3A_755 : i32
        %get3A_757 = arith.constant 0 : i32
        %get3A_758 = arith.index_cast %get3A_757 : i32 to index
        %get3A_759 = arith.index_cast %mul3A_756 : i32 to index
        %get3A_760 = tpu.vector_load %arg7[%get3A_758, %get3A_759] {strides = array<i32>} : memref<16x2048xf32, #tpu.memory_space<vmem>>, vector<16xf32>,
        %le3A = arith.cmpf ole, %get3A_760, %broadcast_in_dim3A_534 : vector<16xf32>
        %swap3A_761 = arith.index_cast %scan3A_743 : i32 to index
        %swap3A_762 = tpu.vector_load %arg8[%swap3A_761] masked %le3A {strides = array<i32>} : memref<2064xf32, #tpu.memory_space<vmem>>, vector<16xf32>, vector<16xi1>
        tpu.vector_store %arg8[%swap3A_761], %get3A_760 masked %le3A {strides = array<i32>} : memref<2064xf32, #tpu.memory_space<vmem>>, vector<16xf32>, vector<16xi1>
        %all_reduce_population_count3A = tpu.all_reduce %le3A {dim = 0 : i64, kind = #tpu.reduction_kind<sum>} : vector<16xi1> -> vector<16xi32>
        %slice3A_763 = vector.extract_strided_slice %all_reduce_population_count3A {offsets = [0], sizes = [1], strides = [1]} : vector<16xi32> to vector<1xi32>
        %squeeze3A_764 = vector.extract %slice3A_763[0] : i32 from vector<1xi32>
        %add3A_765 = arith.addi %scan3A_743, %squeeze3A_764 : i32
        %get3A_766 = arith.constant 1 : i32
        %get3A_767 = arith.index_cast %get3A_766 : i32 to index
        %get3A_768 = arith.index_cast %mul3A_756 : i32 to index
        %get3A_769 = tpu.vector_load %arg7[%get3A_767, %get3A_768] {strides = array<i32>} : memref<16x2048xf32, #tpu.memory_space<vmem>>, vector<16xf32>,
        %le3A_770 = arith.cmpf ole, %get3A_769, %broadcast_in_dim3A_541 : vector<16xf32>
        %swap3A_771 = arith.index_cast %scan3A_744 : i32 to index
        %swap3A_772 = tpu.vector_load %arg9[%swap3A_771] masked %le3A_770 {strides = array<i32>} : memref<2064xf32, #tpu.memory_space<vmem>>, vector<16xf32>, vector<16xi1>
        tpu.vector_store %arg9[%swap3A_771], %get3A_769 masked %le3A_770 {strides = array<i32>} : memref<2064xf32, #tpu.memory_space<vmem>>, vector<16xf32>, vector<16xi1>
        %all_reduce_population_count3A_773 = tpu.all_reduce %le3A_770 {dim = 0 : i64, kind = #tpu.reduction_kind<sum>} : vector<16xi1> -> vector<16xi32>
        %slice3A_774 = vector.extract_strided_slice %all_reduce_population_count3A_773 {offsets = [0], sizes = [1], strides = [1]} : vector<16xi32> to vector<1xi32>
        %squeeze3A_775 = vector.extract %slice3A_774[0] : i32 from vector<1xi32>
        %add3A_776 = arith.addi %scan3A_744, %squeeze3A_775 : i32
        %get3A_777 = arith.constant 2 : i32
        %get3A_778 = arith.index_cast %get3A_777 : i32 to index
        %get3A_779 = arith.index_cast %mul3A_756 : i32 to index
        %get3A_780 = tpu.vector_load %arg7[%get3A_778, %get3A_779] {strides = array<i32>} : memref<16x2048xf32, #tpu.memory_space<vmem>>, vector<16xf32>,
        %le3A_781 = arith.cmpf ole, %get3A_780, %broadcast_in_dim3A_548 : vector<16xf32>
        %swap3A_782 = arith.index_cast %scan3A_745 : i32 to index
        %swap3A_783 = tpu.vector_load %arg10[%swap3A_782] masked %le3A_781 {strides = array<i32>} : memref<2064xf32, #tpu.memory_space<vmem>>, vector<16xf32>, vector<16xi1>
        tpu.vector_store %arg10[%swap3A_782], %get3A_780 masked %le3A_781 {strides = array<i32>} : memref<2064xf32, #tpu.memory_space<vmem>>, vector<16xf32>, vector<16xi1>
        %all_reduce_population_count3A_784 = tpu.all_reduce %le3A_781 {dim = 0 : i64, kind = #tpu.reduction_kind<sum>} : vector<16xi1> -> vector<16xi32>
        %slice3A_785 = vector.extract_strided_slice %all_reduce_population_count3A_784 {offsets = [0], sizes = [1], strides = [1]} : vector<16xi32> to vector<1xi32>
        %squeeze3A_786 = vector.extract %slice3A_785[0] : i32 from vector<1xi32>
        %add3A_787 = arith.addi %scan3A_745, %squeeze3A_786 : i32
        %get3A_788 = arith.constant 3 : i32
        %get3A_789 = arith.index_cast %get3A_788 : i32 to index
        %get3A_790 = arith.index_cast %mul3A_756 : i32 to index
        %get3A_791 = tpu.vector_load %arg7[%get3A_789, %get3A_790] {strides = array<i32>} : memref<16x2048xf32, #tpu.memory_space<vmem>>, vector<16xf32>,
        %le3A_792 = arith.cmpf ole, %get3A_791, %broadcast_in_dim3A_555 : vector<16xf32>
        %swap3A_793 = arith.index_cast %scan3A_746 : i32 to index
        %swap3A_794 = tpu.vector_load %arg11[%swap3A_793] masked %le3A_792 {strides = array<i32>} : memref<2064xf32, #tpu.memory_space<vmem>>, vector<16xf32>, vector<16xi1>
        tpu.vector_store %arg11[%swap3A_793], %get3A_791 masked %le3A_792 {strides = array<i32>} : memref<2064xf32, #tpu.memory_space<vmem>>, vector<16xf32>, vector<16xi1>
        %all_reduce_population_count3A_795 = tpu.all_reduce %le3A_792 {dim = 0 : i64, kind = #tpu.reduction_kind<sum>} : vector<16xi1> -> vector<16xi32>
        %slice3A_796 = vector.extract_strided_slice %all_reduce_population_count3A_795 {offsets = [0], sizes = [1], strides = [1]} : vector<16xi32> to vector<1xi32>
        %squeeze3A_797 = vector.extract %slice3A_796[0] : i32 from vector<1xi32>
        %add3A_798 = arith.addi %scan3A_746, %squeeze3A_797 : i32
        %get3A_799 = arith.constant 4 : i32
        %get3A_800 = arith.index_cast %get3A_799 : i32 to index
        %get3A_801 = arith.index_cast %mul3A_756 : i32 to index
        %get3A_802 = tpu.vector_load %arg7[%get3A_800, %get3A_801] {strides = array<i32>} : memref<16x2048xf32, #tpu.memory_space<vmem>>, vector<16xf32>,
        %le3A_803 = arith.cmpf ole, %get3A_802, %broadcast_in_dim3A_562 : vector<16xf32>
        %swap3A_804 = arith.index_cast %scan3A_747 : i32 to index
        %swap3A_805 = tpu.vector_load %arg12[%swap3A_804] masked %le3A_803 {strides = array<i32>} : memref<2064xf32, #tpu.memory_space<vmem>>, vector<16xf32>, vector<16xi1>
        tpu.vector_store %arg12[%swap3A_804], %get3A_802 masked %le3A_803 {strides = array<i32>} : memref<2064xf32, #tpu.memory_space<vmem>>, vector<16xf32>, vector<16xi1>
        %all_reduce_population_count3A_806 = tpu.all_reduce %le3A_803 {dim = 0 : i64, kind = #tpu.reduction_kind<sum>} : vector<16xi1> -> vector<16xi32>
        %slice3A_807 = vector.extract_strided_slice %all_reduce_population_count3A_806 {offsets = [0], sizes = [1], strides = [1]} : vector<16xi32> to vector<1xi32>
        %squeeze3A_808 = vector.extract %slice3A_807[0] : i32 from vector<1xi32>
        %add3A_809 = arith.addi %scan3A_747, %squeeze3A_808 : i32
        %get3A_810 = arith.constant 5 : i32
        %get3A_811 = arith.index_cast %get3A_810 : i32 to index
        %get3A_812 = arith.index_cast %mul3A_756 : i32 to index
        %get3A_813 = tpu.vector_load %arg7[%get3A_811, %get3A_812] {strides = array<i32>} : memref<16x2048xf32, #tpu.memory_space<vmem>>, vector<16xf32>,
        %le3A_814 = arith.cmpf ole, %get3A_813, %broadcast_in_dim3A_569 : vector<16xf32>
        %swap3A_815 = arith.index_cast %scan3A_748 : i32 to index
        %swap3A_816 = tpu.vector_load %arg13[%swap3A_815] masked %le3A_814 {strides = array<i32>} : memref<2064xf32, #tpu.memory_space<vmem>>, vector<16xf32>, vector<16xi1>
        tpu.vector_store %arg13[%swap3A_815], %get3A_813 masked %le3A_814 {strides = array<i32>} : memref<2064xf32, #tpu.memory_space<vmem>>, vector<16xf32>, vector<16xi1>
        %all_reduce_population_count3A_817 = tpu.all_reduce %le3A_814 {dim = 0 : i64, kind = #tpu.reduction_kind<sum>} : vector<16xi1> -> vector<16xi32>
        %slice3A_818 = vector.extract_strided_slice %all_reduce_population_count3A_817 {offsets = [0], sizes = [1], strides = [1]} : vector<16xi32> to vector<1xi32>
        %squeeze3A_819 = vector.extract %slice3A_818[0] : i32 from vector<1xi32>
        %add3A_820 = arith.addi %scan3A_748, %squeeze3A_819 : i32
        %get3A_821 = arith.constant 6 : i32
        %get3A_822 = arith.index_cast %get3A_821 : i32 to index
        %get3A_823 = arith.index_cast %mul3A_756 : i32 to index
        %get3A_824 = tpu.vector_load %arg7[%get3A_822, %get3A_823] {strides = array<i32>} : memref<16x2048xf32, #tpu.memory_space<vmem>>, vector<16xf32>,
        %le3A_825 = arith.cmpf ole, %get3A_824, %broadcast_in_dim3A_576 : vector<16xf32>
        %swap3A_826 = arith.index_cast %scan3A_749 : i32 to index
        %swap3A_827 = tpu.vector_load %arg14[%swap3A_826] masked %le3A_825 {strides = array<i32>} : memref<2064xf32, #tpu.memory_space<vmem>>, vector<16xf32>, vector<16xi1>
        tpu.vector_store %arg14[%swap3A_826], %get3A_824 masked %le3A_825 {strides = array<i32>} : memref<2064xf32, #tpu.memory_space<vmem>>, vector<16xf32>, vector<16xi1>
        %all_reduce_population_count3A_828 = tpu.all_reduce %le3A_825 {dim = 0 : i64, kind = #tpu.reduction_kind<sum>} : vector<16xi1> -> vector<16xi32>
        %slice3A_829 = vector.extract_strided_slice %all_reduce_population_count3A_828 {offsets = [0], sizes = [1], strides = [1]} : vector<16xi32> to vector<1xi32>
        %squeeze3A_830 = vector.extract %slice3A_829[0] : i32 from vector<1xi32>
        %add3A_831 = arith.addi %scan3A_749, %squeeze3A_830 : i32
        %get3A_832 = arith.constant 7 : i32
        %get3A_833 = arith.index_cast %get3A_832 : i32 to index
        %get3A_834 = arith.index_cast %mul3A_756 : i32 to index
        %get3A_835 = tpu.vector_load %arg7[%get3A_833, %get3A_834] {strides = array<i32>} : memref<16x2048xf32, #tpu.memory_space<vmem>>, vector<16xf32>,
        %le3A_836 = arith.cmpf ole, %get3A_835, %broadcast_in_dim3A_583 : vector<16xf32>
        %swap3A_837 = arith.index_cast %scan3A_750 : i32 to index
        %swap3A_838 = tpu.vector_load %arg15[%swap3A_837] masked %le3A_836 {strides = array<i32>} : memref<2064xf32, #tpu.memory_space<vmem>>, vector<16xf32>, vector<16xi1>
        tpu.vector_store %arg15[%swap3A_837], %get3A_835 masked %le3A_836 {strides = array<i32>} : memref<2064xf32, #tpu.memory_space<vmem>>, vector<16xf32>, vector<16xi1>
        %all_reduce_population_count3A_839 = tpu.all_reduce %le3A_836 {dim = 0 : i64, kind = #tpu.reduction_kind<sum>} : vector<16xi1> -> vector<16xi32>
        %slice3A_840 = vector.extract_strided_slice %all_reduce_population_count3A_839 {offsets = [0], sizes = [1], strides = [1]} : vector<16xi32> to vector<1xi32>
        %squeeze3A_841 = vector.extract %slice3A_840[0] : i32 from vector<1xi32>
        %add3A_842 = arith.addi %scan3A_750, %squeeze3A_841 : i32
        %mul3A_843 = arith.constant 2 : i32
        %mul3A_844 = arith.muli %mul3A_843, %scan3A_742 : i32
        %add3A_845 = arith.constant 1 : i32
        %add3A_846 = arith.addi %mul3A_844, %add3A_845 : i32
        %mul3A_847 = arith.constant 16 : i32
        %mul3A_848 = arith.muli %add3A_846, %mul3A_847 : i32
        %get3A_849 = arith.constant 0 : i32
        %get3A_850 = arith.index_cast %get3A_849 : i32 to index
        %get3A_851 = arith.index_cast %mul3A_848 : i32 to index
        %get3A_852 = tpu.vector_load %arg7[%get3A_850, %get3A_851] {strides = array<i32>} : memref<16x2048xf32, #tpu.memory_space<vmem>>, vector<16xf32>,
        %le3A_853 = arith.cmpf ole, %get3A_852, %broadcast_in_dim3A_534 : vector<16xf32>
        %swap3A_854 = arith.index_cast %add3A_765 : i32 to index
        %swap3A_855 = tpu.vector_load %arg8[%swap3A_854] masked %le3A_853 {strides = array<i32>} : memref<2064xf32, #tpu.memory_space<vmem>>, vector<16xf32>, vector<16xi1>
        tpu.vector_store %arg8[%swap3A_854], %get3A_852 masked %le3A_853 {strides = array<i32>} : memref<2064xf32, #tpu.memory_space<vmem>>, vector<16xf32>, vector<16xi1>
        %all_reduce_population_count3A_856 = tpu.all_reduce %le3A_853 {dim = 0 : i64, kind = #tpu.reduction_kind<sum>} : vector<16xi1> -> vector<16xi32>
        %slice3A_857 = vector.extract_strided_slice %all_reduce_population_count3A_856 {offsets = [0], sizes = [1], strides = [1]} : vector<16xi32> to vector<1xi32>
        %squeeze3A_858 = vector.extract %slice3A_857[0] : i32 from vector<1xi32>
        %add3A_859 = arith.addi %add3A_765, %squeeze3A_858 : i32
        %get3A_860 = arith.constant 1 : i32
        %get3A_861 = arith.index_cast %get3A_860 : i32 to index
        %get3A_862 = arith.index_cast %mul3A_848 : i32 to index
        %get3A_863 = tpu.vector_load %arg7[%get3A_861, %get3A_862] {strides = array<i32>} : memref<16x2048xf32, #tpu.memory_space<vmem>>, vector<16xf32>,
        %le3A_864 = arith.cmpf ole, %get3A_863, %broadcast_in_dim3A_541 : vector<16xf32>
        %swap3A_865 = arith.index_cast %add3A_776 : i32 to index
        %swap3A_866 = tpu.vector_load %arg9[%swap3A_865] masked %le3A_864 {strides = array<i32>} : memref<2064xf32, #tpu.memory_space<vmem>>, vector<16xf32>, vector<16xi1>
        tpu.vector_store %arg9[%swap3A_865], %get3A_863 masked %le3A_864 {strides = array<i32>} : memref<2064xf32, #tpu.memory_space<vmem>>, vector<16xf32>, vector<16xi1>
        %all_reduce_population_count3A_867 = tpu.all_reduce %le3A_864 {dim = 0 : i64, kind = #tpu.reduction_kind<sum>} : vector<16xi1> -> vector<16xi32>
        %slice3A_868 = vector.extract_strided_slice %all_reduce_population_count3A_867 {offsets = [0], sizes = [1], strides = [1]} : vector<16xi32> to vector<1xi32>
        %squeeze3A_869 = vector.extract %slice3A_868[0] : i32 from vector<1xi32>
        %add3A_870 = arith.addi %add3A_776, %squeeze3A_869 : i32
        %get3A_871 = arith.constant 2 : i32
        %get3A_872 = arith.index_cast %get3A_871 : i32 to index
        %get3A_873 = arith.index_cast %mul3A_848 : i32 to index
        %get3A_874 = tpu.vector_load %arg7[%get3A_872, %get3A_873] {strides = array<i32>} : memref<16x2048xf32, #tpu.memory_space<vmem>>, vector<16xf32>,
        %le3A_875 = arith.cmpf ole, %get3A_874, %broadcast_in_dim3A_548 : vector<16xf32>
        %swap3A_876 = arith.index_cast %add3A_787 : i32 to index
        %swap3A_877 = tpu.vector_load %arg10[%swap3A_876] masked %le3A_875 {strides = array<i32>} : memref<2064xf32, #tpu.memory_space<vmem>>, vector<16xf32>, vector<16xi1>
        tpu.vector_store %arg10[%swap3A_876], %get3A_874 masked %le3A_875 {strides = array<i32>} : memref<2064xf32, #tpu.memory_space<vmem>>, vector<16xf32>, vector<16xi1>
        %all_reduce_population_count3A_878 = tpu.all_reduce %le3A_875 {dim = 0 : i64, kind = #tpu.reduction_kind<sum>} : vector<16xi1> -> vector<16xi32>
        %slice3A_879 = vector.extract_strided_slice %all_reduce_population_count3A_878 {offsets = [0], sizes = [1], strides = [1]} : vector<16xi32> to vector<1xi32>
        %squeeze3A_880 = vector.extract %slice3A_879[0] : i32 from vector<1xi32>
        %add3A_881 = arith.addi %add3A_787, %squeeze3A_880 : i32
        %get3A_882 = arith.constant 3 : i32
        %get3A_883 = arith.index_cast %get3A_882 : i32 to index
        %get3A_884 = arith.index_cast %mul3A_848 : i32 to index
        %get3A_885 = tpu.vector_load %arg7[%get3A_883, %get3A_884] {strides = array<i32>} : memref<16x2048xf32, #tpu.memory_space<vmem>>, vector<16xf32>,
        %le3A_886 = arith.cmpf ole, %get3A_885, %broadcast_in_dim3A_555 : vector<16xf32>
        %swap3A_887 = arith.index_cast %add3A_798 : i32 to index
        %swap3A_888 = tpu.vector_load %arg11[%swap3A_887] masked %le3A_886 {strides = array<i32>} : memref<2064xf32, #tpu.memory_space<vmem>>, vector<16xf32>, vector<16xi1>
        tpu.vector_store %arg11[%swap3A_887], %get3A_885 masked %le3A_886 {strides = array<i32>} : memref<2064xf32, #tpu.memory_space<vmem>>, vector<16xf32>, vector<16xi1>
        %all_reduce_population_count3A_889 = tpu.all_reduce %le3A_886 {dim = 0 : i64, kind = #tpu.reduction_kind<sum>} : vector<16xi1> -> vector<16xi32>
        %slice3A_890 = vector.extract_strided_slice %all_reduce_population_count3A_889 {offsets = [0], sizes = [1], strides = [1]} : vector<16xi32> to vector<1xi32>
        %squeeze3A_891 = vector.extract %slice3A_890[0] : i32 from vector<1xi32>
        %add3A_892 = arith.addi %add3A_798, %squeeze3A_891 : i32
        %get3A_893 = arith.constant 4 : i32
        %get3A_894 = arith.index_cast %get3A_893 : i32 to index
        %get3A_895 = arith.index_cast %mul3A_848 : i32 to index
        %get3A_896 = tpu.vector_load %arg7[%get3A_894, %get3A_895] {strides = array<i32>} : memref<16x2048xf32, #tpu.memory_space<vmem>>, vector<16xf32>,
        %le3A_897 = arith.cmpf ole, %get3A_896, %broadcast_in_dim3A_562 : vector<16xf32>
        %swap3A_898 = arith.index_cast %add3A_809 : i32 to index
        %swap3A_899 = tpu.vector_load %arg12[%swap3A_898] masked %le3A_897 {strides = array<i32>} : memref<2064xf32, #tpu.memory_space<vmem>>, vector<16xf32>, vector<16xi1>
        tpu.vector_store %arg12[%swap3A_898], %get3A_896 masked %le3A_897 {strides = array<i32>} : memref<2064xf32, #tpu.memory_space<vmem>>, vector<16xf32>, vector<16xi1>
        %all_reduce_population_count3A_900 = tpu.all_reduce %le3A_897 {dim = 0 : i64, kind = #tpu.reduction_kind<sum>} : vector<16xi1> -> vector<16xi32>
        %slice3A_901 = vector.extract_strided_slice %all_reduce_population_count3A_900 {offsets = [0], sizes = [1], strides = [1]} : vector<16xi32> to vector<1xi32>
        %squeeze3A_902 = vector.extract %slice3A_901[0] : i32 from vector<1xi32>
        %add3A_903 = arith.addi %add3A_809, %squeeze3A_902 : i32
        %get3A_904 = arith.constant 5 : i32
        %get3A_905 = arith.index_cast %get3A_904 : i32 to index
        %get3A_906 = arith.index_cast %mul3A_848 : i32 to index
        %get3A_907 = tpu.vector_load %arg7[%get3A_905, %get3A_906] {strides = array<i32>} : memref<16x2048xf32, #tpu.memory_space<vmem>>, vector<16xf32>,
        %le3A_908 = arith.cmpf ole, %get3A_907, %broadcast_in_dim3A_569 : vector<16xf32>
        %swap3A_909 = arith.index_cast %add3A_820 : i32 to index
        %swap3A_910 = tpu.vector_load %arg13[%swap3A_909] masked %le3A_908 {strides = array<i32>} : memref<2064xf32, #tpu.memory_space<vmem>>, vector<16xf32>, vector<16xi1>
        tpu.vector_store %arg13[%swap3A_909], %get3A_907 masked %le3A_908 {strides = array<i32>} : memref<2064xf32, #tpu.memory_space<vmem>>, vector<16xf32>, vector<16xi1>
        %all_reduce_population_count3A_911 = tpu.all_reduce %le3A_908 {dim = 0 : i64, kind = #tpu.reduction_kind<sum>} : vector<16xi1> -> vector<16xi32>
        %slice3A_912 = vector.extract_strided_slice %all_reduce_population_count3A_911 {offsets = [0], sizes = [1], strides = [1]} : vector<16xi32> to vector<1xi32>
        %squeeze3A_913 = vector.extract %slice3A_912[0] : i32 from vector<1xi32>
        %add3A_914 = arith.addi %add3A_820, %squeeze3A_913 : i32
        %get3A_915 = arith.constant 6 : i32
        %get3A_916 = arith.index_cast %get3A_915 : i32 to index
        %get3A_917 = arith.index_cast %mul3A_848 : i32 to index
        %get3A_918 = tpu.vector_load %arg7[%get3A_916, %get3A_917] {strides = array<i32>} : memref<16x2048xf32, #tpu.memory_space<vmem>>, vector<16xf32>,
        %le3A_919 = arith.cmpf ole, %get3A_918, %broadcast_in_dim3A_576 : vector<16xf32>
        %swap3A_920 = arith.index_cast %add3A_831 : i32 to index
        %swap3A_921 = tpu.vector_load %arg14[%swap3A_920] masked %le3A_919 {strides = array<i32>} : memref<2064xf32, #tpu.memory_space<vmem>>, vector<16xf32>, vector<16xi1>
        tpu.vector_store %arg14[%swap3A_920], %get3A_918 masked %le3A_919 {strides = array<i32>} : memref<2064xf32, #tpu.memory_space<vmem>>, vector<16xf32>, vector<16xi1>
        %all_reduce_population_count3A_922 = tpu.all_reduce %le3A_919 {dim = 0 : i64, kind = #tpu.reduction_kind<sum>} : vector<16xi1> -> vector<16xi32>
        %slice3A_923 = vector.extract_strided_slice %all_reduce_population_count3A_922 {offsets = [0], sizes = [1], strides = [1]} : vector<16xi32> to vector<1xi32>
        %squeeze3A_924 = vector.extract %slice3A_923[0] : i32 from vector<1xi32>
        %add3A_925 = arith.addi %add3A_831, %squeeze3A_924 : i32
        %get3A_926 = arith.constant 7 : i32
        %get3A_927 = arith.index_cast %get3A_926 : i32 to index
        %get3A_928 = arith.index_cast %mul3A_848 : i32 to index
        %get3A_929 = tpu.vector_load %arg7[%get3A_927, %get3A_928] {strides = array<i32>} : memref<16x2048xf32, #tpu.memory_space<vmem>>, vector<16xf32>,
        %le3A_930 = arith.cmpf ole, %get3A_929, %broadcast_in_dim3A_583 : vector<16xf32>
        %swap3A_931 = arith.index_cast %add3A_842 : i32 to index
        %swap3A_932 = tpu.vector_load %arg15[%swap3A_931] masked %le3A_930 {strides = array<i32>} : memref<2064xf32, #tpu.memory_space<vmem>>, vector<16xf32>, vector<16xi1>
        tpu.vector_store %arg15[%swap3A_931], %get3A_929 masked %le3A_930 {strides = array<i32>} : memref<2064xf32, #tpu.memory_space<vmem>>, vector<16xf32>, vector<16xi1>
        %all_reduce_population_count3A_933 = tpu.all_reduce %le3A_930 {dim = 0 : i64, kind = #tpu.reduction_kind<sum>} : vector<16xi1> -> vector<16xi32>
        %slice3A_934 = vector.extract_strided_slice %all_reduce_population_count3A_933 {offsets = [0], sizes = [1], strides = [1]} : vector<16xi32> to vector<1xi32>
        %squeeze3A_935 = vector.extract %slice3A_934[0] : i32 from vector<1xi32>
        %add3A_936 = arith.addi %add3A_842, %squeeze3A_935 : i32
        scf.yield %add3A_859, %add3A_870, %add3A_881, %add3A_892, %add3A_903, %add3A_914, %add3A_925, %add3A_936 : i32, i32, i32, i32, i32, i32, i32, i32
      }
      %scan3A_597 = arith.constant 64 : i32
      %swap3A_598 = arith.index_cast %scan3A_596#0 : i32 to index
      %swap3A_599 = tpu.vector_load %arg8[%swap3A_598] {strides = array<i32>} : memref<2064xf32, #tpu.memory_space<vmem>>, vector<16xf32>,
      tpu.vector_store %arg8[%swap3A_598], %broadcast_in_dim3A_31 {strides = array<i32>} : memref<2064xf32, #tpu.memory_space<vmem>>, vector<16xf32>,
      %add3A_600 = arith.constant 15 : i32
      %add3A_601 = arith.addi %scan3A_596#0, %add3A_600 : i32
      %div3A_602 = arith.constant 16 : i32
      %div3A_603 = arith.divsi %add3A_601, %div3A_602 : i32
      %while3A_604 = arith.constant 0 : i32
      %while3A_605 = arith.subi %div3A_603, %while3A_604 : i32
      %while3A_606 = arith.addi %while3A_604, %while3A_605 : i32
      %while3A_607 = arith.constant 1 : i32
      %while3A_608 = arith.divsi %while3A_605, %while3A_607 : i32
      %while3A_609 = arith.muli %while3A_608, %while3A_607 : i32
      %while3A_610 = arith.addi %while3A_604, %while3A_609 : i32
      %while3A_611 = arith.constant 1 : i32
      %while3A_612 = scf.for %while3A_742 = %while3A_604 to %while3A_610 step %while3A_611 iter_args(%while3A_743 = %broadcast_in_dim3A_31) -> (vector<16xf32>)  : i32 {
        %mul3A_744 = arith.constant 16 : i32
        %mul3A_745 = arith.muli %while3A_742, %mul3A_744 : i32
        %get3A_746 = arith.index_cast %mul3A_745 : i32 to index
        %get3A_747 = tpu.vector_load %arg8[%get3A_746] {strides = array<i32>} : memref<2064xf32, #tpu.memory_space<vmem>>, vector<16xf32>,
        %max3A = arith.maximumf %get3A_747, %broadcast_in_dim3A_33 : vector<16xf32>
        %masked_sort3A_748 = arith.constant dense<true> : vector<16xi1>
        %masked_sort3A_749, %masked_sort3A_750, %masked_sort3A_751 = tpu.sort %max3A, %max3A masked %masked_sort3A_748 {descending = true} : (vector<16xf32>, vector<16xf32>, vector<16xi1>) -> (vector<16xi1>, vector<16xf32>, vector<16xf32>)
        %min3A = arith.minimumf %while3A_743, %masked_sort3A_750 : vector<16xf32>
        %masked_sort3A_752 = arith.constant dense<true> : vector<16xi1>
        %masked_sort3A_753, %masked_sort3A_754, %masked_sort3A_755 = tpu.sort %min3A, %min3A masked %masked_sort3A_752 : (vector<16xf32>, vector<16xf32>, vector<16xi1>) -> (vector<16xi1>, vector<16xf32>, vector<16xf32>)
        scf.yield %masked_sort3A_754 : vector<16xf32>
      }
      %while3A_613 = arith.constant 1 : i32
      %while3A_614 = scf.for %while3A_742 = %while3A_610 to %while3A_606 step %while3A_613 iter_args(%while3A_743 = %while3A_612) -> (vector<16xf32>)  : i32 {
        %mul3A_744 = arith.constant 16 : i32
        %mul3A_745 = arith.muli %while3A_742, %mul3A_744 : i32
        %get3A_746 = arith.index_cast %mul3A_745 : i32 to index
        %get3A_747 = tpu.vector_load %arg8[%get3A_746] {strides = array<i32>} : memref<2064xf32, #tpu.memory_space<vmem>>, vector<16xf32>,
        %max3A = arith.maximumf %get3A_747, %broadcast_in_dim3A_33 : vector<16xf32>
        %masked_sort3A_748 = arith.constant dense<true> : vector<16xi1>
        %masked_sort3A_749, %masked_sort3A_750, %masked_sort3A_751 = tpu.sort %max3A, %max3A masked %masked_sort3A_748 {descending = true} : (vector<16xf32>, vector<16xf32>, vector<16xi1>) -> (vector<16xi1>, vector<16xf32>, vector<16xf32>)
        %min3A = arith.minimumf %while3A_743, %masked_sort3A_750 : vector<16xf32>
        %masked_sort3A_752 = arith.constant dense<true> : vector<16xi1>
        %masked_sort3A_753, %masked_sort3A_754, %masked_sort3A_755 = tpu.sort %min3A, %min3A masked %masked_sort3A_752 : (vector<16xf32>, vector<16xf32>, vector<16xi1>) -> (vector<16xi1>, vector<16xf32>, vector<16xf32>)
        scf.yield %masked_sort3A_754 : vector<16xf32>
      }
      %add3A_615 = arith.addf %add3A_425, %while3A_614 : vector<16xf32>
      %swap3A_616 = arith.index_cast %scan3A_596#1 : i32 to index
      %swap3A_617 = tpu.vector_load %arg9[%swap3A_616] {strides = array<i32>} : memref<2064xf32, #tpu.memory_space<vmem>>, vector<16xf32>,
      tpu.vector_store %arg9[%swap3A_616], %broadcast_in_dim3A_31 {strides = array<i32>} : memref<2064xf32, #tpu.memory_space<vmem>>, vector<16xf32>,
      %add3A_618 = arith.constant 15 : i32
      %add3A_619 = arith.addi %scan3A_596#1, %add3A_618 : i32
      %div3A_620 = arith.constant 16 : i32
      %div3A_621 = arith.divsi %add3A_619, %div3A_620 : i32
      %while3A_622 = arith.constant 0 : i32
      %while3A_623 = arith.subi %div3A_621, %while3A_622 : i32
      %while3A_624 = arith.addi %while3A_622, %while3A_623 : i32
      %while3A_625 = arith.constant 1 : i32
      %while3A_626 = arith.divsi %while3A_623, %while3A_625 : i32
      %while3A_627 = arith.muli %while3A_626, %while3A_625 : i32
      %while3A_628 = arith.addi %while3A_622, %while3A_627 : i32
      %while3A_629 = arith.constant 1 : i32
      %while3A_630 = scf.for %while3A_742 = %while3A_622 to %while3A_628 step %while3A_629 iter_args(%while3A_743 = %broadcast_in_dim3A_31) -> (vector<16xf32>)  : i32 {
        %mul3A_744 = arith.constant 16 : i32
        %mul3A_745 = arith.muli %while3A_742, %mul3A_744 : i32
        %get3A_746 = arith.index_cast %mul3A_745 : i32 to index
        %get3A_747 = tpu.vector_load %arg9[%get3A_746] {strides = array<i32>} : memref<2064xf32, #tpu.memory_space<vmem>>, vector<16xf32>,
        %max3A = arith.maximumf %get3A_747, %broadcast_in_dim3A_33 : vector<16xf32>
        %masked_sort3A_748 = arith.constant dense<true> : vector<16xi1>
        %masked_sort3A_749, %masked_sort3A_750, %masked_sort3A_751 = tpu.sort %max3A, %max3A masked %masked_sort3A_748 {descending = true} : (vector<16xf32>, vector<16xf32>, vector<16xi1>) -> (vector<16xi1>, vector<16xf32>, vector<16xf32>)
        %min3A = arith.minimumf %while3A_743, %masked_sort3A_750 : vector<16xf32>
        %masked_sort3A_752 = arith.constant dense<true> : vector<16xi1>
        %masked_sort3A_753, %masked_sort3A_754, %masked_sort3A_755 = tpu.sort %min3A, %min3A masked %masked_sort3A_752 : (vector<16xf32>, vector<16xf32>, vector<16xi1>) -> (vector<16xi1>, vector<16xf32>, vector<16xf32>)
        scf.yield %masked_sort3A_754 : vector<16xf32>
      }
      %while3A_631 = arith.constant 1 : i32
      %while3A_632 = scf.for %while3A_742 = %while3A_628 to %while3A_624 step %while3A_631 iter_args(%while3A_743 = %while3A_630) -> (vector<16xf32>)  : i32 {
        %mul3A_744 = arith.constant 16 : i32
        %mul3A_745 = arith.muli %while3A_742, %mul3A_744 : i32
        %get3A_746 = arith.index_cast %mul3A_745 : i32 to index
        %get3A_747 = tpu.vector_load %arg9[%get3A_746] {strides = array<i32>} : memref<2064xf32, #tpu.memory_space<vmem>>, vector<16xf32>,
        %max3A = arith.maximumf %get3A_747, %broadcast_in_dim3A_33 : vector<16xf32>
        %masked_sort3A_748 = arith.constant dense<true> : vector<16xi1>
        %masked_sort3A_749, %masked_sort3A_750, %masked_sort3A_751 = tpu.sort %max3A, %max3A masked %masked_sort3A_748 {descending = true} : (vector<16xf32>, vector<16xf32>, vector<16xi1>) -> (vector<16xi1>, vector<16xf32>, vector<16xf32>)
        %min3A = arith.minimumf %while3A_743, %masked_sort3A_750 : vector<16xf32>
        %masked_sort3A_752 = arith.constant dense<true> : vector<16xi1>
        %masked_sort3A_753, %masked_sort3A_754, %masked_sort3A_755 = tpu.sort %min3A, %min3A masked %masked_sort3A_752 : (vector<16xf32>, vector<16xf32>, vector<16xi1>) -> (vector<16xi1>, vector<16xf32>, vector<16xf32>)
        scf.yield %masked_sort3A_754 : vector<16xf32>
      }
      %add3A_633 = arith.addf %add3A_615, %while3A_632 : vector<16xf32>
      %swap3A_634 = arith.index_cast %scan3A_596#2 : i32 to index
      %swap3A_635 = tpu.vector_load %arg10[%swap3A_634] {strides = array<i32>} : memref<2064xf32, #tpu.memory_space<vmem>>, vector<16xf32>,
      tpu.vector_store %arg10[%swap3A_634], %broadcast_in_dim3A_31 {strides = array<i32>} : memref<2064xf32, #tpu.memory_space<vmem>>, vector<16xf32>,
      %add3A_636 = arith.constant 15 : i32
      %add3A_637 = arith.addi %scan3A_596#2, %add3A_636 : i32
      %div3A_638 = arith.constant 16 : i32
      %div3A_639 = arith.divsi %add3A_637, %div3A_638 : i32
      %while3A_640 = arith.constant 0 : i32
      %while3A_641 = arith.subi %div3A_639, %while3A_640 : i32
      %while3A_642 = arith.addi %while3A_640, %while3A_641 : i32
      %while3A_643 = arith.constant 1 : i32
      %while3A_644 = arith.divsi %while3A_641, %while3A_643 : i32
      %while3A_645 = arith.muli %while3A_644, %while3A_643 : i32
      %while3A_646 = arith.addi %while3A_640, %while3A_645 : i32
      %while3A_647 = arith.constant 1 : i32
      %while3A_648 = scf.for %while3A_742 = %while3A_640 to %while3A_646 step %while3A_647 iter_args(%while3A_743 = %broadcast_in_dim3A_31) -> (vector<16xf32>)  : i32 {
        %mul3A_744 = arith.constant 16 : i32
        %mul3A_745 = arith.muli %while3A_742, %mul3A_744 : i32
        %get3A_746 = arith.index_cast %mul3A_745 : i32 to index
        %get3A_747 = tpu.vector_load %arg10[%get3A_746] {strides = array<i32>} : memref<2064xf32, #tpu.memory_space<vmem>>, vector<16xf32>,
        %max3A = arith.maximumf %get3A_747, %broadcast_in_dim3A_33 : vector<16xf32>
        %masked_sort3A_748 = arith.constant dense<true> : vector<16xi1>
        %masked_sort3A_749, %masked_sort3A_750, %masked_sort3A_751 = tpu.sort %max3A, %max3A masked %masked_sort3A_748 {descending = true} : (vector<16xf32>, vector<16xf32>, vector<16xi1>) -> (vector<16xi1>, vector<16xf32>, vector<16xf32>)
        %min3A = arith.minimumf %while3A_743, %masked_sort3A_750 : vector<16xf32>
        %masked_sort3A_752 = arith.constant dense<true> : vector<16xi1>
        %masked_sort3A_753, %masked_sort3A_754, %masked_sort3A_755 = tpu.sort %min3A, %min3A masked %masked_sort3A_752 : (vector<16xf32>, vector<16xf32>, vector<16xi1>) -> (vector<16xi1>, vector<16xf32>, vector<16xf32>)
        scf.yield %masked_sort3A_754 : vector<16xf32>
      }
      %while3A_649 = arith.constant 1 : i32
      %while3A_650 = scf.for %while3A_742 = %while3A_646 to %while3A_642 step %while3A_649 iter_args(%while3A_743 = %while3A_648) -> (vector<16xf32>)  : i32 {
        %mul3A_744 = arith.constant 16 : i32
        %mul3A_745 = arith.muli %while3A_742, %mul3A_744 : i32
        %get3A_746 = arith.index_cast %mul3A_745 : i32 to index
        %get3A_747 = tpu.vector_load %arg10[%get3A_746] {strides = array<i32>} : memref<2064xf32, #tpu.memory_space<vmem>>, vector<16xf32>,
        %max3A = arith.maximumf %get3A_747, %broadcast_in_dim3A_33 : vector<16xf32>
        %masked_sort3A_748 = arith.constant dense<true> : vector<16xi1>
        %masked_sort3A_749, %masked_sort3A_750, %masked_sort3A_751 = tpu.sort %max3A, %max3A masked %masked_sort3A_748 {descending = true} : (vector<16xf32>, vector<16xf32>, vector<16xi1>) -> (vector<16xi1>, vector<16xf32>, vector<16xf32>)
        %min3A = arith.minimumf %while3A_743, %masked_sort3A_750 : vector<16xf32>
        %masked_sort3A_752 = arith.constant dense<true> : vector<16xi1>
        %masked_sort3A_753, %masked_sort3A_754, %masked_sort3A_755 = tpu.sort %min3A, %min3A masked %masked_sort3A_752 : (vector<16xf32>, vector<16xf32>, vector<16xi1>) -> (vector<16xi1>, vector<16xf32>, vector<16xf32>)
        scf.yield %masked_sort3A_754 : vector<16xf32>
      }
      %add3A_651 = arith.addf %add3A_633, %while3A_650 : vector<16xf32>
      %swap3A_652 = arith.index_cast %scan3A_596#3 : i32 to index
      %swap3A_653 = tpu.vector_load %arg11[%swap3A_652] {strides = array<i32>} : memref<2064xf32, #tpu.memory_space<vmem>>, vector<16xf32>,
      tpu.vector_store %arg11[%swap3A_652], %broadcast_in_dim3A_31 {strides = array<i32>} : memref<2064xf32, #tpu.memory_space<vmem>>, vector<16xf32>,
      %add3A_654 = arith.constant 15 : i32
      %add3A_655 = arith.addi %scan3A_596#3, %add3A_654 : i32
      %div3A_656 = arith.constant 16 : i32
      %div3A_657 = arith.divsi %add3A_655, %div3A_656 : i32
      %while3A_658 = arith.constant 0 : i32
      %while3A_659 = arith.subi %div3A_657, %while3A_658 : i32
      %while3A_660 = arith.addi %while3A_658, %while3A_659 : i32
      %while3A_661 = arith.constant 1 : i32
      %while3A_662 = arith.divsi %while3A_659, %while3A_661 : i32
      %while3A_663 = arith.muli %while3A_662, %while3A_661 : i32
      %while3A_664 = arith.addi %while3A_658, %while3A_663 : i32
      %while3A_665 = arith.constant 1 : i32
      %while3A_666 = scf.for %while3A_742 = %while3A_658 to %while3A_664 step %while3A_665 iter_args(%while3A_743 = %broadcast_in_dim3A_31) -> (vector<16xf32>)  : i32 {
        %mul3A_744 = arith.constant 16 : i32
        %mul3A_745 = arith.muli %while3A_742, %mul3A_744 : i32
        %get3A_746 = arith.index_cast %mul3A_745 : i32 to index
        %get3A_747 = tpu.vector_load %arg11[%get3A_746] {strides = array<i32>} : memref<2064xf32, #tpu.memory_space<vmem>>, vector<16xf32>,
        %max3A = arith.maximumf %get3A_747, %broadcast_in_dim3A_33 : vector<16xf32>
        %masked_sort3A_748 = arith.constant dense<true> : vector<16xi1>
        %masked_sort3A_749, %masked_sort3A_750, %masked_sort3A_751 = tpu.sort %max3A, %max3A masked %masked_sort3A_748 {descending = true} : (vector<16xf32>, vector<16xf32>, vector<16xi1>) -> (vector<16xi1>, vector<16xf32>, vector<16xf32>)
        %min3A = arith.minimumf %while3A_743, %masked_sort3A_750 : vector<16xf32>
        %masked_sort3A_752 = arith.constant dense<true> : vector<16xi1>
        %masked_sort3A_753, %masked_sort3A_754, %masked_sort3A_755 = tpu.sort %min3A, %min3A masked %masked_sort3A_752 : (vector<16xf32>, vector<16xf32>, vector<16xi1>) -> (vector<16xi1>, vector<16xf32>, vector<16xf32>)
        scf.yield %masked_sort3A_754 : vector<16xf32>
      }
      %while3A_667 = arith.constant 1 : i32
      %while3A_668 = scf.for %while3A_742 = %while3A_664 to %while3A_660 step %while3A_667 iter_args(%while3A_743 = %while3A_666) -> (vector<16xf32>)  : i32 {
        %mul3A_744 = arith.constant 16 : i32
        %mul3A_745 = arith.muli %while3A_742, %mul3A_744 : i32
        %get3A_746 = arith.index_cast %mul3A_745 : i32 to index
        %get3A_747 = tpu.vector_load %arg11[%get3A_746] {strides = array<i32>} : memref<2064xf32, #tpu.memory_space<vmem>>, vector<16xf32>,
        %max3A = arith.maximumf %get3A_747, %broadcast_in_dim3A_33 : vector<16xf32>
        %masked_sort3A_748 = arith.constant dense<true> : vector<16xi1>
        %masked_sort3A_749, %masked_sort3A_750, %masked_sort3A_751 = tpu.sort %max3A, %max3A masked %masked_sort3A_748 {descending = true} : (vector<16xf32>, vector<16xf32>, vector<16xi1>) -> (vector<16xi1>, vector<16xf32>, vector<16xf32>)
        %min3A = arith.minimumf %while3A_743, %masked_sort3A_750 : vector<16xf32>
        %masked_sort3A_752 = arith.constant dense<true> : vector<16xi1>
        %masked_sort3A_753, %masked_sort3A_754, %masked_sort3A_755 = tpu.sort %min3A, %min3A masked %masked_sort3A_752 : (vector<16xf32>, vector<16xf32>, vector<16xi1>) -> (vector<16xi1>, vector<16xf32>, vector<16xf32>)
        scf.yield %masked_sort3A_754 : vector<16xf32>
      }
      %add3A_669 = arith.addf %add3A_651, %while3A_668 : vector<16xf32>
      %swap3A_670 = arith.index_cast %scan3A_596#4 : i32 to index
      %swap3A_671 = tpu.vector_load %arg12[%swap3A_670] {strides = array<i32>} : memref<2064xf32, #tpu.memory_space<vmem>>, vector<16xf32>,
      tpu.vector_store %arg12[%swap3A_670], %broadcast_in_dim3A_31 {strides = array<i32>} : memref<2064xf32, #tpu.memory_space<vmem>>, vector<16xf32>,
      %add3A_672 = arith.constant 15 : i32
      %add3A_673 = arith.addi %scan3A_596#4, %add3A_672 : i32
      %div3A_674 = arith.constant 16 : i32
      %div3A_675 = arith.divsi %add3A_673, %div3A_674 : i32
      %while3A_676 = arith.constant 0 : i32
      %while3A_677 = arith.subi %div3A_675, %while3A_676 : i32
      %while3A_678 = arith.addi %while3A_676, %while3A_677 : i32
      %while3A_679 = arith.constant 1 : i32
      %while3A_680 = arith.divsi %while3A_677, %while3A_679 : i32
      %while3A_681 = arith.muli %while3A_680, %while3A_679 : i32
      %while3A_682 = arith.addi %while3A_676, %while3A_681 : i32
      %while3A_683 = arith.constant 1 : i32
      %while3A_684 = scf.for %while3A_742 = %while3A_676 to %while3A_682 step %while3A_683 iter_args(%while3A_743 = %broadcast_in_dim3A_31) -> (vector<16xf32>)  : i32 {
        %mul3A_744 = arith.constant 16 : i32
        %mul3A_745 = arith.muli %while3A_742, %mul3A_744 : i32
        %get3A_746 = arith.index_cast %mul3A_745 : i32 to index
        %get3A_747 = tpu.vector_load %arg12[%get3A_746] {strides = array<i32>} : memref<2064xf32, #tpu.memory_space<vmem>>, vector<16xf32>,
        %max3A = arith.maximumf %get3A_747, %broadcast_in_dim3A_33 : vector<16xf32>
        %masked_sort3A_748 = arith.constant dense<true> : vector<16xi1>
        %masked_sort3A_749, %masked_sort3A_750, %masked_sort3A_751 = tpu.sort %max3A, %max3A masked %masked_sort3A_748 {descending = true} : (vector<16xf32>, vector<16xf32>, vector<16xi1>) -> (vector<16xi1>, vector<16xf32>, vector<16xf32>)
        %min3A = arith.minimumf %while3A_743, %masked_sort3A_750 : vector<16xf32>
        %masked_sort3A_752 = arith.constant dense<true> : vector<16xi1>
        %masked_sort3A_753, %masked_sort3A_754, %masked_sort3A_755 = tpu.sort %min3A, %min3A masked %masked_sort3A_752 : (vector<16xf32>, vector<16xf32>, vector<16xi1>) -> (vector<16xi1>, vector<16xf32>, vector<16xf32>)
        scf.yield %masked_sort3A_754 : vector<16xf32>
      }
      %while3A_685 = arith.constant 1 : i32
      %while3A_686 = scf.for %while3A_742 = %while3A_682 to %while3A_678 step %while3A_685 iter_args(%while3A_743 = %while3A_684) -> (vector<16xf32>)  : i32 {
        %mul3A_744 = arith.constant 16 : i32
        %mul3A_745 = arith.muli %while3A_742, %mul3A_744 : i32
        %get3A_746 = arith.index_cast %mul3A_745 : i32 to index
        %get3A_747 = tpu.vector_load %arg12[%get3A_746] {strides = array<i32>} : memref<2064xf32, #tpu.memory_space<vmem>>, vector<16xf32>,
        %max3A = arith.maximumf %get3A_747, %broadcast_in_dim3A_33 : vector<16xf32>
        %masked_sort3A_748 = arith.constant dense<true> : vector<16xi1>
        %masked_sort3A_749, %masked_sort3A_750, %masked_sort3A_751 = tpu.sort %max3A, %max3A masked %masked_sort3A_748 {descending = true} : (vector<16xf32>, vector<16xf32>, vector<16xi1>) -> (vector<16xi1>, vector<16xf32>, vector<16xf32>)
        %min3A = arith.minimumf %while3A_743, %masked_sort3A_750 : vector<16xf32>
        %masked_sort3A_752 = arith.constant dense<true> : vector<16xi1>
        %masked_sort3A_753, %masked_sort3A_754, %masked_sort3A_755 = tpu.sort %min3A, %min3A masked %masked_sort3A_752 : (vector<16xf32>, vector<16xf32>, vector<16xi1>) -> (vector<16xi1>, vector<16xf32>, vector<16xf32>)
        scf.yield %masked_sort3A_754 : vector<16xf32>
      }
      %add3A_687 = arith.addf %add3A_669, %while3A_686 : vector<16xf32>
      %swap3A_688 = arith.index_cast %scan3A_596#5 : i32 to index
      %swap3A_689 = tpu.vector_load %arg13[%swap3A_688] {strides = array<i32>} : memref<2064xf32, #tpu.memory_space<vmem>>, vector<16xf32>,
      tpu.vector_store %arg13[%swap3A_688], %broadcast_in_dim3A_31 {strides = array<i32>} : memref<2064xf32, #tpu.memory_space<vmem>>, vector<16xf32>,
      %add3A_690 = arith.constant 15 : i32
      %add3A_691 = arith.addi %scan3A_596#5, %add3A_690 : i32
      %div3A_692 = arith.constant 16 : i32
      %div3A_693 = arith.divsi %add3A_691, %div3A_692 : i32
      %while3A_694 = arith.constant 0 : i32
      %while3A_695 = arith.subi %div3A_693, %while3A_694 : i32
      %while3A_696 = arith.addi %while3A_694, %while3A_695 : i32
      %while3A_697 = arith.constant 1 : i32
      %while3A_698 = arith.divsi %while3A_695, %while3A_697 : i32
      %while3A_699 = arith.muli %while3A_698, %while3A_697 : i32
      %while3A_700 = arith.addi %while3A_694, %while3A_699 : i32
      %while3A_701 = arith.constant 1 : i32
      %while3A_702 = scf.for %while3A_742 = %while3A_694 to %while3A_700 step %while3A_701 iter_args(%while3A_743 = %broadcast_in_dim3A_31) -> (vector<16xf32>)  : i32 {
        %mul3A_744 = arith.constant 16 : i32
        %mul3A_745 = arith.muli %while3A_742, %mul3A_744 : i32
        %get3A_746 = arith.index_cast %mul3A_745 : i32 to index
        %get3A_747 = tpu.vector_load %arg13[%get3A_746] {strides = array<i32>} : memref<2064xf32, #tpu.memory_space<vmem>>, vector<16xf32>,
        %max3A = arith.maximumf %get3A_747, %broadcast_in_dim3A_33 : vector<16xf32>
        %masked_sort3A_748 = arith.constant dense<true> : vector<16xi1>
        %masked_sort3A_749, %masked_sort3A_750, %masked_sort3A_751 = tpu.sort %max3A, %max3A masked %masked_sort3A_748 {descending = true} : (vector<16xf32>, vector<16xf32>, vector<16xi1>) -> (vector<16xi1>, vector<16xf32>, vector<16xf32>)
        %min3A = arith.minimumf %while3A_743, %masked_sort3A_750 : vector<16xf32>
        %masked_sort3A_752 = arith.constant dense<true> : vector<16xi1>
        %masked_sort3A_753, %masked_sort3A_754, %masked_sort3A_755 = tpu.sort %min3A, %min3A masked %masked_sort3A_752 : (vector<16xf32>, vector<16xf32>, vector<16xi1>) -> (vector<16xi1>, vector<16xf32>, vector<16xf32>)
        scf.yield %masked_sort3A_754 : vector<16xf32>
      }
      %while3A_703 = arith.constant 1 : i32
      %while3A_704 = scf.for %while3A_742 = %while3A_700 to %while3A_696 step %while3A_703 iter_args(%while3A_743 = %while3A_702) -> (vector<16xf32>)  : i32 {
        %mul3A_744 = arith.constant 16 : i32
        %mul3A_745 = arith.muli %while3A_742, %mul3A_744 : i32
        %get3A_746 = arith.index_cast %mul3A_745 : i32 to index
        %get3A_747 = tpu.vector_load %arg13[%get3A_746] {strides = array<i32>} : memref<2064xf32, #tpu.memory_space<vmem>>, vector<16xf32>,
        %max3A = arith.maximumf %get3A_747, %broadcast_in_dim3A_33 : vector<16xf32>
        %masked_sort3A_748 = arith.constant dense<true> : vector<16xi1>
        %masked_sort3A_749, %masked_sort3A_750, %masked_sort3A_751 = tpu.sort %max3A, %max3A masked %masked_sort3A_748 {descending = true} : (vector<16xf32>, vector<16xf32>, vector<16xi1>) -> (vector<16xi1>, vector<16xf32>, vector<16xf32>)
        %min3A = arith.minimumf %while3A_743, %masked_sort3A_750 : vector<16xf32>
        %masked_sort3A_752 = arith.constant dense<true> : vector<16xi1>
        %masked_sort3A_753, %masked_sort3A_754, %masked_sort3A_755 = tpu.sort %min3A, %min3A masked %masked_sort3A_752 : (vector<16xf32>, vector<16xf32>, vector<16xi1>) -> (vector<16xi1>, vector<16xf32>, vector<16xf32>)
        scf.yield %masked_sort3A_754 : vector<16xf32>
      }
      %add3A_705 = arith.addf %add3A_687, %while3A_704 : vector<16xf32>
      %swap3A_706 = arith.index_cast %scan3A_596#6 : i32 to index
      %swap3A_707 = tpu.vector_load %arg14[%swap3A_706] {strides = array<i32>} : memref<2064xf32, #tpu.memory_space<vmem>>, vector<16xf32>,
      tpu.vector_store %arg14[%swap3A_706], %broadcast_in_dim3A_31 {strides = array<i32>} : memref<2064xf32, #tpu.memory_space<vmem>>, vector<16xf32>,
      %add3A_708 = arith.constant 15 : i32
      %add3A_709 = arith.addi %scan3A_596#6, %add3A_708 : i32
      %div3A_710 = arith.constant 16 : i32
      %div3A_711 = arith.divsi %add3A_709, %div3A_710 : i32
      %while3A_712 = arith.constant 0 : i32
      %while3A_713 = arith.subi %div3A_711, %while3A_712 : i32
      %while3A_714 = arith.addi %while3A_712, %while3A_713 : i32
      %while3A_715 = arith.constant 1 : i32
      %while3A_716 = arith.divsi %while3A_713, %while3A_715 : i32
      %while3A_717 = arith.muli %while3A_716, %while3A_715 : i32
      %while3A_718 = arith.addi %while3A_712, %while3A_717 : i32
      %while3A_719 = arith.constant 1 : i32
      %while3A_720 = scf.for %while3A_742 = %while3A_712 to %while3A_718 step %while3A_719 iter_args(%while3A_743 = %broadcast_in_dim3A_31) -> (vector<16xf32>)  : i32 {
        %mul3A_744 = arith.constant 16 : i32
        %mul3A_745 = arith.muli %while3A_742, %mul3A_744 : i32
        %get3A_746 = arith.index_cast %mul3A_745 : i32 to index
        %get3A_747 = tpu.vector_load %arg14[%get3A_746] {strides = array<i32>} : memref<2064xf32, #tpu.memory_space<vmem>>, vector<16xf32>,
        %max3A = arith.maximumf %get3A_747, %broadcast_in_dim3A_33 : vector<16xf32>
        %masked_sort3A_748 = arith.constant dense<true> : vector<16xi1>
        %masked_sort3A_749, %masked_sort3A_750, %masked_sort3A_751 = tpu.sort %max3A, %max3A masked %masked_sort3A_748 {descending = true} : (vector<16xf32>, vector<16xf32>, vector<16xi1>) -> (vector<16xi1>, vector<16xf32>, vector<16xf32>)
        %min3A = arith.minimumf %while3A_743, %masked_sort3A_750 : vector<16xf32>
        %masked_sort3A_752 = arith.constant dense<true> : vector<16xi1>
        %masked_sort3A_753, %masked_sort3A_754, %masked_sort3A_755 = tpu.sort %min3A, %min3A masked %masked_sort3A_752 : (vector<16xf32>, vector<16xf32>, vector<16xi1>) -> (vector<16xi1>, vector<16xf32>, vector<16xf32>)
        scf.yield %masked_sort3A_754 : vector<16xf32>
      }
      %while3A_721 = arith.constant 1 : i32
      %while3A_722 = scf.for %while3A_742 = %while3A_718 to %while3A_714 step %while3A_721 iter_args(%while3A_743 = %while3A_720) -> (vector<16xf32>)  : i32 {
        %mul3A_744 = arith.constant 16 : i32
        %mul3A_745 = arith.muli %while3A_742, %mul3A_744 : i32
        %get3A_746 = arith.index_cast %mul3A_745 : i32 to index
        %get3A_747 = tpu.vector_load %arg14[%get3A_746] {strides = array<i32>} : memref<2064xf32, #tpu.memory_space<vmem>>, vector<16xf32>,
        %max3A = arith.maximumf %get3A_747, %broadcast_in_dim3A_33 : vector<16xf32>
        %masked_sort3A_748 = arith.constant dense<true> : vector<16xi1>
        %masked_sort3A_749, %masked_sort3A_750, %masked_sort3A_751 = tpu.sort %max3A, %max3A masked %masked_sort3A_748 {descending = true} : (vector<16xf32>, vector<16xf32>, vector<16xi1>) -> (vector<16xi1>, vector<16xf32>, vector<16xf32>)
        %min3A = arith.minimumf %while3A_743, %masked_sort3A_750 : vector<16xf32>
        %masked_sort3A_752 = arith.constant dense<true> : vector<16xi1>
        %masked_sort3A_753, %masked_sort3A_754, %masked_sort3A_755 = tpu.sort %min3A, %min3A masked %masked_sort3A_752 : (vector<16xf32>, vector<16xf32>, vector<16xi1>) -> (vector<16xi1>, vector<16xf32>, vector<16xf32>)
        scf.yield %masked_sort3A_754 : vector<16xf32>
      }
      %add3A_723 = arith.addf %add3A_705, %while3A_722 : vector<16xf32>
      %swap3A_724 = arith.index_cast %scan3A_596#7 : i32 to index
      %swap3A_725 = tpu.vector_load %arg15[%swap3A_724] {strides = array<i32>} : memref<2064xf32, #tpu.memory_space<vmem>>, vector<16xf32>,
      tpu.vector_store %arg15[%swap3A_724], %broadcast_in_dim3A_31 {strides = array<i32>} : memref<2064xf32, #tpu.memory_space<vmem>>, vector<16xf32>,
      %add3A_726 = arith.constant 15 : i32
      %add3A_727 = arith.addi %scan3A_596#7, %add3A_726 : i32
      %div3A_728 = arith.constant 16 : i32
      %div3A_729 = arith.divsi %add3A_727, %div3A_728 : i32
      %while3A_730 = arith.constant 0 : i32
      %while3A_731 = arith.subi %div3A_729, %while3A_730 : i32
      %while3A_732 = arith.addi %while3A_730, %while3A_731 : i32
      %while3A_733 = arith.constant 1 : i32
      %while3A_734 = arith.divsi %while3A_731, %while3A_733 : i32
      %while3A_735 = arith.muli %while3A_734, %while3A_733 : i32
      %while3A_736 = arith.addi %while3A_730, %while3A_735 : i32
      %while3A_737 = arith.constant 1 : i32
      %while3A_738 = scf.for %while3A_742 = %while3A_730 to %while3A_736 step %while3A_737 iter_args(%while3A_743 = %broadcast_in_dim3A_31) -> (vector<16xf32>)  : i32 {
        %mul3A_744 = arith.constant 16 : i32
        %mul3A_745 = arith.muli %while3A_742, %mul3A_744 : i32
        %get3A_746 = arith.index_cast %mul3A_745 : i32 to index
        %get3A_747 = tpu.vector_load %arg15[%get3A_746] {strides = array<i32>} : memref<2064xf32, #tpu.memory_space<vmem>>, vector<16xf32>,
        %max3A = arith.maximumf %get3A_747, %broadcast_in_dim3A_33 : vector<16xf32>
        %masked_sort3A_748 = arith.constant dense<true> : vector<16xi1>
        %masked_sort3A_749, %masked_sort3A_750, %masked_sort3A_751 = tpu.sort %max3A, %max3A masked %masked_sort3A_748 {descending = true} : (vector<16xf32>, vector<16xf32>, vector<16xi1>) -> (vector<16xi1>, vector<16xf32>, vector<16xf32>)
        %min3A = arith.minimumf %while3A_743, %masked_sort3A_750 : vector<16xf32>
        %masked_sort3A_752 = arith.constant dense<true> : vector<16xi1>
        %masked_sort3A_753, %masked_sort3A_754, %masked_sort3A_755 = tpu.sort %min3A, %min3A masked %masked_sort3A_752 : (vector<16xf32>, vector<16xf32>, vector<16xi1>) -> (vector<16xi1>, vector<16xf32>, vector<16xf32>)
        scf.yield %masked_sort3A_754 : vector<16xf32>
      }
      %while3A_739 = arith.constant 1 : i32
      %while3A_740 = scf.for %while3A_742 = %while3A_736 to %while3A_732 step %while3A_739 iter_args(%while3A_743 = %while3A_738) -> (vector<16xf32>)  : i32 {
        %mul3A_744 = arith.constant 16 : i32
        %mul3A_745 = arith.muli %while3A_742, %mul3A_744 : i32
        %get3A_746 = arith.index_cast %mul3A_745 : i32 to index
        %get3A_747 = tpu.vector_load %arg15[%get3A_746] {strides = array<i32>} : memref<2064xf32, #tpu.memory_space<vmem>>, vector<16xf32>,
        %max3A = arith.maximumf %get3A_747, %broadcast_in_dim3A_33 : vector<16xf32>
        %masked_sort3A_748 = arith.constant dense<true> : vector<16xi1>
        %masked_sort3A_749, %masked_sort3A_750, %masked_sort3A_751 = tpu.sort %max3A, %max3A masked %masked_sort3A_748 {descending = true} : (vector<16xf32>, vector<16xf32>, vector<16xi1>) -> (vector<16xi1>, vector<16xf32>, vector<16xf32>)
        %min3A = arith.minimumf %while3A_743, %masked_sort3A_750 : vector<16xf32>
        %masked_sort3A_752 = arith.constant dense<true> : vector<16xi1>
        %masked_sort3A_753, %masked_sort3A_754, %masked_sort3A_755 = tpu.sort %min3A, %min3A masked %masked_sort3A_752 : (vector<16xf32>, vector<16xf32>, vector<16xi1>) -> (vector<16xi1>, vector<16xf32>, vector<16xf32>)
        scf.yield %masked_sort3A_754 : vector<16xf32>
      }
      %add3A_741 = arith.addf %add3A_723, %while3A_740 : vector<16xf32>
      scf.yield %add3A_741 : vector<16xf32>
    }
    %scan3A_46 = arith.constant 64 : i32
    %swap3A = arith.constant 0 : index
    %swap3A_47 = tpu.vector_load %arg16[%swap3A] {strides = array<i32>} : memref<16xf32, #tpu.memory_space<vmem>>, vector<16xf32>,
    tpu.vector_store %arg16[%swap3A], %scan3A_45 {strides = array<i32>} : memref<16xf32, #tpu.memory_space<vmem>>, vector<16xf32>,
    "tpu.region"() ({
      %run_scoped3A = tpu.sem_alloc : memref<!tpu.dma_semaphore, #tpu.memory_space<semaphore_mem>>
      %dma_start3A = arith.constant 0 : i32
      %dma_start3A_48 = tpu.memref_slice %arg3[%add3A, %dma_start3A] : memref<32x16xf32, #tpu.memory_space<hbm>> -> memref<1x16xf32, #tpu.memory_space<hbm>>
      %dma_start3A_49 = tpu.memref_squeeze %dma_start3A_48 : memref<1x16xf32, #tpu.memory_space<hbm>> -> memref<16xf32, #tpu.memory_space<hbm>>
      %dma_start3A_50 = arith.constant 0 : i32
      %dma_start3A_51 = tpu.memref_slice %arg3[%add3A, %dma_start3A_50] : memref<32x16xf32, #tpu.memory_space<hbm>> -> memref<1x16xf32, #tpu.memory_space<hbm>>
      %dma_start3A_52 = tpu.memref_squeeze %dma_start3A_51 : memref<1x16xf32, #tpu.memory_space<hbm>> -> memref<16xf32, #tpu.memory_space<hbm>>
      tpu.enqueue_dma source(%arg16 : memref<16xf32, #tpu.memory_space<vmem>>) target(%dma_start3A_52 : memref<16xf32, #tpu.memory_space<hbm>>) target_semaphore(%run_scoped3A : memref<!tpu.dma_semaphore, #tpu.memory_space<semaphore_mem>>)
      %dma_wait3A = arith.constant 0 : i32
      %dma_wait3A_53 = tpu.memref_slice %arg3[%add3A, %dma_wait3A] : memref<32x16xf32, #tpu.memory_space<hbm>> -> memref<1x16xf32, #tpu.memory_space<hbm>>
      %dma_wait3A_54 = tpu.memref_squeeze %dma_wait3A_53 : memref<1x16xf32, #tpu.memory_space<hbm>> -> memref<16xf32, #tpu.memory_space<hbm>>
      %dma_wait3A_55 = arith.constant 0 : i32
      %dma_wait3A_56 = tpu.memref_slice %arg3[%add3A, %dma_wait3A_55] : memref<32x16xf32, #tpu.memory_space<hbm>> -> memref<1x16xf32, #tpu.memory_space<hbm>>
      %dma_wait3A_57 = tpu.memref_squeeze %dma_wait3A_56 : memref<1x16xf32, #tpu.memory_space<hbm>> -> memref<16xf32, #tpu.memory_space<hbm>>
      tpu.wait_dma2 semaphore(%run_scoped3A : memref<!tpu.dma_semaphore, #tpu.memory_space<semaphore_mem>>) src(%arg16 : memref<16xf32, #tpu.memory_space<vmem>>) dst(%dma_wait3A_57 : memref<16xf32, #tpu.memory_space<hbm>>)
      tpu.yield
    }) : () -> ()
    return
  }
}

</mosaic_0001>

<sc_bundles>
// kernel: kernel.3.cloned.1.call-start
scs
__scs_entry_jumppad:
0x0: {  	(pc) =	sbr.rel $0x88, $3  }
0x1: {  	(tag) =	ssettag $0x0;
	lr =	simm.s32 $0x1  }
0x2: {  	[smem:$0x3F9F] =	sst lr;
	_ =	strace $0xD0000000  }
0x3: {  	_ = 	snop  }
0x4: {  	_ = 	snop  }
0x5: {  	_ = 	snop  }
0x6: {  	_ = 	snop  }
0x7: {  	_ = 	snop  }
__scs_overlays_trampoline_lowered:
0x8: {  	[smem:$0x3FAE] =	sst s0  }
0x9: {  	[smem:$0x3FAF] =	sst s1  }
0xa: {  	[smem:$0x3FB0] =	sst s2  }
0xb: {  	[smem:$0x3FB1] =	sst s3  }
0xc: {  	[smem:$0x3FB2] =	sst s4  }
0xd: {  	[smem:$0x3FB3] =	sst s5  }
0xe: {  	[smem:$0x3FB4] =	sst s6  }
0xf: {  	[smem:$0x3FB5] =	sst s7  }
0x10: {  	[smem:$0x3FB6] =	sst s8  }
0x11: {  	[smem:$0x3FB7] =	sst s9;
	s0 =	simm.s32 @!p0 $0x0  }
0x12: {  	s1 =	sld [smem:$0x3F9D];
	s0 =	simm.s32 @p0 $0x1  }
0x13: {  	[smem:$0x3FB8] =	sst s0;
	s0 =	simm.s32 @!p1 $0x0  }
0x14: {  	s2 =	sld [smem:$0x3F9C];
	s0 =	simm.s32 @p1 $0x1  }
0x15: {  	[smem:$0x3FB9] =	sst s0;
	s0 =	simm.s32 @!p2 $0x0  }
0x16: {  	s3 =	sld [smem:$0x3FDB];
	s0 =	simm.s32 @p2 $0x1  }
0x17: {  	s4 =	simm.s32 $0x1BF5;
	[smem:$0x3FBB] =	sst s0  }
0x18: {  	s0 =	sld [smem:$0x3F9E];
	_ =	swait.ge [sflag:s4], $0x0  }
0x19: {  	s7 =	sld [smem:$0x3F9F]  }
0x1a: {  	s8 =	sadd.s32 $0xFFFFE003, lr  }
0x1b: {  	s9 =	sadd.s32 $0xFFFFFEF7, lr;
	s5 =	simm.s32 $0xFFFFFFFF;
	p2 =	slt.u32 s8, $0xFFFFF086  }
0x1c: {  	p1 =	slt.u32 s9, $0xF7A;
	s5 =	simm.s32 @!p2 $0x0  }
0x1d: {  	s5 =	simm.s32 @p1 $0x1;
	p0 =	seq.s32 s7, s2  }
0x1e: {  	s7 =	smul.u32 @!p0 $0xF7A, s2;
	p2 =	seq.s32 @!p0 s5, $0x0  }
0x1f: {  	s9 =	smul.u32 $0xF7A, s1;
	s8 =	simm.s32 @!p0 $0x1BF5;
	p2 =	por !p2, p0  }
0x20: {  	[sflag:s8] =	ssyncset.s32 @!p0 $0xFFFFF086;
	s6 =	sadd.s32 @!p0 s3, s7;
	s7 =	simm.s32 @!p0 $0x108  }
0x21: {  	s3 =	sadd.s32 s3, s9;
	s6 =	sadd.s32 @!p0 $0x88, s6;
	s7 =	simm.s32 @p2 $0x1082  }
0x22: {  	[simem:s7], [sflag:s8] =	dma.local @!p0 [hbm:s6], $0xF7A  }
0x23: {  	s9 =	sor.u32 $0xD0000000, s2;
	s6 =	simm.s32 $0x108;
	_ =	swait.ge @!p0 [sflag:s8], $0x0  }
0x24: {  	s3 =	sadd.s32 $0x88, s3;
	s6 =	simm.s32 @!p1 $0x1082;
	[sflag:s4] =	ssyncset.s32 $0xFFFFF086  }
0x25: {  	[simem:s6], [sflag:s4] =	dma.local [hbm:s3], $0xF7A  }
0x26: {  	[smem:$0x3F9F] =	sst s1;
	(tag) =	ssettag s2;
	_ =	strace s9  }
0x27: {  	s1 =	sld [smem:$0x3FAF]  }
0x28: {  	s2 =	sld [smem:$0x3FB0]  }
0x29: {  	s4 =	sld [smem:$0x3FB2]  }
0x2a: {  	p0 =	seq.s32 s5, $0x0;
	s5 =	sld [smem:$0x3FB3]  }
0x2b: {  	s6 =	sld [smem:$0x3FB4]  }
0x2c: {  	s7 =	sld [smem:$0x3FB5]  }
0x2d: {  	s3 =	simm.s32 $0x108;
	s8 =	sld [smem:$0x3FB6]  }
0x2e: {  	s3 =	simm.s32 @!p0 $0x1082;
	s9 =	sld [smem:$0x3FB7]  }
0x2f: {  	lr =	sadd.s32 s0, s3;
	s0 =	sld [smem:$0x3FAE]  }
0x30: {  	s3 =	sld [smem:$0x3FB1]  }
0x31: {  	[smem:$0x3FBA] =	sst s10  }
0x32: {  	s10 =	sld [smem:$0x3FB8];
	_ =	sdelay $0x3  }
0x33: {  	p0 =	seq.s32 s10, $0x1;
	s10 =	sld [smem:$0x3FBA];
	_ =	sdelay $0x3  }
0x34: {  	[smem:$0x3FBA] =	sst s10  }
0x35: {  	s10 =	sld [smem:$0x3FB9];
	_ =	sdelay $0x3  }
0x36: {  	p1 =	seq.s32 s10, $0x1;
	s10 =	sld [smem:$0x3FBA];
	_ =	sdelay $0x3  }
0x37: {  	[smem:$0x3FBA] =	sst s10  }
0x38: {  	s10 =	sld [smem:$0x3FBB]  }
0x39: {  	_ = 	snop;
	(pc) =	sbr.ind lr, $3  }
0x3a: {  	_ = 	snop  }
0x3b: {  	_ = 	snop  }
0x3c: {  	p2 =	seq.s32 s10, $0x1;
	s10 =	sld [smem:$0x3FBA]  }
0x3d: {  	_ =	shalt  }
0x3e: {  	_ =	shalt  }
0x3f: {  	_ =	shalt  }
0x40: {  	_ =	shalt  }
0x41: {  	_ =	shalt  }
0x42: {  	_ =	shalt  }
0x43: {  	_ =	shalt  }
0x44: {  	_ =	shalt  }
0x45: {  	_ =	shalt  }
0x46: {  	_ =	shalt  }
0x47: {  	_ =	shalt  }
0x48: {  	_ =	shalt  }
0x49: {  	_ =	shalt  }
0x4a: {  	_ =	shalt  }
0x4b: {  	_ =	shalt  }
0x4c: {  	_ =	shalt  }
0x4d: {  	_ =	shalt  }
0x4e: {  	_ =	shalt  }
0x4f: {  	_ =	shalt  }
0x50: {  	_ =	shalt  }
0x51: {  	_ =	shalt  }
0x52: {  	_ =	shalt  }
0x53: {  	_ =	shalt  }
0x54: {  	_ =	shalt  }
0x55: {  	_ =	shalt  }
0x56: {  	_ =	shalt  }
0x57: {  	_ =	shalt  }
0x58: {  	_ =	shalt  }
0x59: {  	_ =	shalt  }
0x5a: {  	_ =	shalt  }
0x5b: {  	_ =	shalt  }
0x5c: {  	_ =	shalt  }
0x5d: {  	_ =	shalt  }
0x5e: {  	_ =	shalt  }
0x5f: {  	_ =	shalt  }
0x60: {  	_ =	shalt  }
0x61: {  	_ =	shalt  }
0x62: {  	_ =	shalt  }
0x63: {  	_ =	shalt  }
0x64: {  	_ =	shalt  }
0x65: {  	_ =	shalt  }
0x66: {  	_ =	shalt  }
0x67: {  	_ =	shalt  }
0x68: {  	_ =	shalt  }
0x69: {  	_ =	shalt  }
0x6a: {  	_ =	shalt  }
0x6b: {  	_ =	shalt  }
0x6c: {  	_ =	shalt  }
0x6d: {  	_ =	shalt  }
0x6e: {  	_ =	shalt  }
0x6f: {  	_ =	shalt  }
0x70: {  	_ =	shalt  }
0x71: {  	_ =	shalt  }
0x72: {  	_ =	shalt  }
0x73: {  	_ =	shalt  }
0x74: {  	_ =	shalt  }
0x75: {  	_ =	shalt  }
0x76: {  	_ =	shalt  }
0x77: {  	_ =	shalt  }
0x78: {  	_ =	shalt  }
0x79: {  	_ =	shalt  }
0x7a: {  	_ =	shalt  }
0x7b: {  	_ =	shalt  }
0x7c: {  	_ =	shalt  }
0x7d: {  	_ =	shalt  }
0x7e: {  	_ =	shalt  }
0x7f: {  	_ =	shalt  }
0x80: {  	_ =	shalt  }
0x81: {  	_ =	shalt  }
0x82: {  	_ =	shalt  }
0x83: {  	_ =	shalt  }
0x84: {  	_ =	shalt  }
0x85: {  	_ =	shalt  }
0x86: {  	_ =	shalt  }
0x87: {  	_ =	shalt  }
.Lfunc_end0:
.L_simem_size_0:
called_computation_lowered:
.L_overlay_start_0:
0x88: {  	s2 =	sld [smem:$0x3FD9]  }
0x89: {  	s3 =	sld [smem:$0x3FFE];
	_ =	sdelay $0x1  }
0x8a: {  	s1 =	srdreg.scid  }
0x8b: {  	s0 =	sand.u32 $0x1, s1  }
0x8c: {  	s16 =	sshll.u32 s0, $0xA;
	s2 =	sadd.s32 s3, s2  }
0x8d: {  	s2 =	sadd.s32 s2, s16  }
0x8e: {  	[smem:$0x3FC6] =	sst s2  }
0x8f: {  	_ = 	snop  }
0x90: {  	(tm) =	ssettm $0x1  }
0x91: {  	s17 =	sld [smem:$0x3FFB];
	_ =	sdelay $0x3  }
0x92: {  	_ =	strace s17  }
0x93: {  	s2 =	sld [smem:$0x3FFC];
	_ =	sdelay $0x3  }
0x94: {  	_ =	strace s2  }
0x95: {  	s2 =	sld [smem:$0x3FFD];
	_ =	sdelay $0x3  }
0x96: {  	_ =	strace s2  }
0x97: {  	_ =	strace $0x8FFFFFFF  }
0x98: {  	s18 =	sld [smem:$0x3FDB];
	_ =	sdelay $0x1  }
0x99: {  	s19 =	simm.s32 $_scs_section_size  }
0x9a: {  	s4 =	simm.s32 $_size__tile_overlayer_lowered;
	s5 =	simm.s32 $_tile_overlayer_lowered  }
0x9b: {  	s22 =	simm.s32 $0x1BFF;
	s21 =	sshll.u32 s5, $0x1;
	s2 =	sadd.s32 s19, s18  }
0x9c: {  	s6 =	simm.s32 $0x0;
	s20 =	sshll.u32 s4, $0x1;
	s4 =	sadd.s32 s21, s2  }
0x9d: {  	[timem:s6], [sflag:s22] =	dma.local [hbm:s4], s20  }
0x9e: {  	_ =	swait.ge [sflag:s22], s20  }
0x9f: {  	s3 =	ssub.s32 $0x0, s20;
	[sflag:s22] =	ssyncset.done $0x0  }
0xa0: {  	[sflag:s22] =	ssyncadd.s32 s3;
	_ =	sdelay $0x1  }
0xa1: {  	s23 =	simm.s32 $0x1B8B  }
0xa2: {  	_ =	swait.ge [sflag:s23], $0x1  }
0xa3: {  	[sflag:s23] =	ssyncset.done $0x0  }
0xa4: {  	s25 =	simm.s32 $0x1B8E;
	s24 =	sld [smem:$0x3FFE];
	[sflag:s23] =	ssyncadd.s32 $0xFFFFFFFF  }
0xa5: {  	s26 =	simm.s32 $execute0_lowered;
	[smem:$0x3FD2] =	sst s25  }
0xa6: {  	s4 =	sshll.u32 s26, $0x1;
	_ =	strace $0x80000046;
	[dreg:$0x1] =	wrdreg $0xFFFFFFFF  }
0xa7: {  	s28 =	simm.s32 $_size_execute0_lowered;
	s2 =	sadd.s32 s2, s4;
	[dreg:$0x0] =	wrdreg $0x0  }
0xa8: {  	s4 =	sshll.u32 s28, $0x1;
	[dreg:$0x2] =	wrdreg s2  }
0xa9: {  	[dreg:$0x3] =	wrdreg s4  }
0xaa: {  	[dreg:$0x4] =	wrdreg $0xC0  }
0xab: {  	_ =	task [dreg:s6], $0x5FFFF  }
0xac: {  	[dreg:$0x1] =	wrdreg $0xFFFFFFFF  }
0xad: {  	[dreg:$0x0] =	wrdreg $0x60  }
0xae: {  	[dreg:$0x2] =	wrdreg s24  }
0xaf: {  	[dreg:$0x3] =	wrdreg $0x9  }
0xb0: {  	_ =	task.clear_ibuf [dreg:s6], $0x4FFFF;
	_ =	strace $0x90000046  }
0xb1: {  	s29 =	simm.s32 $0x9;
	_ =	strace $0x80000048  }
0xb2: {  	_ =	swait.ge [sflag:s29], $0x1  }
0xb3: {  	[sflag:s29] =	ssyncadd.s32 $0xFFFFFFFF  }
0xb4: {  	_ =	strace $0x90000048  }
0xb5: {  	_ =	sfence  }
0xb6: {  	s30 =	sld [smem:$0x0];
	_ =	sdelay $0x2  }
0xb7: {  	s31 =	sshll.u32 s1, $0xD;
	s1 =	sshrl.u32 s1, $0x2  }
0xb8: {  	s3 =	sand.u32 $0x4000, s31;
	s1 =	sadd.s32 s1, s30  }
0xb9: {  	s0 =	sor.u32 s3, s0;
	s1 =	sshll.u32 s1, $0x11  }
0xba: {  	s0 =	sor.u32 s1, s0  }
0xbb: {  	s0 =	sadd.s32 $0x8F2B, s0  }
0xbc: {  	[sflag:s0] =	ssyncadd.remote.s32 $0x1  }
0xbd: {  	_ =	sfence.sel $0xFFFF  }
0xbe: {  	[dreg:$0x0] =	wrdreg $0xFFFFFFFF;
	(pc) =	sbr.abs _section_cstart, $3  }
0xbf: {  	[dreg:$0x1] =	wrdreg $0xFFFFFFFF  }
0xc0: {  	_ =	task.clear_ibuf [dreg:s6], $0x2FFFF;
	_ =	strace $0x9FFFFFFF  }
0xc1: {  	(tm) =	ssettm $0x7FFFFFFF  }
tec
execute0_lowered:
.L_overlay_start_1:
0x0: {  	(tag) =	ssettag $0x1  }
0x1: {  	s1 =	srdreg.scid;
	s0 =	stileid.u32  }
0x2: {  	s1 =	sand.u32 $0x1, s1;
	s2 =	sshll.u32 s0, $0x1  }
0x3: {  	s4 =	rddreg [dreg:$0x0];
	s5 =	simm.s32 $0x1;
	s3 =	sor.u32 s1, s2  }
0x4: {  	s9 =	simm.s32 $0x0;
	p1 =	seq.s32 s1, $0x1;
	p0 =	seq.s32 s3, $0x0  }
0x5: {  	s2 =	simm.s32 $0x0;
	s6 =	ssub.s32 $0x2, s1;
	p0 =	por !p0, !p1  }
0x6: {  	[smem:$0x7FF] =	sst s2;
	s3 =	sshll.u32 s3, $0x4;
	p0 =	por !p0, !p0  }
.Ltmp0:
0x7: {  	s31 =	sshrl.u32 s6, $0x1;
	s5 =	simm.s32 @!p0 $0x0;
	(pc) =	sbr.rel .LBB2_1-.Ltmp0, $4  }
0x8: {  	_ =	strace $0x80000047;
	s7 =	sadd.s32 s3, s4;
	s5 =	ssub.s32 s0, s5  }
0x9: {  	s8 =	ssub.s32 s6, s31;
	s3 =	simm.s32 $0x1;
	s5 =	sshll.u32 s5, $0xA  }
0xa: {  	s6 =	sadd.s32 $0x4000, s7;
	s7 =	smax.u32 s8, $0x1;
	s5 =	sand.u32 $0x1FFFFC00, s5  }
0xb: {  	s8 =	simm.s32 $0x10C00;
	s4 =	sadd.s32 s4, s5;
	s5 =	sshll.u32 s1, $0xC  }
.LBB2_141:
0xc: {  	s9 =	sadd.s32 $0x1, s9  }
0xd: {  	p0 =	sne.s32 s9, s7  }
.Ltmp1:
0xe: {  	[tilespmem:$0x10C00] =	vst v0;
	(pc) =	sbr.rel @!p0 .LBB2_142-.Ltmp1, $4  }
0xf: {  	[hbm4b:s6+s2] =	stream.linear.scatter [tilespmem:s8], [sflag:$0x1], $0x80, $0x38;
	[tilespmem:$0x10C80] =	vst v63  }
0x10: {  	_ =	swait.ge [sflag:s3], $0x80  }
0x11: {  	[sflag:s3] =	ssyncset.done $0x0  }
0x12: {  	[sflag:s3] =	ssyncadd.s32 $0xFFFFFF80  }
.LBB2_1:
0x13: {  	[tilespmem:s2], [sflag:$0x1] =	stream.linear.gather [hbm4b:s4+s2], $0x2000, $0x38;
	[tilespmem:$0x10C80] =	vst v63  }
0x14: {  	_ =	swait.ge [sflag:s3], $0x2000  }
0x15: {  	s1 =	sand.u32 $0x70, s2;
	s10 =	sand.u32 $0x1E00, s2;
	[sflag:s3] =	ssyncset.done $0x0  }
0x16: {  	s10 =	sor.u32 s1, s10;
	[sflag:s3] =	ssyncadd.s32 $0xFFFFE000  }
0x17: {  	v0 =	vld [tilespmem:s10+$0x100]  }
0x18: {  	v1 =	vld [tilespmem:s10+$0x80]  }
0x19: {  	v2 =	vld [tilespmem:s10+$0x0];
	_ =	sdelay $0x3  }
0x1a: {  	v3 =	vshrl.u32 v0, $0x10  }
0x1b: {  	v4 =	vshrl.u32 v1, $0x10;
	v5 =	vmul.f32 v1, v1;
	v6 =	vshrl.u32 v2, $0x10  }
0x1c: {  	v3 =	vand.u32 $0x1, v3;
	v4 =	vand.u32 $0x1, v4;
	v6 =	vand.u32 $0x1, v6  }
0x1d: {  	v3 =	vadd.s32 v3, v0;
	v1 =	vadd.s32 v4, v1;
	v4 =	vmul.f32 v2, v2  }
0x1e: {  	v2 =	vadd.s32 v6, v2;
	v1 =	vadd.s32 $0x7FFF, v1;
	v3 =	vadd.s32 $0x7FFF, v3  }
0x1f: {  	v2 =	vadd.s32 $0x7FFF, v2;
	v6 =	vand.u32 $0xFFFF0000, v1;
	v1 =	vadd.f32 v5, v4  }
0x20: {  	v2 =	vand.u32 $0xFFFF0000, v2;
	v5 =	vand.u32 $0xFFFF0000, v3;
	v4 =	vadd.f32 v6, v6  }
0x21: {  	s12 =	simm.s32 $0x0;
	s11 =	simm.s32 $0x0;
	s1 =	simm.s32 $0x10;
	v0 =	vmul.f32 v0, v0;
	v3 =	vadd.f32 v2, v2;
	v2 =	vadd.f32 v5, v5  }
.LBB2_2:
0x22: {  	p0 =	sne.s32 s1, $0x7F0  }
0x23: {  	[tilespmem:s10+$0x2080] =	vst v4;
	v0 =	vadd.f32 v0, v1;
	s12 =	sadd.s32 $0x40, s12;
	s13 =	smov.u32 s1;
	s1 =	sadd.s32 $0x10, s1  }
0x24: {  	s14 =	sshra.s32 s11, $0x2;
	[tilespmem:s10+$0x2000] =	vst v3;
	s11 =	smov.u32 s12  }
0x25: {  	s13 =	sand.u32 $0x70, s13;
	s15 =	sand.u32 $0x1E00, s12;
	[tilespmem:s10+$0x2100] =	vst v2  }
0x26: {  	s10 =	sor.u32 s13, s15;
	[tilespmem:s14+$0x4000] =	vst v0  }
0x27: {  	v1 =	vld [tilespmem:s10+$0x100]  }
0x28: {  	v2 =	vld [tilespmem:s10+$0x80]  }
0x29: {  	v3 =	vld [tilespmem:s10+$0x0];
	_ =	sdelay $0x2  }
0x2a: {  	v4 =	vshrl.u32 v1, $0x10;
	v0 =	vmul.f32 v1, v1  }
0x2b: {  	v5 =	vshrl.u32 v2, $0x10;
	v4 =	vand.u32 $0x1, v4;
	v6 =	vmul.f32 v2, v2  }
0x2c: {  	v7 =	vshrl.u32 v3, $0x10;
	v5 =	vand.u32 $0x1, v5;
	v1 =	vadd.s32 v4, v1  }
.Ltmp2:
0x2d: {  	v4 =	vand.u32 $0x1, v7;
	v2 =	vadd.s32 v5, v2;
	v5 =	vmul.f32 v3, v3;
	(pc) =	sbr.rel @p0 .LBB2_2-.Ltmp2, $4  }
0x2e: {  	v7 =	vadd.s32 $0x7FFF, v1;
	v3 =	vadd.s32 v4, v3;
	v2 =	vadd.s32 $0x7FFF, v2  }
0x2f: {  	v3 =	vadd.s32 $0x7FFF, v3;
	v2 =	vand.u32 $0xFFFF0000, v2;
	v1 =	vadd.f32 v6, v5  }
0x30: {  	v3 =	vand.u32 $0xFFFF0000, v3;
	v4 =	vadd.f32 v2, v2;
	v2 =	vand.u32 $0xFFFF0000, v7  }
0x31: {  	v3 =	vadd.f32 v3, v3;
	v2 =	vadd.f32 v2, v2  }
.Ltmp3:
0x32: {  	(pc) =	sbr.rel .LBB2_4-.Ltmp3, $4  }
0x33: {  	[tilespmem:s10+$0x2080] =	vst v4  }
0x34: {  	v0 =	vadd.f32 v0, v1;
	[tilespmem:s10+$0x2000] =	vst v3  }
0x35: {  	s1 =	sshra.s32 s11, $0x2;
	[tilespmem:s10+$0x2100] =	vst v2  }
0x36: {  	s11 =	simm.s32 $0x0;
	s10 =	simm.s32 $0x0;
	[tilespmem:s1+$0x4000] =	vst v0;
	v0 =	vimm.f32 $0.0e+00  }
.LBB2_134:
0x37: {  	_ = 	snop  }
.LBB2_139:
0x38: {  	v11, _, _ =	vpop @p0 (xrf1)  }
0x39: {  	v12, _, _ =	vpop @p1 (xrf1)  }
0x3a: {  	v10 =	vmax.f32 v10, $0.0e+00;
	v12 =	vpsel p1, v12, v8  }
0x3b: {  	(xrf1) =	vsort.dscd.msk.f32 $0xffff, v10, v10;
	v10 =	vmin.f32 @p0 v12, v11  }
0x3c: {  	(xrf1) =	vsort.ascd.msk.f32 @p0 $0xffff, v10, v10;
	_ =	sdelay $0xc  }
0x3d: {  	v10, _, _ =	vpop (xrf1)  }
0x3e: {  	v11, _, _ =	vpop @p0 (xrf1)  }
0x3f: {  	v8 =	vpsel p0, v11, v8  }
0x40: {  	v8 =	vmin.f32 v8, v10  }
0x41: {  	(xrf1) =	vsort.ascd.msk.f32 $0xffff, v8, v8;
	_ =	sdelay $0xd  }
0x42: {  	v8, _, _ =	vpop (xrf1)  }
.LBB2_140:
0x43: {  	v0 =	vadd.f32 v0, v2;
	_ =	sdelay $0x1  }
0x44: {  	v0 =	vadd.f32 v3, v0;
	_ =	sdelay $0x1  }
0x45: {  	v0 =	vadd.f32 v1, v0;
	_ =	sdelay $0x1  }
0x46: {  	v0 =	vadd.f32 v5, v0;
	_ =	sdelay $0x1  }
0x47: {  	v0 =	vadd.f32 v4, v0;
	_ =	sdelay $0x1  }
0x48: {  	s11 =	sadd.s32 $0x1, s11;
	v0 =	vadd.f32 v7, v0  }
0x49: {  	p0 =	sne.s32 s11, $0x40  }
.Ltmp4:
0x4a: {  	v0 =	vadd.f32 v6, v0;
	(pc) =	sbr.rel @!p0 .LBB2_141-.Ltmp4, $3  }
0x4b: {  	_ = 	snop  }
0x4c: {  	v0 =	vadd.f32 v9, v0;
	_ =	sdelay $0x1  }
0x4d: {  	v0 =	vadd.f32 v8, v0  }
.LBB2_4:
0x4e: {  	s1 =	sshll.u32 s11, $0x6  }
0x4f: {  	s12 =	sshll.u32 s11, $0x4;
	s1 =	sand.u32 $0xE00, s1  }
0x50: {  	s12 =	sand.u32 $0x70, s12;
	s1 =	sadd.s32 s1, s5  }
0x51: {  	s1 =	sadd.s32 s12, s1  }
0x52: {  	[tilespmem:$0x1FFE0] =	vst v0;
	v0 =	vld [tilespmem:s1+$0x0]  }
0x53: {  	v3 =	vld [tilespmem:s1+$0x80]  }
0x54: {  	v5 =	vld [tilespmem:s1+$0x100];
	_ =	sdelay $0x3  }
0x55: {  	v1 =	vmul.f32 v0, v0;
	v4 =	vmul.f32 v3, v3;
	v6 =	vshrl.u32 v0, $0x10  }
0x56: {  	v15 =	vshrl.u32 v5, $0x10;
	v6 =	vand.u32 $0x1, v6  }
0x57: {  	v1 =	vadd.f32 v4, v1;
	v4 =	vmul.f32 v5, v5;
	v0 =	vadd.s32 v6, v0  }
0x58: {  	v15 =	vand.u32 $0x1, v15;
	v0 =	vadd.s32 $0x7FFF, v0  }
0x59: {  	v6 =	vshrl.u32 v3, $0x10;
	v1 =	vadd.f32 v4, v1;
	v4 =	vand.u32 $0xFFFF0000, v0  }
0x5a: {  	v5 =	vadd.s32 v15, v5;
	v8 =	vand.u32 $0x1, v6;
	v21 =	vbroadcast v4, $0x0  }
0x5b: {  	v5 =	vadd.s32 $0x7FFF, v5;
	v20 =	vbroadcast v4, $0x1;
	v12 =	vbroadcast v4, $0x2  }
0x5c: {  	v3 =	vadd.s32 v8, v3;
	v10 =	vbroadcast v4, $0x3;
	v8 =	vbroadcast v4, $0x4  }
0x5d: {  	v5 =	vand.u32 $0xFFFF0000, v5;
	v17 =	vbroadcast v4, $0x5;
	v14 =	vbroadcast v4, $0x6  }
0x5e: {  	v13 =	vbroadcast v4, $0x7;
	v36 =	vbroadcast v5, $0x0  }
0x5f: {  	s30 =	simm.s32 $0x0;
	v35 =	vbroadcast v5, $0x1;
	v16 =	vbroadcast v5, $0x2  }
0x60: {  	s1 =	sand.u32 $0x3FFFFE00, s30;
	v19 =	vbroadcast v5, $0x3;
	v22 =	vbroadcast v5, $0x4  }
0x61: {  	s13 =	sand.u32 $0x60, s10;
	s17 =	sadd.s32 $0x2000, s1;
	v15 =	vbroadcast v5, $0x7;
	v33 =	vbroadcast v5, $0x5  }
0x62: {  	s1 =	sor.u32 s13, s17;
	v3 =	vadd.s32 $0x7FFF, v3;
	v23 =	vbroadcast v5, $0x6;
	v9 =	vbroadcast v1, $0x0  }
0x63: {  	v27 =	vld [tilespmem:s1+$0x100];
	v11 =	vbroadcast v1, $0x1;
	v0 =	vbroadcast v1, $0x2;
	v3 =	vand.u32 $0xFFFF0000, v3  }
0x64: {  	v30 =	vld [tilespmem:s1+$0x0];
	v32 =	vbroadcast v3, $0x0;
	v31 =	vbroadcast v3, $0x1  }
0x65: {  	v18 =	vbroadcast v3, $0x2;
	v25 =	vbroadcast v3, $0x3  }
0x66: {  	v28 =	vbroadcast v3, $0x4;
	v26 =	vbroadcast v3, $0x5  }
0x67: {  	v29 =	vbroadcast v3, $0x6;
	v24 =	vbroadcast v3, $0x7  }
0x68: {  	v34 =	vld [tilespmem:s1+$0x80];
	v37 =	vmul.f32 v27, v36;
	v38 =	vmul.f32 v27, v15  }
0x69: {  	v39 =	vmul.f32 v30, v10;
	v41 =	vmul.f32 v30, v21  }
0x6a: {  	v58 =	vmul.f32 v30, v8;
	v59 =	vmul.f32 v30, v13  }
0x6b: {  	v45 =	vmul.f32 v27, v19;
	v61 =	vmul.f32 v30, v14  }
0x6c: {  	v47 =	vmul.f32 v30, v20;
	v55 =	vmul.f32 v27, v23  }
0x6d: {  	v48 =	vmul.f32 v30, v17;
	v40 =	vmul.f32 v34, v25  }
0x6e: {  	v42 =	vmul.f32 v34, v32;
	v43 =	vmul.f32 v34, v28  }
0x6f: {  	v44 =	vmul.f32 v34, v24;
	v60 =	vmul.f32 v34, v29  }
0x70: {  	v62 =	vmul.f32 v34, v18;
	v63 =	vmul.f32 v34, v26  }
0x71: {  	v34 =	vmul.f32 v34, v31;
	v39 =	vadd.f32 v40, v39;
	v41 =	vadd.f32 v42, v41  }
0x72: {  	v30 =	vmul.f32 v30, v12;
	v40 =	vadd.f32 v43, v58;
	v42 =	vadd.f32 v44, v59  }
0x73: {  	s12 =	simm.s32 $0x4000;
	v57 =	vadd.f32 v63, v48;
	v58 =	vmul.f32 v27, v33;
	v59 =	vadd.f32 v34, v47  }
0x74: {  	v46 =	vld [tilespmem:s12+$0x0];
	v30 =	vadd.f32 v62, v30;
	v34 =	vbroadcast v1, $0x7;
	v37 =	vadd.f32 v37, v41  }
0x75: {  	v39 =	vadd.f32 v45, v39;
	v41 =	vadd.f32 v60, v61;
	v60 =	vmul.f32 v27, v35  }
0x76: {  	v42 =	vadd.f32 v38, v42;
	v61 =	vmul.f32 v27, v16;
	v37 =	vsub.f32 v9, v37  }
0x77: {  	v27 =	vmul.f32 v27, v22;
	v56 =	vadd.f32 v55, v41;
	v62 =	vadd.f32 v60, v59  }
0x78: {  	s31 =	simm.s32 $0x0;
	v6 =	vbroadcast v1, $0x6;
	v30 =	vadd.f32 v61, v30;
	v42 =	vsub.f32 v34, v42  }
0x79: {  	s1 =	sand.u32 $0x3FFFFC00, s31;
	v7 =	vbroadcast v1, $0x5;
	v27 =	vadd.f32 v27, v40;
	v52 =	vadd.f32 v37, v46  }
0x7a: {  	s18 =	sadd.s32 $0x4800, s1;
	v48 =	vimm.f32 $3.000000010e+38;
	v38 =	vsub.f32 v6, v56;
	v37 =	vadd.f32 v58, v57  }
0x7b: {  	s19 =	sor.u32 s13, s18;
	[tilespmem:$0x1FFF0] =	vst v1;
	v45 =	vimm.f32 $3.000000010e+38;
	v30 =	vsub.f32 v0, v30;
	v43 =	vadd.f32 v42, v46  }
0x7c: {  	v41 =	vsub.f32 v11, v62;
	v44 =	vadd.f32 v38, v46;
	v38 =	vbroadcast v1, $0x3;
	[tilespmem:s19+$0x0] =	vst v52  }
0x7d: {  	v63 =	vsub.f32 v7, v37;
	v37 =	vbroadcast v1, $0x4;
	v47 =	vadd.f32 v30, v46;
	[tilespmem:s19+$0x380] =	vst v43  }
0x7e: {  	v40 =	vimm.f32 $3.000000010e+38;
	v51 =	vadd.f32 v41, v46;
	[tilespmem:s19+$0x300] =	vst v44;
	v39 =	vsub.f32 v38, v39  }
0x7f: {  	v42 =	vimm.f32 $3.000000010e+38;
	v50 =	vadd.f32 v63, v46;
	v27 =	vsub.f32 v37, v27;
	[tilespmem:s19+$0x100] =	vst v47  }
0x80: {  	s14 =	simm.s32 $0x1;
	v30 =	vimm.f32 $3.000000010e+38;
	v41 =	vimm.f32 $3.000000010e+38;
	[tilespmem:s19+$0x80] =	vst v51;
	v49 =	vadd.f32 v39, v46  }
0x81: {  	s15 =	simm.s32 $0x0;
	s16 =	sor.u32 $0x10, s13;
	s13 =	simm.s32 $0x0;
	[tilespmem:s19+$0x280] =	vst v50;
	v46 =	vadd.f32 v27, v46;
	v39 =	vimm.f32 $3.000000010e+38;
	v27 =	vimm.f32 $3.000000010e+38  }
.LBB2_5:
0x82: {  	p0 =	sne.s32 s14, $0x3F;
	[tilespmem:s19+$0x180] =	vst v49;
	s15 =	sadd.s32 $0x20, s15;
	s12 =	sadd.s32 $0x20, s12  }
0x83: {  	s1 =	sor.u32 s16, s17;
	[tilespmem:s19+$0x200] =	vst v46;
	s19 =	smov.u32 s14;
	s14 =	sadd.s32 $0x1, s14  }
0x84: {  	v53 =	vld [tilespmem:s1+$0x0]  }
0x85: {  	s17 =	sand.u32 $0x780, s13;
	s13 =	smov.u32 s15;
	v54 =	vld [tilespmem:s1+$0x80]  }
0x86: {  	v55 =	vld [tilespmem:s1+$0x100];
	s1 =	sor.u32 s16, s17  }
0x87: {  	v56 =	vld [tilespmem:s1+$0x4000];
	_ =	sdelay $0x1  }
0x88: {  	v57 =	vmul.f32 v53, v21;
	v58 =	vmul.f32 v53, v20  }
0x89: {  	v59 =	vmul.f32 v54, v32;
	v60 =	vmul.f32 v54, v31  }
0x8a: {  	v48 =	vmin.f32 v48, v52;
	v52 =	vmul.f32 v55, v35;
	v61 =	vmul.f32 v55, v15  }
0x8b: {  	v57 =	vadd.f32 v59, v57;
	v59 =	vmul.f32 v55, v36;
	v58 =	vadd.f32 v60, v58  }
0x8c: {  	v42 =	vmin.f32 v42, v50;
	v50 =	vmul.f32 v54, v25;
	v60 =	vmul.f32 v54, v28  }
0x8d: {  	v57 =	vadd.f32 v59, v57;
	v52 =	vadd.f32 v52, v58;
	v58 =	vmul.f32 v54, v26  }
0x8e: {  	v45 =	vmin.f32 v45, v51;
	v51 =	vmul.f32 v53, v17;
	v59 =	vmul.f32 v54, v29  }
0x8f: {  	v62 =	vmul.f32 v54, v24;
	v57 =	vsub.f32 v9, v57;
	v52 =	vsub.f32 v11, v52  }
0x90: {  	v63 =	vmul.f32 v53, v12;
	v51 =	vadd.f32 v58, v51;
	v58 =	vmul.f32 v55, v33  }
0x91: {  	v54 =	vmul.f32 v54, v18;
	v57 =	vadd.f32 v57, v56;
	v52 =	vadd.f32 v52, v56  }
0x92: {  	s1 =	sor.u32 s16, s18;
	v2 =	vmul.f32 v53, v13;
	v51 =	vadd.f32 v58, v51;
	v58 =	vmul.f32 v53, v14  }
0x93: {  	v1 =	vmul.f32 v55, v22;
	v54 =	vadd.f32 v54, v63;
	v63 =	vmul.f32 v53, v10;
	[tilespmem:s1+$0x0] =	vst v57  }
0x94: {  	v53 =	vmul.f32 v53, v8;
	v58 =	vadd.f32 v59, v58;
	v59 =	vmul.f32 v55, v23;
	[tilespmem:s1+$0x80] =	vst v52  }
0x95: {  	v2 =	vadd.f32 v62, v2;
	v48 =	vmin.f32 v48, v57;
	v51 =	vsub.f32 v7, v51  }
0x96: {  	v50 =	vadd.f32 v50, v63;
	v57 =	vmul.f32 v55, v19;
	v58 =	vadd.f32 v59, v58  }
0x97: {  	v55 =	vmul.f32 v55, v16;
	v53 =	vadd.f32 v60, v53;
	v51 =	vadd.f32 v51, v56  }
0x98: {  	v45 =	vmin.f32 v45, v52;
	v50 =	vadd.f32 v57, v50;
	v52 =	vsub.f32 v6, v58  }
0x99: {  	v54 =	vadd.f32 v55, v54;
	v1 =	vadd.f32 v1, v53;
	v42 =	vmin.f32 v42, v51;
	[tilespmem:s1+$0x280] =	vst v51  }
0x9a: {  	v50 =	vsub.f32 v38, v50;
	v51 =	vadd.f32 v52, v56  }
0x9b: {  	v30 =	vmin.f32 v30, v44;
	v2 =	vadd.f32 v61, v2;
	v44 =	vsub.f32 v0, v54  }
0x9c: {  	v1 =	vsub.f32 v37, v1;
	v50 =	vadd.f32 v50, v56;
	v30 =	vmin.f32 v30, v51;
	[tilespmem:s1+$0x300] =	vst v51  }
0x9d: {  	v39 =	vmin.f32 v39, v49;
	s16 =	sshll.u32 s19, $0x7;
	v2 =	vsub.f32 v34, v2;
	v44 =	vadd.f32 v44, v56  }
0x9e: {  	v41 =	vmin.f32 v41, v47;
	s16 =	sand.u32 $0x3FFFFE00, s16;
	v1 =	vadd.f32 v1, v56;
	v39 =	vmin.f32 v39, v50;
	[tilespmem:s1+$0x180] =	vst v50  }
0x9f: {  	s20 =	sand.u32 $0x60, s15;
	v40 =	vmin.f32 v40, v46;
	s17 =	sadd.s32 $0x2000, s16;
	v2 =	vadd.f32 v2, v56;
	v41 =	vmin.f32 v41, v44;
	[tilespmem:s1+$0x100] =	vst v44  }
0xa0: {  	v27 =	vmin.f32 v27, v43;
	s16 =	sor.u32 $0x10, s20;
	s18 =	sor.u32 s20, s17;
	v40 =	vmin.f32 v40, v1;
	[tilespmem:s1+$0x200] =	vst v1  }
0xa1: {  	v27 =	vmin.f32 v27, v2;
	[tilespmem:s1+$0x380] =	vst v2  }
0xa2: {  	v1 =	vld [tilespmem:s18+$0x100]  }
0xa3: {  	v2 =	vld [tilespmem:s18+$0x0]  }
0xa4: {  	v43 =	vld [tilespmem:s18+$0x80];
	_ =	sdelay $0x2  }
0xa5: {  	v44 =	vmul.f32 v1, v36;
	v46 =	vmul.f32 v1, v22  }
0xa6: {  	v47 =	vmul.f32 v1, v15  }
0xa7: {  	v49 =	vmul.f32 v2, v10;
	v50 =	vmul.f32 v43, v25  }
0xa8: {  	v51 =	vmul.f32 v2, v21;
	v52 =	vmul.f32 v43, v32  }
0xa9: {  	v53 =	vmul.f32 v43, v28;
	v49 =	vadd.f32 v50, v49;
	v50 =	vmul.f32 v2, v8  }
0xaa: {  	v54 =	vmul.f32 v43, v24;
	v51 =	vadd.f32 v52, v51;
	v52 =	vmul.f32 v2, v13  }
0xab: {  	v55 =	vmul.f32 v1, v19;
	v53 =	vadd.f32 v53, v50;
	v50 =	vmul.f32 v43, v29  }
0xac: {  	v44 =	vadd.f32 v44, v51;
	v51 =	vmul.f32 v2, v14;
	v52 =	vadd.f32 v54, v52;
	v56 =	vld [tilespmem:s12+$0x0]  }
0xad: {  	v54 =	vmul.f32 v43, v18;
	v49 =	vadd.f32 v55, v49;
	v55 =	vmul.f32 v43, v26  }
0xae: {  	v57 =	vmul.f32 v2, v20;
	v50 =	vadd.f32 v50, v51;
	v51 =	vmul.f32 v1, v23  }
0xaf: {  	s1 =	sshll.u32 s19, $0x8;
	v58 =	vmul.f32 v2, v17;
	v44 =	vsub.f32 v9, v44;
	v47 =	vadd.f32 v47, v52  }
0xb0: {  	s1 =	sand.u32 $0x3FFFFC00, s1;
	v43 =	vmul.f32 v43, v31;
	v2 =	vmul.f32 v2, v12;
	v50 =	vadd.f32 v51, v50  }
0xb1: {  	s18 =	sadd.s32 $0x4800, s1;
	v51 =	vmul.f32 v1, v33;
	v52 =	vadd.f32 v44, v56;
	v44 =	vadd.f32 v55, v58  }
0xb2: {  	s19 =	sor.u32 s20, s18;
	v43 =	vadd.f32 v43, v57;
	v55 =	vmul.f32 v1, v35;
	v50 =	vsub.f32 v6, v50  }
0xb3: {  	v2 =	vadd.f32 v54, v2;
	v1 =	vmul.f32 v1, v16;
	[tilespmem:s19+$0x0] =	vst v52;
	v51 =	vadd.f32 v51, v44  }
0xb4: {  	v43 =	vadd.f32 v55, v43;
	v44 =	vadd.f32 v50, v56  }
0xb5: {  	v1 =	vadd.f32 v1, v2;
	v2 =	vsub.f32 v7, v51  }
0xb6: {  	v47 =	vsub.f32 v34, v47;
	v43 =	vsub.f32 v11, v43;
	[tilespmem:s19+$0x300] =	vst v44  }
0xb7: {  	v1 =	vsub.f32 v0, v1;
	v50 =	vadd.f32 v2, v56  }
0xb8: {  	v51 =	vadd.f32 v43, v56;
	v43 =	vadd.f32 v47, v56  }
.Ltmp5:
0xb9: {  	v47 =	vadd.f32 v1, v56;
	v1 =	vadd.f32 v46, v53;
	[tilespmem:s19+$0x280] =	vst v50;
	(pc) =	sbr.rel @p0 .LBB2_5-.Ltmp5, $4  }
0xba: {  	v2 =	vsub.f32 v38, v49;
	[tilespmem:s19+$0x380] =	vst v43  }
0xbb: {  	v1 =	vsub.f32 v37, v1;
	[tilespmem:s19+$0x100] =	vst v47  }
0xbc: {  	v49 =	vadd.f32 v2, v56;
	[tilespmem:s19+$0x80] =	vst v51  }
0xbd: {  	v46 =	vadd.f32 v1, v56  }
0xbe: {  	[tilespmem:s19+$0x180] =	vst v49  }
0xbf: {  	s1 =	sor.u32 s16, s17;
	[tilespmem:s19+$0x200] =	vst v46  }
0xc0: {  	v1 =	vld [tilespmem:s1+$0x0]  }
0xc1: {  	v2 =	vld [tilespmem:s1+$0x80]  }
0xc2: {  	v53 =	vld [tilespmem:s1+$0x100];
	_ =	sdelay $0x2  }
0xc3: {  	v21 =	vmul.f32 v1, v21  }
0xc4: {  	v32 =	vmul.f32 v2, v32;
	v20 =	vmul.f32 v1, v20  }
0xc5: {  	v31 =	vmul.f32 v2, v31;
	v56 =	vmul.f32 v53, v36  }
0xc6: {  	v35 =	vmul.f32 v53, v35;
	v25 =	vmul.f32 v2, v25  }
0xc7: {  	v28 =	vmul.f32 v2, v28;
	v26 =	vmul.f32 v2, v26  }
0xc8: {  	s17 =	sand.u32 $0x780, s13;
	v17 =	vmul.f32 v1, v17;
	v29 =	vmul.f32 v2, v29  }
0xc9: {  	s1 =	sor.u32 s16, s17;
	v59 =	vmul.f32 v2, v24;
	v12 =	vmul.f32 v1, v12;
	v21 =	vadd.f32 v32, v21  }
0xca: {  	v58 =	vmin.f32 v48, v52;
	v57 =	vld [tilespmem:s1+$0x4000];
	v2 =	vmul.f32 v2, v18;
	v14 =	vmul.f32 v1, v14  }
0xcb: {  	v13 =	vmul.f32 v1, v13;
	v20 =	vadd.f32 v31, v20;
	v21 =	vadd.f32 v56, v21  }
0xcc: {  	v10 =	vmul.f32 v1, v10;
	v17 =	vadd.f32 v26, v17;
	v2 =	vadd.f32 v2, v12  }
0xcd: {  	v1 =	vmul.f32 v1, v8;
	v8 =	vadd.f32 v29, v14;
	v9 =	vsub.f32 v9, v21  }
0xce: {  	v60 =	vmul.f32 v53, v33;
	v13 =	vadd.f32 v59, v13;
	v10 =	vadd.f32 v25, v10  }
0xcf: {  	v14 =	vmul.f32 v53, v23;
	v1 =	vadd.f32 v28, v1;
	v9 =	vadd.f32 v9, v57  }
0xd0: {  	v12 =	vmul.f32 v53, v22;
	v20 =	vadd.f32 v35, v20;
	v17 =	vadd.f32 v60, v17  }
0xd1: {  	v8 =	vadd.f32 v14, v8;
	v14 =	vmul.f32 v53, v16;
	v61 =	vmin.f32 v58, v9  }
0xd2: {  	v1 =	vadd.f32 v12, v1;
	v11 =	vsub.f32 v11, v20;
	(xrf1) =	vsort.ascd.msk.f32 $0xffff, v61, v61  }
0xd3: {  	v7 =	vsub.f32 v7, v17;
	v6 =	vsub.f32 v6, v8  }
0xd4: {  	v62 =	vmul.f32 v53, v19;
	v2 =	vadd.f32 v14, v2;
	v1 =	vsub.f32 v37, v1  }
0xd5: {  	s19 =	sor.u32 s16, s18;
	v8 =	vmul.f32 v53, v15;
	v11 =	vadd.f32 v11, v57;
	v63 =	vadd.f32 v7, v57  }
0xd6: {  	v7 =	vadd.f32 v62, v10;
	v6 =	vadd.f32 v6, v57;
	[tilespmem:s19+$0x0] =	vst v9  }
0xd7: {  	v0 =	vsub.f32 v0, v2;
	v2 =	vadd.f32 v8, v13;
	v9 =	vmin.f32 v45, v51;
	[tilespmem:s19+$0x80] =	vst v11  }
0xd8: {  	v1 =	vadd.f32 v1, v57;
	v7 =	vsub.f32 v38, v7;
	[tilespmem:s19+$0x280] =	vst v63;
	v8 =	vmin.f32 v9, v11  }
0xd9: {  	[tilespmem:s19+$0x300] =	vst v6;
	v0 =	vadd.f32 v0, v57;
	v2 =	vsub.f32 v34, v2;
	(xrf1) =	vsort.ascd.msk.f32 $0xffff, v8, v8  }
0xda: {  	[tilespmem:s19+$0x200] =	vst v1;
	v7 =	vadd.f32 v7, v57  }
0xdb: {  	s12 =	simm.s32 $0x0;
	[tilespmem:s19+$0x100] =	vst v0;
	v2 =	vadd.f32 v2, v57  }
0xdc: {  	s20 =	sand.u32 $0x60, s12;
	s14 =	sand.u32 $0x3C00, s12;
	[tilespmem:s19+$0x180] =	vst v7  }
0xdd: {  	s13 =	sor.u32 s20, s14;
	v8 =	vmin.f32 v41, v47;
	[tilespmem:s19+$0x380] =	vst v2  }
0xde: {  	v9 =	vld [tilespmem:s13+$0x4800]  }
0xdf: {  	v0 =	vmin.f32 v8, v0  }
0xe0: {  	v8, _, _ =	vpop (xrf1);
	(xrf1) =	vsort.ascd.msk.f32 $0xffff, v0, v0  }
0xe1: {  	v0 =	vbroadcast v8, $0xF;
	_ =	sdelay $0x1  }
0xe2: {  	vm0 =	vle.f32 v9, v0  }
0xe3: {  	v8 =	vmin.f32 v39, v49;
	[tilespmem:s12+$0xC800] =	vst.msk vm0, v9  }
0xe4: {  	v9 =	vld [tilespmem:s13+$0x4880]  }
0xe5: {  	v7 =	vmin.f32 v8, v7  }
0xe6: {  	v8, _, _ =	vpop (xrf1);
	(xrf1) =	vsort.ascd.msk.f32 $0xffff, v7, v7  }
0xe7: {  	v7 =	vbroadcast v8, $0xF;
	_ =	sdelay $0x1  }
0xe8: {  	vm1 =	vle.f32 v9, v7  }
0xe9: {  	v8 =	vmin.f32 v40, v46;
	[tilespmem:s12+$0xD080] =	vst.msk vm1, v9  }
0xea: {  	v9 =	vld [tilespmem:s13+$0x4900]  }
0xeb: {  	v1 =	vmin.f32 v8, v1  }
0xec: {  	v8, _, _ =	vpop (xrf1);
	(xrf1) =	vsort.ascd.msk.f32 $0xffff, v1, v1  }
0xed: {  	v8 =	vbroadcast v8, $0xF;
	_ =	sdelay $0x1  }
0xee: {  	vm2 =	vle.f32 v9, v8  }
0xef: {  	[tilespmem:s12+$0xD900] =	vst.msk vm2, v9  }
0xf0: {  	v1 =	vmin.f32 v42, v50;
	v10 =	vld [tilespmem:s13+$0x4980]  }
0xf1: {  	v1 =	vmin.f32 v1, v63  }
0xf2: {  	v9, _, _ =	vpop (xrf1);
	(xrf1) =	vsort.ascd.msk.f32 $0xffff, v1, v1  }
0xf3: {  	v9 =	vbroadcast v9, $0xF;
	_ =	sdelay $0x1  }
0xf4: {  	vm3 =	vle.f32 v10, v9  }
0xf5: {  	[tilespmem:s12+$0xE180] =	vst.msk vm3, v10  }
0xf6: {  	v1 =	vmin.f32 v30, v44;
	v11 =	vld [tilespmem:s13+$0x4A00]  }
0xf7: {  	v1 =	vmin.f32 v1, v6  }
0xf8: {  	v6, _, _ =	vpop (xrf1);
	(xrf1) =	vsort.ascd.msk.f32 $0xffff, v1, v1  }
0xf9: {  	v10 =	vbroadcast v6, $0xF;
	_ =	sdelay $0x1  }
0xfa: {  	vm4 =	vle.f32 v11, v10  }
0xfb: {  	[tilespmem:s12+$0xEA00] =	vst.msk vm4, v11  }
0xfc: {  	v1 =	vmin.f32 v27, v43;
	v6 =	vld [tilespmem:s13+$0x4A80]  }
0xfd: {  	v1 =	vmin.f32 v1, v2  }
0xfe: {  	v2, _, _ =	vpop (xrf1);
	(xrf1) =	vsort.ascd.msk.f32 $0xffff, v1, v1  }
0xff: {  	s21 =	sand.u32 $0x3, s12;
	v11 =	vbroadcast v2, $0xF  }
0x100: {  	s1 =	sshll.u32 s21, $0x5  }
0x101: {  	s22 =	sadd.s32 $0x0, s1;
	vm5 =	vle.f32 v6, v11  }
0x102: {  	s1 =	sor.u32 $0x300, s22;
	[tilespmem:s12+$0xF280] =	vst.msk vm5, v6  }
0x103: {  	v1 =	vld [tilespmem:s1+$0x4800]  }
0x104: {  	v2 =	vmpcnt.ones.xlane vm0  }
0x105: {  	v6, _, _ =	vpop (xrf1)  }
0x106: {  	(v2sf) =	vpush v2, $0x0;
	v12 =	vbroadcast v6, $0xF;
	_ =	sdelay $0x1  }
0x107: {  	vm6 =	vle.f32 v1, v12  }
0x108: {  	s23 =	sor.u32 $0x380, s22;
	[tilespmem:s12+$0xFB00] =	vst.msk vm6, v1  }
0x109: {  	v1 =	vld [tilespmem:s23+$0x4800]  }
0x10a: {  	v2 =	vmpcnt.ones.xlane vm1  }
0x10b: {  	v6, _, _ =	vpop (xrf1)  }
0x10c: {  	(v2sf) =	vpush v2, $0x0;
	v6 =	vbroadcast v6, $0xF;
	_ =	sdelay $0x1  }
0x10d: {  	vm7 =	vle.f32 v1, v6  }
0x10e: {  	[tilespmem:s12+$0x10380] =	vst.msk vm7, v1  }
0x10f: {  	v1 =	vld [tilespmem:s13+$0x4810]  }
0x110: {  	v2 =	vmpcnt.ones.xlane vm2;
	_ =	sdelay $0x1  }
0x111: {  	(v2sf) =	vpush v2, $0x0  }
0x112: {  	s24 =	spop (v2sf)  }
0x113: {  	s16 =	sadd.s32 $0x0, s24;
	vm14 =	vle.f32 v1, v0  }
0x114: {  	[tilespmem:s16+$0xC800] =	vst.msk vm14, v1  }
0x115: {  	v1 =	vld [tilespmem:s13+$0x4890]  }
0x116: {  	v2 =	vmpcnt.ones.xlane vm3;
	_ =	sdelay $0x1  }
0x117: {  	(v2sf) =	vpush v2, $0x0  }
0x118: {  	s25 =	spop (v2sf)  }
0x119: {  	s15 =	sadd.s32 $0x0, s25;
	vm15 =	vle.f32 v1, v7  }
0x11a: {  	[tilespmem:s15+$0xD080] =	vst.msk vm15, v1  }
0x11b: {  	v1 =	vld [tilespmem:s13+$0x4910]  }
0x11c: {  	v2 =	vmpcnt.ones.xlane vm4;
	_ =	sdelay $0x1  }
0x11d: {  	(v2sf) =	vpush v2, $0x0  }
0x11e: {  	s26 =	spop (v2sf)  }
0x11f: {  	s1 =	sadd.s32 $0x0, s26;
	vm8 =	vle.f32 v1, v8  }
0x120: {  	[tilespmem:s1+$0xD900] =	vst.msk vm8, v1  }
0x121: {  	v1 =	vld [tilespmem:s13+$0x4990]  }
0x122: {  	v2 =	vmpcnt.ones.xlane vm5;
	_ =	sdelay $0x1  }
0x123: {  	(v2sf) =	vpush v2, $0x0  }
0x124: {  	s28 =	spop (v2sf)  }
0x125: {  	s17 =	sadd.s32 $0x0, s28;
	vm9 =	vle.f32 v1, v9  }
0x126: {  	[tilespmem:s17+$0xE180] =	vst.msk vm9, v1  }
0x127: {  	v1 =	vld [tilespmem:s13+$0x4A10]  }
0x128: {  	v2 =	vmpcnt.ones.xlane vm6;
	_ =	sdelay $0x1  }
0x129: {  	(v2sf) =	vpush v2, $0x0  }
0x12a: {  	s29 =	spop (v2sf)  }
0x12b: {  	s18 =	sadd.s32 $0x0, s29;
	vm10 =	vle.f32 v1, v10  }
0x12c: {  	[tilespmem:s18+$0xEA00] =	vst.msk vm10, v1  }
0x12d: {  	v1 =	vld [tilespmem:s13+$0x4A90];
	_ =	sdelay $0x1  }
0x12e: {  	v2 =	vmpcnt.ones.xlane vm7;
	_ =	sdelay $0x1  }
0x12f: {  	(v2sf) =	vpush v2, $0x0;
	s30 =	spop (v2sf)  }
0x130: {  	s14 =	sadd.s32 $0x10, s22;
	s21 =	sadd.s32 $0x0, s30;
	vm11 =	vle.f32 v1, v11  }
0x131: {  	s31 =	sor.u32 $0x300, s14;
	[tilespmem:s21+$0xF280] =	vst.msk vm11, v1  }
0x132: {  	v1 =	vld [tilespmem:s31+$0x4800];
	_ =	sdelay $0x1  }
0x133: {  	v2 =	vmpcnt.ones.xlane vm14;
	_ =	sdelay $0x1  }
0x134: {  	(v2sf) =	vpush v2, $0x0;
	s19 =	spop (v2sf)  }
0x135: {  	s23 =	sadd.s32 $0x0, s19;
	vm12 =	vle.f32 v1, v12  }
0x136: {  	s20 =	sor.u32 $0x380, s14;
	[tilespmem:s23+$0xFB00] =	vst.msk vm12, v1;
	v1 =	vmpcnt.ones.xlane vm15  }
0x137: {  	v2 =	vld [tilespmem:s20+$0x4800]  }
0x138: {  	v13 =	vmpcnt.ones.xlane vm8;
	(v2sf) =	vpush v1, $0x0  }
0x139: {  	v14 =	vmpcnt.ones.xlane vm9  }
0x13a: {  	v1 =	vmpcnt.ones.xlane vm10;
	(v2sf) =	vpush v13, $0x0  }
0x13b: {  	v13 =	vmpcnt.ones.xlane vm11;
	(v2sf) =	vpush v14, $0x0  }
0x13c: {  	s22 =	simm.s32 $0x20;
	s24 =	spop (v2sf);
	s13 =	simm.s32 $0x100;
	(v2sf) =	vpush v1, $0x0;
	v1 =	vmpcnt.ones.xlane vm12;
	vm13 =	vle.f32 v2, v6  }
0x13d: {  	s14 =	sand.u32 $0x60, s22;
	s22 =	sadd.s32 $0x0, s24;
	s20 =	sand.u32 $0x3C00, s13;
	(v2sf) =	vpush v13, $0x0;
	v13 =	vmpcnt.ones.xlane vm13  }
0x13e: {  	s14 =	sor.u32 s14, s20;
	(v2sf) =	vpush v1, $0x0;
	[tilespmem:s22+$0x10380] =	vst.msk vm13, v2  }
0x13f: {  	v1 =	vld [tilespmem:s14+$0x4800];
	(v2sf) =	vpush v13, $0x0;
	_ =	sdelay $0x3  }
0x140: {  	s25 =	spop (v2sf)  }
0x141: {  	s20 =	sadd.s32 s16, s25;
	vm14 =	vle.f32 v1, v0  }
0x142: {  	[tilespmem:s20+$0xC800] =	vst.msk vm14, v1;
	v2 =	vmpcnt.ones.xlane vm14  }
0x143: {  	v1 =	vld [tilespmem:s14+$0x4880]  }
0x144: {  	s26 =	spop (v2sf);
	(v2sf) =	vpush v2, $0x0;
	_ =	sdelay $0x1  }
0x145: {  	s28 =	spop (v2sf)  }
0x146: {  	s25 =	spop (v2sf)  }
0x147: {  	s24 =	sadd.s32 s15, s26;
	s29 =	spop (v2sf);
	vm15 =	vle.f32 v1, v7  }
0x148: {  	s19 =	sadd.s32 s1, s28;
	s17 =	sadd.s32 s17, s25;
	s30 =	spop (v2sf);
	v14 =	vmpcnt.ones.xlane vm15;
	[tilespmem:s24+$0xD080] =	vst.msk vm15, v1  }
0x149: {  	s25 =	simm.s32 $0x40;
	s16 =	sadd.s32 s18, s29;
	s31 =	spop (v2sf);
	v13 =	vld [tilespmem:s14+$0x4900]  }
0x14a: {  	s18 =	sadd.s32 s21, s30;
	s15 =	sadd.s32 s23, s31;
	(v2sf) =	vpush v14, $0x0;
	s1 =	spop (v2sf)  }
.LBB2_7:
0x14b: {  	s22 =	sadd.s32 s22, s1  }
0x14c: {  	s12 =	sadd.s32 $0x1, s12;
	s23 =	smov.u32 s25;
	s21 =	sadd.s32 $0x20, s25  }
0x14d: {  	p0 =	sne.s32 s25, $0x7E0  }
0x14e: {  	vm0 =	vle.f32 v13, v8  }
0x14f: {  	[tilespmem:s19+$0xD900] =	vst.msk vm0, v13;
	v1 =	vmpcnt.ones.xlane vm0  }
0x150: {  	v2 =	vld [tilespmem:s14+$0x4980]  }
0x151: {  	(v2sf) =	vpush v1, $0x0  }
0x152: {  	s26 =	spop (v2sf);
	_ =	sdelay $0x2  }
0x153: {  	vm0 =	vle.f32 v2, v9  }
0x154: {  	[tilespmem:s17+$0xE180] =	vst.msk vm0, v2;
	v1 =	vmpcnt.ones.xlane vm0  }
0x155: {  	v2 =	vld [tilespmem:s14+$0x4A00]  }
0x156: {  	(v2sf) =	vpush v1, $0x0  }
0x157: {  	s1 =	spop (v2sf)  }
0x158: {  	s24 =	sadd.s32 s24, s1;
	_ =	sdelay $0x1  }
0x159: {  	vm0 =	vle.f32 v2, v10  }
0x15a: {  	[tilespmem:s16+$0xEA00] =	vst.msk vm0, v2;
	v1 =	vmpcnt.ones.xlane vm0  }
0x15b: {  	v2 =	vld [tilespmem:s14+$0x4A80]  }
0x15c: {  	(v2sf) =	vpush v1, $0x0  }
0x15d: {  	s29 =	spop (v2sf)  }
0x15e: {  	s1 =	sand.u32 $0x3, s12  }
0x15f: {  	s1 =	sshll.u32 s1, $0x5  }
0x160: {  	s28 =	sadd.s32 s1, s13;
	vm0 =	vle.f32 v2, v11  }
0x161: {  	s1 =	sor.u32 $0x300, s28;
	s25 =	sadd.s32 $0x10, s28;
	[tilespmem:s18+$0xF280] =	vst.msk vm0, v2;
	v1 =	vmpcnt.ones.xlane vm0  }
0x162: {  	v2 =	vld [tilespmem:s1+$0x4800]  }
0x163: {  	(v2sf) =	vpush v1, $0x0  }
0x164: {  	s1 =	spop (v2sf);
	_ =	sdelay $0x2  }
0x165: {  	vm0 =	vle.f32 v2, v12  }
0x166: {  	s28 =	sor.u32 $0x380, s28;
	[tilespmem:s15+$0xFB00] =	vst.msk vm0, v2;
	v1 =	vmpcnt.ones.xlane vm0  }
0x167: {  	v2 =	vld [tilespmem:s28+$0x4800]  }
0x168: {  	(v2sf) =	vpush v1, $0x0  }
0x169: {  	s31 =	spop (v2sf);
	_ =	sdelay $0x2  }
0x16a: {  	vm0 =	vle.f32 v2, v6  }
0x16b: {  	[tilespmem:s22+$0x10380] =	vst.msk vm0, v2;
	v1 =	vmpcnt.ones.xlane vm0  }
0x16c: {  	v2 =	vld [tilespmem:s14+$0x4810]  }
0x16d: {  	(v2sf) =	vpush v1, $0x0  }
0x16e: {  	s30 =	spop (v2sf);
	_ =	sdelay $0x2  }
0x16f: {  	s20 =	sadd.s32 s20, s26;
	vm0 =	vle.f32 v2, v0  }
0x170: {  	[tilespmem:s20+$0xC800] =	vst.msk vm0, v2;
	v1 =	vmpcnt.ones.xlane vm0  }
0x171: {  	v2 =	vld [tilespmem:s14+$0x4890]  }
0x172: {  	(v2sf) =	vpush v1, $0x0  }
0x173: {  	s28 =	spop (v2sf);
	_ =	sdelay $0x2  }
0x174: {  	vm0 =	vle.f32 v2, v7  }
0x175: {  	[tilespmem:s24+$0xD080] =	vst.msk vm0, v2;
	v1 =	vmpcnt.ones.xlane vm0  }
0x176: {  	v2 =	vld [tilespmem:s14+$0x4910]  }
0x177: {  	(v2sf) =	vpush v1, $0x0  }
0x178: {  	s26 =	spop (v2sf);
	_ =	sdelay $0x2  }
0x179: {  	s19 =	sadd.s32 s19, s29;
	vm0 =	vle.f32 v2, v8  }
0x17a: {  	[tilespmem:s19+$0xD900] =	vst.msk vm0, v2;
	v1 =	vmpcnt.ones.xlane vm0  }
0x17b: {  	v2 =	vld [tilespmem:s14+$0x4990]  }
0x17c: {  	(v2sf) =	vpush v1, $0x0  }
0x17d: {  	s29 =	spop (v2sf)  }
0x17e: {  	s20 =	sadd.s32 s20, s29;
	_ =	sdelay $0x1  }
0x17f: {  	s1 =	sadd.s32 s17, s1;
	vm0 =	vle.f32 v2, v9  }
0x180: {  	[tilespmem:s1+$0xE180] =	vst.msk vm0, v2;
	v1 =	vmpcnt.ones.xlane vm0  }
0x181: {  	v2 =	vld [tilespmem:s14+$0x4A10]  }
0x182: {  	(v2sf) =	vpush v1, $0x0  }
0x183: {  	s17 =	spop (v2sf)  }
0x184: {  	s24 =	sadd.s32 s24, s17;
	_ =	sdelay $0x1  }
0x185: {  	s16 =	sadd.s32 s16, s31;
	vm0 =	vle.f32 v2, v10  }
0x186: {  	[tilespmem:s16+$0xEA00] =	vst.msk vm0, v2;
	v1 =	vmpcnt.ones.xlane vm0  }
0x187: {  	v2 =	vld [tilespmem:s14+$0x4A90]  }
0x188: {  	(v2sf) =	vpush v1, $0x0  }
0x189: {  	s14 =	spop (v2sf)  }
0x18a: {  	s19 =	sadd.s32 s19, s14;
	_ =	sdelay $0x1  }
0x18b: {  	s18 =	sadd.s32 s18, s30;
	vm0 =	vle.f32 v2, v11  }
0x18c: {  	s14 =	sor.u32 $0x300, s25;
	[tilespmem:s18+$0xF280] =	vst.msk vm0, v2;
	v1 =	vmpcnt.ones.xlane vm0  }
0x18d: {  	v2 =	vld [tilespmem:s14+$0x4800]  }
0x18e: {  	(v2sf) =	vpush v1, $0x0  }
0x18f: {  	s14 =	spop (v2sf)  }
0x190: {  	s17 =	sadd.s32 s1, s14;
	_ =	sdelay $0x1  }
0x191: {  	s1 =	sadd.s32 s15, s28;
	vm0 =	vle.f32 v2, v12  }
0x192: {  	s14 =	sor.u32 $0x380, s25;
	[tilespmem:s1+$0xFB00] =	vst.msk vm0, v2;
	v1 =	vmpcnt.ones.xlane vm0  }
0x193: {  	v2 =	vld [tilespmem:s14+$0x4800]  }
0x194: {  	(v2sf) =	vpush v1, $0x0  }
0x195: {  	s14 =	spop (v2sf)  }
0x196: {  	s16 =	sadd.s32 s16, s14  }
0x197: {  	s13 =	sadd.s32 $0x100, s13  }
0x198: {  	s22 =	sadd.s32 s22, s26;
	s15 =	sand.u32 $0x3C00, s13;
	s14 =	sand.u32 $0x60, s23;
	vm0 =	vle.f32 v2, v6  }
0x199: {  	s14 =	sor.u32 s14, s15;
	[tilespmem:s22+$0x10380] =	vst.msk vm0, v2;
	v1 =	vmpcnt.ones.xlane vm0  }
0x19a: {  	v2 =	vld [tilespmem:s14+$0x4800]  }
0x19b: {  	(v2sf) =	vpush v1, $0x0  }
0x19c: {  	s15 =	spop (v2sf)  }
0x19d: {  	s18 =	sadd.s32 s18, s15;
	_ =	sdelay $0x1  }
0x19e: {  	vm0 =	vle.f32 v2, v0  }
0x19f: {  	[tilespmem:s20+$0xC800] =	vst.msk vm0, v2;
	v1 =	vmpcnt.ones.xlane vm0  }
0x1a0: {  	v2 =	vld [tilespmem:s14+$0x4880]  }
0x1a1: {  	(v2sf) =	vpush v1, $0x0  }
0x1a2: {  	s15 =	spop (v2sf)  }
0x1a3: {  	s15 =	sadd.s32 s1, s15;
	_ =	sdelay $0x1  }
.Ltmp6:
0x1a4: {  	vm0 =	vle.f32 v2, v7;
	(pc) =	sbr.rel @p0 .LBB2_7-.Ltmp6, $4  }
0x1a5: {  	[tilespmem:s24+$0xD080] =	vst.msk vm0, v2;
	v1 =	vmpcnt.ones.xlane vm0  }
0x1a6: {  	v13 =	vld [tilespmem:s14+$0x4900]  }
0x1a7: {  	(v2sf) =	vpush v1, $0x0  }
0x1a8: {  	s25 =	smov.u32 s21;
	s1 =	spop (v2sf)  }
0x1a9: {  	_ =	sdelay $0x1  }
0x1aa: {  	vm1 =	vle.f32 v13, v8  }
0x1ab: {  	[tilespmem:s19+$0xD900] =	vst.msk vm1, v13  }
0x1ac: {  	v1 =	vld [tilespmem:s14+$0x4980];
	_ =	sdelay $0x4  }
0x1ad: {  	vm2 =	vle.f32 v1, v9  }
0x1ae: {  	[tilespmem:s17+$0xE180] =	vst.msk vm2, v1  }
0x1af: {  	v1 =	vld [tilespmem:s14+$0x4A00];
	_ =	sdelay $0x4  }
0x1b0: {  	vm4 =	vle.f32 v1, v10  }
0x1b1: {  	[tilespmem:s16+$0xEA00] =	vst.msk vm4, v1  }
0x1b2: {  	v1 =	vld [tilespmem:s14+$0x4A80];
	_ =	sdelay $0x1  }
0x1b3: {  	s12 =	sadd.s32 $0x1, s12  }
0x1b4: {  	s12 =	sand.u32 $0x3, s12  }
0x1b5: {  	s12 =	sshll.u32 s12, $0x5  }
0x1b6: {  	s21 =	sadd.s32 s12, s13;
	vm5 =	vle.f32 v1, v11  }
0x1b7: {  	s12 =	sor.u32 $0x300, s21;
	[tilespmem:s18+$0xF280] =	vst.msk vm5, v1  }
0x1b8: {  	v1 =	vld [tilespmem:s12+$0x4800];
	_ =	sdelay $0x4  }
0x1b9: {  	vm3 =	vle.f32 v1, v12  }
0x1ba: {  	s31 =	sor.u32 $0x380, s21;
	[tilespmem:s15+$0xFB00] =	vst.msk vm3, v1  }
0x1bb: {  	v1 =	vld [tilespmem:s31+$0x4800];
	_ =	sdelay $0x4  }
0x1bc: {  	s12 =	sadd.s32 s22, s1;
	vm0 =	vle.f32 v1, v6  }
0x1bd: {  	[tilespmem:s12+$0x10380] =	vst.msk vm0, v1  }
0x1be: {  	v1 =	vld [tilespmem:s14+$0x4810]  }
0x1bf: {  	v2 =	vmpcnt.ones.xlane vm1;
	_ =	sdelay $0x1  }
0x1c0: {  	(v2sf) =	vpush v2, $0x0  }
0x1c1: {  	s13 =	spop (v2sf)  }
0x1c2: {  	s1 =	sadd.s32 s20, s13;
	vm9 =	vle.f32 v1, v0  }
0x1c3: {  	[tilespmem:s1+$0xC800] =	vst.msk vm9, v1  }
0x1c4: {  	v0 =	vld [tilespmem:s14+$0x4890]  }
0x1c5: {  	v1 =	vmpcnt.ones.xlane vm2;
	_ =	sdelay $0x1  }
0x1c6: {  	(v2sf) =	vpush v1, $0x0  }
0x1c7: {  	s20 =	spop (v2sf)  }
0x1c8: {  	s13 =	sadd.s32 s24, s20;
	vm10 =	vle.f32 v0, v7  }
0x1c9: {  	[tilespmem:s13+$0xD080] =	vst.msk vm10, v0  }
0x1ca: {  	v0 =	vld [tilespmem:s14+$0x4910]  }
0x1cb: {  	v1 =	vmpcnt.ones.xlane vm4;
	_ =	sdelay $0x1  }
0x1cc: {  	(v2sf) =	vpush v1, $0x0  }
0x1cd: {  	s22 =	spop (v2sf)  }
0x1ce: {  	s19 =	sadd.s32 s19, s22;
	vm11 =	vle.f32 v0, v8  }
0x1cf: {  	[tilespmem:s19+$0xD900] =	vst.msk vm11, v0  }
0x1d0: {  	v0 =	vld [tilespmem:s14+$0x4990]  }
0x1d1: {  	v1 =	vmpcnt.ones.xlane vm5;
	_ =	sdelay $0x1  }
0x1d2: {  	(v2sf) =	vpush v1, $0x0  }
0x1d3: {  	s23 =	spop (v2sf)  }
0x1d4: {  	s20 =	sadd.s32 s17, s23;
	vm12 =	vle.f32 v0, v9  }
0x1d5: {  	[tilespmem:s20+$0xE180] =	vst.msk vm12, v0  }
0x1d6: {  	v0 =	vld [tilespmem:s14+$0x4A10]  }
0x1d7: {  	v1 =	vmpcnt.ones.xlane vm3;
	_ =	sdelay $0x1  }
0x1d8: {  	(v2sf) =	vpush v1, $0x0  }
0x1d9: {  	s24 =	spop (v2sf)  }
0x1da: {  	s22 =	sadd.s32 s16, s24;
	vm13 =	vle.f32 v0, v10  }
0x1db: {  	[tilespmem:s22+$0xEA00] =	vst.msk vm13, v0  }
0x1dc: {  	v0 =	vld [tilespmem:s14+$0x4A90];
	_ =	sdelay $0x3  }
0x1dd: {  	s25 =	spop (v2sf)  }
0x1de: {  	s26 =	sadd.s32 $0x10, s21;
	s14 =	sadd.s32 s18, s25;
	vm6 =	vle.f32 v0, v11  }
0x1df: {  	s28 =	sor.u32 $0x300, s26;
	[tilespmem:s14+$0xF280] =	vst.msk vm6, v0  }
0x1e0: {  	v0 =	vld [tilespmem:s28+$0x4800];
	_ =	sdelay $0x3  }
0x1e1: {  	s29 =	spop (v2sf)  }
0x1e2: {  	v1 =	vmpcnt.ones.xlane vm0;
	s21 =	sadd.s32 s15, s29;
	vm14 =	vle.f32 v0, v12  }
0x1e3: {  	s30 =	sor.u32 $0x380, s26;
	v2 =	vmpcnt.ones.xlane vm9;
	[tilespmem:s21+$0xFB00] =	vst.msk vm14, v0  }
0x1e4: {  	(v2sf) =	vpush v1, $0x0;
	v0 =	vmpcnt.ones.xlane vm10;
	v1 =	vld [tilespmem:s30+$0x4800]  }
0x1e5: {  	(v2sf) =	vpush v2, $0x0;
	v7 =	vmpcnt.ones.xlane vm11  }
0x1e6: {  	v2 =	vmpcnt.ones.xlane vm12;
	(v2sf) =	vpush v0, $0x0  }
0x1e7: {  	v0 =	vmpcnt.ones.xlane vm13;
	(v2sf) =	vpush v7, $0x0  }
0x1e8: {  	v7 =	vmpcnt.ones.xlane vm6;
	(v2sf) =	vpush v2, $0x0  }
0x1e9: {  	(v2sf) =	vpush v0, $0x0;
	v0 =	vmpcnt.ones.xlane vm14;
	vm15 =	vle.f32 v1, v6  }
0x1ea: {  	(v2sf) =	vpush v7, $0x0;
	v2 =	vmpcnt.ones.xlane vm15  }
0x1eb: {  	(v2sf) =	vpush v0, $0x0  }
0x1ec: {  	(v2sf) =	vpush v2, $0x0;
	_ =	sdelay $0x6  }
0x1ed: {  	s31 =	spop (v2sf)  }
0x1ee: {  	s18 =	spop (v2sf)  }
0x1ef: {  	s26 =	sadd.s32 s1, s18;
	s24 =	spop (v2sf)  }
0x1f0: {  	s1 =	sadd.s32 $0xF, s26;
	s23 =	spop (v2sf)  }
0x1f1: {  	p0 =	slt.s32 s1, $0x10;
	s28 =	spop (v2sf)  }
.Ltmp7:
0x1f2: {  	s25 =	spop (v2sf);
	(pc) =	sbr.rel @p0 .LBB2_16-.Ltmp7, $4  }
0x1f3: {  	s12 =	sadd.s32 s12, s31;
	s29 =	spop (v2sf)  }
0x1f4: {  	s18 =	sadd.s32 s13, s24;
	s17 =	sadd.s32 s19, s23;
	s30 =	spop (v2sf)  }
0x1f5: {  	v6 =	vimm.f32 $3.000000010e+38;
	[tilespmem:s12+$0x10380] =	vst.msk vm15, v1;
	s16 =	sadd.s32 s20, s28;
	s15 =	sadd.s32 s22, s25;
	s31 =	spop (v2sf)  }
0x1f6: {  	v7 =	vimm.f32 $3.000000010e+38;
	[tilespmem:s26+$0xC800] =	vst v6;
	s14 =	sadd.s32 s14, s29;
	s13 =	sadd.s32 s21, s30;
	s12 =	sadd.s32 s12, s31  }
0x1f7: {  	s19 =	sshra.s32 s1, $0x1F  }
0x1f8: {  	s19 =	sshrl.u32 s19, $0x1C  }
0x1f9: {  	s30 =	sadd.s32 s19, s1  }
0x1fa: {  	s1 =	sshra.s32 s30, $0x4  }
0x1fb: {  	p2 =	sne.s32 s1, $0x1  }
.Ltmp8:
0x1fc: {  	_ = 	snop;
	(pc) =	sbr.rel @!p2 .LBB2_10-.Ltmp8, $3  }
0x1fd: {  	_ =	sdelay $0x1  }
0x1fe: {  	s31 =	simm.s32 $0xC800  }
0x1ff: {  	p0 =	por $0x0, $0x0;
	p1 =	por $0x0, $0x0;
	v0 =	vld [tilespmem:s31+$0x0];
	s1 =	sadd.s32 $0xFFFFFFFF, s1  }
0x200: {  	p2 =	sne.s32 s1, $0x1  }
.Ltmp9:
0x201: {  	_ = 	snop;
	(pc) =	sbr.rel @!p2 .LBB2_12-.Ltmp9, $3  }
0x202: {  	_ =	sdelay $0x1  }
0x203: {  	s19 =	simm.s32 $0xC810;
	v0 =	vmax.f32 v0, $0.0e+00  }
0x204: {  	p0 =	por $0x1, $0x1;
	(xrf1) =	vsort.dscd.msk.f32 $0xffff, v0, v0;
	v0 =	vld [tilespmem:s19+$0x0];
	s19 =	sadd.s32 $0xFFFFFFFF, s1  }
0x205: {  	_ =	sdelay $0xc  }
0x206: {  	v0 =	vmax.f32 v0, $0.0e+00;
	v1, _, _ =	vpop (xrf1)  }
0x207: {  	(xrf1) =	vsort.dscd.msk.f32 $0xffff, v0, v0;
	v0 =	vmin.f32 v6, v1  }
0x208: {  	(xrf1) =	vsort.ascd.msk.f32 $0xffff, v0, v0;
	_ =	sdelay $0x4  }
0x209: {  	p2 =	sne.s32 s19, $0x1  }
.Ltmp10:
0x20a: {  	_ = 	snop;
	(pc) =	sbr.rel @!p2 .LBB2_15-.Ltmp10, $4  }
0x20b: {  	_ = 	snop  }
0x20c: {  	s1 =	simm.s32 $0xC820  }
0x20d: {  	v0 =	vld [tilespmem:s1+$0x0]  }
0x20e: {  	s19 =	sadd.s32 $0xFFFFFFFF, s19;
	p1 =	por $0x1, $0x1  }
.LBB2_14:
0x20f: {  	p2 =	sne.s32 s19, $0x1;
	_ =	sdelay $0x1  }
0x210: {  	v1, _, _ =	vpop (xrf1)  }
0x211: {  	v0 =	vmax.f32 v0, $0.0e+00;
	v2, _, _ =	vpop (xrf1)  }
0x212: {  	(xrf1) =	vsort.dscd.msk.f32 $0xffff, v0, v0;
	v0 =	vmin.f32 v2, v1  }
0x213: {  	(xrf1) =	vsort.ascd.msk.f32 $0xffff, v0, v0;
	_ =	sdelay $0x5  }
.Ltmp11:
0x214: {  	(pc) =	sbr.rel @p2 .LBB2_14-.Ltmp11, $4  }
0x215: {  	_ = 	snop  }
0x216: {  	s1 =	sadd.s32 $0x10, s1  }
0x217: {  	v0 =	vld [tilespmem:s1+$0x0]  }
0x218: {  	s19 =	sadd.s32 $0xFFFFFFFF, s19  }
.LBB2_15:
0x219: {  	_ =	sdelay $0x1  }
0x21a: {  	v1, _, _ =	vpop @p0 (xrf1)  }
0x21b: {  	v2, _, _ =	vpop @p1 (xrf1)  }
0x21c: {  	v0 =	vmax.f32 v0, $0.0e+00;
	v2 =	vpsel p1, v2, v6  }
0x21d: {  	(xrf1) =	vsort.dscd.msk.f32 $0xffff, v0, v0;
	v0 =	vmin.f32 @p0 v2, v1  }
0x21e: {  	(xrf1) =	vsort.ascd.msk.f32 @p0 $0xffff, v0, v0;
	_ =	sdelay $0xc  }
0x21f: {  	v0, _, _ =	vpop (xrf1)  }
0x220: {  	v1, _, _ =	vpop @p0 (xrf1)  }
0x221: {  	v1 =	vpsel p0, v1, v6  }
0x222: {  	v0 =	vmin.f32 v1, v0  }
0x223: {  	(xrf1) =	vsort.ascd.msk.f32 $0xffff, v0, v0;
	_ =	sdelay $0xd  }
0x224: {  	v7, _, _ =	vpop (xrf1)  }
.LBB2_16:
0x225: {  	s1 =	sadd.s32 $0xF, s18  }
0x226: {  	p0 =	slt.s32 s1, $0x10  }
.Ltmp12:
0x227: {  	_ = 	snop;
	(pc) =	sbr.rel @p0 .LBB2_24-.Ltmp12, $2  }
0x228: {  	_ =	sdelay $0x2  }
0x229: {  	[tilespmem:s18+$0xD080] =	vst v6  }
0x22a: {  	s18 =	sshra.s32 s1, $0x1F  }
0x22b: {  	s18 =	sshrl.u32 s18, $0x1C  }
0x22c: {  	s30 =	sadd.s32 s18, s1  }
0x22d: {  	s1 =	sshra.s32 s30, $0x4  }
0x22e: {  	p2 =	sne.s32 s1, $0x1  }
.Ltmp13:
0x22f: {  	_ = 	snop;
	(pc) =	sbr.rel @!p2 .LBB2_18-.Ltmp13, $3  }
0x230: {  	_ =	sdelay $0x1  }
0x231: {  	s31 =	simm.s32 $0xD080  }
0x232: {  	p0 =	por $0x0, $0x0;
	p1 =	por $0x0, $0x0;
	v0 =	vld [tilespmem:s31+$0x0];
	s1 =	sadd.s32 $0xFFFFFFFF, s1  }
0x233: {  	p2 =	sne.s32 s1, $0x1  }
.Ltmp14:
0x234: {  	_ = 	snop;
	(pc) =	sbr.rel @!p2 .LBB2_20-.Ltmp14, $3  }
0x235: {  	_ =	sdelay $0x1  }
0x236: {  	s18 =	simm.s32 $0xD090;
	v0 =	vmax.f32 v0, $0.0e+00  }
0x237: {  	p0 =	por $0x1, $0x1;
	(xrf1) =	vsort.dscd.msk.f32 $0xffff, v0, v0;
	v0 =	vld [tilespmem:s18+$0x0];
	s18 =	sadd.s32 $0xFFFFFFFF, s1  }
0x238: {  	_ =	sdelay $0xc  }
0x239: {  	v0 =	vmax.f32 v0, $0.0e+00;
	v1, _, _ =	vpop (xrf1)  }
0x23a: {  	(xrf1) =	vsort.dscd.msk.f32 $0xffff, v0, v0;
	v0 =	vmin.f32 v6, v1  }
0x23b: {  	(xrf1) =	vsort.ascd.msk.f32 $0xffff, v0, v0;
	_ =	sdelay $0x4  }
0x23c: {  	p2 =	sne.s32 s18, $0x1  }
.Ltmp15:
0x23d: {  	_ = 	snop;
	(pc) =	sbr.rel @!p2 .LBB2_23-.Ltmp15, $4  }
0x23e: {  	_ = 	snop  }
0x23f: {  	s1 =	simm.s32 $0xD0A0  }
0x240: {  	v0 =	vld [tilespmem:s1+$0x0]  }
0x241: {  	s18 =	sadd.s32 $0xFFFFFFFF, s18;
	p1 =	por $0x1, $0x1  }
.LBB2_22:
0x242: {  	p2 =	sne.s32 s18, $0x1;
	_ =	sdelay $0x1  }
0x243: {  	v1, _, _ =	vpop (xrf1)  }
0x244: {  	v0 =	vmax.f32 v0, $0.0e+00;
	v2, _, _ =	vpop (xrf1)  }
0x245: {  	(xrf1) =	vsort.dscd.msk.f32 $0xffff, v0, v0;
	v0 =	vmin.f32 v2, v1  }
0x246: {  	(xrf1) =	vsort.ascd.msk.f32 $0xffff, v0, v0;
	_ =	sdelay $0x5  }
.Ltmp16:
0x247: {  	(pc) =	sbr.rel @p2 .LBB2_22-.Ltmp16, $4  }
0x248: {  	_ = 	snop  }
0x249: {  	s1 =	sadd.s32 $0x10, s1  }
0x24a: {  	v0 =	vld [tilespmem:s1+$0x0]  }
0x24b: {  	s18 =	sadd.s32 $0xFFFFFFFF, s18  }
.LBB2_23:
0x24c: {  	_ =	sdelay $0x1  }
0x24d: {  	v1, _, _ =	vpop @p0 (xrf1)  }
0x24e: {  	v2, _, _ =	vpop @p1 (xrf1)  }
0x24f: {  	v0 =	vmax.f32 v0, $0.0e+00;
	v2 =	vpsel p1, v2, v6  }
0x250: {  	(xrf1) =	vsort.dscd.msk.f32 $0xffff, v0, v0;
	v0 =	vmin.f32 @p0 v2, v1  }
0x251: {  	(xrf1) =	vsort.ascd.msk.f32 @p0 $0xffff, v0, v0;
	_ =	sdelay $0xc  }
0x252: {  	v0, _, _ =	vpop (xrf1)  }
0x253: {  	v1, _, _ =	vpop @p0 (xrf1)  }
0x254: {  	v1 =	vpsel p0, v1, v6  }
0x255: {  	v0 =	vmin.f32 v1, v0  }
0x256: {  	(xrf1) =	vsort.ascd.msk.f32 $0xffff, v0, v0;
	_ =	sdelay $0xd  }
0x257: {  	v6, _, _ =	vpop (xrf1)  }
.LBB2_24:
0x258: {  	s1 =	sadd.s32 $0xF, s17  }
0x259: {  	p0 =	slt.s32 s1, $0x10  }
.Ltmp17:
0x25a: {  	_ = 	snop;
	(pc) =	sbr.rel @p0 .LBB2_32-.Ltmp17, $3  }
0x25b: {  	_ =	sdelay $0x1  }
0x25c: {  	v8 =	vimm.f32 $3.000000010e+38  }
0x25d: {  	v9 =	vimm.f32 $3.000000010e+38;
	[tilespmem:s17+$0xD900] =	vst v8  }
0x25e: {  	s17 =	sshra.s32 s1, $0x1F  }
0x25f: {  	s17 =	sshrl.u32 s17, $0x1C  }
0x260: {  	s30 =	sadd.s32 s17, s1  }
0x261: {  	s1 =	sshra.s32 s30, $0x4  }
0x262: {  	p2 =	sne.s32 s1, $0x1  }
.Ltmp18:
0x263: {  	_ = 	snop;
	(pc) =	sbr.rel @!p2 .LBB2_26-.Ltmp18, $3  }
0x264: {  	_ =	sdelay $0x1  }
0x265: {  	s31 =	simm.s32 $0xD900  }
0x266: {  	p0 =	por $0x0, $0x0;
	p1 =	por $0x0, $0x0;
	v0 =	vld [tilespmem:s31+$0x0];
	s1 =	sadd.s32 $0xFFFFFFFF, s1  }
0x267: {  	p2 =	sne.s32 s1, $0x1  }
.Ltmp19:
0x268: {  	_ = 	snop;
	(pc) =	sbr.rel @!p2 .LBB2_28-.Ltmp19, $3  }
0x269: {  	_ =	sdelay $0x1  }
0x26a: {  	s17 =	simm.s32 $0xD910;
	v0 =	vmax.f32 v0, $0.0e+00  }
0x26b: {  	p0 =	por $0x1, $0x1;
	(xrf1) =	vsort.dscd.msk.f32 $0xffff, v0, v0;
	v0 =	vld [tilespmem:s17+$0x0];
	s17 =	sadd.s32 $0xFFFFFFFF, s1  }
0x26c: {  	_ =	sdelay $0xc  }
0x26d: {  	v0 =	vmax.f32 v0, $0.0e+00;
	v1, _, _ =	vpop (xrf1)  }
0x26e: {  	(xrf1) =	vsort.dscd.msk.f32 $0xffff, v0, v0;
	v0 =	vmin.f32 v8, v1  }
0x26f: {  	(xrf1) =	vsort.ascd.msk.f32 $0xffff, v0, v0;
	_ =	sdelay $0x4  }
0x270: {  	p2 =	sne.s32 s17, $0x1  }
.Ltmp20:
0x271: {  	_ = 	snop;
	(pc) =	sbr.rel @!p2 .LBB2_31-.Ltmp20, $4  }
0x272: {  	_ = 	snop  }
0x273: {  	s1 =	simm.s32 $0xD920  }
0x274: {  	v0 =	vld [tilespmem:s1+$0x0]  }
0x275: {  	s17 =	sadd.s32 $0xFFFFFFFF, s17;
	p1 =	por $0x1, $0x1  }
.LBB2_30:
0x276: {  	p2 =	sne.s32 s17, $0x1;
	_ =	sdelay $0x1  }
0x277: {  	v1, _, _ =	vpop (xrf1)  }
0x278: {  	v0 =	vmax.f32 v0, $0.0e+00;
	v2, _, _ =	vpop (xrf1)  }
0x279: {  	(xrf1) =	vsort.dscd.msk.f32 $0xffff, v0, v0;
	v0 =	vmin.f32 v2, v1  }
0x27a: {  	(xrf1) =	vsort.ascd.msk.f32 $0xffff, v0, v0;
	_ =	sdelay $0x5  }
.Ltmp21:
0x27b: {  	(pc) =	sbr.rel @p2 .LBB2_30-.Ltmp21, $4  }
0x27c: {  	_ = 	snop  }
0x27d: {  	s1 =	sadd.s32 $0x10, s1  }
0x27e: {  	v0 =	vld [tilespmem:s1+$0x0]  }
0x27f: {  	s17 =	sadd.s32 $0xFFFFFFFF, s17  }
.LBB2_31:
0x280: {  	_ =	sdelay $0x1  }
0x281: {  	v1, _, _ =	vpop @p0 (xrf1)  }
0x282: {  	v2, _, _ =	vpop @p1 (xrf1)  }
0x283: {  	v0 =	vmax.f32 v0, $0.0e+00;
	v2 =	vpsel p1, v2, v8  }
0x284: {  	(xrf1) =	vsort.dscd.msk.f32 $0xffff, v0, v0;
	v0 =	vmin.f32 @p0 v2, v1  }
0x285: {  	(xrf1) =	vsort.ascd.msk.f32 @p0 $0xffff, v0, v0;
	_ =	sdelay $0xc  }
0x286: {  	v0, _, _ =	vpop (xrf1)  }
0x287: {  	v1, _, _ =	vpop @p0 (xrf1)  }
0x288: {  	v1 =	vpsel p0, v1, v8  }
0x289: {  	v0 =	vmin.f32 v1, v0  }
0x28a: {  	(xrf1) =	vsort.ascd.msk.f32 $0xffff, v0, v0;
	_ =	sdelay $0xd  }
0x28b: {  	v9, _, _ =	vpop (xrf1)  }
.LBB2_32:
0x28c: {  	s1 =	sadd.s32 $0xF, s16  }
0x28d: {  	p0 =	slt.s32 s1, $0x10  }
.Ltmp22:
0x28e: {  	_ = 	snop;
	(pc) =	sbr.rel @p0 .LBB2_40-.Ltmp22, $2  }
0x28f: {  	_ =	sdelay $0x2  }
0x290: {  	[tilespmem:s16+$0xE180] =	vst v8  }
0x291: {  	s16 =	sshra.s32 s1, $0x1F  }
0x292: {  	s16 =	sshrl.u32 s16, $0x1C  }
0x293: {  	s30 =	sadd.s32 s16, s1  }
0x294: {  	s1 =	sshra.s32 s30, $0x4  }
0x295: {  	p2 =	sne.s32 s1, $0x1  }
.Ltmp23:
0x296: {  	_ = 	snop;
	(pc) =	sbr.rel @!p2 .LBB2_34-.Ltmp23, $3  }
0x297: {  	_ =	sdelay $0x1  }
0x298: {  	s31 =	simm.s32 $0xE180  }
0x299: {  	p0 =	por $0x0, $0x0;
	p1 =	por $0x0, $0x0;
	v0 =	vld [tilespmem:s31+$0x0];
	s1 =	sadd.s32 $0xFFFFFFFF, s1  }
0x29a: {  	p2 =	sne.s32 s1, $0x1  }
.Ltmp24:
0x29b: {  	_ = 	snop;
	(pc) =	sbr.rel @!p2 .LBB2_36-.Ltmp24, $3  }
0x29c: {  	_ =	sdelay $0x1  }
0x29d: {  	s16 =	simm.s32 $0xE190;
	v0 =	vmax.f32 v0, $0.0e+00  }
0x29e: {  	p0 =	por $0x1, $0x1;
	(xrf1) =	vsort.dscd.msk.f32 $0xffff, v0, v0;
	v0 =	vld [tilespmem:s16+$0x0];
	s16 =	sadd.s32 $0xFFFFFFFF, s1  }
0x29f: {  	_ =	sdelay $0xc  }
0x2a0: {  	v0 =	vmax.f32 v0, $0.0e+00;
	v1, _, _ =	vpop (xrf1)  }
0x2a1: {  	(xrf1) =	vsort.dscd.msk.f32 $0xffff, v0, v0;
	v0 =	vmin.f32 v8, v1  }
0x2a2: {  	(xrf1) =	vsort.ascd.msk.f32 $0xffff, v0, v0;
	_ =	sdelay $0x4  }
0x2a3: {  	p2 =	sne.s32 s16, $0x1  }
.Ltmp25:
0x2a4: {  	_ = 	snop;
	(pc) =	sbr.rel @!p2 .LBB2_39-.Ltmp25, $4  }
0x2a5: {  	_ = 	snop  }
0x2a6: {  	s1 =	simm.s32 $0xE1A0  }
0x2a7: {  	v0 =	vld [tilespmem:s1+$0x0]  }
0x2a8: {  	s16 =	sadd.s32 $0xFFFFFFFF, s16;
	p1 =	por $0x1, $0x1  }
.LBB2_38:
0x2a9: {  	p2 =	sne.s32 s16, $0x1;
	_ =	sdelay $0x1  }
0x2aa: {  	v1, _, _ =	vpop (xrf1)  }
0x2ab: {  	v0 =	vmax.f32 v0, $0.0e+00;
	v2, _, _ =	vpop (xrf1)  }
0x2ac: {  	(xrf1) =	vsort.dscd.msk.f32 $0xffff, v0, v0;
	v0 =	vmin.f32 v2, v1  }
0x2ad: {  	(xrf1) =	vsort.ascd.msk.f32 $0xffff, v0, v0;
	_ =	sdelay $0x5  }
.Ltmp26:
0x2ae: {  	(pc) =	sbr.rel @p2 .LBB2_38-.Ltmp26, $4  }
0x2af: {  	_ = 	snop  }
0x2b0: {  	s1 =	sadd.s32 $0x10, s1  }
0x2b1: {  	v0 =	vld [tilespmem:s1+$0x0]  }
0x2b2: {  	s16 =	sadd.s32 $0xFFFFFFFF, s16  }
.LBB2_39:
0x2b3: {  	_ =	sdelay $0x1  }
0x2b4: {  	v1, _, _ =	vpop @p0 (xrf1)  }
0x2b5: {  	v2, _, _ =	vpop @p1 (xrf1)  }
0x2b6: {  	v0 =	vmax.f32 v0, $0.0e+00;
	v2 =	vpsel p1, v2, v8  }
0x2b7: {  	(xrf1) =	vsort.dscd.msk.f32 $0xffff, v0, v0;
	v0 =	vmin.f32 @p0 v2, v1  }
0x2b8: {  	(xrf1) =	vsort.ascd.msk.f32 @p0 $0xffff, v0, v0;
	_ =	sdelay $0xc  }
0x2b9: {  	v0, _, _ =	vpop (xrf1)  }
0x2ba: {  	v1, _, _ =	vpop @p0 (xrf1)  }
0x2bb: {  	v1 =	vpsel p0, v1, v8  }
0x2bc: {  	v0 =	vmin.f32 v1, v0  }
0x2bd: {  	(xrf1) =	vsort.ascd.msk.f32 $0xffff, v0, v0;
	_ =	sdelay $0xd  }
0x2be: {  	v8, _, _ =	vpop (xrf1)  }
.LBB2_40:
0x2bf: {  	s1 =	sadd.s32 $0xF, s15  }
0x2c0: {  	p0 =	slt.s32 s1, $0x10  }
.Ltmp27:
0x2c1: {  	_ = 	snop;
	(pc) =	sbr.rel @p0 .LBB2_48-.Ltmp27, $3  }
0x2c2: {  	_ =	sdelay $0x1  }
0x2c3: {  	v12 =	vimm.f32 $3.000000010e+38  }
0x2c4: {  	v29 =	vimm.f32 $3.000000010e+38;
	[tilespmem:s15+$0xEA00] =	vst v12  }
0x2c5: {  	s15 =	sshra.s32 s1, $0x1F  }
0x2c6: {  	s15 =	sshrl.u32 s15, $0x1C  }
0x2c7: {  	s30 =	sadd.s32 s15, s1  }
0x2c8: {  	s1 =	sshra.s32 s30, $0x4  }
0x2c9: {  	p2 =	sne.s32 s1, $0x1  }
.Ltmp28:
0x2ca: {  	_ = 	snop;
	(pc) =	sbr.rel @!p2 .LBB2_42-.Ltmp28, $3  }
0x2cb: {  	_ =	sdelay $0x1  }
0x2cc: {  	s31 =	simm.s32 $0xEA00  }
0x2cd: {  	p0 =	por $0x0, $0x0;
	p1 =	por $0x0, $0x0;
	v0 =	vld [tilespmem:s31+$0x0];
	s1 =	sadd.s32 $0xFFFFFFFF, s1  }
0x2ce: {  	p2 =	sne.s32 s1, $0x1  }
.Ltmp29:
0x2cf: {  	_ = 	snop;
	(pc) =	sbr.rel @!p2 .LBB2_44-.Ltmp29, $3  }
0x2d0: {  	_ =	sdelay $0x1  }
0x2d1: {  	s15 =	simm.s32 $0xEA10;
	v0 =	vmax.f32 v0, $0.0e+00  }
0x2d2: {  	p0 =	por $0x1, $0x1;
	(xrf1) =	vsort.dscd.msk.f32 $0xffff, v0, v0;
	v0 =	vld [tilespmem:s15+$0x0];
	s15 =	sadd.s32 $0xFFFFFFFF, s1  }
0x2d3: {  	_ =	sdelay $0xc  }
0x2d4: {  	v0 =	vmax.f32 v0, $0.0e+00;
	v1, _, _ =	vpop (xrf1)  }
0x2d5: {  	(xrf1) =	vsort.dscd.msk.f32 $0xffff, v0, v0;
	v0 =	vmin.f32 v12, v1  }
0x2d6: {  	(xrf1) =	vsort.ascd.msk.f32 $0xffff, v0, v0;
	_ =	sdelay $0x4  }
0x2d7: {  	p2 =	sne.s32 s15, $0x1  }
.Ltmp30:
0x2d8: {  	_ = 	snop;
	(pc) =	sbr.rel @!p2 .LBB2_47-.Ltmp30, $4  }
0x2d9: {  	_ = 	snop  }
0x2da: {  	s1 =	simm.s32 $0xEA20  }
0x2db: {  	v0 =	vld [tilespmem:s1+$0x0]  }
0x2dc: {  	s15 =	sadd.s32 $0xFFFFFFFF, s15;
	p1 =	por $0x1, $0x1  }
.LBB2_46:
0x2dd: {  	p2 =	sne.s32 s15, $0x1;
	_ =	sdelay $0x1  }
0x2de: {  	v1, _, _ =	vpop (xrf1)  }
0x2df: {  	v0 =	vmax.f32 v0, $0.0e+00;
	v2, _, _ =	vpop (xrf1)  }
0x2e0: {  	(xrf1) =	vsort.dscd.msk.f32 $0xffff, v0, v0;
	v0 =	vmin.f32 v2, v1  }
0x2e1: {  	(xrf1) =	vsort.ascd.msk.f32 $0xffff, v0, v0;
	_ =	sdelay $0x5  }
.Ltmp31:
0x2e2: {  	(pc) =	sbr.rel @p2 .LBB2_46-.Ltmp31, $4  }
0x2e3: {  	_ = 	snop  }
0x2e4: {  	s1 =	sadd.s32 $0x10, s1  }
0x2e5: {  	v0 =	vld [tilespmem:s1+$0x0]  }
0x2e6: {  	s15 =	sadd.s32 $0xFFFFFFFF, s15  }
.LBB2_47:
0x2e7: {  	_ =	sdelay $0x1  }
0x2e8: {  	v1, _, _ =	vpop @p0 (xrf1)  }
0x2e9: {  	v2, _, _ =	vpop @p1 (xrf1)  }
0x2ea: {  	v0 =	vmax.f32 v0, $0.0e+00;
	v2 =	vpsel p1, v2, v12  }
0x2eb: {  	(xrf1) =	vsort.dscd.msk.f32 $0xffff, v0, v0;
	v0 =	vmin.f32 @p0 v2, v1  }
0x2ec: {  	(xrf1) =	vsort.ascd.msk.f32 @p0 $0xffff, v0, v0;
	_ =	sdelay $0xc  }
0x2ed: {  	v0, _, _ =	vpop (xrf1)  }
0x2ee: {  	v1, _, _ =	vpop @p0 (xrf1)  }
0x2ef: {  	v1 =	vpsel p0, v1, v12  }
0x2f0: {  	v0 =	vmin.f32 v1, v0  }
0x2f1: {  	(xrf1) =	vsort.ascd.msk.f32 $0xffff, v0, v0;
	_ =	sdelay $0xd  }
0x2f2: {  	v29, _, _ =	vpop (xrf1)  }
.LBB2_48:
0x2f3: {  	s1 =	sadd.s32 $0xF, s14  }
0x2f4: {  	p0 =	slt.s32 s1, $0x10  }
.Ltmp32:
0x2f5: {  	_ = 	snop;
	(pc) =	sbr.rel @p0 .LBB2_56-.Ltmp32, $2  }
0x2f6: {  	_ =	sdelay $0x2  }
0x2f7: {  	[tilespmem:s14+$0xF280] =	vst v12  }
0x2f8: {  	s14 =	sshra.s32 s1, $0x1F  }
0x2f9: {  	s14 =	sshrl.u32 s14, $0x1C  }
0x2fa: {  	s30 =	sadd.s32 s14, s1  }
0x2fb: {  	s1 =	sshra.s32 s30, $0x4  }
0x2fc: {  	p2 =	sne.s32 s1, $0x1  }
.Ltmp33:
0x2fd: {  	_ = 	snop;
	(pc) =	sbr.rel @!p2 .LBB2_50-.Ltmp33, $3  }
0x2fe: {  	_ =	sdelay $0x1  }
0x2ff: {  	s31 =	simm.s32 $0xF280  }
0x300: {  	p0 =	por $0x0, $0x0;
	p1 =	por $0x0, $0x0;
	v0 =	vld [tilespmem:s31+$0x0];
	s1 =	sadd.s32 $0xFFFFFFFF, s1  }
0x301: {  	p2 =	sne.s32 s1, $0x1  }
.Ltmp34:
0x302: {  	_ = 	snop;
	(pc) =	sbr.rel @!p2 .LBB2_52-.Ltmp34, $3  }
0x303: {  	_ =	sdelay $0x1  }
0x304: {  	s14 =	simm.s32 $0xF290;
	v0 =	vmax.f32 v0, $0.0e+00  }
0x305: {  	p0 =	por $0x1, $0x1;
	(xrf1) =	vsort.dscd.msk.f32 $0xffff, v0, v0;
	v0 =	vld [tilespmem:s14+$0x0];
	s14 =	sadd.s32 $0xFFFFFFFF, s1  }
0x306: {  	_ =	sdelay $0xc  }
0x307: {  	v0 =	vmax.f32 v0, $0.0e+00;
	v1, _, _ =	vpop (xrf1)  }
0x308: {  	(xrf1) =	vsort.dscd.msk.f32 $0xffff, v0, v0;
	v0 =	vmin.f32 v12, v1  }
0x309: {  	(xrf1) =	vsort.ascd.msk.f32 $0xffff, v0, v0;
	_ =	sdelay $0x4  }
0x30a: {  	p2 =	sne.s32 s14, $0x1  }
.Ltmp35:
0x30b: {  	_ = 	snop;
	(pc) =	sbr.rel @!p2 .LBB2_55-.Ltmp35, $4  }
0x30c: {  	_ = 	snop  }
0x30d: {  	s1 =	simm.s32 $0xF2A0  }
0x30e: {  	v0 =	vld [tilespmem:s1+$0x0]  }
0x30f: {  	s14 =	sadd.s32 $0xFFFFFFFF, s14;
	p1 =	por $0x1, $0x1  }
.LBB2_54:
0x310: {  	p2 =	sne.s32 s14, $0x1;
	_ =	sdelay $0x1  }
0x311: {  	v1, _, _ =	vpop (xrf1)  }
0x312: {  	v0 =	vmax.f32 v0, $0.0e+00;
	v2, _, _ =	vpop (xrf1)  }
0x313: {  	(xrf1) =	vsort.dscd.msk.f32 $0xffff, v0, v0;
	v0 =	vmin.f32 v2, v1  }
0x314: {  	(xrf1) =	vsort.ascd.msk.f32 $0xffff, v0, v0;
	_ =	sdelay $0x5  }
.Ltmp36:
0x315: {  	(pc) =	sbr.rel @p2 .LBB2_54-.Ltmp36, $4  }
0x316: {  	_ = 	snop  }
0x317: {  	s1 =	sadd.s32 $0x10, s1  }
0x318: {  	v0 =	vld [tilespmem:s1+$0x0]  }
0x319: {  	s14 =	sadd.s32 $0xFFFFFFFF, s14  }
.LBB2_55:
0x31a: {  	_ =	sdelay $0x1  }
0x31b: {  	v1, _, _ =	vpop @p0 (xrf1)  }
0x31c: {  	v2, _, _ =	vpop @p1 (xrf1)  }
0x31d: {  	v0 =	vmax.f32 v0, $0.0e+00;
	v2 =	vpsel p1, v2, v12  }
0x31e: {  	(xrf1) =	vsort.dscd.msk.f32 $0xffff, v0, v0;
	v0 =	vmin.f32 @p0 v2, v1  }
0x31f: {  	(xrf1) =	vsort.ascd.msk.f32 @p0 $0xffff, v0, v0;
	_ =	sdelay $0xc  }
0x320: {  	v0, _, _ =	vpop (xrf1)  }
0x321: {  	v1, _, _ =	vpop @p0 (xrf1)  }
0x322: {  	v1 =	vpsel p0, v1, v12  }
0x323: {  	v0 =	vmin.f32 v1, v0  }
0x324: {  	(xrf1) =	vsort.ascd.msk.f32 $0xffff, v0, v0;
	_ =	sdelay $0xd  }
0x325: {  	v12, _, _ =	vpop (xrf1)  }
.LBB2_56:
0x326: {  	s1 =	sadd.s32 $0xF, s13  }
0x327: {  	p0 =	slt.s32 s1, $0x10  }
.Ltmp37:
0x328: {  	_ = 	snop;
	(pc) =	sbr.rel @p0 .LBB2_64-.Ltmp37, $3  }
0x329: {  	_ =	sdelay $0x1  }
0x32a: {  	v0 =	vimm.f32 $3.000000010e+38  }
0x32b: {  	v32 =	vimm.f32 $3.000000010e+38;
	[tilespmem:s13+$0xFB00] =	vst v0  }
0x32c: {  	s13 =	sshra.s32 s1, $0x1F  }
0x32d: {  	s13 =	sshrl.u32 s13, $0x1C  }
0x32e: {  	s30 =	sadd.s32 s13, s1  }
0x32f: {  	s1 =	sshra.s32 s30, $0x4  }
0x330: {  	p2 =	sne.s32 s1, $0x1  }
.Ltmp38:
0x331: {  	_ = 	snop;
	(pc) =	sbr.rel @!p2 .LBB2_58-.Ltmp38, $3  }
0x332: {  	_ =	sdelay $0x1  }
0x333: {  	s31 =	simm.s32 $0xFB00  }
0x334: {  	p0 =	por $0x0, $0x0;
	p1 =	por $0x0, $0x0;
	v10 =	vld [tilespmem:s31+$0x0];
	s1 =	sadd.s32 $0xFFFFFFFF, s1  }
0x335: {  	p2 =	sne.s32 s1, $0x1  }
.Ltmp39:
0x336: {  	_ = 	snop;
	(pc) =	sbr.rel @!p2 .LBB2_60-.Ltmp39, $3  }
0x337: {  	_ =	sdelay $0x1  }
0x338: {  	s13 =	simm.s32 $0xFB10;
	v1 =	vmax.f32 v10, $0.0e+00  }
0x339: {  	p0 =	por $0x1, $0x1;
	v10 =	vld [tilespmem:s13+$0x0];
	s13 =	sadd.s32 $0xFFFFFFFF, s1;
	(xrf1) =	vsort.dscd.msk.f32 $0xffff, v1, v1  }
0x33a: {  	_ =	sdelay $0xc  }
0x33b: {  	v2 =	vmax.f32 v10, $0.0e+00;
	v1, _, _ =	vpop (xrf1)  }
0x33c: {  	(xrf1) =	vsort.dscd.msk.f32 $0xffff, v2, v2;
	v1 =	vmin.f32 v0, v1  }
0x33d: {  	(xrf1) =	vsort.ascd.msk.f32 $0xffff, v1, v1;
	_ =	sdelay $0x4  }
0x33e: {  	p2 =	sne.s32 s13, $0x1  }
.Ltmp40:
0x33f: {  	_ = 	snop;
	(pc) =	sbr.rel @!p2 .LBB2_63-.Ltmp40, $4  }
0x340: {  	_ = 	snop  }
0x341: {  	s1 =	simm.s32 $0xFB20  }
0x342: {  	v10 =	vld [tilespmem:s1+$0x0]  }
0x343: {  	s13 =	sadd.s32 $0xFFFFFFFF, s13;
	p1 =	por $0x1, $0x1  }
.LBB2_62:
0x344: {  	p2 =	sne.s32 s13, $0x1;
	_ =	sdelay $0x1  }
0x345: {  	v1, _, _ =	vpop (xrf1)  }
0x346: {  	v2 =	vmax.f32 v10, $0.0e+00;
	v10, _, _ =	vpop (xrf1)  }
0x347: {  	(xrf1) =	vsort.dscd.msk.f32 $0xffff, v2, v2;
	v1 =	vmin.f32 v10, v1  }
0x348: {  	(xrf1) =	vsort.ascd.msk.f32 $0xffff, v1, v1;
	_ =	sdelay $0x5  }
.Ltmp41:
0x349: {  	(pc) =	sbr.rel @p2 .LBB2_62-.Ltmp41, $4  }
0x34a: {  	_ = 	snop  }
0x34b: {  	s1 =	sadd.s32 $0x10, s1  }
0x34c: {  	v10 =	vld [tilespmem:s1+$0x0]  }
0x34d: {  	s13 =	sadd.s32 $0xFFFFFFFF, s13  }
.LBB2_63:
0x34e: {  	_ =	sdelay $0x1  }
0x34f: {  	v1, _, _ =	vpop @p0 (xrf1)  }
0x350: {  	v2, _, _ =	vpop @p1 (xrf1)  }
0x351: {  	v10 =	vmax.f32 v10, $0.0e+00;
	v2 =	vpsel p1, v2, v0  }
0x352: {  	(xrf1) =	vsort.dscd.msk.f32 $0xffff, v10, v10;
	v1 =	vmin.f32 @p0 v2, v1  }
0x353: {  	(xrf1) =	vsort.ascd.msk.f32 @p0 $0xffff, v1, v1;
	_ =	sdelay $0xc  }
0x354: {  	v1, _, _ =	vpop (xrf1)  }
0x355: {  	v2, _, _ =	vpop @p0 (xrf1)  }
0x356: {  	v2 =	vpsel p0, v2, v0  }
0x357: {  	v1 =	vmin.f32 v2, v1  }
0x358: {  	(xrf1) =	vsort.ascd.msk.f32 $0xffff, v1, v1;
	_ =	sdelay $0xd  }
0x359: {  	v32, _, _ =	vpop (xrf1)  }
.LBB2_64:
0x35a: {  	s1 =	sadd.s32 $0xF, s12  }
0x35b: {  	p0 =	slt.s32 s1, $0x10  }
.Ltmp42:
0x35c: {  	_ = 	snop;
	(pc) =	sbr.rel @p0 .LBB2_72-.Ltmp42, $2  }
0x35d: {  	_ =	sdelay $0x2  }
0x35e: {  	[tilespmem:s12+$0x10380] =	vst v0  }
0x35f: {  	s12 =	sshra.s32 s1, $0x1F  }
0x360: {  	s12 =	sshrl.u32 s12, $0x1C  }
0x361: {  	s30 =	sadd.s32 s12, s1  }
0x362: {  	s1 =	sshra.s32 s30, $0x4  }
0x363: {  	p2 =	sne.s32 s1, $0x1  }
.Ltmp43:
0x364: {  	_ = 	snop;
	(pc) =	sbr.rel @!p2 .LBB2_66-.Ltmp43, $3  }
0x365: {  	_ =	sdelay $0x1  }
0x366: {  	s31 =	simm.s32 $0x10380  }
0x367: {  	p0 =	por $0x0, $0x0;
	p1 =	por $0x0, $0x0;
	v10 =	vld [tilespmem:s31+$0x0];
	s1 =	sadd.s32 $0xFFFFFFFF, s1  }
0x368: {  	p2 =	sne.s32 s1, $0x1  }
.Ltmp44:
0x369: {  	_ = 	snop;
	(pc) =	sbr.rel @!p2 .LBB2_68-.Ltmp44, $3  }
0x36a: {  	_ =	sdelay $0x1  }
0x36b: {  	s12 =	simm.s32 $0x10390;
	v1 =	vmax.f32 v10, $0.0e+00  }
0x36c: {  	p0 =	por $0x1, $0x1;
	v10 =	vld [tilespmem:s12+$0x0];
	s12 =	sadd.s32 $0xFFFFFFFF, s1;
	(xrf1) =	vsort.dscd.msk.f32 $0xffff, v1, v1  }
0x36d: {  	_ =	sdelay $0xc  }
0x36e: {  	v2 =	vmax.f32 v10, $0.0e+00;
	v1, _, _ =	vpop (xrf1)  }
0x36f: {  	(xrf1) =	vsort.dscd.msk.f32 $0xffff, v2, v2;
	v1 =	vmin.f32 v0, v1  }
0x370: {  	(xrf1) =	vsort.ascd.msk.f32 $0xffff, v1, v1;
	_ =	sdelay $0x4  }
0x371: {  	p2 =	sne.s32 s12, $0x1  }
.Ltmp45:
0x372: {  	_ = 	snop;
	(pc) =	sbr.rel @!p2 .LBB2_71-.Ltmp45, $4  }
0x373: {  	_ = 	snop  }
0x374: {  	s1 =	simm.s32 $0x103A0  }
0x375: {  	v10 =	vld [tilespmem:s1+$0x0]  }
0x376: {  	s12 =	sadd.s32 $0xFFFFFFFF, s12;
	p1 =	por $0x1, $0x1  }
.LBB2_70:
0x377: {  	p2 =	sne.s32 s12, $0x1;
	_ =	sdelay $0x1  }
0x378: {  	v1, _, _ =	vpop (xrf1)  }
0x379: {  	v2 =	vmax.f32 v10, $0.0e+00;
	v10, _, _ =	vpop (xrf1)  }
0x37a: {  	(xrf1) =	vsort.dscd.msk.f32 $0xffff, v2, v2;
	v1 =	vmin.f32 v10, v1  }
0x37b: {  	(xrf1) =	vsort.ascd.msk.f32 $0xffff, v1, v1;
	_ =	sdelay $0x5  }
.Ltmp46:
0x37c: {  	(pc) =	sbr.rel @p2 .LBB2_70-.Ltmp46, $4  }
0x37d: {  	_ = 	snop  }
0x37e: {  	s1 =	sadd.s32 $0x10, s1  }
0x37f: {  	v10 =	vld [tilespmem:s1+$0x0]  }
0x380: {  	s12 =	sadd.s32 $0xFFFFFFFF, s12  }
.LBB2_71:
0x381: {  	_ =	sdelay $0x1  }
0x382: {  	v1, _, _ =	vpop @p0 (xrf1)  }
0x383: {  	v2, _, _ =	vpop @p1 (xrf1)  }
0x384: {  	v10 =	vmax.f32 v10, $0.0e+00;
	v2 =	vpsel p1, v2, v0  }
0x385: {  	(xrf1) =	vsort.dscd.msk.f32 $0xffff, v10, v10;
	v1 =	vmin.f32 @p0 v2, v1  }
0x386: {  	(xrf1) =	vsort.ascd.msk.f32 @p0 $0xffff, v1, v1;
	_ =	sdelay $0xc  }
0x387: {  	v1, _, _ =	vpop (xrf1)  }
0x388: {  	v2, _, _ =	vpop @p0 (xrf1)  }
0x389: {  	v0 =	vpsel p0, v2, v0  }
0x38a: {  	v0 =	vmin.f32 v0, v1  }
0x38b: {  	(xrf1) =	vsort.ascd.msk.f32 $0xffff, v0, v0;
	_ =	sdelay $0xd  }
0x38c: {  	v0, _, _ =	vpop (xrf1)  }
.LBB2_72:
0x38d: {  	v22 =	vbroadcast v4, $0x8;
	v21 =	vbroadcast v4, $0x9  }
0x38e: {  	v17 =	vbroadcast v4, $0xA;
	v14 =	vbroadcast v4, $0xB  }
0x38f: {  	v19 =	vbroadcast v4, $0xD;
	v18 =	vbroadcast v4, $0xE  }
0x390: {  	v1 =	vld [tilespmem:$0x1FFE0];
	s1 =	simm.s32 $0x0;
	v30 =	vbroadcast v3, $0x8;
	v28 =	vbroadcast v3, $0x9  }
0x391: {  	v46 =	vld [tilespmem:$0x1FFF0];
	s12 =	simm.s32 $0x0;
	v20 =	vbroadcast v3, $0xA;
	v24 =	vbroadcast v3, $0xB;
	s1 =	sand.u32 $0x3FFFFE00, s1  }
0x392: {  	v27 =	vbroadcast v3, $0xC;
	v25 =	vbroadcast v3, $0xD;
	s14 =	sand.u32 $0x60, s12;
	s17 =	sadd.s32 $0x2000, s1  }
0x393: {  	v26 =	vbroadcast v3, $0xE;
	v23 =	vbroadcast v3, $0xF;
	s1 =	sor.u32 s14, s17  }
0x394: {  	v34 =	vbroadcast v5, $0x8;
	v33 =	vbroadcast v5, $0x9;
	v36 =	vld [tilespmem:s1+$0x0]  }
0x395: {  	v3 =	vbroadcast v5, $0xF;
	v31 =	vbroadcast v5, $0xD;
	v37 =	vld [tilespmem:s1+$0x80];
	v1 =	vadd.f32 v7, v1  }
0x396: {  	v15 =	vbroadcast v46, $0x8;
	v16 =	vbroadcast v46, $0x9  }
0x397: {  	v10 =	vbroadcast v46, $0xA;
	v13 =	vbroadcast v46, $0xD;
	v1 =	vadd.f32 v6, v1  }
0x398: {  	v7 =	vbroadcast v4, $0xC;
	v4 =	vbroadcast v4, $0xF  }
0x399: {  	v6 =	vbroadcast v5, $0xA;
	v1 =	vadd.f32 v9, v1;
	v9 =	vbroadcast v5, $0xC  }
0x39a: {  	v38 =	vmul.f32 v36, v14;
	v39 =	vmul.f32 v37, v24  }
0x39b: {  	v35 =	vld [tilespmem:s1+$0x100];
	v50 =	vmul.f32 v37, v30;
	v51 =	vmul.f32 v36, v7;
	v1 =	vadd.f32 v8, v1  }
0x39c: {  	v40 =	vmul.f32 v37, v27;
	v52 =	vmul.f32 v36, v4  }
0x39d: {  	v41 =	vmul.f32 v37, v23;
	v53 =	vmul.f32 v37, v26;
	v1 =	vadd.f32 v29, v1  }
0x39e: {  	v54 =	vmul.f32 v37, v20;
	v55 =	vmul.f32 v37, v25  }
0x39f: {  	v44 =	vmul.f32 v36, v21;
	v45 =	vmul.f32 v36, v19;
	v1 =	vadd.f32 v12, v1  }
0x3a0: {  	v57 =	vmul.f32 v37, v28;
	v60 =	vmul.f32 v35, v33  }
0x3a1: {  	v8 =	vbroadcast v5, $0xB;
	v2 =	vadd.f32 v32, v1;
	v1 =	vmul.f32 v36, v22  }
0x3a2: {  	s13 =	simm.s32 $0x4000;
	v5 =	vbroadcast v5, $0xE;
	v38 =	vadd.f32 v39, v38;
	v59 =	vadd.f32 v57, v44  }
0x3a3: {  	v43 =	vld [tilespmem:s13+$0x0];
	v39 =	vadd.f32 v40, v51;
	v12 =	vmul.f32 v35, v34;
	v1 =	vadd.f32 v50, v1  }
0x3a4: {  	v29 =	vmul.f32 v35, v3;
	v42 =	vmul.f32 v35, v8;
	v62 =	vadd.f32 v60, v59  }
0x3a5: {  	v32 =	vadd.f32 v41, v52;
	v1 =	vadd.f32 v12, v1;
	v12 =	vmul.f32 v36, v18  }
0x3a6: {  	v56 =	vmul.f32 v35, v5;
	v38 =	vadd.f32 v42, v38;
	v37 =	vsub.f32 v16, v62  }
0x3a7: {  	v29 =	vadd.f32 v29, v32;
	v32 =	vbroadcast v46, $0xF;
	v12 =	vadd.f32 v53, v12  }
0x3a8: {  	v48 =	vadd.f32 v37, v43;
	v36 =	vmul.f32 v36, v17;
	v1 =	vsub.f32 v15, v1  }
0x3a9: {  	v11 =	vbroadcast v46, $0xE;
	v29 =	vsub.f32 v32, v29;
	v12 =	vadd.f32 v56, v12  }
0x3aa: {  	s31 =	simm.s32 $0x0;
	v61 =	vmul.f32 v35, v6;
	v36 =	vadd.f32 v54, v36;
	v49 =	vadd.f32 v1, v43  }
0x3ab: {  	s1 =	sand.u32 $0x3FFFFC00, s31;
	v58 =	vmul.f32 v35, v31;
	v1 =	vadd.f32 v55, v45;
	v12 =	vsub.f32 v11, v12  }
0x3ac: {  	s18 =	sadd.s32 $0x4800, s1;
	v42 =	vimm.f32 $3.000000010e+38;
	v40 =	vadd.f32 v29, v43;
	v36 =	vadd.f32 v61, v36  }
0x3ad: {  	s19 =	sor.u32 s14, s18;
	v1 =	vadd.f32 v58, v1;
	v41 =	vadd.f32 v12, v43;
	v12 =	vmul.f32 v35, v9  }
0x3ae: {  	v37 =	vimm.f32 $3.000000010e+38;
	[tilespmem:s19+$0x80] =	vst v48;
	v36 =	vsub.f32 v10, v36;
	v35 =	vbroadcast v46, $0xB  }
0x3af: {  	[tilespmem:s19+$0x380] =	vst v40;
	v63 =	vsub.f32 v13, v1;
	v1 =	vbroadcast v46, $0xC;
	v12 =	vadd.f32 v12, v39  }
0x3b0: {  	v45 =	vimm.f32 $3.000000010e+38;
	[tilespmem:s19+$0x0] =	vst v49;
	v44 =	vadd.f32 v36, v43;
	v29 =	vsub.f32 v35, v38  }
0x3b1: {  	v36 =	vimm.f32 $3.000000010e+38;
	v47 =	vadd.f32 v63, v43;
	[tilespmem:s19+$0x300] =	vst v41;
	v12 =	vsub.f32 v1, v12  }
0x3b2: {  	v39 =	vimm.f32 $3.000000010e+38;
	[tilespmem:s19+$0x100] =	vst v44;
	v38 =	vimm.f32 $3.000000010e+38;
	v46 =	vadd.f32 v29, v43  }
0x3b3: {  	s15 =	simm.s32 $0x1;
	s16 =	sor.u32 $0x10, s14;
	s14 =	simm.s32 $0x0;
	[tilespmem:s19+$0x280] =	vst v47;
	v29 =	vimm.f32 $3.000000010e+38;
	v43 =	vadd.f32 v12, v43;
	v12 =	vimm.f32 $3.000000010e+38  }
.LBB2_73:
0x3b4: {  	p0 =	sne.s32 s15, $0x3F;
	[tilespmem:s19+$0x180] =	vst v46;
	s12 =	sadd.s32 $0x20, s12;
	s13 =	sadd.s32 $0x20, s13  }
0x3b5: {  	s1 =	sor.u32 s16, s17;
	[tilespmem:s19+$0x200] =	vst v43;
	s19 =	smov.u32 s15;
	s15 =	sadd.s32 $0x1, s15  }
0x3b6: {  	v50 =	vld [tilespmem:s1+$0x0]  }
0x3b7: {  	s17 =	sand.u32 $0x780, s14;
	s14 =	smov.u32 s12;
	v51 =	vld [tilespmem:s1+$0x80]  }
0x3b8: {  	v52 =	vld [tilespmem:s1+$0x100];
	s1 =	sor.u32 s16, s17  }
0x3b9: {  	v53 =	vld [tilespmem:s1+$0x4000];
	_ =	sdelay $0x1  }
0x3ba: {  	v54 =	vmul.f32 v50, v22;
	v55 =	vmul.f32 v50, v21  }
0x3bb: {  	v56 =	vmul.f32 v51, v30;
	v57 =	vmul.f32 v51, v28  }
0x3bc: {  	v45 =	vmin.f32 v45, v49;
	v49 =	vmul.f32 v52, v33;
	v58 =	vmul.f32 v52, v3  }
0x3bd: {  	v54 =	vadd.f32 v56, v54;
	v56 =	vmul.f32 v52, v34;
	v55 =	vadd.f32 v57, v55  }
0x3be: {  	v39 =	vmin.f32 v39, v47;
	v47 =	vmul.f32 v51, v24;
	v57 =	vmul.f32 v51, v27  }
0x3bf: {  	v54 =	vadd.f32 v56, v54;
	v49 =	vadd.f32 v49, v55;
	v55 =	vmul.f32 v51, v25  }
0x3c0: {  	v42 =	vmin.f32 v42, v48;
	v48 =	vmul.f32 v50, v19;
	v56 =	vmul.f32 v51, v26  }
0x3c1: {  	v59 =	vmul.f32 v51, v23;
	v54 =	vsub.f32 v15, v54;
	v49 =	vsub.f32 v16, v49  }
0x3c2: {  	v60 =	vmul.f32 v50, v17;
	v48 =	vadd.f32 v55, v48;
	v55 =	vmul.f32 v52, v31  }
0x3c3: {  	v51 =	vmul.f32 v51, v20;
	v54 =	vadd.f32 v54, v53;
	v49 =	vadd.f32 v49, v53  }
0x3c4: {  	s1 =	sor.u32 s16, s18;
	v61 =	vmul.f32 v50, v4;
	v48 =	vadd.f32 v55, v48;
	v55 =	vmul.f32 v50, v18  }
0x3c5: {  	v62 =	vmul.f32 v52, v9;
	v51 =	vadd.f32 v51, v60;
	v60 =	vmul.f32 v50, v14;
	[tilespmem:s1+$0x0] =	vst v54  }
0x3c6: {  	v50 =	vmul.f32 v50, v7;
	v55 =	vadd.f32 v56, v55;
	v56 =	vmul.f32 v52, v5;
	[tilespmem:s1+$0x80] =	vst v49  }
0x3c7: {  	v45 =	vmin.f32 v45, v54;
	v48 =	vsub.f32 v13, v48;
	v54 =	vadd.f32 v59, v61  }
0x3c8: {  	v47 =	vadd.f32 v47, v60;
	v59 =	vmul.f32 v52, v8;
	v55 =	vadd.f32 v56, v55  }
0x3c9: {  	v52 =	vmul.f32 v52, v6;
	v50 =	vadd.f32 v57, v50;
	v48 =	vadd.f32 v48, v53  }
0x3ca: {  	v42 =	vmin.f32 v42, v49;
	v47 =	vadd.f32 v59, v47;
	v49 =	vsub.f32 v11, v55  }
0x3cb: {  	v51 =	vadd.f32 v52, v51;
	v50 =	vadd.f32 v62, v50;
	v39 =	vmin.f32 v39, v48;
	[tilespmem:s1+$0x280] =	vst v48  }
0x3cc: {  	v47 =	vsub.f32 v35, v47;
	v48 =	vadd.f32 v49, v53  }
0x3cd: {  	v29 =	vmin.f32 v29, v41;
	v41 =	vsub.f32 v10, v51;
	v49 =	vadd.f32 v58, v54  }
0x3ce: {  	v50 =	vsub.f32 v1, v50;
	v47 =	vadd.f32 v47, v53;
	v29 =	vmin.f32 v29, v48;
	[tilespmem:s1+$0x300] =	vst v48  }
0x3cf: {  	v36 =	vmin.f32 v36, v46;
	s16 =	sshll.u32 s19, $0x7;
	v41 =	vadd.f32 v41, v53;
	v46 =	vsub.f32 v32, v49  }
0x3d0: {  	v38 =	vmin.f32 v38, v44;
	s16 =	sand.u32 $0x3FFFFE00, s16;
	v44 =	vadd.f32 v50, v53;
	v36 =	vmin.f32 v36, v47;
	[tilespmem:s1+$0x180] =	vst v47  }
0x3d1: {  	s20 =	sand.u32 $0x60, s12;
	v37 =	vmin.f32 v37, v43;
	s17 =	sadd.s32 $0x2000, s16;
	v38 =	vmin.f32 v38, v41;
	[tilespmem:s1+$0x100] =	vst v41;
	v41 =	vadd.f32 v46, v53  }
0x3d2: {  	v12 =	vmin.f32 v12, v40;
	s16 =	sor.u32 $0x10, s20;
	s18 =	sor.u32 s20, s17;
	v37 =	vmin.f32 v37, v44;
	[tilespmem:s1+$0x200] =	vst v44  }
0x3d3: {  	[tilespmem:s1+$0x380] =	vst v41;
	v12 =	vmin.f32 v12, v41  }
0x3d4: {  	v40 =	vld [tilespmem:s18+$0x100]  }
0x3d5: {  	v41 =	vld [tilespmem:s18+$0x0]  }
0x3d6: {  	v43 =	vld [tilespmem:s18+$0x80];
	_ =	sdelay $0x2  }
0x3d7: {  	v44 =	vmul.f32 v40, v34;
	v46 =	vmul.f32 v40, v9  }
0x3d8: {  	v47 =	vmul.f32 v40, v3  }
0x3d9: {  	v48 =	vmul.f32 v41, v14;
	v49 =	vmul.f32 v43, v24  }
0x3da: {  	v50 =	vmul.f32 v41, v22;
	v51 =	vmul.f32 v43, v30  }
0x3db: {  	v52 =	vmul.f32 v43, v27;
	v48 =	vadd.f32 v49, v48;
	v49 =	vmul.f32 v41, v7  }
0x3dc: {  	v53 =	vmul.f32 v43, v23;
	v50 =	vadd.f32 v51, v50;
	v51 =	vmul.f32 v41, v4  }
0x3dd: {  	v54 =	vmul.f32 v40, v8;
	v52 =	vadd.f32 v52, v49;
	v49 =	vmul.f32 v43, v26  }
0x3de: {  	v44 =	vadd.f32 v44, v50;
	v50 =	vmul.f32 v41, v18;
	v51 =	vadd.f32 v53, v51;
	v55 =	vld [tilespmem:s13+$0x0]  }
0x3df: {  	v53 =	vmul.f32 v43, v20;
	v54 =	vadd.f32 v54, v48;
	v48 =	vmul.f32 v43, v25  }
0x3e0: {  	v56 =	vmul.f32 v41, v21;
	v49 =	vadd.f32 v49, v50;
	v50 =	vmul.f32 v40, v5  }
0x3e1: {  	s1 =	sshll.u32 s19, $0x8;
	v57 =	vmul.f32 v41, v19;
	v44 =	vsub.f32 v15, v44;
	v47 =	vadd.f32 v47, v51  }
0x3e2: {  	s1 =	sand.u32 $0x3FFFFC00, s1;
	v43 =	vmul.f32 v43, v28;
	v41 =	vmul.f32 v41, v17;
	v50 =	vadd.f32 v50, v49  }
0x3e3: {  	s18 =	sadd.s32 $0x4800, s1;
	v49 =	vadd.f32 v44, v55;
	v44 =	vadd.f32 v48, v57;
	v48 =	vmul.f32 v40, v31  }
0x3e4: {  	s19 =	sor.u32 s20, s18;
	v43 =	vadd.f32 v43, v56;
	v51 =	vmul.f32 v40, v33;
	v50 =	vsub.f32 v11, v50  }
0x3e5: {  	v53 =	vadd.f32 v53, v41;
	v40 =	vmul.f32 v40, v6;
	[tilespmem:s19+$0x0] =	vst v49;
	v44 =	vadd.f32 v48, v44  }
0x3e6: {  	v43 =	vadd.f32 v51, v43;
	v41 =	vadd.f32 v50, v55  }
0x3e7: {  	v40 =	vadd.f32 v40, v53;
	v44 =	vsub.f32 v13, v44  }
0x3e8: {  	v43 =	vsub.f32 v16, v43;
	v50 =	vsub.f32 v32, v47;
	[tilespmem:s19+$0x300] =	vst v41  }
0x3e9: {  	v51 =	vsub.f32 v10, v40;
	v47 =	vadd.f32 v44, v55  }
0x3ea: {  	v48 =	vadd.f32 v43, v55;
	v40 =	vadd.f32 v50, v55  }
.Ltmp47:
0x3eb: {  	v43 =	vadd.f32 v46, v52;
	v44 =	vadd.f32 v51, v55;
	[tilespmem:s19+$0x280] =	vst v47;
	(pc) =	sbr.rel @p0 .LBB2_73-.Ltmp47, $4  }
0x3ec: {  	v46 =	vsub.f32 v35, v54;
	[tilespmem:s19+$0x380] =	vst v40  }
0x3ed: {  	v43 =	vsub.f32 v1, v43;
	[tilespmem:s19+$0x100] =	vst v44  }
0x3ee: {  	v46 =	vadd.f32 v46, v55;
	[tilespmem:s19+$0x80] =	vst v48  }
0x3ef: {  	v43 =	vadd.f32 v43, v55  }
0x3f0: {  	[tilespmem:s19+$0x180] =	vst v46  }
0x3f1: {  	s1 =	sor.u32 s16, s17;
	[tilespmem:s19+$0x200] =	vst v43  }
0x3f2: {  	v50 =	vld [tilespmem:s1+$0x0]  }
0x3f3: {  	v51 =	vld [tilespmem:s1+$0x80]  }
0x3f4: {  	v52 =	vld [tilespmem:s1+$0x100];
	_ =	sdelay $0x2  }
0x3f5: {  	v22 =	vmul.f32 v50, v22  }
0x3f6: {  	v30 =	vmul.f32 v51, v30;
	v21 =	vmul.f32 v50, v21  }
0x3f7: {  	v28 =	vmul.f32 v51, v28;
	v53 =	vmul.f32 v52, v34  }
0x3f8: {  	v33 =	vmul.f32 v52, v33;
	v24 =	vmul.f32 v51, v24  }
0x3f9: {  	v27 =	vmul.f32 v51, v27;
	v25 =	vmul.f32 v51, v25  }
0x3fa: {  	v19 =	vmul.f32 v50, v19;
	v26 =	vmul.f32 v51, v26  }
0x3fb: {  	s17 =	sand.u32 $0x780, s14;
	v56 =	vmul.f32 v51, v23;
	v17 =	vmul.f32 v50, v17  }
0x3fc: {  	s1 =	sor.u32 s16, s17;
	v57 =	vmul.f32 v52, v31;
	v20 =	vmul.f32 v51, v20;
	v22 =	vadd.f32 v30, v22  }
0x3fd: {  	v55 =	vmin.f32 v45, v49;
	v54 =	vld [tilespmem:s1+$0x4000];
	v18 =	vmul.f32 v50, v18;
	v4 =	vmul.f32 v50, v4  }
0x3fe: {  	v14 =	vmul.f32 v50, v14;
	v9 =	vmul.f32 v52, v9;
	v22 =	vadd.f32 v53, v22  }
0x3ff: {  	v7 =	vmul.f32 v50, v7;
	v21 =	vadd.f32 v28, v21;
	v19 =	vadd.f32 v25, v19  }
0x400: {  	v5 =	vmul.f32 v52, v5;
	v17 =	vadd.f32 v20, v17;
	v15 =	vsub.f32 v15, v22  }
0x401: {  	v8 =	vmul.f32 v52, v8;
	v18 =	vadd.f32 v26, v18;
	v4 =	vadd.f32 v56, v4  }
0x402: {  	v6 =	vmul.f32 v52, v6;
	v14 =	vadd.f32 v24, v14;
	v15 =	vadd.f32 v15, v54  }
0x403: {  	v3 =	vmul.f32 v52, v3;
	v7 =	vadd.f32 v27, v7;
	v21 =	vadd.f32 v33, v21  }
0x404: {  	v19 =	vadd.f32 v57, v19;
	v5 =	vadd.f32 v5, v18;
	v58 =	vmin.f32 v55, v15  }
0x405: {  	v8 =	vadd.f32 v8, v14;
	v6 =	vadd.f32 v6, v17;
	(xrf1) =	vsort.ascd.msk.f32 $0xffff, v58, v58  }
0x406: {  	v7 =	vadd.f32 v9, v7;
	v16 =	vsub.f32 v16, v21  }
0x407: {  	v3 =	vadd.f32 v3, v4;
	v13 =	vsub.f32 v13, v19  }
0x408: {  	s19 =	sor.u32 s16, s18;
	v5 =	vsub.f32 v11, v5;
	v16 =	vadd.f32 v16, v54  }
0x409: {  	v6 =	vsub.f32 v10, v6;
	v13 =	vadd.f32 v13, v54;
	[tilespmem:s19+$0x0] =	vst v15  }
0x40a: {  	v1 =	vsub.f32 v1, v7;
	v9 =	vadd.f32 v5, v54;
	v5 =	vmin.f32 v42, v48;
	[tilespmem:s19+$0x80] =	vst v16  }
0x40b: {  	v3 =	vsub.f32 v32, v3;
	v6 =	vadd.f32 v6, v54;
	v4 =	vmin.f32 v5, v16;
	[tilespmem:s19+$0x280] =	vst v13  }
0x40c: {  	v8 =	vsub.f32 v35, v8;
	v7 =	vadd.f32 v1, v54;
	[tilespmem:s19+$0x300] =	vst v9;
	(xrf1) =	vsort.ascd.msk.f32 $0xffff, v4, v4  }
0x40d: {  	v3 =	vadd.f32 v3, v54;
	[tilespmem:s19+$0x100] =	vst v6  }
0x40e: {  	s12 =	simm.s32 $0x0;
	v5 =	vadd.f32 v8, v54;
	[tilespmem:s19+$0x200] =	vst v7  }
0x40f: {  	s13 =	sand.u32 $0x60, s12;
	s20 =	sand.u32 $0x3C00, s12;
	[tilespmem:s19+$0x380] =	vst v3  }
0x410: {  	s13 =	sor.u32 s13, s20;
	[tilespmem:s19+$0x180] =	vst v5  }
0x411: {  	v1 =	vmin.f32 v38, v44;
	v4 =	vld [tilespmem:s13+$0x4800]  }
0x412: {  	v1 =	vmin.f32 v1, v6  }
0x413: {  	v6, _, _ =	vpop (xrf1);
	(xrf1) =	vsort.ascd.msk.f32 $0xffff, v1, v1  }
0x414: {  	v1 =	vbroadcast v6, $0xF;
	_ =	sdelay $0x1  }
0x415: {  	vm0 =	vle.f32 v4, v1  }
0x416: {  	[tilespmem:s12+$0xC800] =	vst.msk vm0, v4  }
0x417: {  	v4 =	vmin.f32 v36, v46;
	v6 =	vld [tilespmem:s13+$0x4880]  }
0x418: {  	v4 =	vmin.f32 v4, v5  }
0x419: {  	v5, _, _ =	vpop (xrf1);
	(xrf1) =	vsort.ascd.msk.f32 $0xffff, v4, v4  }
0x41a: {  	v4 =	vbroadcast v5, $0xF;
	_ =	sdelay $0x1  }
0x41b: {  	vm1 =	vle.f32 v6, v4  }
0x41c: {  	[tilespmem:s12+$0xD080] =	vst.msk vm1, v6  }
0x41d: {  	v5 =	vmin.f32 v37, v43;
	v6 =	vld [tilespmem:s13+$0x4900]  }
0x41e: {  	v5 =	vmin.f32 v5, v7  }
0x41f: {  	v7, _, _ =	vpop (xrf1);
	(xrf1) =	vsort.ascd.msk.f32 $0xffff, v5, v5  }
0x420: {  	v5 =	vbroadcast v7, $0xF;
	_ =	sdelay $0x1  }
0x421: {  	vm2 =	vle.f32 v6, v5  }
0x422: {  	[tilespmem:s12+$0xD900] =	vst.msk vm2, v6  }
0x423: {  	v6 =	vmin.f32 v39, v47;
	v7 =	vld [tilespmem:s13+$0x4980]  }
0x424: {  	v6 =	vmin.f32 v6, v13  }
0x425: {  	v8, _, _ =	vpop (xrf1);
	(xrf1) =	vsort.ascd.msk.f32 $0xffff, v6, v6  }
0x426: {  	v6 =	vbroadcast v8, $0xF;
	_ =	sdelay $0x1  }
0x427: {  	vm3 =	vle.f32 v7, v6  }
0x428: {  	[tilespmem:s12+$0xE180] =	vst.msk vm3, v7  }
0x429: {  	v7 =	vmin.f32 v29, v41;
	v8 =	vld [tilespmem:s13+$0x4A00]  }
0x42a: {  	v7 =	vmin.f32 v7, v9  }
0x42b: {  	v9, _, _ =	vpop (xrf1);
	(xrf1) =	vsort.ascd.msk.f32 $0xffff, v7, v7  }
0x42c: {  	v7 =	vbroadcast v9, $0xF;
	_ =	sdelay $0x1  }
0x42d: {  	vm4 =	vle.f32 v8, v7  }
0x42e: {  	[tilespmem:s12+$0xEA00] =	vst.msk vm4, v8;
	v8 =	vmin.f32 v12, v40  }
0x42f: {  	v9 =	vld [tilespmem:s13+$0x4A80]  }
0x430: {  	v3 =	vmin.f32 v8, v3  }
0x431: {  	v8, _, _ =	vpop (xrf1);
	(xrf1) =	vsort.ascd.msk.f32 $0xffff, v3, v3  }
0x432: {  	s21 =	sand.u32 $0x3, s12;
	v8 =	vbroadcast v8, $0xF  }
0x433: {  	s1 =	sshll.u32 s21, $0x5  }
0x434: {  	s22 =	sadd.s32 $0x0, s1;
	vm5 =	vle.f32 v9, v8  }
0x435: {  	s1 =	sor.u32 $0x300, s22;
	[tilespmem:s12+$0xF280] =	vst.msk vm5, v9  }
0x436: {  	v3 =	vld [tilespmem:s1+$0x4800]  }
0x437: {  	v10 =	vmpcnt.ones.xlane vm0  }
0x438: {  	v9, _, _ =	vpop (xrf1)  }
0x439: {  	(v2sf) =	vpush v10, $0x0;
	v9 =	vbroadcast v9, $0xF;
	_ =	sdelay $0x1  }
0x43a: {  	vm6 =	vle.f32 v3, v9  }
0x43b: {  	s23 =	sor.u32 $0x380, s22;
	[tilespmem:s12+$0xFB00] =	vst.msk vm6, v3  }
0x43c: {  	v10 =	vld [tilespmem:s23+$0x4800]  }
0x43d: {  	v11 =	vmpcnt.ones.xlane vm1  }
0x43e: {  	v3, _, _ =	vpop (xrf1)  }
0x43f: {  	(v2sf) =	vpush v11, $0x0;
	v3 =	vbroadcast v3, $0xF;
	_ =	sdelay $0x1  }
0x440: {  	vm7 =	vle.f32 v10, v3  }
0x441: {  	[tilespmem:s12+$0x10380] =	vst.msk vm7, v10  }
0x442: {  	v10 =	vld [tilespmem:s13+$0x4810]  }
0x443: {  	v11 =	vmpcnt.ones.xlane vm2;
	_ =	sdelay $0x1  }
0x444: {  	(v2sf) =	vpush v11, $0x0  }
0x445: {  	s24 =	spop (v2sf)  }
0x446: {  	s16 =	sadd.s32 $0x0, s24;
	vm14 =	vle.f32 v10, v1  }
0x447: {  	[tilespmem:s16+$0xC800] =	vst.msk vm14, v10  }
0x448: {  	v10 =	vld [tilespmem:s13+$0x4890]  }
0x449: {  	v11 =	vmpcnt.ones.xlane vm3;
	_ =	sdelay $0x1  }
0x44a: {  	(v2sf) =	vpush v11, $0x0  }
0x44b: {  	s25 =	spop (v2sf)  }
0x44c: {  	s15 =	sadd.s32 $0x0, s25;
	vm15 =	vle.f32 v10, v4  }
0x44d: {  	[tilespmem:s15+$0xD080] =	vst.msk vm15, v10  }
0x44e: {  	v10 =	vld [tilespmem:s13+$0x4910]  }
0x44f: {  	v11 =	vmpcnt.ones.xlane vm4;
	_ =	sdelay $0x1  }
0x450: {  	(v2sf) =	vpush v11, $0x0  }
0x451: {  	s26 =	spop (v2sf)  }
0x452: {  	s1 =	sadd.s32 $0x0, s26;
	vm8 =	vle.f32 v10, v5  }
0x453: {  	[tilespmem:s1+$0xD900] =	vst.msk vm8, v10  }
0x454: {  	v10 =	vld [tilespmem:s13+$0x4990]  }
0x455: {  	v11 =	vmpcnt.ones.xlane vm5;
	_ =	sdelay $0x1  }
0x456: {  	(v2sf) =	vpush v11, $0x0  }
0x457: {  	s28 =	spop (v2sf)  }
0x458: {  	s17 =	sadd.s32 $0x0, s28;
	vm9 =	vle.f32 v10, v6  }
0x459: {  	[tilespmem:s17+$0xE180] =	vst.msk vm9, v10  }
0x45a: {  	v10 =	vld [tilespmem:s13+$0x4A10]  }
0x45b: {  	v11 =	vmpcnt.ones.xlane vm6;
	_ =	sdelay $0x1  }
0x45c: {  	(v2sf) =	vpush v11, $0x0  }
0x45d: {  	s29 =	spop (v2sf)  }
0x45e: {  	s18 =	sadd.s32 $0x0, s29;
	vm10 =	vle.f32 v10, v7  }
0x45f: {  	[tilespmem:s18+$0xEA00] =	vst.msk vm10, v10  }
0x460: {  	v10 =	vld [tilespmem:s13+$0x4A90];
	_ =	sdelay $0x1  }
0x461: {  	v11 =	vmpcnt.ones.xlane vm7;
	_ =	sdelay $0x1  }
0x462: {  	(v2sf) =	vpush v11, $0x0;
	s30 =	spop (v2sf)  }
0x463: {  	s14 =	sadd.s32 $0x10, s22;
	s21 =	sadd.s32 $0x0, s30;
	vm11 =	vle.f32 v10, v8  }
0x464: {  	s31 =	sor.u32 $0x300, s14;
	[tilespmem:s21+$0xF280] =	vst.msk vm11, v10  }
0x465: {  	v10 =	vld [tilespmem:s31+$0x4800];
	_ =	sdelay $0x1  }
0x466: {  	v11 =	vmpcnt.ones.xlane vm14;
	_ =	sdelay $0x1  }
0x467: {  	(v2sf) =	vpush v11, $0x0;
	s19 =	spop (v2sf)  }
0x468: {  	s23 =	sadd.s32 $0x0, s19;
	vm12 =	vle.f32 v10, v9  }
0x469: {  	s20 =	sor.u32 $0x380, s14;
	[tilespmem:s23+$0xFB00] =	vst.msk vm12, v10;
	v10 =	vmpcnt.ones.xlane vm15  }
0x46a: {  	v11 =	vld [tilespmem:s20+$0x4800]  }
0x46b: {  	v59 =	vmpcnt.ones.xlane vm8;
	(v2sf) =	vpush v10, $0x0  }
0x46c: {  	v60 =	vmpcnt.ones.xlane vm9  }
0x46d: {  	v10 =	vmpcnt.ones.xlane vm10;
	(v2sf) =	vpush v59, $0x0  }
0x46e: {  	v61 =	vmpcnt.ones.xlane vm11;
	(v2sf) =	vpush v60, $0x0  }
0x46f: {  	s22 =	simm.s32 $0x20;
	s24 =	spop (v2sf);
	s13 =	simm.s32 $0x100;
	(v2sf) =	vpush v10, $0x0;
	v10 =	vmpcnt.ones.xlane vm12;
	vm13 =	vle.f32 v11, v3  }
0x470: {  	s14 =	sand.u32 $0x60, s22;
	s22 =	sadd.s32 $0x0, s24;
	s20 =	sand.u32 $0x3C00, s13;
	(v2sf) =	vpush v61, $0x0;
	v62 =	vmpcnt.ones.xlane vm13  }
0x471: {  	s14 =	sor.u32 s14, s20;
	(v2sf) =	vpush v10, $0x0;
	[tilespmem:s22+$0x10380] =	vst.msk vm13, v11  }
0x472: {  	v10 =	vld [tilespmem:s14+$0x4800];
	(v2sf) =	vpush v62, $0x0;
	_ =	sdelay $0x3  }
0x473: {  	s25 =	spop (v2sf)  }
0x474: {  	s20 =	sadd.s32 s16, s25;
	vm14 =	vle.f32 v10, v1  }
0x475: {  	[tilespmem:s20+$0xC800] =	vst.msk vm14, v10;
	v11 =	vmpcnt.ones.xlane vm14  }
0x476: {  	v10 =	vld [tilespmem:s14+$0x4880]  }
0x477: {  	s26 =	spop (v2sf);
	(v2sf) =	vpush v11, $0x0;
	_ =	sdelay $0x1  }
0x478: {  	s28 =	spop (v2sf)  }
0x479: {  	s25 =	spop (v2sf)  }
0x47a: {  	s24 =	sadd.s32 s15, s26;
	s29 =	spop (v2sf);
	vm15 =	vle.f32 v10, v4  }
0x47b: {  	s19 =	sadd.s32 s1, s28;
	s17 =	sadd.s32 s17, s25;
	s30 =	spop (v2sf);
	v63 =	vmpcnt.ones.xlane vm15;
	[tilespmem:s24+$0xD080] =	vst.msk vm15, v10  }
0x47c: {  	s25 =	simm.s32 $0x40;
	s16 =	sadd.s32 s18, s29;
	s31 =	spop (v2sf);
	v10 =	vld [tilespmem:s14+$0x4900]  }
0x47d: {  	s18 =	sadd.s32 s21, s30;
	s15 =	sadd.s32 s23, s31;
	(v2sf) =	vpush v63, $0x0;
	s1 =	spop (v2sf)  }
.LBB2_75:
0x47e: {  	s22 =	sadd.s32 s22, s1  }
0x47f: {  	s12 =	sadd.s32 $0x1, s12;
	s23 =	smov.u32 s25;
	s21 =	sadd.s32 $0x20, s25  }
0x480: {  	p0 =	sne.s32 s25, $0x7E0  }
0x481: {  	vm0 =	vle.f32 v10, v5  }
0x482: {  	[tilespmem:s19+$0xD900] =	vst.msk vm0, v10;
	v10 =	vmpcnt.ones.xlane vm0  }
0x483: {  	v11 =	vld [tilespmem:s14+$0x4980]  }
0x484: {  	(v2sf) =	vpush v10, $0x0  }
0x485: {  	s26 =	spop (v2sf);
	_ =	sdelay $0x2  }
0x486: {  	vm0 =	vle.f32 v11, v6  }
0x487: {  	[tilespmem:s17+$0xE180] =	vst.msk vm0, v11;
	v10 =	vmpcnt.ones.xlane vm0  }
0x488: {  	v11 =	vld [tilespmem:s14+$0x4A00]  }
0x489: {  	(v2sf) =	vpush v10, $0x0  }
0x48a: {  	s1 =	spop (v2sf)  }
0x48b: {  	s24 =	sadd.s32 s24, s1;
	_ =	sdelay $0x1  }
0x48c: {  	vm0 =	vle.f32 v11, v7  }
0x48d: {  	[tilespmem:s16+$0xEA00] =	vst.msk vm0, v11;
	v10 =	vmpcnt.ones.xlane vm0  }
0x48e: {  	v11 =	vld [tilespmem:s14+$0x4A80]  }
0x48f: {  	(v2sf) =	vpush v10, $0x0  }
0x490: {  	s29 =	spop (v2sf)  }
0x491: {  	s1 =	sand.u32 $0x3, s12  }
0x492: {  	s1 =	sshll.u32 s1, $0x5  }
0x493: {  	s28 =	sadd.s32 s1, s13;
	vm0 =	vle.f32 v11, v8  }
0x494: {  	s1 =	sor.u32 $0x300, s28;
	s25 =	sadd.s32 $0x10, s28;
	[tilespmem:s18+$0xF280] =	vst.msk vm0, v11;
	v10 =	vmpcnt.ones.xlane vm0  }
0x495: {  	v11 =	vld [tilespmem:s1+$0x4800]  }
0x496: {  	(v2sf) =	vpush v10, $0x0  }
0x497: {  	s1 =	spop (v2sf);
	_ =	sdelay $0x2  }
0x498: {  	vm0 =	vle.f32 v11, v9  }
0x499: {  	s28 =	sor.u32 $0x380, s28;
	[tilespmem:s15+$0xFB00] =	vst.msk vm0, v11;
	v10 =	vmpcnt.ones.xlane vm0  }
0x49a: {  	v11 =	vld [tilespmem:s28+$0x4800]  }
0x49b: {  	(v2sf) =	vpush v10, $0x0  }
0x49c: {  	s31 =	spop (v2sf);
	_ =	sdelay $0x2  }
0x49d: {  	vm0 =	vle.f32 v11, v3  }
0x49e: {  	[tilespmem:s22+$0x10380] =	vst.msk vm0, v11;
	v10 =	vmpcnt.ones.xlane vm0  }
0x49f: {  	v11 =	vld [tilespmem:s14+$0x4810]  }
0x4a0: {  	(v2sf) =	vpush v10, $0x0  }
0x4a1: {  	s30 =	spop (v2sf);
	_ =	sdelay $0x2  }
0x4a2: {  	s20 =	sadd.s32 s20, s26;
	vm0 =	vle.f32 v11, v1  }
0x4a3: {  	[tilespmem:s20+$0xC800] =	vst.msk vm0, v11;
	v10 =	vmpcnt.ones.xlane vm0  }
0x4a4: {  	v11 =	vld [tilespmem:s14+$0x4890]  }
0x4a5: {  	(v2sf) =	vpush v10, $0x0  }
0x4a6: {  	s28 =	spop (v2sf);
	_ =	sdelay $0x2  }
0x4a7: {  	vm0 =	vle.f32 v11, v4  }
0x4a8: {  	[tilespmem:s24+$0xD080] =	vst.msk vm0, v11;
	v10 =	vmpcnt.ones.xlane vm0  }
0x4a9: {  	v11 =	vld [tilespmem:s14+$0x4910]  }
0x4aa: {  	(v2sf) =	vpush v10, $0x0  }
0x4ab: {  	s26 =	spop (v2sf);
	_ =	sdelay $0x2  }
0x4ac: {  	s19 =	sadd.s32 s19, s29;
	vm0 =	vle.f32 v11, v5  }
0x4ad: {  	[tilespmem:s19+$0xD900] =	vst.msk vm0, v11;
	v10 =	vmpcnt.ones.xlane vm0  }
0x4ae: {  	v11 =	vld [tilespmem:s14+$0x4990]  }
0x4af: {  	(v2sf) =	vpush v10, $0x0  }
0x4b0: {  	s29 =	spop (v2sf)  }
0x4b1: {  	s20 =	sadd.s32 s20, s29;
	_ =	sdelay $0x1  }
0x4b2: {  	s1 =	sadd.s32 s17, s1;
	vm0 =	vle.f32 v11, v6  }
0x4b3: {  	[tilespmem:s1+$0xE180] =	vst.msk vm0, v11;
	v10 =	vmpcnt.ones.xlane vm0  }
0x4b4: {  	v11 =	vld [tilespmem:s14+$0x4A10]  }
0x4b5: {  	(v2sf) =	vpush v10, $0x0  }
0x4b6: {  	s17 =	spop (v2sf)  }
0x4b7: {  	s24 =	sadd.s32 s24, s17;
	_ =	sdelay $0x1  }
0x4b8: {  	s16 =	sadd.s32 s16, s31;
	vm0 =	vle.f32 v11, v7  }
0x4b9: {  	[tilespmem:s16+$0xEA00] =	vst.msk vm0, v11;
	v10 =	vmpcnt.ones.xlane vm0  }
0x4ba: {  	v11 =	vld [tilespmem:s14+$0x4A90]  }
0x4bb: {  	(v2sf) =	vpush v10, $0x0  }
0x4bc: {  	s14 =	spop (v2sf)  }
0x4bd: {  	s19 =	sadd.s32 s19, s14;
	_ =	sdelay $0x1  }
0x4be: {  	s18 =	sadd.s32 s18, s30;
	vm0 =	vle.f32 v11, v8  }
0x4bf: {  	s14 =	sor.u32 $0x300, s25;
	[tilespmem:s18+$0xF280] =	vst.msk vm0, v11;
	v10 =	vmpcnt.ones.xlane vm0  }
0x4c0: {  	v11 =	vld [tilespmem:s14+$0x4800]  }
0x4c1: {  	(v2sf) =	vpush v10, $0x0  }
0x4c2: {  	s14 =	spop (v2sf)  }
0x4c3: {  	s17 =	sadd.s32 s1, s14;
	_ =	sdelay $0x1  }
0x4c4: {  	s1 =	sadd.s32 s15, s28;
	vm0 =	vle.f32 v11, v9  }
0x4c5: {  	s14 =	sor.u32 $0x380, s25;
	[tilespmem:s1+$0xFB00] =	vst.msk vm0, v11;
	v10 =	vmpcnt.ones.xlane vm0  }
0x4c6: {  	v11 =	vld [tilespmem:s14+$0x4800]  }
0x4c7: {  	(v2sf) =	vpush v10, $0x0  }
0x4c8: {  	s14 =	spop (v2sf)  }
0x4c9: {  	s16 =	sadd.s32 s16, s14  }
0x4ca: {  	s13 =	sadd.s32 $0x100, s13  }
0x4cb: {  	s22 =	sadd.s32 s22, s26;
	s15 =	sand.u32 $0x3C00, s13;
	s14 =	sand.u32 $0x60, s23;
	vm0 =	vle.f32 v11, v3  }
0x4cc: {  	s14 =	sor.u32 s14, s15;
	[tilespmem:s22+$0x10380] =	vst.msk vm0, v11;
	v10 =	vmpcnt.ones.xlane vm0  }
0x4cd: {  	v11 =	vld [tilespmem:s14+$0x4800]  }
0x4ce: {  	(v2sf) =	vpush v10, $0x0  }
0x4cf: {  	s15 =	spop (v2sf)  }
0x4d0: {  	s18 =	sadd.s32 s18, s15;
	_ =	sdelay $0x1  }
0x4d1: {  	vm0 =	vle.f32 v11, v1  }
0x4d2: {  	[tilespmem:s20+$0xC800] =	vst.msk vm0, v11;
	v10 =	vmpcnt.ones.xlane vm0  }
0x4d3: {  	v11 =	vld [tilespmem:s14+$0x4880]  }
0x4d4: {  	(v2sf) =	vpush v10, $0x0  }
0x4d5: {  	s15 =	spop (v2sf)  }
0x4d6: {  	s15 =	sadd.s32 s1, s15;
	_ =	sdelay $0x1  }
.Ltmp48:
0x4d7: {  	vm0 =	vle.f32 v11, v4;
	(pc) =	sbr.rel @p0 .LBB2_75-.Ltmp48, $4  }
0x4d8: {  	[tilespmem:s24+$0xD080] =	vst.msk vm0, v11;
	v11 =	vmpcnt.ones.xlane vm0  }
0x4d9: {  	v10 =	vld [tilespmem:s14+$0x4900]  }
0x4da: {  	(v2sf) =	vpush v11, $0x0  }
0x4db: {  	s25 =	smov.u32 s21;
	s1 =	spop (v2sf)  }
0x4dc: {  	_ =	sdelay $0x1  }
0x4dd: {  	vm1 =	vle.f32 v10, v5  }
0x4de: {  	[tilespmem:s19+$0xD900] =	vst.msk vm1, v10  }
0x4df: {  	v10 =	vld [tilespmem:s14+$0x4980];
	_ =	sdelay $0x4  }
0x4e0: {  	vm2 =	vle.f32 v10, v6  }
0x4e1: {  	[tilespmem:s17+$0xE180] =	vst.msk vm2, v10  }
0x4e2: {  	v10 =	vld [tilespmem:s14+$0x4A00];
	_ =	sdelay $0x4  }
0x4e3: {  	vm4 =	vle.f32 v10, v7  }
0x4e4: {  	[tilespmem:s16+$0xEA00] =	vst.msk vm4, v10  }
0x4e5: {  	v10 =	vld [tilespmem:s14+$0x4A80];
	_ =	sdelay $0x1  }
0x4e6: {  	s12 =	sadd.s32 $0x1, s12  }
0x4e7: {  	s12 =	sand.u32 $0x3, s12  }
0x4e8: {  	s12 =	sshll.u32 s12, $0x5  }
0x4e9: {  	s21 =	sadd.s32 s12, s13;
	vm5 =	vle.f32 v10, v8  }
0x4ea: {  	s12 =	sor.u32 $0x300, s21;
	[tilespmem:s18+$0xF280] =	vst.msk vm5, v10  }
0x4eb: {  	v10 =	vld [tilespmem:s12+$0x4800];
	_ =	sdelay $0x4  }
0x4ec: {  	vm3 =	vle.f32 v10, v9  }
0x4ed: {  	s31 =	sor.u32 $0x380, s21;
	[tilespmem:s15+$0xFB00] =	vst.msk vm3, v10  }
0x4ee: {  	v10 =	vld [tilespmem:s31+$0x4800];
	_ =	sdelay $0x4  }
0x4ef: {  	s12 =	sadd.s32 s22, s1;
	vm0 =	vle.f32 v10, v3  }
0x4f0: {  	[tilespmem:s12+$0x10380] =	vst.msk vm0, v10  }
0x4f1: {  	v10 =	vld [tilespmem:s14+$0x4810]  }
0x4f2: {  	v11 =	vmpcnt.ones.xlane vm1;
	_ =	sdelay $0x1  }
0x4f3: {  	(v2sf) =	vpush v11, $0x0  }
0x4f4: {  	s13 =	spop (v2sf)  }
0x4f5: {  	s1 =	sadd.s32 s20, s13;
	vm9 =	vle.f32 v10, v1  }
0x4f6: {  	[tilespmem:s1+$0xC800] =	vst.msk vm9, v10  }
0x4f7: {  	v1 =	vld [tilespmem:s14+$0x4890]  }
0x4f8: {  	v61 =	vmpcnt.ones.xlane vm2;
	_ =	sdelay $0x1  }
0x4f9: {  	(v2sf) =	vpush v61, $0x0  }
0x4fa: {  	s20 =	spop (v2sf)  }
0x4fb: {  	s13 =	sadd.s32 s24, s20;
	vm10 =	vle.f32 v1, v4  }
0x4fc: {  	[tilespmem:s13+$0xD080] =	vst.msk vm10, v1  }
0x4fd: {  	v1 =	vld [tilespmem:s14+$0x4910]  }
0x4fe: {  	v4 =	vmpcnt.ones.xlane vm4;
	_ =	sdelay $0x1  }
0x4ff: {  	(v2sf) =	vpush v4, $0x0  }
0x500: {  	s22 =	spop (v2sf)  }
0x501: {  	s19 =	sadd.s32 s19, s22;
	vm11 =	vle.f32 v1, v5  }
0x502: {  	[tilespmem:s19+$0xD900] =	vst.msk vm11, v1  }
0x503: {  	v1 =	vld [tilespmem:s14+$0x4990]  }
0x504: {  	v4 =	vmpcnt.ones.xlane vm5;
	_ =	sdelay $0x1  }
0x505: {  	(v2sf) =	vpush v4, $0x0  }
0x506: {  	s23 =	spop (v2sf)  }
0x507: {  	s20 =	sadd.s32 s17, s23;
	vm12 =	vle.f32 v1, v6  }
0x508: {  	[tilespmem:s20+$0xE180] =	vst.msk vm12, v1  }
0x509: {  	v1 =	vld [tilespmem:s14+$0x4A10]  }
0x50a: {  	v4 =	vmpcnt.ones.xlane vm3;
	_ =	sdelay $0x1  }
0x50b: {  	(v2sf) =	vpush v4, $0x0  }
0x50c: {  	s24 =	spop (v2sf)  }
0x50d: {  	s22 =	sadd.s32 s16, s24;
	vm13 =	vle.f32 v1, v7  }
0x50e: {  	[tilespmem:s22+$0xEA00] =	vst.msk vm13, v1  }
0x50f: {  	v1 =	vld [tilespmem:s14+$0x4A90];
	_ =	sdelay $0x3  }
0x510: {  	s25 =	spop (v2sf)  }
0x511: {  	s26 =	sadd.s32 $0x10, s21;
	s14 =	sadd.s32 s18, s25;
	vm6 =	vle.f32 v1, v8  }
0x512: {  	s28 =	sor.u32 $0x300, s26;
	[tilespmem:s14+$0xF280] =	vst.msk vm6, v1  }
0x513: {  	v1 =	vld [tilespmem:s28+$0x4800];
	_ =	sdelay $0x3  }
0x514: {  	s29 =	spop (v2sf)  }
0x515: {  	v4 =	vmpcnt.ones.xlane vm0;
	s21 =	sadd.s32 s15, s29;
	vm14 =	vle.f32 v1, v9  }
0x516: {  	s30 =	sor.u32 $0x380, s26;
	v5 =	vmpcnt.ones.xlane vm9;
	[tilespmem:s21+$0xFB00] =	vst.msk vm14, v1  }
0x517: {  	(v2sf) =	vpush v4, $0x0;
	v1 =	vmpcnt.ones.xlane vm10;
	v4 =	vld [tilespmem:s30+$0x4800]  }
0x518: {  	v62 =	vmpcnt.ones.xlane vm11;
	(v2sf) =	vpush v5, $0x0  }
0x519: {  	v5 =	vmpcnt.ones.xlane vm12;
	(v2sf) =	vpush v1, $0x0  }
0x51a: {  	v1 =	vmpcnt.ones.xlane vm13;
	(v2sf) =	vpush v62, $0x0  }
0x51b: {  	v63 =	vmpcnt.ones.xlane vm6;
	(v2sf) =	vpush v5, $0x0  }
0x51c: {  	(v2sf) =	vpush v1, $0x0;
	v1 =	vmpcnt.ones.xlane vm14;
	vm15 =	vle.f32 v4, v3  }
0x51d: {  	(v2sf) =	vpush v63, $0x0;
	v3 =	vmpcnt.ones.xlane vm15  }
0x51e: {  	(v2sf) =	vpush v1, $0x0  }
0x51f: {  	(v2sf) =	vpush v3, $0x0;
	_ =	sdelay $0x6  }
0x520: {  	s31 =	spop (v2sf)  }
0x521: {  	s18 =	spop (v2sf)  }
0x522: {  	s26 =	sadd.s32 s1, s18;
	s24 =	spop (v2sf)  }
0x523: {  	s1 =	sadd.s32 $0xF, s26;
	s23 =	spop (v2sf)  }
0x524: {  	p0 =	slt.s32 s1, $0x10;
	s28 =	spop (v2sf)  }
.Ltmp49:
0x525: {  	s25 =	spop (v2sf);
	(pc) =	sbr.rel @p0 .LBB2_84-.Ltmp49, $4  }
0x526: {  	s12 =	sadd.s32 s12, s31;
	s29 =	spop (v2sf)  }
0x527: {  	s18 =	sadd.s32 s13, s24;
	s17 =	sadd.s32 s19, s23;
	s30 =	spop (v2sf)  }
0x528: {  	[tilespmem:s12+$0x10380] =	vst.msk vm15, v4;
	v1 =	vimm.f32 $3.000000010e+38;
	s16 =	sadd.s32 s20, s28;
	s15 =	sadd.s32 s22, s25;
	s31 =	spop (v2sf)  }
0x529: {  	[tilespmem:s26+$0xC800] =	vst v1;
	v3 =	vimm.f32 $3.000000010e+38;
	s14 =	sadd.s32 s14, s29;
	s13 =	sadd.s32 s21, s30;
	s12 =	sadd.s32 s12, s31  }
0x52a: {  	s19 =	sshra.s32 s1, $0x1F  }
0x52b: {  	s19 =	sshrl.u32 s19, $0x1C  }
0x52c: {  	s30 =	sadd.s32 s19, s1  }
0x52d: {  	s1 =	sshra.s32 s30, $0x4  }
0x52e: {  	p2 =	sne.s32 s1, $0x1  }
.Ltmp50:
0x52f: {  	_ = 	snop;
	(pc) =	sbr.rel @!p2 .LBB2_78-.Ltmp50, $3  }
0x530: {  	_ =	sdelay $0x1  }
0x531: {  	s31 =	simm.s32 $0xC800  }
0x532: {  	p0 =	por $0x0, $0x0;
	p1 =	por $0x0, $0x0;
	v3 =	vld [tilespmem:s31+$0x0];
	s1 =	sadd.s32 $0xFFFFFFFF, s1  }
0x533: {  	p2 =	sne.s32 s1, $0x1  }
.Ltmp51:
0x534: {  	_ = 	snop;
	(pc) =	sbr.rel @!p2 .LBB2_80-.Ltmp51, $3  }
0x535: {  	_ =	sdelay $0x1  }
0x536: {  	s19 =	simm.s32 $0xC810;
	v3 =	vmax.f32 v3, $0.0e+00  }
0x537: {  	p0 =	por $0x1, $0x1;
	(xrf1) =	vsort.dscd.msk.f32 $0xffff, v3, v3;
	v3 =	vld [tilespmem:s19+$0x0];
	s19 =	sadd.s32 $0xFFFFFFFF, s1  }
0x538: {  	_ =	sdelay $0xc  }
0x539: {  	v3 =	vmax.f32 v3, $0.0e+00;
	v4, _, _ =	vpop (xrf1)  }
0x53a: {  	(xrf1) =	vsort.dscd.msk.f32 $0xffff, v3, v3;
	v3 =	vmin.f32 v1, v4  }
0x53b: {  	(xrf1) =	vsort.ascd.msk.f32 $0xffff, v3, v3;
	_ =	sdelay $0x4  }
0x53c: {  	p2 =	sne.s32 s19, $0x1  }
.Ltmp52:
0x53d: {  	_ = 	snop;
	(pc) =	sbr.rel @!p2 .LBB2_83-.Ltmp52, $4  }
0x53e: {  	_ = 	snop  }
0x53f: {  	s1 =	simm.s32 $0xC820  }
0x540: {  	v3 =	vld [tilespmem:s1+$0x0]  }
0x541: {  	s19 =	sadd.s32 $0xFFFFFFFF, s19;
	p1 =	por $0x1, $0x1  }
.LBB2_82:
0x542: {  	p2 =	sne.s32 s19, $0x1;
	_ =	sdelay $0x1  }
0x543: {  	v4, _, _ =	vpop (xrf1)  }
0x544: {  	v3 =	vmax.f32 v3, $0.0e+00;
	v5, _, _ =	vpop (xrf1)  }
0x545: {  	(xrf1) =	vsort.dscd.msk.f32 $0xffff, v3, v3;
	v3 =	vmin.f32 v5, v4  }
0x546: {  	(xrf1) =	vsort.ascd.msk.f32 $0xffff, v3, v3;
	_ =	sdelay $0x5  }
.Ltmp53:
0x547: {  	(pc) =	sbr.rel @p2 .LBB2_82-.Ltmp53, $4  }
0x548: {  	_ = 	snop  }
0x549: {  	s1 =	sadd.s32 $0x10, s1  }
0x54a: {  	v3 =	vld [tilespmem:s1+$0x0]  }
0x54b: {  	s19 =	sadd.s32 $0xFFFFFFFF, s19  }
.LBB2_83:
0x54c: {  	_ =	sdelay $0x1  }
0x54d: {  	v4, _, _ =	vpop @p0 (xrf1)  }
0x54e: {  	v5, _, _ =	vpop @p1 (xrf1)  }
0x54f: {  	v3 =	vmax.f32 v3, $0.0e+00;
	v5 =	vpsel p1, v5, v1  }
0x550: {  	(xrf1) =	vsort.dscd.msk.f32 $0xffff, v3, v3;
	v3 =	vmin.f32 @p0 v5, v4  }
0x551: {  	(xrf1) =	vsort.ascd.msk.f32 @p0 $0xffff, v3, v3;
	_ =	sdelay $0xc  }
0x552: {  	v3, _, _ =	vpop (xrf1)  }
0x553: {  	v4, _, _ =	vpop @p0 (xrf1)  }
0x554: {  	v4 =	vpsel p0, v4, v1  }
0x555: {  	v3 =	vmin.f32 v4, v3  }
0x556: {  	(xrf1) =	vsort.ascd.msk.f32 $0xffff, v3, v3;
	_ =	sdelay $0xd  }
0x557: {  	v3, _, _ =	vpop (xrf1)  }
.LBB2_84:
0x558: {  	s1 =	sadd.s32 $0xF, s18  }
0x559: {  	p0 =	slt.s32 s1, $0x10  }
.Ltmp54:
0x55a: {  	_ = 	snop;
	(pc) =	sbr.rel @p0 .LBB2_92-.Ltmp54, $2  }
0x55b: {  	_ =	sdelay $0x2  }
0x55c: {  	[tilespmem:s18+$0xD080] =	vst v1  }
0x55d: {  	s18 =	sshra.s32 s1, $0x1F  }
0x55e: {  	s18 =	sshrl.u32 s18, $0x1C  }
0x55f: {  	s30 =	sadd.s32 s18, s1  }
0x560: {  	s1 =	sshra.s32 s30, $0x4  }
0x561: {  	p2 =	sne.s32 s1, $0x1  }
.Ltmp55:
0x562: {  	_ = 	snop;
	(pc) =	sbr.rel @!p2 .LBB2_86-.Ltmp55, $3  }
0x563: {  	_ =	sdelay $0x1  }
0x564: {  	s31 =	simm.s32 $0xD080  }
0x565: {  	p0 =	por $0x0, $0x0;
	p1 =	por $0x0, $0x0;
	v4 =	vld [tilespmem:s31+$0x0];
	s1 =	sadd.s32 $0xFFFFFFFF, s1  }
0x566: {  	p2 =	sne.s32 s1, $0x1  }
.Ltmp56:
0x567: {  	_ = 	snop;
	(pc) =	sbr.rel @!p2 .LBB2_88-.Ltmp56, $3  }
0x568: {  	_ =	sdelay $0x1  }
0x569: {  	s18 =	simm.s32 $0xD090;
	v4 =	vmax.f32 v4, $0.0e+00  }
0x56a: {  	p0 =	por $0x1, $0x1;
	(xrf1) =	vsort.dscd.msk.f32 $0xffff, v4, v4;
	v4 =	vld [tilespmem:s18+$0x0];
	s18 =	sadd.s32 $0xFFFFFFFF, s1  }
0x56b: {  	_ =	sdelay $0xc  }
0x56c: {  	v4 =	vmax.f32 v4, $0.0e+00;
	v5, _, _ =	vpop (xrf1)  }
0x56d: {  	(xrf1) =	vsort.dscd.msk.f32 $0xffff, v4, v4;
	v4 =	vmin.f32 v1, v5  }
0x56e: {  	(xrf1) =	vsort.ascd.msk.f32 $0xffff, v4, v4;
	_ =	sdelay $0x4  }
0x56f: {  	p2 =	sne.s32 s18, $0x1  }
.Ltmp57:
0x570: {  	_ = 	snop;
	(pc) =	sbr.rel @!p2 .LBB2_91-.Ltmp57, $4  }
0x571: {  	_ = 	snop  }
0x572: {  	s1 =	simm.s32 $0xD0A0  }
0x573: {  	v4 =	vld [tilespmem:s1+$0x0]  }
0x574: {  	s18 =	sadd.s32 $0xFFFFFFFF, s18;
	p1 =	por $0x1, $0x1  }
.LBB2_90:
0x575: {  	p2 =	sne.s32 s18, $0x1;
	_ =	sdelay $0x1  }
0x576: {  	v5, _, _ =	vpop (xrf1)  }
0x577: {  	v4 =	vmax.f32 v4, $0.0e+00;
	v6, _, _ =	vpop (xrf1)  }
0x578: {  	(xrf1) =	vsort.dscd.msk.f32 $0xffff, v4, v4;
	v4 =	vmin.f32 v6, v5  }
0x579: {  	(xrf1) =	vsort.ascd.msk.f32 $0xffff, v4, v4;
	_ =	sdelay $0x5  }
.Ltmp58:
0x57a: {  	(pc) =	sbr.rel @p2 .LBB2_90-.Ltmp58, $4  }
0x57b: {  	_ = 	snop  }
0x57c: {  	s1 =	sadd.s32 $0x10, s1  }
0x57d: {  	v4 =	vld [tilespmem:s1+$0x0]  }
0x57e: {  	s18 =	sadd.s32 $0xFFFFFFFF, s18  }
.LBB2_91:
0x57f: {  	_ =	sdelay $0x1  }
0x580: {  	v5, _, _ =	vpop @p0 (xrf1)  }
0x581: {  	v6, _, _ =	vpop @p1 (xrf1)  }
0x582: {  	v4 =	vmax.f32 v4, $0.0e+00;
	v6 =	vpsel p1, v6, v1  }
0x583: {  	(xrf1) =	vsort.dscd.msk.f32 $0xffff, v4, v4;
	v4 =	vmin.f32 @p0 v6, v5  }
0x584: {  	(xrf1) =	vsort.ascd.msk.f32 @p0 $0xffff, v4, v4;
	_ =	sdelay $0xc  }
0x585: {  	v4, _, _ =	vpop (xrf1)  }
0x586: {  	v5, _, _ =	vpop @p0 (xrf1)  }
0x587: {  	v1 =	vpsel p0, v5, v1  }
0x588: {  	v1 =	vmin.f32 v1, v4  }
0x589: {  	(xrf1) =	vsort.ascd.msk.f32 $0xffff, v1, v1;
	_ =	sdelay $0xd  }
0x58a: {  	v1, _, _ =	vpop (xrf1)  }
.LBB2_92:
0x58b: {  	s1 =	sadd.s32 $0xF, s17  }
0x58c: {  	p0 =	slt.s32 s1, $0x10  }
.Ltmp59:
0x58d: {  	_ = 	snop;
	(pc) =	sbr.rel @p0 .LBB2_100-.Ltmp59, $3  }
0x58e: {  	_ =	sdelay $0x1  }
0x58f: {  	v4 =	vimm.f32 $3.000000010e+38  }
0x590: {  	v5 =	vimm.f32 $3.000000010e+38;
	[tilespmem:s17+$0xD900] =	vst v4  }
0x591: {  	s17 =	sshra.s32 s1, $0x1F  }
0x592: {  	s17 =	sshrl.u32 s17, $0x1C  }
0x593: {  	s30 =	sadd.s32 s17, s1  }
0x594: {  	s1 =	sshra.s32 s30, $0x4  }
0x595: {  	p2 =	sne.s32 s1, $0x1  }
.Ltmp60:
0x596: {  	_ = 	snop;
	(pc) =	sbr.rel @!p2 .LBB2_94-.Ltmp60, $3  }
0x597: {  	_ =	sdelay $0x1  }
0x598: {  	s31 =	simm.s32 $0xD900  }
0x599: {  	p0 =	por $0x0, $0x0;
	p1 =	por $0x0, $0x0;
	v5 =	vld [tilespmem:s31+$0x0];
	s1 =	sadd.s32 $0xFFFFFFFF, s1  }
0x59a: {  	p2 =	sne.s32 s1, $0x1  }
.Ltmp61:
0x59b: {  	_ = 	snop;
	(pc) =	sbr.rel @!p2 .LBB2_96-.Ltmp61, $3  }
0x59c: {  	_ =	sdelay $0x1  }
0x59d: {  	s17 =	simm.s32 $0xD910;
	v5 =	vmax.f32 v5, $0.0e+00  }
0x59e: {  	p0 =	por $0x1, $0x1;
	(xrf1) =	vsort.dscd.msk.f32 $0xffff, v5, v5;
	v5 =	vld [tilespmem:s17+$0x0];
	s17 =	sadd.s32 $0xFFFFFFFF, s1  }
0x59f: {  	_ =	sdelay $0xc  }
0x5a0: {  	v5 =	vmax.f32 v5, $0.0e+00;
	v6, _, _ =	vpop (xrf1)  }
0x5a1: {  	(xrf1) =	vsort.dscd.msk.f32 $0xffff, v5, v5;
	v5 =	vmin.f32 v4, v6  }
0x5a2: {  	(xrf1) =	vsort.ascd.msk.f32 $0xffff, v5, v5;
	_ =	sdelay $0x4  }
0x5a3: {  	p2 =	sne.s32 s17, $0x1  }
.Ltmp62:
0x5a4: {  	_ = 	snop;
	(pc) =	sbr.rel @!p2 .LBB2_99-.Ltmp62, $4  }
0x5a5: {  	_ = 	snop  }
0x5a6: {  	s1 =	simm.s32 $0xD920  }
0x5a7: {  	v5 =	vld [tilespmem:s1+$0x0]  }
0x5a8: {  	s17 =	sadd.s32 $0xFFFFFFFF, s17;
	p1 =	por $0x1, $0x1  }
.LBB2_98:
0x5a9: {  	p2 =	sne.s32 s17, $0x1;
	_ =	sdelay $0x1  }
0x5aa: {  	v6, _, _ =	vpop (xrf1)  }
0x5ab: {  	v5 =	vmax.f32 v5, $0.0e+00;
	v7, _, _ =	vpop (xrf1)  }
0x5ac: {  	(xrf1) =	vsort.dscd.msk.f32 $0xffff, v5, v5;
	v5 =	vmin.f32 v7, v6  }
0x5ad: {  	(xrf1) =	vsort.ascd.msk.f32 $0xffff, v5, v5;
	_ =	sdelay $0x5  }
.Ltmp63:
0x5ae: {  	(pc) =	sbr.rel @p2 .LBB2_98-.Ltmp63, $4  }
0x5af: {  	_ = 	snop  }
0x5b0: {  	s1 =	sadd.s32 $0x10, s1  }
0x5b1: {  	v5 =	vld [tilespmem:s1+$0x0]  }
0x5b2: {  	s17 =	sadd.s32 $0xFFFFFFFF, s17  }
.LBB2_99:
0x5b3: {  	_ =	sdelay $0x1  }
0x5b4: {  	v6, _, _ =	vpop @p0 (xrf1)  }
0x5b5: {  	v7, _, _ =	vpop @p1 (xrf1)  }
0x5b6: {  	v5 =	vmax.f32 v5, $0.0e+00;
	v7 =	vpsel p1, v7, v4  }
0x5b7: {  	(xrf1) =	vsort.dscd.msk.f32 $0xffff, v5, v5;
	v5 =	vmin.f32 @p0 v7, v6  }
0x5b8: {  	(xrf1) =	vsort.ascd.msk.f32 @p0 $0xffff, v5, v5;
	_ =	sdelay $0xc  }
0x5b9: {  	v5, _, _ =	vpop (xrf1)  }
0x5ba: {  	v6, _, _ =	vpop @p0 (xrf1)  }
0x5bb: {  	v6 =	vpsel p0, v6, v4  }
0x5bc: {  	v5 =	vmin.f32 v6, v5  }
0x5bd: {  	(xrf1) =	vsort.ascd.msk.f32 $0xffff, v5, v5;
	_ =	sdelay $0xd  }
0x5be: {  	v5, _, _ =	vpop (xrf1)  }
.LBB2_100:
0x5bf: {  	s1 =	sadd.s32 $0xF, s16  }
0x5c0: {  	p0 =	slt.s32 s1, $0x10  }
.Ltmp64:
0x5c1: {  	_ = 	snop;
	(pc) =	sbr.rel @p0 .LBB2_108-.Ltmp64, $2  }
0x5c2: {  	_ =	sdelay $0x2  }
0x5c3: {  	[tilespmem:s16+$0xE180] =	vst v4  }
0x5c4: {  	s16 =	sshra.s32 s1, $0x1F  }
0x5c5: {  	s16 =	sshrl.u32 s16, $0x1C  }
0x5c6: {  	s30 =	sadd.s32 s16, s1  }
0x5c7: {  	s1 =	sshra.s32 s30, $0x4  }
0x5c8: {  	p2 =	sne.s32 s1, $0x1  }
.Ltmp65:
0x5c9: {  	_ = 	snop;
	(pc) =	sbr.rel @!p2 .LBB2_102-.Ltmp65, $3  }
0x5ca: {  	_ =	sdelay $0x1  }
0x5cb: {  	s31 =	simm.s32 $0xE180  }
0x5cc: {  	p0 =	por $0x0, $0x0;
	p1 =	por $0x0, $0x0;
	v6 =	vld [tilespmem:s31+$0x0];
	s1 =	sadd.s32 $0xFFFFFFFF, s1  }
0x5cd: {  	p2 =	sne.s32 s1, $0x1  }
.Ltmp66:
0x5ce: {  	_ = 	snop;
	(pc) =	sbr.rel @!p2 .LBB2_104-.Ltmp66, $3  }
0x5cf: {  	_ =	sdelay $0x1  }
0x5d0: {  	s16 =	simm.s32 $0xE190;
	v6 =	vmax.f32 v6, $0.0e+00  }
0x5d1: {  	p0 =	por $0x1, $0x1;
	(xrf1) =	vsort.dscd.msk.f32 $0xffff, v6, v6;
	v6 =	vld [tilespmem:s16+$0x0];
	s16 =	sadd.s32 $0xFFFFFFFF, s1  }
0x5d2: {  	_ =	sdelay $0xc  }
0x5d3: {  	v6 =	vmax.f32 v6, $0.0e+00;
	v7, _, _ =	vpop (xrf1)  }
0x5d4: {  	(xrf1) =	vsort.dscd.msk.f32 $0xffff, v6, v6;
	v6 =	vmin.f32 v4, v7  }
0x5d5: {  	(xrf1) =	vsort.ascd.msk.f32 $0xffff, v6, v6;
	_ =	sdelay $0x4  }
0x5d6: {  	p2 =	sne.s32 s16, $0x1  }
.Ltmp67:
0x5d7: {  	_ = 	snop;
	(pc) =	sbr.rel @!p2 .LBB2_107-.Ltmp67, $4  }
0x5d8: {  	_ = 	snop  }
0x5d9: {  	s1 =	simm.s32 $0xE1A0  }
0x5da: {  	v6 =	vld [tilespmem:s1+$0x0]  }
0x5db: {  	s16 =	sadd.s32 $0xFFFFFFFF, s16;
	p1 =	por $0x1, $0x1  }
.LBB2_106:
0x5dc: {  	p2 =	sne.s32 s16, $0x1;
	_ =	sdelay $0x1  }
0x5dd: {  	v7, _, _ =	vpop (xrf1)  }
0x5de: {  	v6 =	vmax.f32 v6, $0.0e+00;
	v8, _, _ =	vpop (xrf1)  }
0x5df: {  	(xrf1) =	vsort.dscd.msk.f32 $0xffff, v6, v6;
	v6 =	vmin.f32 v8, v7  }
0x5e0: {  	(xrf1) =	vsort.ascd.msk.f32 $0xffff, v6, v6;
	_ =	sdelay $0x5  }
.Ltmp68:
0x5e1: {  	(pc) =	sbr.rel @p2 .LBB2_106-.Ltmp68, $4  }
0x5e2: {  	_ = 	snop  }
0x5e3: {  	s1 =	sadd.s32 $0x10, s1  }
0x5e4: {  	v6 =	vld [tilespmem:s1+$0x0]  }
0x5e5: {  	s16 =	sadd.s32 $0xFFFFFFFF, s16  }
.LBB2_107:
0x5e6: {  	_ =	sdelay $0x1  }
0x5e7: {  	v7, _, _ =	vpop @p0 (xrf1)  }
0x5e8: {  	v8, _, _ =	vpop @p1 (xrf1)  }
0x5e9: {  	v6 =	vmax.f32 v6, $0.0e+00;
	v8 =	vpsel p1, v8, v4  }
0x5ea: {  	(xrf1) =	vsort.dscd.msk.f32 $0xffff, v6, v6;
	v6 =	vmin.f32 @p0 v8, v7  }
0x5eb: {  	(xrf1) =	vsort.ascd.msk.f32 @p0 $0xffff, v6, v6;
	_ =	sdelay $0xc  }
0x5ec: {  	v6, _, _ =	vpop (xrf1)  }
0x5ed: {  	v7, _, _ =	vpop @p0 (xrf1)  }
0x5ee: {  	v4 =	vpsel p0, v7, v4  }
0x5ef: {  	v4 =	vmin.f32 v4, v6  }
0x5f0: {  	(xrf1) =	vsort.ascd.msk.f32 $0xffff, v4, v4;
	_ =	sdelay $0xd  }
0x5f1: {  	v4, _, _ =	vpop (xrf1)  }
.LBB2_108:
0x5f2: {  	s1 =	sadd.s32 $0xF, s15  }
0x5f3: {  	p0 =	slt.s32 s1, $0x10  }
.Ltmp69:
0x5f4: {  	_ = 	snop;
	(pc) =	sbr.rel @p0 .LBB2_116-.Ltmp69, $3  }
0x5f5: {  	_ =	sdelay $0x1  }
0x5f6: {  	v6 =	vimm.f32 $3.000000010e+38  }
0x5f7: {  	v7 =	vimm.f32 $3.000000010e+38;
	[tilespmem:s15+$0xEA00] =	vst v6  }
0x5f8: {  	s15 =	sshra.s32 s1, $0x1F  }
0x5f9: {  	s15 =	sshrl.u32 s15, $0x1C  }
0x5fa: {  	s30 =	sadd.s32 s15, s1  }
0x5fb: {  	s1 =	sshra.s32 s30, $0x4  }
0x5fc: {  	p2 =	sne.s32 s1, $0x1  }
.Ltmp70:
0x5fd: {  	_ = 	snop;
	(pc) =	sbr.rel @!p2 .LBB2_110-.Ltmp70, $3  }
0x5fe: {  	_ =	sdelay $0x1  }
0x5ff: {  	s31 =	simm.s32 $0xEA00  }
0x600: {  	p0 =	por $0x0, $0x0;
	p1 =	por $0x0, $0x0;
	v7 =	vld [tilespmem:s31+$0x0];
	s1 =	sadd.s32 $0xFFFFFFFF, s1  }
0x601: {  	p2 =	sne.s32 s1, $0x1  }
.Ltmp71:
0x602: {  	_ = 	snop;
	(pc) =	sbr.rel @!p2 .LBB2_112-.Ltmp71, $3  }
0x603: {  	_ =	sdelay $0x1  }
0x604: {  	s15 =	simm.s32 $0xEA10;
	v7 =	vmax.f32 v7, $0.0e+00  }
0x605: {  	p0 =	por $0x1, $0x1;
	(xrf1) =	vsort.dscd.msk.f32 $0xffff, v7, v7;
	v7 =	vld [tilespmem:s15+$0x0];
	s15 =	sadd.s32 $0xFFFFFFFF, s1  }
0x606: {  	_ =	sdelay $0xc  }
0x607: {  	v7 =	vmax.f32 v7, $0.0e+00;
	v8, _, _ =	vpop (xrf1)  }
0x608: {  	(xrf1) =	vsort.dscd.msk.f32 $0xffff, v7, v7;
	v7 =	vmin.f32 v6, v8  }
0x609: {  	(xrf1) =	vsort.ascd.msk.f32 $0xffff, v7, v7;
	_ =	sdelay $0x4  }
0x60a: {  	p2 =	sne.s32 s15, $0x1  }
.Ltmp72:
0x60b: {  	_ = 	snop;
	(pc) =	sbr.rel @!p2 .LBB2_115-.Ltmp72, $4  }
0x60c: {  	_ = 	snop  }
0x60d: {  	s1 =	simm.s32 $0xEA20  }
0x60e: {  	v7 =	vld [tilespmem:s1+$0x0]  }
0x60f: {  	s15 =	sadd.s32 $0xFFFFFFFF, s15;
	p1 =	por $0x1, $0x1  }
.LBB2_114:
0x610: {  	p2 =	sne.s32 s15, $0x1;
	_ =	sdelay $0x1  }
0x611: {  	v8, _, _ =	vpop (xrf1)  }
0x612: {  	v7 =	vmax.f32 v7, $0.0e+00;
	v9, _, _ =	vpop (xrf1)  }
0x613: {  	(xrf1) =	vsort.dscd.msk.f32 $0xffff, v7, v7;
	v7 =	vmin.f32 v9, v8  }
0x614: {  	(xrf1) =	vsort.ascd.msk.f32 $0xffff, v7, v7;
	_ =	sdelay $0x5  }
.Ltmp73:
0x615: {  	(pc) =	sbr.rel @p2 .LBB2_114-.Ltmp73, $4  }
0x616: {  	_ = 	snop  }
0x617: {  	s1 =	sadd.s32 $0x10, s1  }
0x618: {  	v7 =	vld [tilespmem:s1+$0x0]  }
0x619: {  	s15 =	sadd.s32 $0xFFFFFFFF, s15  }
.LBB2_115:
0x61a: {  	_ =	sdelay $0x1  }
0x61b: {  	v8, _, _ =	vpop @p0 (xrf1)  }
0x61c: {  	v9, _, _ =	vpop @p1 (xrf1)  }
0x61d: {  	v7 =	vmax.f32 v7, $0.0e+00;
	v9 =	vpsel p1, v9, v6  }
0x61e: {  	(xrf1) =	vsort.dscd.msk.f32 $0xffff, v7, v7;
	v7 =	vmin.f32 @p0 v9, v8  }
0x61f: {  	(xrf1) =	vsort.ascd.msk.f32 @p0 $0xffff, v7, v7;
	_ =	sdelay $0xc  }
0x620: {  	v7, _, _ =	vpop (xrf1)  }
0x621: {  	v8, _, _ =	vpop @p0 (xrf1)  }
0x622: {  	v8 =	vpsel p0, v8, v6  }
0x623: {  	v7 =	vmin.f32 v8, v7  }
0x624: {  	(xrf1) =	vsort.ascd.msk.f32 $0xffff, v7, v7;
	_ =	sdelay $0xd  }
0x625: {  	v7, _, _ =	vpop (xrf1)  }
.LBB2_116:
0x626: {  	s1 =	sadd.s32 $0xF, s14  }
0x627: {  	p0 =	slt.s32 s1, $0x10  }
.Ltmp74:
0x628: {  	_ = 	snop;
	(pc) =	sbr.rel @p0 .LBB2_124-.Ltmp74, $2  }
0x629: {  	_ =	sdelay $0x2  }
0x62a: {  	[tilespmem:s14+$0xF280] =	vst v6  }
0x62b: {  	s14 =	sshra.s32 s1, $0x1F  }
0x62c: {  	s14 =	sshrl.u32 s14, $0x1C  }
0x62d: {  	s30 =	sadd.s32 s14, s1  }
0x62e: {  	s1 =	sshra.s32 s30, $0x4  }
0x62f: {  	p2 =	sne.s32 s1, $0x1  }
.Ltmp75:
0x630: {  	_ = 	snop;
	(pc) =	sbr.rel @!p2 .LBB2_118-.Ltmp75, $3  }
0x631: {  	_ =	sdelay $0x1  }
0x632: {  	s31 =	simm.s32 $0xF280  }
0x633: {  	p0 =	por $0x0, $0x0;
	p1 =	por $0x0, $0x0;
	v8 =	vld [tilespmem:s31+$0x0];
	s1 =	sadd.s32 $0xFFFFFFFF, s1  }
0x634: {  	p2 =	sne.s32 s1, $0x1  }
.Ltmp76:
0x635: {  	_ = 	snop;
	(pc) =	sbr.rel @!p2 .LBB2_120-.Ltmp76, $3  }
0x636: {  	_ =	sdelay $0x1  }
0x637: {  	s14 =	simm.s32 $0xF290;
	v8 =	vmax.f32 v8, $0.0e+00  }
0x638: {  	p0 =	por $0x1, $0x1;
	(xrf1) =	vsort.dscd.msk.f32 $0xffff, v8, v8;
	v8 =	vld [tilespmem:s14+$0x0];
	s14 =	sadd.s32 $0xFFFFFFFF, s1  }
0x639: {  	_ =	sdelay $0xc  }
0x63a: {  	v8 =	vmax.f32 v8, $0.0e+00;
	v9, _, _ =	vpop (xrf1)  }
0x63b: {  	(xrf1) =	vsort.dscd.msk.f32 $0xffff, v8, v8;
	v8 =	vmin.f32 v6, v9  }
0x63c: {  	(xrf1) =	vsort.ascd.msk.f32 $0xffff, v8, v8;
	_ =	sdelay $0x4  }
0x63d: {  	p2 =	sne.s32 s14, $0x1  }
.Ltmp77:
0x63e: {  	_ = 	snop;
	(pc) =	sbr.rel @!p2 .LBB2_123-.Ltmp77, $4  }
0x63f: {  	_ = 	snop  }
0x640: {  	s1 =	simm.s32 $0xF2A0  }
0x641: {  	v8 =	vld [tilespmem:s1+$0x0]  }
0x642: {  	s14 =	sadd.s32 $0xFFFFFFFF, s14;
	p1 =	por $0x1, $0x1  }
.LBB2_122:
0x643: {  	p2 =	sne.s32 s14, $0x1;
	_ =	sdelay $0x1  }
0x644: {  	v9, _, _ =	vpop (xrf1)  }
0x645: {  	v8 =	vmax.f32 v8, $0.0e+00;
	v10, _, _ =	vpop (xrf1)  }
0x646: {  	(xrf1) =	vsort.dscd.msk.f32 $0xffff, v8, v8;
	v8 =	vmin.f32 v10, v9  }
0x647: {  	(xrf1) =	vsort.ascd.msk.f32 $0xffff, v8, v8;
	_ =	sdelay $0x5  }
.Ltmp78:
0x648: {  	(pc) =	sbr.rel @p2 .LBB2_122-.Ltmp78, $4  }
0x649: {  	_ = 	snop  }
0x64a: {  	s1 =	sadd.s32 $0x10, s1  }
0x64b: {  	v8 =	vld [tilespmem:s1+$0x0]  }
0x64c: {  	s14 =	sadd.s32 $0xFFFFFFFF, s14  }
.LBB2_123:
0x64d: {  	_ =	sdelay $0x1  }
0x64e: {  	v9, _, _ =	vpop @p0 (xrf1)  }
0x64f: {  	v10, _, _ =	vpop @p1 (xrf1)  }
0x650: {  	v8 =	vmax.f32 v8, $0.0e+00;
	v10 =	vpsel p1, v10, v6  }
0x651: {  	(xrf1) =	vsort.dscd.msk.f32 $0xffff, v8, v8;
	v8 =	vmin.f32 @p0 v10, v9  }
0x652: {  	(xrf1) =	vsort.ascd.msk.f32 @p0 $0xffff, v8, v8;
	_ =	sdelay $0xc  }
0x653: {  	v8, _, _ =	vpop (xrf1)  }
0x654: {  	v9, _, _ =	vpop @p0 (xrf1)  }
0x655: {  	v6 =	vpsel p0, v9, v6  }
0x656: {  	v6 =	vmin.f32 v6, v8  }
0x657: {  	(xrf1) =	vsort.ascd.msk.f32 $0xffff, v6, v6;
	_ =	sdelay $0xd  }
0x658: {  	v6, _, _ =	vpop (xrf1)  }
.LBB2_124:
0x659: {  	s1 =	sadd.s32 $0xF, s13  }
0x65a: {  	p0 =	slt.s32 s1, $0x10  }
.Ltmp79:
0x65b: {  	_ = 	snop;
	(pc) =	sbr.rel @p0 .LBB2_132-.Ltmp79, $3  }
0x65c: {  	_ =	sdelay $0x1  }
0x65d: {  	v8 =	vimm.f32 $3.000000010e+38  }
0x65e: {  	v9 =	vimm.f32 $3.000000010e+38;
	[tilespmem:s13+$0xFB00] =	vst v8  }
0x65f: {  	s13 =	sshra.s32 s1, $0x1F  }
0x660: {  	s13 =	sshrl.u32 s13, $0x1C  }
0x661: {  	s30 =	sadd.s32 s13, s1  }
0x662: {  	s1 =	sshra.s32 s30, $0x4  }
0x663: {  	p2 =	sne.s32 s1, $0x1  }
.Ltmp80:
0x664: {  	_ = 	snop;
	(pc) =	sbr.rel @!p2 .LBB2_126-.Ltmp80, $3  }
0x665: {  	_ =	sdelay $0x1  }
0x666: {  	s31 =	simm.s32 $0xFB00  }
0x667: {  	p0 =	por $0x0, $0x0;
	p1 =	por $0x0, $0x0;
	v9 =	vld [tilespmem:s31+$0x0];
	s1 =	sadd.s32 $0xFFFFFFFF, s1  }
0x668: {  	p2 =	sne.s32 s1, $0x1  }
.Ltmp81:
0x669: {  	_ = 	snop;
	(pc) =	sbr.rel @!p2 .LBB2_128-.Ltmp81, $3  }
0x66a: {  	_ =	sdelay $0x1  }
0x66b: {  	s13 =	simm.s32 $0xFB10;
	v9 =	vmax.f32 v9, $0.0e+00  }
0x66c: {  	p0 =	por $0x1, $0x1;
	(xrf1) =	vsort.dscd.msk.f32 $0xffff, v9, v9;
	v9 =	vld [tilespmem:s13+$0x0];
	s13 =	sadd.s32 $0xFFFFFFFF, s1  }
0x66d: {  	_ =	sdelay $0xc  }
0x66e: {  	v9 =	vmax.f32 v9, $0.0e+00;
	v10, _, _ =	vpop (xrf1)  }
0x66f: {  	(xrf1) =	vsort.dscd.msk.f32 $0xffff, v9, v9;
	v9 =	vmin.f32 v8, v10  }
0x670: {  	(xrf1) =	vsort.ascd.msk.f32 $0xffff, v9, v9;
	_ =	sdelay $0x4  }
0x671: {  	p2 =	sne.s32 s13, $0x1  }
.Ltmp82:
0x672: {  	_ = 	snop;
	(pc) =	sbr.rel @!p2 .LBB2_131-.Ltmp82, $4  }
0x673: {  	_ = 	snop  }
0x674: {  	s1 =	simm.s32 $0xFB20  }
0x675: {  	v9 =	vld [tilespmem:s1+$0x0]  }
0x676: {  	s13 =	sadd.s32 $0xFFFFFFFF, s13;
	p1 =	por $0x1, $0x1  }
.LBB2_130:
0x677: {  	p2 =	sne.s32 s13, $0x1;
	_ =	sdelay $0x1  }
0x678: {  	v10, _, _ =	vpop (xrf1)  }
0x679: {  	v9 =	vmax.f32 v9, $0.0e+00;
	v11, _, _ =	vpop (xrf1)  }
0x67a: {  	(xrf1) =	vsort.dscd.msk.f32 $0xffff, v9, v9;
	v9 =	vmin.f32 v11, v10  }
0x67b: {  	(xrf1) =	vsort.ascd.msk.f32 $0xffff, v9, v9;
	_ =	sdelay $0x5  }
.Ltmp83:
0x67c: {  	(pc) =	sbr.rel @p2 .LBB2_130-.Ltmp83, $4  }
0x67d: {  	_ = 	snop  }
0x67e: {  	s1 =	sadd.s32 $0x10, s1  }
0x67f: {  	v9 =	vld [tilespmem:s1+$0x0]  }
0x680: {  	s13 =	sadd.s32 $0xFFFFFFFF, s13  }
.LBB2_131:
0x681: {  	_ =	sdelay $0x1  }
0x682: {  	v10, _, _ =	vpop @p0 (xrf1)  }
0x683: {  	v11, _, _ =	vpop @p1 (xrf1)  }
0x684: {  	v9 =	vmax.f32 v9, $0.0e+00;
	v11 =	vpsel p1, v11, v8  }
0x685: {  	(xrf1) =	vsort.dscd.msk.f32 $0xffff, v9, v9;
	v9 =	vmin.f32 @p0 v11, v10  }
0x686: {  	(xrf1) =	vsort.ascd.msk.f32 @p0 $0xffff, v9, v9;
	_ =	sdelay $0xc  }
0x687: {  	v9, _, _ =	vpop (xrf1)  }
0x688: {  	v10, _, _ =	vpop @p0 (xrf1)  }
0x689: {  	v10 =	vpsel p0, v10, v8  }
0x68a: {  	v9 =	vmin.f32 v10, v9  }
0x68b: {  	(xrf1) =	vsort.ascd.msk.f32 $0xffff, v9, v9;
	_ =	sdelay $0xd  }
0x68c: {  	v9, _, _ =	vpop (xrf1)  }
.LBB2_132:
0x68d: {  	s1 =	sadd.s32 $0xF, s12  }
0x68e: {  	p0 =	slt.s32 s1, $0x10  }
.Ltmp84:
0x68f: {  	_ = 	snop;
	(pc) =	sbr.rel @p0 .LBB2_140-.Ltmp84, $2  }
0x690: {  	_ =	sdelay $0x2  }
0x691: {  	[tilespmem:s12+$0x10380] =	vst v8  }
0x692: {  	s12 =	sshra.s32 s1, $0x1F  }
0x693: {  	s12 =	sshrl.u32 s12, $0x1C  }
0x694: {  	s30 =	sadd.s32 s12, s1  }
0x695: {  	s1 =	sshra.s32 s30, $0x4  }
0x696: {  	p2 =	sne.s32 s1, $0x1  }
.Ltmp85:
0x697: {  	_ = 	snop;
	(pc) =	sbr.rel @!p2 .LBB2_134-.Ltmp85, $3  }
0x698: {  	s31 =	simm.s32 $0x10380  }
0x699: {  	v10 =	vld [tilespmem:s31+$0x0];
	_ =	sdelay $0x1  }
0x69a: {  	p0 =	por $0x0, $0x0;
	p1 =	por $0x0, $0x0;
	s1 =	sadd.s32 $0xFFFFFFFF, s1  }
0x69b: {  	_ =	sdelay $0x1  }
0x69c: {  	v10 =	vmax.f32 v10, $0.0e+00  }
0x69d: {  	(xrf1) =	vsort.dscd.msk.f32 $0xffff, v10, v10;
	_ =	sdelay $0x7  }
0x69e: {  	p2 =	sne.s32 s1, $0x1  }
.Ltmp86:
0x69f: {  	_ = 	snop;
	(pc) =	sbr.rel @!p2 .LBB2_136-.Ltmp86, $3  }
0x6a0: {  	s12 =	simm.s32 $0x10390  }
0x6a1: {  	v10 =	vld [tilespmem:s12+$0x0];
	_ =	sdelay $0x1  }
0x6a2: {  	p0 =	por $0x1, $0x1;
	s12 =	sadd.s32 $0xFFFFFFFF, s1  }
0x6a3: {  	_ =	sdelay $0x1  }
0x6a4: {  	v11, _, _ =	vpop (xrf1);
	v10 =	vmax.f32 v10, $0.0e+00  }
0x6a5: {  	(xrf1) =	vsort.dscd.msk.f32 $0xffff, v10, v10;
	v10 =	vmin.f32 v8, v11  }
0x6a6: {  	(xrf1) =	vsort.ascd.msk.f32 $0xffff, v10, v10;
	_ =	sdelay $0x6  }
0x6a7: {  	p2 =	sne.s32 s12, $0x1  }
.Ltmp87:
0x6a8: {  	_ = 	snop;
	(pc) =	sbr.rel @!p2 .LBB2_139-.Ltmp87, $3  }
0x6a9: {  	s1 =	simm.s32 $0x103A0  }
0x6aa: {  	v10 =	vld [tilespmem:s1+$0x0];
	_ =	sdelay $0x1  }
0x6ab: {  	s12 =	sadd.s32 $0xFFFFFFFF, s12;
	p1 =	por $0x1, $0x1  }
.LBB2_138:
0x6ac: {  	p2 =	sne.s32 s12, $0x1;
	_ =	sdelay $0x1  }
0x6ad: {  	v11, _, _ =	vpop (xrf1)  }
0x6ae: {  	v10 =	vmax.f32 v10, $0.0e+00;
	v12, _, _ =	vpop (xrf1)  }
0x6af: {  	(xrf1) =	vsort.dscd.msk.f32 $0xffff, v10, v10;
	v10 =	vmin.f32 v12, v11  }
0x6b0: {  	(xrf1) =	vsort.ascd.msk.f32 $0xffff, v10, v10;
	_ =	sdelay $0x5  }
.Ltmp88:
0x6b1: {  	(pc) =	sbr.rel @p2 .LBB2_138-.Ltmp88, $4  }
0x6b2: {  	_ = 	snop  }
0x6b3: {  	s1 =	sadd.s32 $0x10, s1  }
0x6b4: {  	v10 =	vld [tilespmem:s1+$0x0]  }
0x6b5: {  	s12 =	sadd.s32 $0xFFFFFFFF, s12  }
.Ltmp89:
0x6b6: {  	_ = 	snop;
	(pc) =	sbr.rel .LBB2_139-.Ltmp89, $1  }
0x6b7: {  	_ =	sdelay $0x3  }
.LBB2_10:
.Ltmp90:
0x6b8: {  	(pc) =	sbr.rel .LBB2_15-.Ltmp90, $2  }
0x6b9: {  	_ =	sdelay $0x2  }
0x6ba: {  	_ = 	snop  }
.LBB2_18:
.Ltmp91:
0x6bb: {  	(pc) =	sbr.rel .LBB2_23-.Ltmp91, $2  }
0x6bc: {  	_ =	sdelay $0x2  }
0x6bd: {  	_ = 	snop  }
.LBB2_26:
.Ltmp92:
0x6be: {  	(pc) =	sbr.rel .LBB2_31-.Ltmp92, $2  }
0x6bf: {  	_ =	sdelay $0x2  }
0x6c0: {  	_ = 	snop  }
.LBB2_34:
.Ltmp93:
0x6c1: {  	(pc) =	sbr.rel .LBB2_39-.Ltmp93, $2  }
0x6c2: {  	_ =	sdelay $0x2  }
0x6c3: {  	_ = 	snop  }
.LBB2_42:
.Ltmp94:
0x6c4: {  	(pc) =	sbr.rel .LBB2_47-.Ltmp94, $2  }
0x6c5: {  	_ =	sdelay $0x2  }
0x6c6: {  	_ = 	snop  }
.LBB2_50:
.Ltmp95:
0x6c7: {  	(pc) =	sbr.rel .LBB2_55-.Ltmp95, $2  }
0x6c8: {  	_ =	sdelay $0x2  }
0x6c9: {  	_ = 	snop  }
.LBB2_58:
.Ltmp96:
0x6ca: {  	(pc) =	sbr.rel .LBB2_63-.Ltmp96, $2  }
0x6cb: {  	_ =	sdelay $0x2  }
0x6cc: {  	_ = 	snop  }
.LBB2_66:
.Ltmp97:
0x6cd: {  	(pc) =	sbr.rel .LBB2_71-.Ltmp97, $2  }
0x6ce: {  	_ =	sdelay $0x2  }
0x6cf: {  	_ = 	snop  }
.LBB2_78:
.Ltmp98:
0x6d0: {  	(pc) =	sbr.rel .LBB2_83-.Ltmp98, $2  }
0x6d1: {  	_ =	sdelay $0x2  }
0x6d2: {  	_ = 	snop  }
.LBB2_86:
.Ltmp99:
0x6d3: {  	(pc) =	sbr.rel .LBB2_91-.Ltmp99, $2  }
0x6d4: {  	_ =	sdelay $0x2  }
0x6d5: {  	_ = 	snop  }
.LBB2_94:
.Ltmp100:
0x6d6: {  	(pc) =	sbr.rel .LBB2_99-.Ltmp100, $2  }
0x6d7: {  	_ =	sdelay $0x2  }
0x6d8: {  	_ = 	snop  }
.LBB2_102:
.Ltmp101:
0x6d9: {  	(pc) =	sbr.rel .LBB2_107-.Ltmp101, $2  }
0x6da: {  	_ =	sdelay $0x2  }
0x6db: {  	_ = 	snop  }
.LBB2_110:
.Ltmp102:
0x6dc: {  	(pc) =	sbr.rel .LBB2_115-.Ltmp102, $2  }
0x6dd: {  	_ =	sdelay $0x2  }
0x6de: {  	_ = 	snop  }
.LBB2_118:
.Ltmp103:
0x6df: {  	(pc) =	sbr.rel .LBB2_123-.Ltmp103, $2  }
0x6e0: {  	_ =	sdelay $0x2  }
0x6e1: {  	_ = 	snop  }
.LBB2_126:
.Ltmp104:
0x6e2: {  	(pc) =	sbr.rel .LBB2_131-.Ltmp104, $2  }
0x6e3: {  	_ =	sdelay $0x2  }
0x6e4: {  	_ = 	snop  }
.LBB2_12:
.Ltmp105:
0x6e5: {  	(pc) =	sbr.rel .LBB2_15-.Ltmp105, $2  }
0x6e6: {  	_ =	sdelay $0x2  }
0x6e7: {  	_ = 	snop  }
.LBB2_20:
.Ltmp106:
0x6e8: {  	(pc) =	sbr.rel .LBB2_23-.Ltmp106, $2  }
0x6e9: {  	_ =	sdelay $0x2  }
0x6ea: {  	_ = 	snop  }
.LBB2_28:
.Ltmp107:
0x6eb: {  	(pc) =	sbr.rel .LBB2_31-.Ltmp107, $2  }
0x6ec: {  	_ =	sdelay $0x2  }
0x6ed: {  	_ = 	snop  }
.LBB2_36:
.Ltmp108:
0x6ee: {  	(pc) =	sbr.rel .LBB2_39-.Ltmp108, $2  }
0x6ef: {  	_ =	sdelay $0x2  }
0x6f0: {  	_ = 	snop  }
.LBB2_44:
.Ltmp109:
0x6f1: {  	(pc) =	sbr.rel .LBB2_47-.Ltmp109, $2  }
0x6f2: {  	_ =	sdelay $0x2  }
0x6f3: {  	_ = 	snop  }
.LBB2_52:
.Ltmp110:
0x6f4: {  	(pc) =	sbr.rel .LBB2_55-.Ltmp110, $2  }
0x6f5: {  	_ =	sdelay $0x2  }
0x6f6: {  	_ = 	snop  }
.LBB2_60:
.Ltmp111:
0x6f7: {  	(pc) =	sbr.rel .LBB2_63-.Ltmp111, $2  }
0x6f8: {  	_ =	sdelay $0x2  }
0x6f9: {  	_ = 	snop  }
.LBB2_68:
.Ltmp112:
0x6fa: {  	(pc) =	sbr.rel .LBB2_71-.Ltmp112, $2  }
0x6fb: {  	_ =	sdelay $0x2  }
0x6fc: {  	_ = 	snop  }
.LBB2_80:
.Ltmp113:
0x6fd: {  	(pc) =	sbr.rel .LBB2_83-.Ltmp113, $2  }
0x6fe: {  	_ =	sdelay $0x2  }
0x6ff: {  	_ = 	snop  }
.LBB2_88:
.Ltmp114:
0x700: {  	(pc) =	sbr.rel .LBB2_91-.Ltmp114, $2  }
0x701: {  	_ =	sdelay $0x2  }
0x702: {  	_ = 	snop  }
.LBB2_96:
.Ltmp115:
0x703: {  	(pc) =	sbr.rel .LBB2_99-.Ltmp115, $2  }
0x704: {  	_ =	sdelay $0x2  }
0x705: {  	_ = 	snop  }
.LBB2_104:
.Ltmp116:
0x706: {  	(pc) =	sbr.rel .LBB2_107-.Ltmp116, $2  }
0x707: {  	_ =	sdelay $0x2  }
0x708: {  	_ = 	snop  }
.LBB2_112:
.Ltmp117:
0x709: {  	(pc) =	sbr.rel .LBB2_115-.Ltmp117, $2  }
0x70a: {  	_ =	sdelay $0x2  }
0x70b: {  	_ = 	snop  }
.LBB2_120:
.Ltmp118:
0x70c: {  	(pc) =	sbr.rel .LBB2_123-.Ltmp118, $2  }
0x70d: {  	_ =	sdelay $0x2  }
0x70e: {  	_ = 	snop  }
.LBB2_128:
.Ltmp119:
0x70f: {  	(pc) =	sbr.rel .LBB2_131-.Ltmp119, $2  }
0x710: {  	_ =	sdelay $0x2  }
0x711: {  	_ = 	snop  }
.LBB2_136:
.Ltmp120:
0x712: {  	(pc) =	sbr.rel .LBB2_139-.Ltmp120, $2  }
0x713: {  	_ =	sdelay $0x2  }
0x714: {  	_ = 	snop  }
.LBB2_142:
0x715: {  	_ =	sfence.sel $0x180000  }
0x716: {  	[bflag:$0x0] =	sbarrier.arrive $0xFFFF  }
0x717: {  	_ =	strace $0x90000047  }
0x718: {  	[bflag:$0x2] =	sbarrier.arrive $0xFFFF  }
0x719: {  	p0 =	sne.s32 s0, $0x0;
	s0 =	rddreg [dreg:$0x1]  }
0x71a: {  	s0 =	sadd.s32 @!p0 $0x100000, s0  }
0x71b: {  	[sflag:s0] =	ssyncadd.tile.s32 @!p0 $0x1;
	_ =	shalt  }
.Lfunc_end2:
_tile_overlayer_lowered:
.L_overlay_start_2:
0x71c: {  	(tag) =	ssettag $0x2  }
0x71d: {  	s0 =	rddreg [dreg:$0x0];
	s2 =	stileid.u32  }
0x71e: {  	s1 =	rddreg [dreg:$0x1];
	p0 =	sne.s32 s2, $0x0  }
0x71f: {  	s3 =	rddreg [dreg:$0x2];
	[bflag:$0x3] =	sbarrier.arrive $0xFFFF;
	s2 =	simm.s32 @!p0 $0x1C01  }
0x720: {  	[timem:s3], [sflag:s2] =	dma.local @!p0 [hbm:s0], s1  }
0x721: {  	s0 =	simm.s32 @!p0 $0x1  }
0x722: {  	_ =	swait.ge @!p0 [sflag:s0], s1  }
0x723: {  	s1 =	ssub.s32 @!p0 $0x0, s1;
	[sflag:s0] =	ssyncset.done @!p0 $0x0  }
0x724: {  	[sflag:s0] =	ssyncadd.s32 @!p0 s1  }
0x725: {  	[bflag:$0x3] =	sbarrier.arrive $0xFFFF  }
0x726: {  	_ =	shalt  }

</sc_bundles>
